<compile_context>
chip_gen: v7x
topology: tpu7x:2x2x1
jax: 0.10.2.dev20260603
libtpu: 0.0.44.dev20260713+nightly
codegen_flags: <defaults>
</compile_context>

<pallas_src>
import functools

import jax
import jax.numpy as jnp
from jax import lax
from jax.experimental import pallas as pl
from jax.experimental.pallas import tpu as pltpu
from jax.experimental.pallas import tpu_sc as plsc

N_RIGHT = 10000
M_LEFT = 10000
E = 320000
D = 128

NUM_CORES = 2
NUM_SUBCORES = 16
NUM_WORKERS = NUM_CORES * NUM_SUBCORES
CHUNK = 128
N_CHUNKS = 80
EPW = N_CHUNKS * CHUNK
EP = NUM_WORKERS * EPW


def _sc_spmm_body(left_hbm, cols_hbm, rows_hbm, w_hbm, zeros_hbm, out_hbm,
                  colsb, rowsb, wb, gbuf, acc, csem, iwsem, gsem, ssem):
  cid = lax.axis_index("c")
  sid = lax.axis_index("s")
  wid = cid * NUM_SUBCORES + sid

  for i in range(5):
    blk = sid * 5 + i

    @pl.when(blk < 78)
    def _zero_blk():
      pltpu.sync_copy(zeros_hbm, acc.at[pl.ds(blk * 128, 128)])

  @pl.when(sid == NUM_SUBCORES - 1)
  def _zero_tail():
    pltpu.sync_copy(zeros_hbm.at[pl.ds(0, 16)], acc.at[pl.ds(9984, 16)])

  plsc.subcore_barrier()

  base = wid * EPW

  def idx_copy_start(b, off):
    pltpu.async_copy(cols_hbm.at[pl.ds(off, CHUNK)], colsb[b], csem[b])
    pltpu.async_copy(rows_hbm.at[pl.ds(off, CHUNK)], rowsb[b], iwsem[b])
    pltpu.async_copy(w_hbm.at[pl.ds(off, CHUNK)], wb[b], iwsem[b])

  def idx_copy_wait(b):
    pltpu.make_async_copy(cols_hbm.at[pl.ds(0, CHUNK)], colsb[b],
                          csem[b]).wait()
    pltpu.make_async_copy(rows_hbm.at[pl.ds(0, CHUNK)], rowsb[b],
                          iwsem[b]).wait()
    pltpu.make_async_copy(w_hbm.at[pl.ds(0, CHUNK)], wb[b], iwsem[b]).wait()

  def gather_start(b):
    pltpu.async_copy(left_hbm.at[colsb[b]], gbuf[b], gsem[b])

  def gather_wait(b):
    pltpu.make_async_copy(left_hbm.at[colsb[b]], gbuf[b], gsem[b]).wait()

  def scatter_start(b):
    pltpu.async_copy(gbuf[b], acc.at[rowsb[b]], ssem[b], add=True)

  def scatter_wait(b):
    pltpu.make_async_copy(gbuf[b], acc.at[rowsb[b]], ssem[b]).wait()

  idx_copy_start(0, base)
  idx_copy_wait(0)
  gather_start(0)

  @pl.loop(0, N_CHUNKS, step=2)
  def _pair(ci0):
    for b in range(2):
      cur, nxt = b, 1 - b
      ci = ci0 + b

      @pl.when(ci + 1 < N_CHUNKS)
      def _prefetch():
        @pl.when(ci >= 1)
        def _free_nxt():
          scatter_wait(nxt)

        idx_copy_start(nxt, base + (ci + 1) * CHUNK)
        idx_copy_wait(nxt)
        gather_start(nxt)

      gather_wait(cur)

      @pl.loop(0, CHUNK // 16)
      def _group(g):
        wv = wb[cur][pl.ds(g * 16, 16)]
        for j in range(16):
          wsplat = jnp.take_along_axis(
              wv, jnp.full((16,), j, dtype=jnp.int32), axis=0)
          for k in range(D // 16):
            sl = pl.ds(k * 16, 16)
            gbuf[cur][g * 16 + j, sl] = gbuf[cur][g * 16 + j, sl] * wsplat

      scatter_start(cur)

  scatter_wait(0)
  scatter_wait(1)

  plsc.subcore_barrier()
  for i in range(5):
    blk = sid * 5 + i

    @pl.when(blk < 78)
    def _drain_blk():
      pltpu.sync_copy(acc.at[pl.ds(blk * 128, 128)],
                      out_hbm.at[cid, pl.ds(blk * 128, 128)])

  @pl.when(sid == NUM_SUBCORES - 1)
  def _drain_tail():
    pltpu.sync_copy(acc.at[pl.ds(9984, 16)],
                    out_hbm.at[cid, pl.ds(9984, 16)])


@jax.jit
def _sc_spmm(left, cols_p, rows_p, w_p, zeros128):
  mesh = plsc.VectorSubcoreMesh(core_axis_name="c", subcore_axis_name="s")
  return pl.kernel(
      _sc_spmm_body,
      out_type=jax.ShapeDtypeStruct((NUM_CORES, N_RIGHT, D), jnp.float32),
      mesh=mesh,
      scratch_types=[
          [pltpu.VMEM((CHUNK,), jnp.int32) for _ in range(2)],
          [pltpu.VMEM((CHUNK,), jnp.int32) for _ in range(2)],
          [pltpu.VMEM((CHUNK,), jnp.float32) for _ in range(2)],
          [pltpu.VMEM((CHUNK, D), jnp.float32) for _ in range(2)],
          pltpu.VMEM_SHARED((N_RIGHT, D), jnp.float32),
          [pltpu.SemaphoreType.DMA for _ in range(2)],
          [pltpu.SemaphoreType.DMA for _ in range(2)],
          [pltpu.SemaphoreType.DMA for _ in range(2)],
          [pltpu.SemaphoreType.DMA for _ in range(2)],
      ],
  )(left, cols_p, rows_p, w_p, zeros128)


def _tc_fused_body(p_ref, right_ref, c_ref, ew_ref, temp_ref, w1_ref, b1_ref,
                   w2_ref, b2_ref, out_ref):
  total = jnp.maximum(jnp.sum(ew_ref[...]), 1.0)
  t1 = temp_ref[0, 0]
  conv = (p_ref[0] + p_ref[1]) * (1.0 / total)
  h = right_ref[...] + t1 * (c_ref[...] - conv)
  h = lax.dot_general(h, w1_ref[...], (((1,), (1,)), ((), ())),
                      preferred_element_type=jnp.float32,
                      precision=lax.Precision.HIGHEST)
  h = jnp.maximum(h + b1_ref[...], 0.0)
  out = lax.dot_general(h, w2_ref[...], (((1,), (1,)), ((), ())),
                        preferred_element_type=jnp.float32,
                        precision=lax.Precision.HIGHEST)
  out_ref[...] = out + b2_ref[...]


@jax.jit
def _tc_fused(partials, right, c, ew2d, temp11, W1, b1, W2, b2):
  return pl.pallas_call(
      _tc_fused_body,
      out_shape=jax.ShapeDtypeStruct((N_RIGHT, D), jnp.float32),
      in_specs=[
          pl.BlockSpec(memory_space=pltpu.VMEM),
          pl.BlockSpec(memory_space=pltpu.VMEM),
          pl.BlockSpec(memory_space=pltpu.VMEM),
          pl.BlockSpec(memory_space=pltpu.VMEM),
          pl.BlockSpec(memory_space=pltpu.SMEM),
          pl.BlockSpec(memory_space=pltpu.VMEM),
          pl.BlockSpec(memory_space=pltpu.VMEM),
          pl.BlockSpec(memory_space=pltpu.VMEM),
          pl.BlockSpec(memory_space=pltpu.VMEM),
      ],
      out_specs=pl.BlockSpec(memory_space=pltpu.VMEM),
  )(partials, right, c, ew2d, temp11, W1, b1, W2, b2)


def kernel(left_features, right_features_k, edge_index, edge_weight,
           right_features, c, b, temp, W1, b1, W2, b2):
  del right_features_k, b
  rows = edge_index[:, 0].astype(jnp.int32)
  cols = edge_index[:, 1].astype(jnp.int32)
  w = edge_weight.astype(jnp.float32)
  pad = EP - E
  cols_p = jnp.concatenate([cols, jnp.zeros((pad,), jnp.int32)])
  rows_p = jnp.concatenate([rows, jnp.zeros((pad,), jnp.int32)])
  w_p = jnp.concatenate([w, jnp.zeros((pad,), jnp.float32)])
  zeros128 = jnp.zeros((128, D), jnp.float32)

  partials = _sc_spmm(left_features, cols_p, rows_p, w_p, zeros128)

  ew2d = edge_weight.reshape(E // D, D)
  temp11 = temp[1].reshape(1, 1)
  return _tc_fused(partials, right_features, c, ew2d, temp11, W1, b1, W2, b2)

# --- scband reference (transcript-rebuilt; emitter-appended) ---
"""Pipeline reference for scband-bipartite-graph-convolution-63874753626721 (READ-ONLY COPY).

The authoritative reference and input builder live on the scoring server;
editing this copy changes nothing except your own understanding.
"""

import jax, jax.numpy as jnp
import numpy as np

N_RIGHT = 10000
M_LEFT = 10000
E = 320000
D = 128


def setup_inputs(seed: int = 0) -> dict:
    key = jax.random.key(seed)
    ks = jax.random.split(key, 12)
    left_features = jax.random.normal(ks[0], (M_LEFT, D), dtype=jnp.float32)
    right_features_k = jax.random.normal(ks[1], (N_RIGHT, D), dtype=jnp.float32)
    # edge_index[:, 0] indexes right nodes (rows of adj (n, m)); edge_index[:, 1] indexes left nodes (cols)
    edge_index = jax.random.randint(ks[2], (E, 2), 0, N_RIGHT, dtype=jnp.int64)
    edge_weight = jax.random.uniform(ks[3], (E,), dtype=jnp.float32)
    right_features = jax.random.normal(ks[4], (N_RIGHT, D), dtype=jnp.float32)
    c = jax.random.normal(ks[5], (N_RIGHT, D), dtype=jnp.float32)
    b = jax.random.normal(ks[6], (M_LEFT, D), dtype=jnp.float32)
    # learned parameters
    temp = jnp.full((2,), 0.9, dtype=jnp.float32)
    W1 = jax.random.normal(ks[7], (D, D), dtype=jnp.float32) * (1.0 / np.sqrt(D))
    b1 = jnp.zeros((D,), dtype=jnp.float32)
    W2 = jax.random.normal(ks[8], (D, D), dtype=jnp.float32) * (1.0 / np.sqrt(D))
    b2 = jnp.zeros((D,), dtype=jnp.float32)
    return {
        "left_features": left_features,
        "right_features_k": right_features_k,
        "edge_index": edge_index,
        "edge_weight": edge_weight,
        "right_features": right_features,
        "c": c,
        "b": b,
        "temp": temp,
        "W1": W1,
        "b1": b1,
        "W2": W2,
        "b2": b2,
    }


def reference(left_features, right_features_k, edge_index, edge_weight,
              right_features, c, b, temp, W1, b1, W2, b2):
    # right_to_left=False path of BipartiteGraphConvolution.forward
    n = c.shape[0]
    # build_adj_right_from_left: adj has shape (n, m); values are normalized by the
    # (clamped) sum over ALL edge values (faithful to _values().sum(dim=-1) on a 1-D
    # values tensor, which collapses to a scalar).
    rows = edge_index[:, 0]  # right-node index in [0, n)
    cols = edge_index[:, 1]  # left-node index in [0, m)
    total = jnp.clip(jnp.sum(edge_weight), 1.0, None)
    vals = edge_weight / total
    # sparse matmul: conv_output = adj @ left_features  (gather + scatter-add)
    gathered = left_features[cols] * vals[:, None]
    conv_output = jnp.zeros((n, left_features.shape[1]), dtype=left_features.dtype).at[rows].add(gathered)
    # output_module(right_features + temp[1] * (c - conv_output))
    h = right_features + temp[1] * (c - conv_output)
    h = h @ W1.T + b1
    h = jnp.maximum(h, 0.0)
    out = h @ W2.T + b2
    return out

if __name__ == "__main__":
    import jax
    _d = setup_inputs()
    print(jax.jit(kernel)(*tuple(_d.values())))

</pallas_src>

<mosaic_0001>
#map = affine_map<(d0, d1) -> (0, 0)>
#map1 = affine_map<(d0, d1) -> (0)>
#map2 = affine_map<(d0, d1) -> (0, 0, 0)>
module attributes {stable_mosaic.version = 14 : i64} {
  func.func @_sc_spmm_body(%arg0: i32, %arg1: i32, %arg2: memref<10000x128xf32, #tpu.memory_space<hbm>>, %arg3: memref<327680xi32, #tpu.memory_space<hbm>>, %arg4: memref<327680xi32, #tpu.memory_space<hbm>>, %arg5: memref<327680xf32, #tpu.memory_space<hbm>>, %arg6: memref<128x128xf32, #tpu.memory_space<hbm>>, %arg7: memref<2x10000x128xf32, #tpu.memory_space<hbm>>, %arg8: memref<128xi32, #tpu.memory_space<vmem>>, %arg9: memref<128xi32, #tpu.memory_space<vmem>>, %arg10: memref<128xi32, #tpu.memory_space<vmem>>, %arg11: memref<128xi32, #tpu.memory_space<vmem>>, %arg12: memref<128xf32, #tpu.memory_space<vmem>>, %arg13: memref<128xf32, #tpu.memory_space<vmem>>, %arg14: memref<128x128xf32, #tpu.memory_space<vmem>>, %arg15: memref<128x128xf32, #tpu.memory_space<vmem>>, %arg16: memref<10000x128xf32, #tpu.memory_space<vmem_shared>>, %arg17: memref<!tpu.dma_semaphore, #tpu.memory_space<semaphore_mem>>, %arg18: memref<!tpu.dma_semaphore, #tpu.memory_space<semaphore_mem>>, %arg19: memref<!tpu.dma_semaphore, #tpu.memory_space<semaphore_mem>>, %arg20: memref<!tpu.dma_semaphore, #tpu.memory_space<semaphore_mem>>, %arg21: memref<!tpu.dma_semaphore, #tpu.memory_space<semaphore_mem>>, %arg22: memref<!tpu.dma_semaphore, #tpu.memory_space<semaphore_mem>>, %arg23: memref<!tpu.dma_semaphore, #tpu.memory_space<semaphore_mem>>, %arg24: memref<!tpu.dma_semaphore, #tpu.memory_space<semaphore_mem>>) attributes {dimension_semantics = [#tpu.dimension_semantics<core_parallel>, #tpu.dimension_semantics<subcore_parallel>], iteration_bounds = array<i64: 2, 16>, scalar_prefetch = 0 : i64, scratch_operands = 17 : i64, tpu.core_type = #tpu.core_type<sc_vector_subcore>, window_params = [{transform_indices = #map}, {transform_indices = #map1}, {transform_indices = #map1}, {transform_indices = #map1}, {transform_indices = #map}, {transform_indices = #map2}]} {
    %mul3A = arith.constant 16 : i32
    %mul3A_0 = arith.muli %arg0, %mul3A : i32
    %add3A = arith.addi %mul3A_0, %arg1 : i32
    %mul3A_1 = arith.constant 5 : i32
    %mul3A_2 = arith.muli %arg1, %mul3A_1 : i32
    %add3A_3 = arith.constant 0 : i32
    %add3A_4 = arith.addi %mul3A_2, %add3A_3 : i32
    %lt3A = arith.constant 78 : i32
    %lt3A_5 = arith.cmpi slt, %add3A_4, %lt3A : i32
    %convert_element_type3A = arith.extui %lt3A_5 : i1 to i32
    %cond3A = arith.constant 0 : i32
    %cond3A_6 = arith.cmpi ne, %convert_element_type3A, %cond3A : i32
    scf.if %cond3A_6 {
      %mul3A_129 = arith.constant 128 : i32
      %mul3A_130 = arith.muli %add3A_4, %mul3A_129 : i32
      "tpu.region"() ({
        %run_scoped3A = tpu.sem_alloc : memref<!tpu.dma_semaphore, #tpu.memory_space<semaphore_mem>>
        %dma_start3A_131 = arith.constant 0 : i32
        %dma_start3A_132 = tpu.memref_slice %arg16[%mul3A_130, %dma_start3A_131] : memref<10000x128xf32, #tpu.memory_space<vmem_shared>> -> memref<128x128xf32, #tpu.memory_space<vmem_shared>>
        tpu.enqueue_dma source(%arg6 : memref<128x128xf32, #tpu.memory_space<hbm>>) target(%dma_start3A_132 : memref<128x128xf32, #tpu.memory_space<vmem_shared>>) target_semaphore(%run_scoped3A : memref<!tpu.dma_semaphore, #tpu.memory_space<semaphore_mem>>)
        %dma_wait3A_133 = arith.constant 0 : i32
        %dma_wait3A_134 = tpu.memref_slice %arg16[%mul3A_130, %dma_wait3A_133] : memref<10000x128xf32, #tpu.memory_space<vmem_shared>> -> memref<128x128xf32, #tpu.memory_space<vmem_shared>>
        tpu.wait_dma2 semaphore(%run_scoped3A : memref<!tpu.dma_semaphore, #tpu.memory_space<semaphore_mem>>) src(%arg6 : memref<128x128xf32, #tpu.memory_space<hbm>>) dst(%dma_wait3A_134 : memref<128x128xf32, #tpu.memory_space<vmem_shared>>)
        tpu.yield
      }) : () -> ()
    } else {
    }
    %mul3A_7 = arith.constant 5 : i32
    %mul3A_8 = arith.muli %arg1, %mul3A_7 : i32
    %add3A_9 = arith.constant 1 : i32
    %add3A_10 = arith.addi %mul3A_8, %add3A_9 : i32
    %lt3A_11 = arith.constant 78 : i32
    %lt3A_12 = arith.cmpi slt, %add3A_10, %lt3A_11 : i32
    %convert_element_type3A_13 = arith.extui %lt3A_12 : i1 to i32
    %cond3A_14 = arith.constant 0 : i32
    %cond3A_15 = arith.cmpi ne, %convert_element_type3A_13, %cond3A_14 : i32
    scf.if %cond3A_15 {
      %mul3A_129 = arith.constant 128 : i32
      %mul3A_130 = arith.muli %add3A_10, %mul3A_129 : i32
      "tpu.region"() ({
        %run_scoped3A = tpu.sem_alloc : memref<!tpu.dma_semaphore, #tpu.memory_space<semaphore_mem>>
        %dma_start3A_131 = arith.constant 0 : i32
        %dma_start3A_132 = tpu.memref_slice %arg16[%mul3A_130, %dma_start3A_131] : memref<10000x128xf32, #tpu.memory_space<vmem_shared>> -> memref<128x128xf32, #tpu.memory_space<vmem_shared>>
        tpu.enqueue_dma source(%arg6 : memref<128x128xf32, #tpu.memory_space<hbm>>) target(%dma_start3A_132 : memref<128x128xf32, #tpu.memory_space<vmem_shared>>) target_semaphore(%run_scoped3A : memref<!tpu.dma_semaphore, #tpu.memory_space<semaphore_mem>>)
        %dma_wait3A_133 = arith.constant 0 : i32
        %dma_wait3A_134 = tpu.memref_slice %arg16[%mul3A_130, %dma_wait3A_133] : memref<10000x128xf32, #tpu.memory_space<vmem_shared>> -> memref<128x128xf32, #tpu.memory_space<vmem_shared>>
        tpu.wait_dma2 semaphore(%run_scoped3A : memref<!tpu.dma_semaphore, #tpu.memory_space<semaphore_mem>>) src(%arg6 : memref<128x128xf32, #tpu.memory_space<hbm>>) dst(%dma_wait3A_134 : memref<128x128xf32, #tpu.memory_space<vmem_shared>>)
        tpu.yield
      }) : () -> ()
    } else {
    }
    %mul3A_16 = arith.constant 5 : i32
    %mul3A_17 = arith.muli %arg1, %mul3A_16 : i32
    %add3A_18 = arith.constant 2 : i32
    %add3A_19 = arith.addi %mul3A_17, %add3A_18 : i32
    %lt3A_20 = arith.constant 78 : i32
    %lt3A_21 = arith.cmpi slt, %add3A_19, %lt3A_20 : i32
    %convert_element_type3A_22 = arith.extui %lt3A_21 : i1 to i32
    %cond3A_23 = arith.constant 0 : i32
    %cond3A_24 = arith.cmpi ne, %convert_element_type3A_22, %cond3A_23 : i32
    scf.if %cond3A_24 {
      %mul3A_129 = arith.constant 128 : i32
      %mul3A_130 = arith.muli %add3A_19, %mul3A_129 : i32
      "tpu.region"() ({
        %run_scoped3A = tpu.sem_alloc : memref<!tpu.dma_semaphore, #tpu.memory_space<semaphore_mem>>
        %dma_start3A_131 = arith.constant 0 : i32
        %dma_start3A_132 = tpu.memref_slice %arg16[%mul3A_130, %dma_start3A_131] : memref<10000x128xf32, #tpu.memory_space<vmem_shared>> -> memref<128x128xf32, #tpu.memory_space<vmem_shared>>
        tpu.enqueue_dma source(%arg6 : memref<128x128xf32, #tpu.memory_space<hbm>>) target(%dma_start3A_132 : memref<128x128xf32, #tpu.memory_space<vmem_shared>>) target_semaphore(%run_scoped3A : memref<!tpu.dma_semaphore, #tpu.memory_space<semaphore_mem>>)
        %dma_wait3A_133 = arith.constant 0 : i32
        %dma_wait3A_134 = tpu.memref_slice %arg16[%mul3A_130, %dma_wait3A_133] : memref<10000x128xf32, #tpu.memory_space<vmem_shared>> -> memref<128x128xf32, #tpu.memory_space<vmem_shared>>
        tpu.wait_dma2 semaphore(%run_scoped3A : memref<!tpu.dma_semaphore, #tpu.memory_space<semaphore_mem>>) src(%arg6 : memref<128x128xf32, #tpu.memory_space<hbm>>) dst(%dma_wait3A_134 : memref<128x128xf32, #tpu.memory_space<vmem_shared>>)
        tpu.yield
      }) : () -> ()
    } else {
    }
    %mul3A_25 = arith.constant 5 : i32
    %mul3A_26 = arith.muli %arg1, %mul3A_25 : i32
    %add3A_27 = arith.constant 3 : i32
    %add3A_28 = arith.addi %mul3A_26, %add3A_27 : i32
    %lt3A_29 = arith.constant 78 : i32
    %lt3A_30 = arith.cmpi slt, %add3A_28, %lt3A_29 : i32
    %convert_element_type3A_31 = arith.extui %lt3A_30 : i1 to i32
    %cond3A_32 = arith.constant 0 : i32
    %cond3A_33 = arith.cmpi ne, %convert_element_type3A_31, %cond3A_32 : i32
    scf.if %cond3A_33 {
      %mul3A_129 = arith.constant 128 : i32
      %mul3A_130 = arith.muli %add3A_28, %mul3A_129 : i32
      "tpu.region"() ({
        %run_scoped3A = tpu.sem_alloc : memref<!tpu.dma_semaphore, #tpu.memory_space<semaphore_mem>>
        %dma_start3A_131 = arith.constant 0 : i32
        %dma_start3A_132 = tpu.memref_slice %arg16[%mul3A_130, %dma_start3A_131] : memref<10000x128xf32, #tpu.memory_space<vmem_shared>> -> memref<128x128xf32, #tpu.memory_space<vmem_shared>>
        tpu.enqueue_dma source(%arg6 : memref<128x128xf32, #tpu.memory_space<hbm>>) target(%dma_start3A_132 : memref<128x128xf32, #tpu.memory_space<vmem_shared>>) target_semaphore(%run_scoped3A : memref<!tpu.dma_semaphore, #tpu.memory_space<semaphore_mem>>)
        %dma_wait3A_133 = arith.constant 0 : i32
        %dma_wait3A_134 = tpu.memref_slice %arg16[%mul3A_130, %dma_wait3A_133] : memref<10000x128xf32, #tpu.memory_space<vmem_shared>> -> memref<128x128xf32, #tpu.memory_space<vmem_shared>>
        tpu.wait_dma2 semaphore(%run_scoped3A : memref<!tpu.dma_semaphore, #tpu.memory_space<semaphore_mem>>) src(%arg6 : memref<128x128xf32, #tpu.memory_space<hbm>>) dst(%dma_wait3A_134 : memref<128x128xf32, #tpu.memory_space<vmem_shared>>)
        tpu.yield
      }) : () -> ()
    } else {
    }
    %mul3A_34 = arith.constant 5 : i32
    %mul3A_35 = arith.muli %arg1, %mul3A_34 : i32
    %add3A_36 = arith.constant 4 : i32
    %add3A_37 = arith.addi %mul3A_35, %add3A_36 : i32
    %lt3A_38 = arith.constant 78 : i32
    %lt3A_39 = arith.cmpi slt, %add3A_37, %lt3A_38 : i32
    %convert_element_type3A_40 = arith.extui %lt3A_39 : i1 to i32
    %cond3A_41 = arith.constant 0 : i32
    %cond3A_42 = arith.cmpi ne, %convert_element_type3A_40, %cond3A_41 : i32
    scf.if %cond3A_42 {
      %mul3A_129 = arith.constant 128 : i32
      %mul3A_130 = arith.muli %add3A_37, %mul3A_129 : i32
      "tpu.region"() ({
        %run_scoped3A = tpu.sem_alloc : memref<!tpu.dma_semaphore, #tpu.memory_space<semaphore_mem>>
        %dma_start3A_131 = arith.constant 0 : i32
        %dma_start3A_132 = tpu.memref_slice %arg16[%mul3A_130, %dma_start3A_131] : memref<10000x128xf32, #tpu.memory_space<vmem_shared>> -> memref<128x128xf32, #tpu.memory_space<vmem_shared>>
        tpu.enqueue_dma source(%arg6 : memref<128x128xf32, #tpu.memory_space<hbm>>) target(%dma_start3A_132 : memref<128x128xf32, #tpu.memory_space<vmem_shared>>) target_semaphore(%run_scoped3A : memref<!tpu.dma_semaphore, #tpu.memory_space<semaphore_mem>>)
        %dma_wait3A_133 = arith.constant 0 : i32
        %dma_wait3A_134 = tpu.memref_slice %arg16[%mul3A_130, %dma_wait3A_133] : memref<10000x128xf32, #tpu.memory_space<vmem_shared>> -> memref<128x128xf32, #tpu.memory_space<vmem_shared>>
        tpu.wait_dma2 semaphore(%run_scoped3A : memref<!tpu.dma_semaphore, #tpu.memory_space<semaphore_mem>>) src(%arg6 : memref<128x128xf32, #tpu.memory_space<hbm>>) dst(%dma_wait3A_134 : memref<128x128xf32, #tpu.memory_space<vmem_shared>>)
        tpu.yield
      }) : () -> ()
    } else {
    }
    %eq3A = arith.constant 15 : i32
    %eq3A_43 = arith.cmpi eq, %arg1, %eq3A : i32
    %convert_element_type3A_44 = arith.extui %eq3A_43 : i1 to i32
    %cond3A_45 = arith.constant 0 : i32
    %cond3A_46 = arith.cmpi ne, %convert_element_type3A_44, %cond3A_45 : i32
    scf.if %cond3A_46 {
      "tpu.region"() ({
        %run_scoped3A = tpu.sem_alloc : memref<!tpu.dma_semaphore, #tpu.memory_space<semaphore_mem>>
        %dma_start3A_129 = arith.constant 9984 : i32
        %dma_start3A_130 = arith.constant 0 : i32
        %dma_start3A_131 = tpu.memref_slice %arg16[%dma_start3A_129, %dma_start3A_130] : memref<10000x128xf32, #tpu.memory_space<vmem_shared>> -> memref<16x128xf32, #tpu.memory_space<vmem_shared>>
        %dma_start3A_132 = arith.constant 0 : i32
        %dma_start3A_133 = arith.constant 0 : i32
        %dma_start3A_134 = tpu.memref_slice %arg6[%dma_start3A_132, %dma_start3A_133] : memref<128x128xf32, #tpu.memory_space<hbm>> -> memref<16x128xf32, #tpu.memory_space<hbm>>
        tpu.enqueue_dma source(%dma_start3A_134 : memref<16x128xf32, #tpu.memory_space<hbm>>) target(%dma_start3A_131 : memref<16x128xf32, #tpu.memory_space<vmem_shared>>) target_semaphore(%run_scoped3A : memref<!tpu.dma_semaphore, #tpu.memory_space<semaphore_mem>>)
        %dma_wait3A_135 = arith.constant 9984 : i32
        %dma_wait3A_136 = arith.constant 0 : i32
        %dma_wait3A_137 = tpu.memref_slice %arg16[%dma_wait3A_135, %dma_wait3A_136] : memref<10000x128xf32, #tpu.memory_space<vmem_shared>> -> memref<16x128xf32, #tpu.memory_space<vmem_shared>>
        %dma_wait3A_138 = arith.constant 0 : i32
        %dma_wait3A_139 = arith.constant 0 : i32
        %dma_wait3A_140 = tpu.memref_slice %arg6[%dma_wait3A_138, %dma_wait3A_139] : memref<128x128xf32, #tpu.memory_space<hbm>> -> memref<16x128xf32, #tpu.memory_space<hbm>>
        tpu.wait_dma2 semaphore(%run_scoped3A : memref<!tpu.dma_semaphore, #tpu.memory_space<semaphore_mem>>) src(%dma_wait3A_140 : memref<16x128xf32, #tpu.memory_space<hbm>>) dst(%dma_wait3A_137 : memref<16x128xf32, #tpu.memory_space<vmem_shared>>)
        tpu.yield
      }) : () -> ()
    } else {
    }
    %barrier3A = arith.constant 0 : index
    tpu.barrier barrier_id(%barrier3A)
    %mul3A_47 = arith.constant 10240 : i32
    %mul3A_48 = arith.muli %add3A, %mul3A_47 : i32
    %dma_start3A = tpu.memref_slice %arg3[%mul3A_48] : memref<327680xi32, #tpu.memory_space<hbm>> -> memref<128xi32, #tpu.memory_space<hbm>>
    %dma_start3A_49 = tpu.memref_slice %arg3[%mul3A_48] : memref<327680xi32, #tpu.memory_space<hbm>> -> memref<128xi32, #tpu.memory_space<hbm>>
    tpu.enqueue_dma source(%dma_start3A_49 : memref<128xi32, #tpu.memory_space<hbm>>) target(%arg8 : memref<128xi32, #tpu.memory_space<vmem>>) target_semaphore(%arg17 : memref<!tpu.dma_semaphore, #tpu.memory_space<semaphore_mem>>)
    %dma_start3A_50 = tpu.memref_slice %arg4[%mul3A_48] : memref<327680xi32, #tpu.memory_space<hbm>> -> memref<128xi32, #tpu.memory_space<hbm>>
    %dma_start3A_51 = tpu.memref_slice %arg4[%mul3A_48] : memref<327680xi32, #tpu.memory_space<hbm>> -> memref<128xi32, #tpu.memory_space<hbm>>
    tpu.enqueue_dma source(%dma_start3A_51 : memref<128xi32, #tpu.memory_space<hbm>>) target(%arg10 : memref<128xi32, #tpu.memory_space<vmem>>) target_semaphore(%arg19 : memref<!tpu.dma_semaphore, #tpu.memory_space<semaphore_mem>>)
    %dma_start3A_52 = tpu.memref_slice %arg5[%mul3A_48] : memref<327680xf32, #tpu.memory_space<hbm>> -> memref<128xf32, #tpu.memory_space<hbm>>
    %dma_start3A_53 = tpu.memref_slice %arg5[%mul3A_48] : memref<327680xf32, #tpu.memory_space<hbm>> -> memref<128xf32, #tpu.memory_space<hbm>>
    tpu.enqueue_dma source(%dma_start3A_53 : memref<128xf32, #tpu.memory_space<hbm>>) target(%arg12 : memref<128xf32, #tpu.memory_space<vmem>>) target_semaphore(%arg19 : memref<!tpu.dma_semaphore, #tpu.memory_space<semaphore_mem>>)
    %dma_wait3A = arith.constant 0 : i32
    %dma_wait3A_54 = tpu.memref_slice %arg3[%dma_wait3A] : memref<327680xi32, #tpu.memory_space<hbm>> -> memref<128xi32, #tpu.memory_space<hbm>>
    %dma_wait3A_55 = arith.constant 0 : i32
    %dma_wait3A_56 = tpu.memref_slice %arg3[%dma_wait3A_55] : memref<327680xi32, #tpu.memory_space<hbm>> -> memref<128xi32, #tpu.memory_space<hbm>>
    tpu.wait_dma2 semaphore(%arg17 : memref<!tpu.dma_semaphore, #tpu.memory_space<semaphore_mem>>) src(%dma_wait3A_56 : memref<128xi32, #tpu.memory_space<hbm>>) dst(%arg8 : memref<128xi32, #tpu.memory_space<vmem>>)
    %dma_wait3A_57 = arith.constant 0 : i32
    %dma_wait3A_58 = tpu.memref_slice %arg4[%dma_wait3A_57] : memref<327680xi32, #tpu.memory_space<hbm>> -> memref<128xi32, #tpu.memory_space<hbm>>
    %dma_wait3A_59 = arith.constant 0 : i32
    %dma_wait3A_60 = tpu.memref_slice %arg4[%dma_wait3A_59] : memref<327680xi32, #tpu.memory_space<hbm>> -> memref<128xi32, #tpu.memory_space<hbm>>
    tpu.wait_dma2 semaphore(%arg19 : memref<!tpu.dma_semaphore, #tpu.memory_space<semaphore_mem>>) src(%dma_wait3A_60 : memref<128xi32, #tpu.memory_space<hbm>>) dst(%arg10 : memref<128xi32, #tpu.memory_space<vmem>>)
    %dma_wait3A_61 = arith.constant 0 : i32
    %dma_wait3A_62 = tpu.memref_slice %arg5[%dma_wait3A_61] : memref<327680xf32, #tpu.memory_space<hbm>> -> memref<128xf32, #tpu.memory_space<hbm>>
    %dma_wait3A_63 = arith.constant 0 : i32
    %dma_wait3A_64 = tpu.memref_slice %arg5[%dma_wait3A_63] : memref<327680xf32, #tpu.memory_space<hbm>> -> memref<128xf32, #tpu.memory_space<hbm>>
    tpu.wait_dma2 semaphore(%arg19 : memref<!tpu.dma_semaphore, #tpu.memory_space<semaphore_mem>>) src(%dma_wait3A_64 : memref<128xf32, #tpu.memory_space<hbm>>) dst(%arg12 : memref<128xf32, #tpu.memory_space<vmem>>)
    %dma_start3A_65 = arith.constant 0 : i32
    %dma_start3A_66 = arith.constant 0 : i32
    %dma_start3A_67 = tpu.memref_slice %arg2[%dma_start3A_65, %dma_start3A_66] : memref<10000x128xf32, #tpu.memory_space<hbm>> -> memref<10000x128xf32, #tpu.memory_space<hbm>>
    tpu.enqueue_indirect_dma source(%dma_start3A_67 : memref<10000x128xf32, #tpu.memory_space<hbm>>) target(%arg14 : memref<128x128xf32, #tpu.memory_space<vmem>>) offsets(%arg8 : memref<128xi32, #tpu.memory_space<vmem>>) semaphore(%arg21 : memref<!tpu.dma_semaphore, #tpu.memory_space<semaphore_mem>>)
    %scan3A = arith.constant 0 : i32
    %scan3A_68 = arith.constant 40 : i32
    %scan3A_69 = arith.addi %scan3A, %scan3A_68 : i32
    %scan3A_70 = arith.constant 1 : i32
    scf.for %scan3A_129 = %scan3A to %scan3A_69 step %scan3A_70  : i32 {
      %mul3A_130 = arith.constant 2 : i32
      %mul3A_131 = arith.muli %scan3A_129, %mul3A_130 : i32
      %add3A_132 = arith.constant 0 : i32
      %add3A_133 = arith.addi %add3A_132, %mul3A_131 : i32
      %add3A_134 = arith.constant 0 : i32
      %add3A_135 = arith.addi %add3A_133, %add3A_134 : i32
      %add3A_136 = arith.constant 1 : i32
      %add3A_137 = arith.addi %add3A_135, %add3A_136 : i32
      %lt3A_138 = arith.constant 80 : i32
      %lt3A_139 = arith.cmpi slt, %add3A_137, %lt3A_138 : i32
      %convert_element_type3A_140 = arith.extui %lt3A_139 : i1 to i32
      %cond3A_141 = arith.constant 0 : i32
      %cond3A_142 = arith.cmpi ne, %convert_element_type3A_140, %cond3A_141 : i32
      scf.if %cond3A_142 {
        %ge3A = arith.constant 1 : i32
        %ge3A_174 = arith.cmpi sge, %add3A_135, %ge3A : i32
        %convert_element_type3A_175 = arith.extui %ge3A_174 : i1 to i32
        %cond3A_176 = arith.constant 0 : i32
        %cond3A_177 = arith.cmpi ne, %convert_element_type3A_175, %cond3A_176 : i32
        scf.if %cond3A_177 {
          %dma_wait3A_204 = arith.constant 0 : i32
          %dma_wait3A_205 = arith.constant 0 : i32
          %dma_wait3A_206 = tpu.memref_slice %arg16[%dma_wait3A_204, %dma_wait3A_205] : memref<10000x128xf32, #tpu.memory_space<vmem_shared>> -> memref<10000x128xf32, #tpu.memory_space<vmem_shared>>
          tpu.wait_indirect_dma semaphore(%arg24 : memref<!tpu.dma_semaphore, #tpu.memory_space<semaphore_mem>>) src(%arg15 : memref<128x128xf32, #tpu.memory_space<vmem>>) dst(%dma_wait3A_206 : memref<10000x128xf32, #tpu.memory_space<vmem_shared>>)
        } else {
        }
        %add3A_178 = arith.constant 1 : i32
        %add3A_179 = arith.addi %add3A_135, %add3A_178 : i32
        %mul3A_180 = arith.constant 128 : i32
        %mul3A_181 = arith.muli %add3A_179, %mul3A_180 : i32
        %add3A_182 = arith.addi %mul3A_48, %mul3A_181 : i32
        %dma_start3A_183 = tpu.memref_slice %arg3[%add3A_182] : memref<327680xi32, #tpu.memory_space<hbm>> -> memref<128xi32, #tpu.memory_space<hbm>>
        %dma_start3A_184 = tpu.memref_slice %arg3[%add3A_182] : memref<327680xi32, #tpu.memory_space<hbm>> -> memref<128xi32, #tpu.memory_space<hbm>>
        tpu.enqueue_dma source(%dma_start3A_184 : memref<128xi32, #tpu.memory_space<hbm>>) target(%arg9 : memref<128xi32, #tpu.memory_space<vmem>>) target_semaphore(%arg18 : memref<!tpu.dma_semaphore, #tpu.memory_space<semaphore_mem>>)
        %dma_start3A_185 = tpu.memref_slice %arg4[%add3A_182] : memref<327680xi32, #tpu.memory_space<hbm>> -> memref<128xi32, #tpu.memory_space<hbm>>
        %dma_start3A_186 = tpu.memref_slice %arg4[%add3A_182] : memref<327680xi32, #tpu.memory_space<hbm>> -> memref<128xi32, #tpu.memory_space<hbm>>
        tpu.enqueue_dma source(%dma_start3A_186 : memref<128xi32, #tpu.memory_space<hbm>>) target(%arg11 : memref<128xi32, #tpu.memory_space<vmem>>) target_semaphore(%arg20 : memref<!tpu.dma_semaphore, #tpu.memory_space<semaphore_mem>>)
        %dma_start3A_187 = tpu.memref_slice %arg5[%add3A_182] : memref<327680xf32, #tpu.memory_space<hbm>> -> memref<128xf32, #tpu.memory_space<hbm>>
        %dma_start3A_188 = tpu.memref_slice %arg5[%add3A_182] : memref<327680xf32, #tpu.memory_space<hbm>> -> memref<128xf32, #tpu.memory_space<hbm>>
        tpu.enqueue_dma source(%dma_start3A_188 : memref<128xf32, #tpu.memory_space<hbm>>) target(%arg13 : memref<128xf32, #tpu.memory_space<vmem>>) target_semaphore(%arg20 : memref<!tpu.dma_semaphore, #tpu.memory_space<semaphore_mem>>)
        %dma_wait3A_189 = arith.constant 0 : i32
        %dma_wait3A_190 = tpu.memref_slice %arg3[%dma_wait3A_189] : memref<327680xi32, #tpu.memory_space<hbm>> -> memref<128xi32, #tpu.memory_space<hbm>>
        %dma_wait3A_191 = arith.constant 0 : i32
        %dma_wait3A_192 = tpu.memref_slice %arg3[%dma_wait3A_191] : memref<327680xi32, #tpu.memory_space<hbm>> -> memref<128xi32, #tpu.memory_space<hbm>>
        tpu.wait_dma2 semaphore(%arg18 : memref<!tpu.dma_semaphore, #tpu.memory_space<semaphore_mem>>) src(%dma_wait3A_192 : memref<128xi32, #tpu.memory_space<hbm>>) dst(%arg9 : memref<128xi32, #tpu.memory_space<vmem>>)
        %dma_wait3A_193 = arith.constant 0 : i32
        %dma_wait3A_194 = tpu.memref_slice %arg4[%dma_wait3A_193] : memref<327680xi32, #tpu.memory_space<hbm>> -> memref<128xi32, #tpu.memory_space<hbm>>
        %dma_wait3A_195 = arith.constant 0 : i32
        %dma_wait3A_196 = tpu.memref_slice %arg4[%dma_wait3A_195] : memref<327680xi32, #tpu.memory_space<hbm>> -> memref<128xi32, #tpu.memory_space<hbm>>
        tpu.wait_dma2 semaphore(%arg20 : memref<!tpu.dma_semaphore, #tpu.memory_space<semaphore_mem>>) src(%dma_wait3A_196 : memref<128xi32, #tpu.memory_space<hbm>>) dst(%arg11 : memref<128xi32, #tpu.memory_space<vmem>>)
        %dma_wait3A_197 = arith.constant 0 : i32
        %dma_wait3A_198 = tpu.memref_slice %arg5[%dma_wait3A_197] : memref<327680xf32, #tpu.memory_space<hbm>> -> memref<128xf32, #tpu.memory_space<hbm>>
        %dma_wait3A_199 = arith.constant 0 : i32
        %dma_wait3A_200 = tpu.memref_slice %arg5[%dma_wait3A_199] : memref<327680xf32, #tpu.memory_space<hbm>> -> memref<128xf32, #tpu.memory_space<hbm>>
        tpu.wait_dma2 semaphore(%arg20 : memref<!tpu.dma_semaphore, #tpu.memory_space<semaphore_mem>>) src(%dma_wait3A_200 : memref<128xf32, #tpu.memory_space<hbm>>) dst(%arg13 : memref<128xf32, #tpu.memory_space<vmem>>)
        %dma_start3A_201 = arith.constant 0 : i32
        %dma_start3A_202 = arith.constant 0 : i32
        %dma_start3A_203 = tpu.memref_slice %arg2[%dma_start3A_201, %dma_start3A_202] : memref<10000x128xf32, #tpu.memory_space<hbm>> -> memref<10000x128xf32, #tpu.memory_space<hbm>>
        tpu.enqueue_indirect_dma source(%dma_start3A_203 : memref<10000x128xf32, #tpu.memory_space<hbm>>) target(%arg15 : memref<128x128xf32, #tpu.memory_space<vmem>>) offsets(%arg9 : memref<128xi32, #tpu.memory_space<vmem>>) semaphore(%arg22 : memref<!tpu.dma_semaphore, #tpu.memory_space<semaphore_mem>>)
      } else {
      }
      %dma_wait3A_143 = arith.constant 0 : i32
      %dma_wait3A_144 = arith.constant 0 : i32
      %dma_wait3A_145 = tpu.memref_slice %arg2[%dma_wait3A_143, %dma_wait3A_144] : memref<10000x128xf32, #tpu.memory_space<hbm>> -> memref<10000x128xf32, #tpu.memory_space<hbm>>
      tpu.wait_indirect_dma semaphore(%arg21 : memref<!tpu.dma_semaphore, #tpu.memory_space<semaphore_mem>>) src(%dma_wait3A_145 : memref<10000x128xf32, #tpu.memory_space<hbm>>) dst(%arg14 : memref<128x128xf32, #tpu.memory_space<vmem>>)
      %scan3A_146 = arith.constant 0 : i32
      %scan3A_147 = arith.constant 8 : i32
      %scan3A_148 = arith.addi %scan3A_146, %scan3A_147 : i32
      %scan3A_149 = arith.constant 1 : i32
      scf.for %scan3A_174 = %scan3A_146 to %scan3A_148 step %scan3A_149  : i32 {
        %mul3A_175 = arith.constant 1 : i32
        %mul3A_176 = arith.muli %scan3A_174, %mul3A_175 : i32
        %add3A_177 = arith.constant 0 : i32
        %add3A_178 = arith.addi %add3A_177, %mul3A_176 : i32
        %mul3A_179 = arith.constant 16 : i32
        %mul3A_180 = arith.muli %add3A_178, %mul3A_179 : i32
        %get3A = arith.index_cast %mul3A_180 : i32 to index
        %get3A_181 = tpu.vector_load %arg12[%get3A] {strides = array<i32>} : memref<128xf32, #tpu.memory_space<vmem>>, vector<16xf32>,
        %get3A_182 = vector.shape_cast %get3A_181 : vector<16xf32> to vector<16xf32>
        %broadcast_in_dim3A = arith.constant 0 : i32
        %broadcast_in_dim3A_183 = vector.broadcast %broadcast_in_dim3A : i32 to vector<16xi32>
        %lt3A_184 = arith.constant 0 : i32
        %lt3A_185 = vector.broadcast %lt3A_184 : i32 to vector<16xi32>
        %lt3A_186 = arith.cmpi slt, %broadcast_in_dim3A_183, %lt3A_185 : vector<16xi32>
        %add3A_187 = arith.constant 16 : i32
        %add3A_188 = vector.broadcast %add3A_187 : i32 to vector<16xi32>
        %add3A_189 = arith.addi %broadcast_in_dim3A_183, %add3A_188 : vector<16xi32>
        %select_n3A = arith.select %lt3A_186, %add3A_189, %broadcast_in_dim3A_183 : vector<16xi1>, vector<16xi32>
        %reshape3A = vector.shape_cast %select_n3A : vector<16xi32> to vector<16x1xi32>
        %gather3A = vector.shape_cast %reshape3A : vector<16x1xi32> to vector<16xi32>
        %gather3A_190 = tpu.dynamic_gather %get3A_182[%gather3A] in [0] : vector<16xf32>, vector<16xi32> -> vector<16xf32>
        %mul3A_191 = arith.constant 16 : i32
        %mul3A_192 = arith.muli %add3A_178, %mul3A_191 : i32
        %add3A_193 = arith.constant 0 : i32
        %add3A_194 = arith.addi %mul3A_192, %add3A_193 : i32
        %get3A_195 = arith.index_cast %add3A_194 : i32 to index
        %get3A_196 = arith.constant 0 : index
        %get3A_197 = tpu.vector_load %arg14[%get3A_195, %get3A_196] {strides = array<i32>} : memref<128x128xf32, #tpu.memory_space<vmem>>, vector<1x16xf32>,
        %get3A_198 = vector.shape_cast %get3A_197 : vector<1x16xf32> to vector<16xf32>
        %mul3A_199 = arith.mulf %get3A_198, %gather3A_190 : vector<16xf32>
        %mul3A_200 = arith.constant 16 : i32
        %mul3A_201 = arith.muli %add3A_178, %mul3A_200 : i32
        %add3A_202 = arith.constant 0 : i32
        %add3A_203 = arith.addi %mul3A_201, %add3A_202 : i32
        %swap3A = arith.index_cast %add3A_203 : i32 to index
        %swap3A_204 = arith.constant 0 : index
        %swap3A_205 = tpu.vector_load %arg14[%swap3A, %swap3A_204] {strides = array<i32>} : memref<128x128xf32, #tpu.memory_space<vmem>>, vector<1x16xf32>,
        %swap3A_206 = vector.shape_cast %swap3A_205 : vector<1x16xf32> to vector<16xf32>
        %swap3A_207 = vector.shape_cast %mul3A_199 : vector<16xf32> to vector<1x16xf32>
        tpu.vector_store %arg14[%swap3A, %swap3A_204], %swap3A_207 {strides = array<i32>} : memref<128x128xf32, #tpu.memory_space<vmem>>, vector<1x16xf32>,
        %mul3A_208 = arith.constant 16 : i32
        %mul3A_209 = arith.muli %add3A_178, %mul3A_208 : i32
        %add3A_210 = arith.constant 0 : i32
        %add3A_211 = arith.addi %mul3A_209, %add3A_210 : i32
        %get3A_212 = arith.index_cast %add3A_211 : i32 to index
        %get3A_213 = arith.constant 16 : index
        %get3A_214 = tpu.vector_load %arg14[%get3A_212, %get3A_213] {strides = array<i32>} : memref<128x128xf32, #tpu.memory_space<vmem>>, vector<1x16xf32>,
        %get3A_215 = vector.shape_cast %get3A_214 : vector<1x16xf32> to vector<16xf32>
        %mul3A_216 = arith.mulf %get3A_215, %gather3A_190 : vector<16xf32>
        %mul3A_217 = arith.constant 16 : i32
        %mul3A_218 = arith.muli %add3A_178, %mul3A_217 : i32
        %add3A_219 = arith.constant 0 : i32
        %add3A_220 = arith.addi %mul3A_218, %add3A_219 : i32
        %swap3A_221 = arith.index_cast %add3A_220 : i32 to index
        %swap3A_222 = arith.constant 16 : index
        %swap3A_223 = tpu.vector_load %arg14[%swap3A_221, %swap3A_222] {strides = array<i32>} : memref<128x128xf32, #tpu.memory_space<vmem>>, vector<1x16xf32>,
        %swap3A_224 = vector.shape_cast %swap3A_223 : vector<1x16xf32> to vector<16xf32>
        %swap3A_225 = vector.shape_cast %mul3A_216 : vector<16xf32> to vector<1x16xf32>
        tpu.vector_store %arg14[%swap3A_221, %swap3A_222], %swap3A_225 {strides = array<i32>} : memref<128x128xf32, #tpu.memory_space<vmem>>, vector<1x16xf32>,
        %mul3A_226 = arith.constant 16 : i32
        %mul3A_227 = arith.muli %add3A_178, %mul3A_226 : i32
        %add3A_228 = arith.constant 0 : i32
        %add3A_229 = arith.addi %mul3A_227, %add3A_228 : i32
        %get3A_230 = arith.index_cast %add3A_229 : i32 to index
        %get3A_231 = arith.constant 32 : index
        %get3A_232 = tpu.vector_load %arg14[%get3A_230, %get3A_231] {strides = array<i32>} : memref<128x128xf32, #tpu.memory_space<vmem>>, vector<1x16xf32>,
        %get3A_233 = vector.shape_cast %get3A_232 : vector<1x16xf32> to vector<16xf32>
        %mul3A_234 = arith.mulf %get3A_233, %gather3A_190 : vector<16xf32>
        %mul3A_235 = arith.constant 16 : i32
        %mul3A_236 = arith.muli %add3A_178, %mul3A_235 : i32
        %add3A_237 = arith.constant 0 : i32
        %add3A_238 = arith.addi %mul3A_236, %add3A_237 : i32
        %swap3A_239 = arith.index_cast %add3A_238 : i32 to index
        %swap3A_240 = arith.constant 32 : index
        %swap3A_241 = tpu.vector_load %arg14[%swap3A_239, %swap3A_240] {strides = array<i32>} : memref<128x128xf32, #tpu.memory_space<vmem>>, vector<1x16xf32>,
        %swap3A_242 = vector.shape_cast %swap3A_241 : vector<1x16xf32> to vector<16xf32>
        %swap3A_243 = vector.shape_cast %mul3A_234 : vector<16xf32> to vector<1x16xf32>
        tpu.vector_store %arg14[%swap3A_239, %swap3A_240], %swap3A_243 {strides = array<i32>} : memref<128x128xf32, #tpu.memory_space<vmem>>, vector<1x16xf32>,
        %mul3A_244 = arith.constant 16 : i32
        %mul3A_245 = arith.muli %add3A_178, %mul3A_244 : i32
        %add3A_246 = arith.constant 0 : i32
        %add3A_247 = arith.addi %mul3A_245, %add3A_246 : i32
        %get3A_248 = arith.index_cast %add3A_247 : i32 to index
        %get3A_249 = arith.constant 48 : index
        %get3A_250 = tpu.vector_load %arg14[%get3A_248, %get3A_249] {strides = array<i32>} : memref<128x128xf32, #tpu.memory_space<vmem>>, vector<1x16xf32>,
        %get3A_251 = vector.shape_cast %get3A_250 : vector<1x16xf32> to vector<16xf32>
        %mul3A_252 = arith.mulf %get3A_251, %gather3A_190 : vector<16xf32>
        %mul3A_253 = arith.constant 16 : i32
        %mul3A_254 = arith.muli %add3A_178, %mul3A_253 : i32
        %add3A_255 = arith.constant 0 : i32
        %add3A_256 = arith.addi %mul3A_254, %add3A_255 : i32
        %swap3A_257 = arith.index_cast %add3A_256 : i32 to index
        %swap3A_258 = arith.constant 48 : index
        %swap3A_259 = tpu.vector_load %arg14[%swap3A_257, %swap3A_258] {strides = array<i32>} : memref<128x128xf32, #tpu.memory_space<vmem>>, vector<1x16xf32>,
        %swap3A_260 = vector.shape_cast %swap3A_259 : vector<1x16xf32> to vector<16xf32>
        %swap3A_261 = vector.shape_cast %mul3A_252 : vector<16xf32> to vector<1x16xf32>
        tpu.vector_store %arg14[%swap3A_257, %swap3A_258], %swap3A_261 {strides = array<i32>} : memref<128x128xf32, #tpu.memory_space<vmem>>, vector<1x16xf32>,
        %mul3A_262 = arith.constant 16 : i32
        %mul3A_263 = arith.muli %add3A_178, %mul3A_262 : i32
        %add3A_264 = arith.constant 0 : i32
        %add3A_265 = arith.addi %mul3A_263, %add3A_264 : i32
        %get3A_266 = arith.index_cast %add3A_265 : i32 to index
        %get3A_267 = arith.constant 64 : index
        %get3A_268 = tpu.vector_load %arg14[%get3A_266, %get3A_267] {strides = array<i32>} : memref<128x128xf32, #tpu.memory_space<vmem>>, vector<1x16xf32>,
        %get3A_269 = vector.shape_cast %get3A_268 : vector<1x16xf32> to vector<16xf32>
        %mul3A_270 = arith.mulf %get3A_269, %gather3A_190 : vector<16xf32>
        %mul3A_271 = arith.constant 16 : i32
        %mul3A_272 = arith.muli %add3A_178, %mul3A_271 : i32
        %add3A_273 = arith.constant 0 : i32
        %add3A_274 = arith.addi %mul3A_272, %add3A_273 : i32
        %swap3A_275 = arith.index_cast %add3A_274 : i32 to index
        %swap3A_276 = arith.constant 64 : index
        %swap3A_277 = tpu.vector_load %arg14[%swap3A_275, %swap3A_276] {strides = array<i32>} : memref<128x128xf32, #tpu.memory_space<vmem>>, vector<1x16xf32>,
        %swap3A_278 = vector.shape_cast %swap3A_277 : vector<1x16xf32> to vector<16xf32>
        %swap3A_279 = vector.shape_cast %mul3A_270 : vector<16xf32> to vector<1x16xf32>
        tpu.vector_store %arg14[%swap3A_275, %swap3A_276], %swap3A_279 {strides = array<i32>} : memref<128x128xf32, #tpu.memory_space<vmem>>, vector<1x16xf32>,
        %mul3A_280 = arith.constant 16 : i32
        %mul3A_281 = arith.muli %add3A_178, %mul3A_280 : i32
        %add3A_282 = arith.constant 0 : i32
        %add3A_283 = arith.addi %mul3A_281, %add3A_282 : i32
        %get3A_284 = arith.index_cast %add3A_283 : i32 to index
        %get3A_285 = arith.constant 80 : index
        %get3A_286 = tpu.vector_load %arg14[%get3A_284, %get3A_285] {strides = array<i32>} : memref<128x128xf32, #tpu.memory_space<vmem>>, vector<1x16xf32>,
        %get3A_287 = vector.shape_cast %get3A_286 : vector<1x16xf32> to vector<16xf32>
        %mul3A_288 = arith.mulf %get3A_287, %gather3A_190 : vector<16xf32>
        %mul3A_289 = arith.constant 16 : i32
        %mul3A_290 = arith.muli %add3A_178, %mul3A_289 : i32
        %add3A_291 = arith.constant 0 : i32
        %add3A_292 = arith.addi %mul3A_290, %add3A_291 : i32
        %swap3A_293 = arith.index_cast %add3A_292 : i32 to index
        %swap3A_294 = arith.constant 80 : index
        %swap3A_295 = tpu.vector_load %arg14[%swap3A_293, %swap3A_294] {strides = array<i32>} : memref<128x128xf32, #tpu.memory_space<vmem>>, vector<1x16xf32>,
        %swap3A_296 = vector.shape_cast %swap3A_295 : vector<1x16xf32> to vector<16xf32>
        %swap3A_297 = vector.shape_cast %mul3A_288 : vector<16xf32> to vector<1x16xf32>
        tpu.vector_store %arg14[%swap3A_293, %swap3A_294], %swap3A_297 {strides = array<i32>} : memref<128x128xf32, #tpu.memory_space<vmem>>, vector<1x16xf32>,
        %mul3A_298 = arith.constant 16 : i32
        %mul3A_299 = arith.muli %add3A_178, %mul3A_298 : i32
        %add3A_300 = arith.constant 0 : i32
        %add3A_301 = arith.addi %mul3A_299, %add3A_300 : i32
        %get3A_302 = arith.index_cast %add3A_301 : i32 to index
        %get3A_303 = arith.constant 96 : index
        %get3A_304 = tpu.vector_load %arg14[%get3A_302, %get3A_303] {strides = array<i32>} : memref<128x128xf32, #tpu.memory_space<vmem>>, vector<1x16xf32>,
        %get3A_305 = vector.shape_cast %get3A_304 : vector<1x16xf32> to vector<16xf32>
        %mul3A_306 = arith.mulf %get3A_305, %gather3A_190 : vector<16xf32>
        %mul3A_307 = arith.constant 16 : i32
        %mul3A_308 = arith.muli %add3A_178, %mul3A_307 : i32
        %add3A_309 = arith.constant 0 : i32
        %add3A_310 = arith.addi %mul3A_308, %add3A_309 : i32
        %swap3A_311 = arith.index_cast %add3A_310 : i32 to index
        %swap3A_312 = arith.constant 96 : index
        %swap3A_313 = tpu.vector_load %arg14[%swap3A_311, %swap3A_312] {strides = array<i32>} : memref<128x128xf32, #tpu.memory_space<vmem>>, vector<1x16xf32>,
        %swap3A_314 = vector.shape_cast %swap3A_313 : vector<1x16xf32> to vector<16xf32>
        %swap3A_315 = vector.shape_cast %mul3A_306 : vector<16xf32> to vector<1x16xf32>
        tpu.vector_store %arg14[%swap3A_311, %swap3A_312], %swap3A_315 {strides = array<i32>} : memref<128x128xf32, #tpu.memory_space<vmem>>, vector<1x16xf32>,
        %mul3A_316 = arith.constant 16 : i32
        %mul3A_317 = arith.muli %add3A_178, %mul3A_316 : i32
        %add3A_318 = arith.constant 0 : i32
        %add3A_319 = arith.addi %mul3A_317, %add3A_318 : i32
        %get3A_320 = arith.index_cast %add3A_319 : i32 to index
        %get3A_321 = arith.constant 112 : index
        %get3A_322 = tpu.vector_load %arg14[%get3A_320, %get3A_321] {strides = array<i32>} : memref<128x128xf32, #tpu.memory_space<vmem>>, vector<1x16xf32>,
        %get3A_323 = vector.shape_cast %get3A_322 : vector<1x16xf32> to vector<16xf32>
        %mul3A_324 = arith.mulf %get3A_323, %gather3A_190 : vector<16xf32>
        %mul3A_325 = arith.constant 16 : i32
        %mul3A_326 = arith.muli %add3A_178, %mul3A_325 : i32
        %add3A_327 = arith.constant 0 : i32
        %add3A_328 = arith.addi %mul3A_326, %add3A_327 : i32
        %swap3A_329 = arith.index_cast %add3A_328 : i32 to index
        %swap3A_330 = arith.constant 112 : index
        %swap3A_331 = tpu.vector_load %arg14[%swap3A_329, %swap3A_330] {strides = array<i32>} : memref<128x128xf32, #tpu.memory_space<vmem>>, vector<1x16xf32>,
        %swap3A_332 = vector.shape_cast %swap3A_331 : vector<1x16xf32> to vector<16xf32>
        %swap3A_333 = vector.shape_cast %mul3A_324 : vector<16xf32> to vector<1x16xf32>
        tpu.vector_store %arg14[%swap3A_329, %swap3A_330], %swap3A_333 {strides = array<i32>} : memref<128x128xf32, #tpu.memory_space<vmem>>, vector<1x16xf32>,
        %broadcast_in_dim3A_334 = arith.constant 1 : i32
        %broadcast_in_dim3A_335 = vector.broadcast %broadcast_in_dim3A_334 : i32 to vector<16xi32>
        %lt3A_336 = arith.constant 0 : i32
        %lt3A_337 = vector.broadcast %lt3A_336 : i32 to vector<16xi32>
        %lt3A_338 = arith.cmpi slt, %broadcast_in_dim3A_335, %lt3A_337 : vector<16xi32>
        %add3A_339 = arith.constant 16 : i32
        %add3A_340 = vector.broadcast %add3A_339 : i32 to vector<16xi32>
        %add3A_341 = arith.addi %broadcast_in_dim3A_335, %add3A_340 : vector<16xi32>
        %select_n3A_342 = arith.select %lt3A_338, %add3A_341, %broadcast_in_dim3A_335 : vector<16xi1>, vector<16xi32>
        %reshape3A_343 = vector.shape_cast %select_n3A_342 : vector<16xi32> to vector<16x1xi32>
        %gather3A_344 = vector.shape_cast %reshape3A_343 : vector<16x1xi32> to vector<16xi32>
        %gather3A_345 = tpu.dynamic_gather %get3A_182[%gather3A_344] in [0] : vector<16xf32>, vector<16xi32> -> vector<16xf32>
        %mul3A_346 = arith.constant 16 : i32
        %mul3A_347 = arith.muli %add3A_178, %mul3A_346 : i32
        %add3A_348 = arith.constant 1 : i32
        %add3A_349 = arith.addi %mul3A_347, %add3A_348 : i32
        %get3A_350 = arith.index_cast %add3A_349 : i32 to index
        %get3A_351 = arith.constant 0 : index
        %get3A_352 = tpu.vector_load %arg14[%get3A_350, %get3A_351] {strides = array<i32>} : memref<128x128xf32, #tpu.memory_space<vmem>>, vector<1x16xf32>,
        %get3A_353 = vector.shape_cast %get3A_352 : vector<1x16xf32> to vector<16xf32>
        %mul3A_354 = arith.mulf %get3A_353, %gather3A_345 : vector<16xf32>
        %mul3A_355 = arith.constant 16 : i32
        %mul3A_356 = arith.muli %add3A_178, %mul3A_355 : i32
        %add3A_357 = arith.constant 1 : i32
        %add3A_358 = arith.addi %mul3A_356, %add3A_357 : i32
        %swap3A_359 = arith.index_cast %add3A_358 : i32 to index
        %swap3A_360 = arith.constant 0 : index
        %swap3A_361 = tpu.vector_load %arg14[%swap3A_359, %swap3A_360] {strides = array<i32>} : memref<128x128xf32, #tpu.memory_space<vmem>>, vector<1x16xf32>,
        %swap3A_362 = vector.shape_cast %swap3A_361 : vector<1x16xf32> to vector<16xf32>
        %swap3A_363 = vector.shape_cast %mul3A_354 : vector<16xf32> to vector<1x16xf32>
        tpu.vector_store %arg14[%swap3A_359, %swap3A_360], %swap3A_363 {strides = array<i32>} : memref<128x128xf32, #tpu.memory_space<vmem>>, vector<1x16xf32>,
        %mul3A_364 = arith.constant 16 : i32
        %mul3A_365 = arith.muli %add3A_178, %mul3A_364 : i32
        %add3A_366 = arith.constant 1 : i32
        %add3A_367 = arith.addi %mul3A_365, %add3A_366 : i32
        %get3A_368 = arith.index_cast %add3A_367 : i32 to index
        %get3A_369 = arith.constant 16 : index
        %get3A_370 = tpu.vector_load %arg14[%get3A_368, %get3A_369] {strides = array<i32>} : memref<128x128xf32, #tpu.memory_space<vmem>>, vector<1x16xf32>,
        %get3A_371 = vector.shape_cast %get3A_370 : vector<1x16xf32> to vector<16xf32>
        %mul3A_372 = arith.mulf %get3A_371, %gather3A_345 : vector<16xf32>
        %mul3A_373 = arith.constant 16 : i32
        %mul3A_374 = arith.muli %add3A_178, %mul3A_373 : i32
        %add3A_375 = arith.constant 1 : i32
        %add3A_376 = arith.addi %mul3A_374, %add3A_375 : i32
        %swap3A_377 = arith.index_cast %add3A_376 : i32 to index
        %swap3A_378 = arith.constant 16 : index
        %swap3A_379 = tpu.vector_load %arg14[%swap3A_377, %swap3A_378] {strides = array<i32>} : memref<128x128xf32, #tpu.memory_space<vmem>>, vector<1x16xf32>,
        %swap3A_380 = vector.shape_cast %swap3A_379 : vector<1x16xf32> to vector<16xf32>
        %swap3A_381 = vector.shape_cast %mul3A_372 : vector<16xf32> to vector<1x16xf32>
        tpu.vector_store %arg14[%swap3A_377, %swap3A_378], %swap3A_381 {strides = array<i32>} : memref<128x128xf32, #tpu.memory_space<vmem>>, vector<1x16xf32>,
        %mul3A_382 = arith.constant 16 : i32
        %mul3A_383 = arith.muli %add3A_178, %mul3A_382 : i32
        %add3A_384 = arith.constant 1 : i32
        %add3A_385 = arith.addi %mul3A_383, %add3A_384 : i32
        %get3A_386 = arith.index_cast %add3A_385 : i32 to index
        %get3A_387 = arith.constant 32 : index
        %get3A_388 = tpu.vector_load %arg14[%get3A_386, %get3A_387] {strides = array<i32>} : memref<128x128xf32, #tpu.memory_space<vmem>>, vector<1x16xf32>,
        %get3A_389 = vector.shape_cast %get3A_388 : vector<1x16xf32> to vector<16xf32>
        %mul3A_390 = arith.mulf %get3A_389, %gather3A_345 : vector<16xf32>
        %mul3A_391 = arith.constant 16 : i32
        %mul3A_392 = arith.muli %add3A_178, %mul3A_391 : i32
        %add3A_393 = arith.constant 1 : i32
        %add3A_394 = arith.addi %mul3A_392, %add3A_393 : i32
        %swap3A_395 = arith.index_cast %add3A_394 : i32 to index
        %swap3A_396 = arith.constant 32 : index
        %swap3A_397 = tpu.vector_load %arg14[%swap3A_395, %swap3A_396] {strides = array<i32>} : memref<128x128xf32, #tpu.memory_space<vmem>>, vector<1x16xf32>,
        %swap3A_398 = vector.shape_cast %swap3A_397 : vector<1x16xf32> to vector<16xf32>
        %swap3A_399 = vector.shape_cast %mul3A_390 : vector<16xf32> to vector<1x16xf32>
        tpu.vector_store %arg14[%swap3A_395, %swap3A_396], %swap3A_399 {strides = array<i32>} : memref<128x128xf32, #tpu.memory_space<vmem>>, vector<1x16xf32>,
        %mul3A_400 = arith.constant 16 : i32
        %mul3A_401 = arith.muli %add3A_178, %mul3A_400 : i32
        %add3A_402 = arith.constant 1 : i32
        %add3A_403 = arith.addi %mul3A_401, %add3A_402 : i32
        %get3A_404 = arith.index_cast %add3A_403 : i32 to index
        %get3A_405 = arith.constant 48 : index
        %get3A_406 = tpu.vector_load %arg14[%get3A_404, %get3A_405] {strides = array<i32>} : memref<128x128xf32, #tpu.memory_space<vmem>>, vector<1x16xf32>,
        %get3A_407 = vector.shape_cast %get3A_406 : vector<1x16xf32> to vector<16xf32>
        %mul3A_408 = arith.mulf %get3A_407, %gather3A_345 : vector<16xf32>
        %mul3A_409 = arith.constant 16 : i32
        %mul3A_410 = arith.muli %add3A_178, %mul3A_409 : i32
        %add3A_411 = arith.constant 1 : i32
        %add3A_412 = arith.addi %mul3A_410, %add3A_411 : i32
        %swap3A_413 = arith.index_cast %add3A_412 : i32 to index
        %swap3A_414 = arith.constant 48 : index
        %swap3A_415 = tpu.vector_load %arg14[%swap3A_413, %swap3A_414] {strides = array<i32>} : memref<128x128xf32, #tpu.memory_space<vmem>>, vector<1x16xf32>,
        %swap3A_416 = vector.shape_cast %swap3A_415 : vector<1x16xf32> to vector<16xf32>
        %swap3A_417 = vector.shape_cast %mul3A_408 : vector<16xf32> to vector<1x16xf32>
        tpu.vector_store %arg14[%swap3A_413, %swap3A_414], %swap3A_417 {strides = array<i32>} : memref<128x128xf32, #tpu.memory_space<vmem>>, vector<1x16xf32>,
        %mul3A_418 = arith.constant 16 : i32
        %mul3A_419 = arith.muli %add3A_178, %mul3A_418 : i32
        %add3A_420 = arith.constant 1 : i32
        %add3A_421 = arith.addi %mul3A_419, %add3A_420 : i32
        %get3A_422 = arith.index_cast %add3A_421 : i32 to index
        %get3A_423 = arith.constant 64 : index
        %get3A_424 = tpu.vector_load %arg14[%get3A_422, %get3A_423] {strides = array<i32>} : memref<128x128xf32, #tpu.memory_space<vmem>>, vector<1x16xf32>,
        %get3A_425 = vector.shape_cast %get3A_424 : vector<1x16xf32> to vector<16xf32>
        %mul3A_426 = arith.mulf %get3A_425, %gather3A_345 : vector<16xf32>
        %mul3A_427 = arith.constant 16 : i32
        %mul3A_428 = arith.muli %add3A_178, %mul3A_427 : i32
        %add3A_429 = arith.constant 1 : i32
        %add3A_430 = arith.addi %mul3A_428, %add3A_429 : i32
        %swap3A_431 = arith.index_cast %add3A_430 : i32 to index
        %swap3A_432 = arith.constant 64 : index
        %swap3A_433 = tpu.vector_load %arg14[%swap3A_431, %swap3A_432] {strides = array<i32>} : memref<128x128xf32, #tpu.memory_space<vmem>>, vector<1x16xf32>,
        %swap3A_434 = vector.shape_cast %swap3A_433 : vector<1x16xf32> to vector<16xf32>
        %swap3A_435 = vector.shape_cast %mul3A_426 : vector<16xf32> to vector<1x16xf32>
        tpu.vector_store %arg14[%swap3A_431, %swap3A_432], %swap3A_435 {strides = array<i32>} : memref<128x128xf32, #tpu.memory_space<vmem>>, vector<1x16xf32>,
        %mul3A_436 = arith.constant 16 : i32
        %mul3A_437 = arith.muli %add3A_178, %mul3A_436 : i32
        %add3A_438 = arith.constant 1 : i32
        %add3A_439 = arith.addi %mul3A_437, %add3A_438 : i32
        %get3A_440 = arith.index_cast %add3A_439 : i32 to index
        %get3A_441 = arith.constant 80 : index
        %get3A_442 = tpu.vector_load %arg14[%get3A_440, %get3A_441] {strides = array<i32>} : memref<128x128xf32, #tpu.memory_space<vmem>>, vector<1x16xf32>,
        %get3A_443 = vector.shape_cast %get3A_442 : vector<1x16xf32> to vector<16xf32>
        %mul3A_444 = arith.mulf %get3A_443, %gather3A_345 : vector<16xf32>
        %mul3A_445 = arith.constant 16 : i32
        %mul3A_446 = arith.muli %add3A_178, %mul3A_445 : i32
        %add3A_447 = arith.constant 1 : i32
        %add3A_448 = arith.addi %mul3A_446, %add3A_447 : i32
        %swap3A_449 = arith.index_cast %add3A_448 : i32 to index
        %swap3A_450 = arith.constant 80 : index
        %swap3A_451 = tpu.vector_load %arg14[%swap3A_449, %swap3A_450] {strides = array<i32>} : memref<128x128xf32, #tpu.memory_space<vmem>>, vector<1x16xf32>,
        %swap3A_452 = vector.shape_cast %swap3A_451 : vector<1x16xf32> to vector<16xf32>
        %swap3A_453 = vector.shape_cast %mul3A_444 : vector<16xf32> to vector<1x16xf32>
        tpu.vector_store %arg14[%swap3A_449, %swap3A_450], %swap3A_453 {strides = array<i32>} : memref<128x128xf32, #tpu.memory_space<vmem>>, vector<1x16xf32>,
        %mul3A_454 = arith.constant 16 : i32
        %mul3A_455 = arith.muli %add3A_178, %mul3A_454 : i32
        %add3A_456 = arith.constant 1 : i32
        %add3A_457 = arith.addi %mul3A_455, %add3A_456 : i32
        %get3A_458 = arith.index_cast %add3A_457 : i32 to index
        %get3A_459 = arith.constant 96 : index
        %get3A_460 = tpu.vector_load %arg14[%get3A_458, %get3A_459] {strides = array<i32>} : memref<128x128xf32, #tpu.memory_space<vmem>>, vector<1x16xf32>,
        %get3A_461 = vector.shape_cast %get3A_460 : vector<1x16xf32> to vector<16xf32>
        %mul3A_462 = arith.mulf %get3A_461, %gather3A_345 : vector<16xf32>
        %mul3A_463 = arith.constant 16 : i32
        %mul3A_464 = arith.muli %add3A_178, %mul3A_463 : i32
        %add3A_465 = arith.constant 1 : i32
        %add3A_466 = arith.addi %mul3A_464, %add3A_465 : i32
        %swap3A_467 = arith.index_cast %add3A_466 : i32 to index
        %swap3A_468 = arith.constant 96 : index
        %swap3A_469 = tpu.vector_load %arg14[%swap3A_467, %swap3A_468] {strides = array<i32>} : memref<128x128xf32, #tpu.memory_space<vmem>>, vector<1x16xf32>,
        %swap3A_470 = vector.shape_cast %swap3A_469 : vector<1x16xf32> to vector<16xf32>
        %swap3A_471 = vector.shape_cast %mul3A_462 : vector<16xf32> to vector<1x16xf32>
        tpu.vector_store %arg14[%swap3A_467, %swap3A_468], %swap3A_471 {strides = array<i32>} : memref<128x128xf32, #tpu.memory_space<vmem>>, vector<1x16xf32>,
        %mul3A_472 = arith.constant 16 : i32
        %mul3A_473 = arith.muli %add3A_178, %mul3A_472 : i32
        %add3A_474 = arith.constant 1 : i32
        %add3A_475 = arith.addi %mul3A_473, %add3A_474 : i32
        %get3A_476 = arith.index_cast %add3A_475 : i32 to index
        %get3A_477 = arith.constant 112 : index
        %get3A_478 = tpu.vector_load %arg14[%get3A_476, %get3A_477] {strides = array<i32>} : memref<128x128xf32, #tpu.memory_space<vmem>>, vector<1x16xf32>,
        %get3A_479 = vector.shape_cast %get3A_478 : vector<1x16xf32> to vector<16xf32>
        %mul3A_480 = arith.mulf %get3A_479, %gather3A_345 : vector<16xf32>
        %mul3A_481 = arith.constant 16 : i32
        %mul3A_482 = arith.muli %add3A_178, %mul3A_481 : i32
        %add3A_483 = arith.constant 1 : i32
        %add3A_484 = arith.addi %mul3A_482, %add3A_483 : i32
        %swap3A_485 = arith.index_cast %add3A_484 : i32 to index
        %swap3A_486 = arith.constant 112 : index
        %swap3A_487 = tpu.vector_load %arg14[%swap3A_485, %swap3A_486] {strides = array<i32>} : memref<128x128xf32, #tpu.memory_space<vmem>>, vector<1x16xf32>,
        %swap3A_488 = vector.shape_cast %swap3A_487 : vector<1x16xf32> to vector<16xf32>
        %swap3A_489 = vector.shape_cast %mul3A_480 : vector<16xf32> to vector<1x16xf32>
        tpu.vector_store %arg14[%swap3A_485, %swap3A_486], %swap3A_489 {strides = array<i32>} : memref<128x128xf32, #tpu.memory_space<vmem>>, vector<1x16xf32>,
        %broadcast_in_dim3A_490 = arith.constant 2 : i32
        %broadcast_in_dim3A_491 = vector.broadcast %broadcast_in_dim3A_490 : i32 to vector<16xi32>
        %lt3A_492 = arith.constant 0 : i32
        %lt3A_493 = vector.broadcast %lt3A_492 : i32 to vector<16xi32>
        %lt3A_494 = arith.cmpi slt, %broadcast_in_dim3A_491, %lt3A_493 : vector<16xi32>
        %add3A_495 = arith.constant 16 : i32
        %add3A_496 = vector.broadcast %add3A_495 : i32 to vector<16xi32>
        %add3A_497 = arith.addi %broadcast_in_dim3A_491, %add3A_496 : vector<16xi32>
        %select_n3A_498 = arith.select %lt3A_494, %add3A_497, %broadcast_in_dim3A_491 : vector<16xi1>, vector<16xi32>
        %reshape3A_499 = vector.shape_cast %select_n3A_498 : vector<16xi32> to vector<16x1xi32>
        %gather3A_500 = vector.shape_cast %reshape3A_499 : vector<16x1xi32> to vector<16xi32>
        %gather3A_501 = tpu.dynamic_gather %get3A_182[%gather3A_500] in [0] : vector<16xf32>, vector<16xi32> -> vector<16xf32>
        %mul3A_502 = arith.constant 16 : i32
        %mul3A_503 = arith.muli %add3A_178, %mul3A_502 : i32
        %add3A_504 = arith.constant 2 : i32
        %add3A_505 = arith.addi %mul3A_503, %add3A_504 : i32
        %get3A_506 = arith.index_cast %add3A_505 : i32 to index
        %get3A_507 = arith.constant 0 : index
        %get3A_508 = tpu.vector_load %arg14[%get3A_506, %get3A_507] {strides = array<i32>} : memref<128x128xf32, #tpu.memory_space<vmem>>, vector<1x16xf32>,
        %get3A_509 = vector.shape_cast %get3A_508 : vector<1x16xf32> to vector<16xf32>
        %mul3A_510 = arith.mulf %get3A_509, %gather3A_501 : vector<16xf32>
        %mul3A_511 = arith.constant 16 : i32
        %mul3A_512 = arith.muli %add3A_178, %mul3A_511 : i32
        %add3A_513 = arith.constant 2 : i32
        %add3A_514 = arith.addi %mul3A_512, %add3A_513 : i32
        %swap3A_515 = arith.index_cast %add3A_514 : i32 to index
        %swap3A_516 = arith.constant 0 : index
        %swap3A_517 = tpu.vector_load %arg14[%swap3A_515, %swap3A_516] {strides = array<i32>} : memref<128x128xf32, #tpu.memory_space<vmem>>, vector<1x16xf32>,
        %swap3A_518 = vector.shape_cast %swap3A_517 : vector<1x16xf32> to vector<16xf32>
        %swap3A_519 = vector.shape_cast %mul3A_510 : vector<16xf32> to vector<1x16xf32>
        tpu.vector_store %arg14[%swap3A_515, %swap3A_516], %swap3A_519 {strides = array<i32>} : memref<128x128xf32, #tpu.memory_space<vmem>>, vector<1x16xf32>,
        %mul3A_520 = arith.constant 16 : i32
        %mul3A_521 = arith.muli %add3A_178, %mul3A_520 : i32
        %add3A_522 = arith.constant 2 : i32
        %add3A_523 = arith.addi %mul3A_521, %add3A_522 : i32
        %get3A_524 = arith.index_cast %add3A_523 : i32 to index
        %get3A_525 = arith.constant 16 : index
        %get3A_526 = tpu.vector_load %arg14[%get3A_524, %get3A_525] {strides = array<i32>} : memref<128x128xf32, #tpu.memory_space<vmem>>, vector<1x16xf32>,
        %get3A_527 = vector.shape_cast %get3A_526 : vector<1x16xf32> to vector<16xf32>
        %mul3A_528 = arith.mulf %get3A_527, %gather3A_501 : vector<16xf32>
        %mul3A_529 = arith.constant 16 : i32
        %mul3A_530 = arith.muli %add3A_178, %mul3A_529 : i32
        %add3A_531 = arith.constant 2 : i32
        %add3A_532 = arith.addi %mul3A_530, %add3A_531 : i32
        %swap3A_533 = arith.index_cast %add3A_532 : i32 to index
        %swap3A_534 = arith.constant 16 : index
        %swap3A_535 = tpu.vector_load %arg14[%swap3A_533, %swap3A_534] {strides = array<i32>} : memref<128x128xf32, #tpu.memory_space<vmem>>, vector<1x16xf32>,
        %swap3A_536 = vector.shape_cast %swap3A_535 : vector<1x16xf32> to vector<16xf32>
        %swap3A_537 = vector.shape_cast %mul3A_528 : vector<16xf32> to vector<1x16xf32>
        tpu.vector_store %arg14[%swap3A_533, %swap3A_534], %swap3A_537 {strides = array<i32>} : memref<128x128xf32, #tpu.memory_space<vmem>>, vector<1x16xf32>,
        %mul3A_538 = arith.constant 16 : i32
        %mul3A_539 = arith.muli %add3A_178, %mul3A_538 : i32
        %add3A_540 = arith.constant 2 : i32
        %add3A_541 = arith.addi %mul3A_539, %add3A_540 : i32
        %get3A_542 = arith.index_cast %add3A_541 : i32 to index
        %get3A_543 = arith.constant 32 : index
        %get3A_544 = tpu.vector_load %arg14[%get3A_542, %get3A_543] {strides = array<i32>} : memref<128x128xf32, #tpu.memory_space<vmem>>, vector<1x16xf32>,
        %get3A_545 = vector.shape_cast %get3A_544 : vector<1x16xf32> to vector<16xf32>
        %mul3A_546 = arith.mulf %get3A_545, %gather3A_501 : vector<16xf32>
        %mul3A_547 = arith.constant 16 : i32
        %mul3A_548 = arith.muli %add3A_178, %mul3A_547 : i32
        %add3A_549 = arith.constant 2 : i32
        %add3A_550 = arith.addi %mul3A_548, %add3A_549 : i32
        %swap3A_551 = arith.index_cast %add3A_550 : i32 to index
        %swap3A_552 = arith.constant 32 : index
        %swap3A_553 = tpu.vector_load %arg14[%swap3A_551, %swap3A_552] {strides = array<i32>} : memref<128x128xf32, #tpu.memory_space<vmem>>, vector<1x16xf32>,
        %swap3A_554 = vector.shape_cast %swap3A_553 : vector<1x16xf32> to vector<16xf32>
        %swap3A_555 = vector.shape_cast %mul3A_546 : vector<16xf32> to vector<1x16xf32>
        tpu.vector_store %arg14[%swap3A_551, %swap3A_552], %swap3A_555 {strides = array<i32>} : memref<128x128xf32, #tpu.memory_space<vmem>>, vector<1x16xf32>,
        %mul3A_556 = arith.constant 16 : i32
        %mul3A_557 = arith.muli %add3A_178, %mul3A_556 : i32
        %add3A_558 = arith.constant 2 : i32
        %add3A_559 = arith.addi %mul3A_557, %add3A_558 : i32
        %get3A_560 = arith.index_cast %add3A_559 : i32 to index
        %get3A_561 = arith.constant 48 : index
        %get3A_562 = tpu.vector_load %arg14[%get3A_560, %get3A_561] {strides = array<i32>} : memref<128x128xf32, #tpu.memory_space<vmem>>, vector<1x16xf32>,
        %get3A_563 = vector.shape_cast %get3A_562 : vector<1x16xf32> to vector<16xf32>
        %mul3A_564 = arith.mulf %get3A_563, %gather3A_501 : vector<16xf32>
        %mul3A_565 = arith.constant 16 : i32
        %mul3A_566 = arith.muli %add3A_178, %mul3A_565 : i32
        %add3A_567 = arith.constant 2 : i32
        %add3A_568 = arith.addi %mul3A_566, %add3A_567 : i32
        %swap3A_569 = arith.index_cast %add3A_568 : i32 to index
        %swap3A_570 = arith.constant 48 : index
        %swap3A_571 = tpu.vector_load %arg14[%swap3A_569, %swap3A_570] {strides = array<i32>} : memref<128x128xf32, #tpu.memory_space<vmem>>, vector<1x16xf32>,
        %swap3A_572 = vector.shape_cast %swap3A_571 : vector<1x16xf32> to vector<16xf32>
        %swap3A_573 = vector.shape_cast %mul3A_564 : vector<16xf32> to vector<1x16xf32>
        tpu.vector_store %arg14[%swap3A_569, %swap3A_570], %swap3A_573 {strides = array<i32>} : memref<128x128xf32, #tpu.memory_space<vmem>>, vector<1x16xf32>,
        %mul3A_574 = arith.constant 16 : i32
        %mul3A_575 = arith.muli %add3A_178, %mul3A_574 : i32
        %add3A_576 = arith.constant 2 : i32
        %add3A_577 = arith.addi %mul3A_575, %add3A_576 : i32
        %get3A_578 = arith.index_cast %add3A_577 : i32 to index
        %get3A_579 = arith.constant 64 : index
        %get3A_580 = tpu.vector_load %arg14[%get3A_578, %get3A_579] {strides = array<i32>} : memref<128x128xf32, #tpu.memory_space<vmem>>, vector<1x16xf32>,
        %get3A_581 = vector.shape_cast %get3A_580 : vector<1x16xf32> to vector<16xf32>
        %mul3A_582 = arith.mulf %get3A_581, %gather3A_501 : vector<16xf32>
        %mul3A_583 = arith.constant 16 : i32
        %mul3A_584 = arith.muli %add3A_178, %mul3A_583 : i32
        %add3A_585 = arith.constant 2 : i32
        %add3A_586 = arith.addi %mul3A_584, %add3A_585 : i32
        %swap3A_587 = arith.index_cast %add3A_586 : i32 to index
        %swap3A_588 = arith.constant 64 : index
        %swap3A_589 = tpu.vector_load %arg14[%swap3A_587, %swap3A_588] {strides = array<i32>} : memref<128x128xf32, #tpu.memory_space<vmem>>, vector<1x16xf32>,
        %swap3A_590 = vector.shape_cast %swap3A_589 : vector<1x16xf32> to vector<16xf32>
        %swap3A_591 = vector.shape_cast %mul3A_582 : vector<16xf32> to vector<1x16xf32>
        tpu.vector_store %arg14[%swap3A_587, %swap3A_588], %swap3A_591 {strides = array<i32>} : memref<128x128xf32, #tpu.memory_space<vmem>>, vector<1x16xf32>,
        %mul3A_592 = arith.constant 16 : i32
        %mul3A_593 = arith.muli %add3A_178, %mul3A_592 : i32
        %add3A_594 = arith.constant 2 : i32
        %add3A_595 = arith.addi %mul3A_593, %add3A_594 : i32
        %get3A_596 = arith.index_cast %add3A_595 : i32 to index
        %get3A_597 = arith.constant 80 : index
        %get3A_598 = tpu.vector_load %arg14[%get3A_596, %get3A_597] {strides = array<i32>} : memref<128x128xf32, #tpu.memory_space<vmem>>, vector<1x16xf32>,
        %get3A_599 = vector.shape_cast %get3A_598 : vector<1x16xf32> to vector<16xf32>
        %mul3A_600 = arith.mulf %get3A_599, %gather3A_501 : vector<16xf32>
        %mul3A_601 = arith.constant 16 : i32
        %mul3A_602 = arith.muli %add3A_178, %mul3A_601 : i32
        %add3A_603 = arith.constant 2 : i32
        %add3A_604 = arith.addi %mul3A_602, %add3A_603 : i32
        %swap3A_605 = arith.index_cast %add3A_604 : i32 to index
        %swap3A_606 = arith.constant 80 : index
        %swap3A_607 = tpu.vector_load %arg14[%swap3A_605, %swap3A_606] {strides = array<i32>} : memref<128x128xf32, #tpu.memory_space<vmem>>, vector<1x16xf32>,
        %swap3A_608 = vector.shape_cast %swap3A_607 : vector<1x16xf32> to vector<16xf32>
        %swap3A_609 = vector.shape_cast %mul3A_600 : vector<16xf32> to vector<1x16xf32>
        tpu.vector_store %arg14[%swap3A_605, %swap3A_606], %swap3A_609 {strides = array<i32>} : memref<128x128xf32, #tpu.memory_space<vmem>>, vector<1x16xf32>,
        %mul3A_610 = arith.constant 16 : i32
        %mul3A_611 = arith.muli %add3A_178, %mul3A_610 : i32
        %add3A_612 = arith.constant 2 : i32
        %add3A_613 = arith.addi %mul3A_611, %add3A_612 : i32
        %get3A_614 = arith.index_cast %add3A_613 : i32 to index
        %get3A_615 = arith.constant 96 : index
        %get3A_616 = tpu.vector_load %arg14[%get3A_614, %get3A_615] {strides = array<i32>} : memref<128x128xf32, #tpu.memory_space<vmem>>, vector<1x16xf32>,
        %get3A_617 = vector.shape_cast %get3A_616 : vector<1x16xf32> to vector<16xf32>
        %mul3A_618 = arith.mulf %get3A_617, %gather3A_501 : vector<16xf32>
        %mul3A_619 = arith.constant 16 : i32
        %mul3A_620 = arith.muli %add3A_178, %mul3A_619 : i32
        %add3A_621 = arith.constant 2 : i32
        %add3A_622 = arith.addi %mul3A_620, %add3A_621 : i32
        %swap3A_623 = arith.index_cast %add3A_622 : i32 to index
        %swap3A_624 = arith.constant 96 : index
        %swap3A_625 = tpu.vector_load %arg14[%swap3A_623, %swap3A_624] {strides = array<i32>} : memref<128x128xf32, #tpu.memory_space<vmem>>, vector<1x16xf32>,
        %swap3A_626 = vector.shape_cast %swap3A_625 : vector<1x16xf32> to vector<16xf32>
        %swap3A_627 = vector.shape_cast %mul3A_618 : vector<16xf32> to vector<1x16xf32>
        tpu.vector_store %arg14[%swap3A_623, %swap3A_624], %swap3A_627 {strides = array<i32>} : memref<128x128xf32, #tpu.memory_space<vmem>>, vector<1x16xf32>,
        %mul3A_628 = arith.constant 16 : i32
        %mul3A_629 = arith.muli %add3A_178, %mul3A_628 : i32
        %add3A_630 = arith.constant 2 : i32
        %add3A_631 = arith.addi %mul3A_629, %add3A_630 : i32
        %get3A_632 = arith.index_cast %add3A_631 : i32 to index
        %get3A_633 = arith.constant 112 : index
        %get3A_634 = tpu.vector_load %arg14[%get3A_632, %get3A_633] {strides = array<i32>} : memref<128x128xf32, #tpu.memory_space<vmem>>, vector<1x16xf32>,
        %get3A_635 = vector.shape_cast %get3A_634 : vector<1x16xf32> to vector<16xf32>
        %mul3A_636 = arith.mulf %get3A_635, %gather3A_501 : vector<16xf32>
        %mul3A_637 = arith.constant 16 : i32
        %mul3A_638 = arith.muli %add3A_178, %mul3A_637 : i32
        %add3A_639 = arith.constant 2 : i32
        %add3A_640 = arith.addi %mul3A_638, %add3A_639 : i32
        %swap3A_641 = arith.index_cast %add3A_640 : i32 to index
        %swap3A_642 = arith.constant 112 : index
        %swap3A_643 = tpu.vector_load %arg14[%swap3A_641, %swap3A_642] {strides = array<i32>} : memref<128x128xf32, #tpu.memory_space<vmem>>, vector<1x16xf32>,
        %swap3A_644 = vector.shape_cast %swap3A_643 : vector<1x16xf32> to vector<16xf32>
        %swap3A_645 = vector.shape_cast %mul3A_636 : vector<16xf32> to vector<1x16xf32>
        tpu.vector_store %arg14[%swap3A_641, %swap3A_642], %swap3A_645 {strides = array<i32>} : memref<128x128xf32, #tpu.memory_space<vmem>>, vector<1x16xf32>,
        %broadcast_in_dim3A_646 = arith.constant 3 : i32
        %broadcast_in_dim3A_647 = vector.broadcast %broadcast_in_dim3A_646 : i32 to vector<16xi32>
        %lt3A_648 = arith.constant 0 : i32
        %lt3A_649 = vector.broadcast %lt3A_648 : i32 to vector<16xi32>
        %lt3A_650 = arith.cmpi slt, %broadcast_in_dim3A_647, %lt3A_649 : vector<16xi32>
        %add3A_651 = arith.constant 16 : i32
        %add3A_652 = vector.broadcast %add3A_651 : i32 to vector<16xi32>
        %add3A_653 = arith.addi %broadcast_in_dim3A_647, %add3A_652 : vector<16xi32>
        %select_n3A_654 = arith.select %lt3A_650, %add3A_653, %broadcast_in_dim3A_647 : vector<16xi1>, vector<16xi32>
        %reshape3A_655 = vector.shape_cast %select_n3A_654 : vector<16xi32> to vector<16x1xi32>
        %gather3A_656 = vector.shape_cast %reshape3A_655 : vector<16x1xi32> to vector<16xi32>
        %gather3A_657 = tpu.dynamic_gather %get3A_182[%gather3A_656] in [0] : vector<16xf32>, vector<16xi32> -> vector<16xf32>
        %mul3A_658 = arith.constant 16 : i32
        %mul3A_659 = arith.muli %add3A_178, %mul3A_658 : i32
        %add3A_660 = arith.constant 3 : i32
        %add3A_661 = arith.addi %mul3A_659, %add3A_660 : i32
        %get3A_662 = arith.index_cast %add3A_661 : i32 to index
        %get3A_663 = arith.constant 0 : index
        %get3A_664 = tpu.vector_load %arg14[%get3A_662, %get3A_663] {strides = array<i32>} : memref<128x128xf32, #tpu.memory_space<vmem>>, vector<1x16xf32>,
        %get3A_665 = vector.shape_cast %get3A_664 : vector<1x16xf32> to vector<16xf32>
        %mul3A_666 = arith.mulf %get3A_665, %gather3A_657 : vector<16xf32>
        %mul3A_667 = arith.constant 16 : i32
        %mul3A_668 = arith.muli %add3A_178, %mul3A_667 : i32
        %add3A_669 = arith.constant 3 : i32
        %add3A_670 = arith.addi %mul3A_668, %add3A_669 : i32
        %swap3A_671 = arith.index_cast %add3A_670 : i32 to index
        %swap3A_672 = arith.constant 0 : index
        %swap3A_673 = tpu.vector_load %arg14[%swap3A_671, %swap3A_672] {strides = array<i32>} : memref<128x128xf32, #tpu.memory_space<vmem>>, vector<1x16xf32>,
        %swap3A_674 = vector.shape_cast %swap3A_673 : vector<1x16xf32> to vector<16xf32>
        %swap3A_675 = vector.shape_cast %mul3A_666 : vector<16xf32> to vector<1x16xf32>
        tpu.vector_store %arg14[%swap3A_671, %swap3A_672], %swap3A_675 {strides = array<i32>} : memref<128x128xf32, #tpu.memory_space<vmem>>, vector<1x16xf32>,
        %mul3A_676 = arith.constant 16 : i32
        %mul3A_677 = arith.muli %add3A_178, %mul3A_676 : i32
        %add3A_678 = arith.constant 3 : i32
        %add3A_679 = arith.addi %mul3A_677, %add3A_678 : i32
        %get3A_680 = arith.index_cast %add3A_679 : i32 to index
        %get3A_681 = arith.constant 16 : index
        %get3A_682 = tpu.vector_load %arg14[%get3A_680, %get3A_681] {strides = array<i32>} : memref<128x128xf32, #tpu.memory_space<vmem>>, vector<1x16xf32>,
        %get3A_683 = vector.shape_cast %get3A_682 : vector<1x16xf32> to vector<16xf32>
        %mul3A_684 = arith.mulf %get3A_683, %gather3A_657 : vector<16xf32>
        %mul3A_685 = arith.constant 16 : i32
        %mul3A_686 = arith.muli %add3A_178, %mul3A_685 : i32
        %add3A_687 = arith.constant 3 : i32
        %add3A_688 = arith.addi %mul3A_686, %add3A_687 : i32
        %swap3A_689 = arith.index_cast %add3A_688 : i32 to index
        %swap3A_690 = arith.constant 16 : index
        %swap3A_691 = tpu.vector_load %arg14[%swap3A_689, %swap3A_690] {strides = array<i32>} : memref<128x128xf32, #tpu.memory_space<vmem>>, vector<1x16xf32>,
        %swap3A_692 = vector.shape_cast %swap3A_691 : vector<1x16xf32> to vector<16xf32>
        %swap3A_693 = vector.shape_cast %mul3A_684 : vector<16xf32> to vector<1x16xf32>
        tpu.vector_store %arg14[%swap3A_689, %swap3A_690], %swap3A_693 {strides = array<i32>} : memref<128x128xf32, #tpu.memory_space<vmem>>, vector<1x16xf32>,
        %mul3A_694 = arith.constant 16 : i32
        %mul3A_695 = arith.muli %add3A_178, %mul3A_694 : i32
        %add3A_696 = arith.constant 3 : i32
        %add3A_697 = arith.addi %mul3A_695, %add3A_696 : i32
        %get3A_698 = arith.index_cast %add3A_697 : i32 to index
        %get3A_699 = arith.constant 32 : index
        %get3A_700 = tpu.vector_load %arg14[%get3A_698, %get3A_699] {strides = array<i32>} : memref<128x128xf32, #tpu.memory_space<vmem>>, vector<1x16xf32>,
        %get3A_701 = vector.shape_cast %get3A_700 : vector<1x16xf32> to vector<16xf32>
        %mul3A_702 = arith.mulf %get3A_701, %gather3A_657 : vector<16xf32>
        %mul3A_703 = arith.constant 16 : i32
        %mul3A_704 = arith.muli %add3A_178, %mul3A_703 : i32
        %add3A_705 = arith.constant 3 : i32
        %add3A_706 = arith.addi %mul3A_704, %add3A_705 : i32
        %swap3A_707 = arith.index_cast %add3A_706 : i32 to index
        %swap3A_708 = arith.constant 32 : index
        %swap3A_709 = tpu.vector_load %arg14[%swap3A_707, %swap3A_708] {strides = array<i32>} : memref<128x128xf32, #tpu.memory_space<vmem>>, vector<1x16xf32>,
        %swap3A_710 = vector.shape_cast %swap3A_709 : vector<1x16xf32> to vector<16xf32>
        %swap3A_711 = vector.shape_cast %mul3A_702 : vector<16xf32> to vector<1x16xf32>
        tpu.vector_store %arg14[%swap3A_707, %swap3A_708], %swap3A_711 {strides = array<i32>} : memref<128x128xf32, #tpu.memory_space<vmem>>, vector<1x16xf32>,
        %mul3A_712 = arith.constant 16 : i32
        %mul3A_713 = arith.muli %add3A_178, %mul3A_712 : i32
        %add3A_714 = arith.constant 3 : i32
        %add3A_715 = arith.addi %mul3A_713, %add3A_714 : i32
        %get3A_716 = arith.index_cast %add3A_715 : i32 to index
        %get3A_717 = arith.constant 48 : index
        %get3A_718 = tpu.vector_load %arg14[%get3A_716, %get3A_717] {strides = array<i32>} : memref<128x128xf32, #tpu.memory_space<vmem>>, vector<1x16xf32>,
        %get3A_719 = vector.shape_cast %get3A_718 : vector<1x16xf32> to vector<16xf32>
        %mul3A_720 = arith.mulf %get3A_719, %gather3A_657 : vector<16xf32>
        %mul3A_721 = arith.constant 16 : i32
        %mul3A_722 = arith.muli %add3A_178, %mul3A_721 : i32
        %add3A_723 = arith.constant 3 : i32
        %add3A_724 = arith.addi %mul3A_722, %add3A_723 : i32
        %swap3A_725 = arith.index_cast %add3A_724 : i32 to index
        %swap3A_726 = arith.constant 48 : index
        %swap3A_727 = tpu.vector_load %arg14[%swap3A_725, %swap3A_726] {strides = array<i32>} : memref<128x128xf32, #tpu.memory_space<vmem>>, vector<1x16xf32>,
        %swap3A_728 = vector.shape_cast %swap3A_727 : vector<1x16xf32> to vector<16xf32>
        %swap3A_729 = vector.shape_cast %mul3A_720 : vector<16xf32> to vector<1x16xf32>
        tpu.vector_store %arg14[%swap3A_725, %swap3A_726], %swap3A_729 {strides = array<i32>} : memref<128x128xf32, #tpu.memory_space<vmem>>, vector<1x16xf32>,
        %mul3A_730 = arith.constant 16 : i32
        %mul3A_731 = arith.muli %add3A_178, %mul3A_730 : i32
        %add3A_732 = arith.constant 3 : i32
        %add3A_733 = arith.addi %mul3A_731, %add3A_732 : i32
        %get3A_734 = arith.index_cast %add3A_733 : i32 to index
        %get3A_735 = arith.constant 64 : index
        %get3A_736 = tpu.vector_load %arg14[%get3A_734, %get3A_735] {strides = array<i32>} : memref<128x128xf32, #tpu.memory_space<vmem>>, vector<1x16xf32>,
        %get3A_737 = vector.shape_cast %get3A_736 : vector<1x16xf32> to vector<16xf32>
        %mul3A_738 = arith.mulf %get3A_737, %gather3A_657 : vector<16xf32>
        %mul3A_739 = arith.constant 16 : i32
        %mul3A_740 = arith.muli %add3A_178, %mul3A_739 : i32
        %add3A_741 = arith.constant 3 : i32
        %add3A_742 = arith.addi %mul3A_740, %add3A_741 : i32
        %swap3A_743 = arith.index_cast %add3A_742 : i32 to index
        %swap3A_744 = arith.constant 64 : index
        %swap3A_745 = tpu.vector_load %arg14[%swap3A_743, %swap3A_744] {strides = array<i32>} : memref<128x128xf32, #tpu.memory_space<vmem>>, vector<1x16xf32>,
        %swap3A_746 = vector.shape_cast %swap3A_745 : vector<1x16xf32> to vector<16xf32>
        %swap3A_747 = vector.shape_cast %mul3A_738 : vector<16xf32> to vector<1x16xf32>
        tpu.vector_store %arg14[%swap3A_743, %swap3A_744], %swap3A_747 {strides = array<i32>} : memref<128x128xf32, #tpu.memory_space<vmem>>, vector<1x16xf32>,
        %mul3A_748 = arith.constant 16 : i32
        %mul3A_749 = arith.muli %add3A_178, %mul3A_748 : i32
        %add3A_750 = arith.constant 3 : i32
        %add3A_751 = arith.addi %mul3A_749, %add3A_750 : i32
        %get3A_752 = arith.index_cast %add3A_751 : i32 to index
        %get3A_753 = arith.constant 80 : index
        %get3A_754 = tpu.vector_load %arg14[%get3A_752, %get3A_753] {strides = array<i32>} : memref<128x128xf32, #tpu.memory_space<vmem>>, vector<1x16xf32>,
        %get3A_755 = vector.shape_cast %get3A_754 : vector<1x16xf32> to vector<16xf32>
        %mul3A_756 = arith.mulf %get3A_755, %gather3A_657 : vector<16xf32>
        %mul3A_757 = arith.constant 16 : i32
        %mul3A_758 = arith.muli %add3A_178, %mul3A_757 : i32
        %add3A_759 = arith.constant 3 : i32
        %add3A_760 = arith.addi %mul3A_758, %add3A_759 : i32
        %swap3A_761 = arith.index_cast %add3A_760 : i32 to index
        %swap3A_762 = arith.constant 80 : index
        %swap3A_763 = tpu.vector_load %arg14[%swap3A_761, %swap3A_762] {strides = array<i32>} : memref<128x128xf32, #tpu.memory_space<vmem>>, vector<1x16xf32>,
        %swap3A_764 = vector.shape_cast %swap3A_763 : vector<1x16xf32> to vector<16xf32>
        %swap3A_765 = vector.shape_cast %mul3A_756 : vector<16xf32> to vector<1x16xf32>
        tpu.vector_store %arg14[%swap3A_761, %swap3A_762], %swap3A_765 {strides = array<i32>} : memref<128x128xf32, #tpu.memory_space<vmem>>, vector<1x16xf32>,
        %mul3A_766 = arith.constant 16 : i32
        %mul3A_767 = arith.muli %add3A_178, %mul3A_766 : i32
        %add3A_768 = arith.constant 3 : i32
        %add3A_769 = arith.addi %mul3A_767, %add3A_768 : i32
        %get3A_770 = arith.index_cast %add3A_769 : i32 to index
        %get3A_771 = arith.constant 96 : index
        %get3A_772 = tpu.vector_load %arg14[%get3A_770, %get3A_771] {strides = array<i32>} : memref<128x128xf32, #tpu.memory_space<vmem>>, vector<1x16xf32>,
        %get3A_773 = vector.shape_cast %get3A_772 : vector<1x16xf32> to vector<16xf32>
        %mul3A_774 = arith.mulf %get3A_773, %gather3A_657 : vector<16xf32>
        %mul3A_775 = arith.constant 16 : i32
        %mul3A_776 = arith.muli %add3A_178, %mul3A_775 : i32
        %add3A_777 = arith.constant 3 : i32
        %add3A_778 = arith.addi %mul3A_776, %add3A_777 : i32
        %swap3A_779 = arith.index_cast %add3A_778 : i32 to index
        %swap3A_780 = arith.constant 96 : index
        %swap3A_781 = tpu.vector_load %arg14[%swap3A_779, %swap3A_780] {strides = array<i32>} : memref<128x128xf32, #tpu.memory_space<vmem>>, vector<1x16xf32>,
        %swap3A_782 = vector.shape_cast %swap3A_781 : vector<1x16xf32> to vector<16xf32>
        %swap3A_783 = vector.shape_cast %mul3A_774 : vector<16xf32> to vector<1x16xf32>
        tpu.vector_store %arg14[%swap3A_779, %swap3A_780], %swap3A_783 {strides = array<i32>} : memref<128x128xf32, #tpu.memory_space<vmem>>, vector<1x16xf32>,
        %mul3A_784 = arith.constant 16 : i32
        %mul3A_785 = arith.muli %add3A_178, %mul3A_784 : i32
        %add3A_786 = arith.constant 3 : i32
        %add3A_787 = arith.addi %mul3A_785, %add3A_786 : i32
        %get3A_788 = arith.index_cast %add3A_787 : i32 to index
        %get3A_789 = arith.constant 112 : index
        %get3A_790 = tpu.vector_load %arg14[%get3A_788, %get3A_789] {strides = array<i32>} : memref<128x128xf32, #tpu.memory_space<vmem>>, vector<1x16xf32>,
        %get3A_791 = vector.shape_cast %get3A_790 : vector<1x16xf32> to vector<16xf32>
        %mul3A_792 = arith.mulf %get3A_791, %gather3A_657 : vector<16xf32>
        %mul3A_793 = arith.constant 16 : i32
        %mul3A_794 = arith.muli %add3A_178, %mul3A_793 : i32
        %add3A_795 = arith.constant 3 : i32
        %add3A_796 = arith.addi %mul3A_794, %add3A_795 : i32
        %swap3A_797 = arith.index_cast %add3A_796 : i32 to index
        %swap3A_798 = arith.constant 112 : index
        %swap3A_799 = tpu.vector_load %arg14[%swap3A_797, %swap3A_798] {strides = array<i32>} : memref<128x128xf32, #tpu.memory_space<vmem>>, vector<1x16xf32>,
        %swap3A_800 = vector.shape_cast %swap3A_799 : vector<1x16xf32> to vector<16xf32>
        %swap3A_801 = vector.shape_cast %mul3A_792 : vector<16xf32> to vector<1x16xf32>
        tpu.vector_store %arg14[%swap3A_797, %swap3A_798], %swap3A_801 {strides = array<i32>} : memref<128x128xf32, #tpu.memory_space<vmem>>, vector<1x16xf32>,
        %broadcast_in_dim3A_802 = arith.constant 4 : i32
        %broadcast_in_dim3A_803 = vector.broadcast %broadcast_in_dim3A_802 : i32 to vector<16xi32>
        %lt3A_804 = arith.constant 0 : i32
        %lt3A_805 = vector.broadcast %lt3A_804 : i32 to vector<16xi32>
        %lt3A_806 = arith.cmpi slt, %broadcast_in_dim3A_803, %lt3A_805 : vector<16xi32>
        %add3A_807 = arith.constant 16 : i32
        %add3A_808 = vector.broadcast %add3A_807 : i32 to vector<16xi32>
        %add3A_809 = arith.addi %broadcast_in_dim3A_803, %add3A_808 : vector<16xi32>
        %select_n3A_810 = arith.select %lt3A_806, %add3A_809, %broadcast_in_dim3A_803 : vector<16xi1>, vector<16xi32>
        %reshape3A_811 = vector.shape_cast %select_n3A_810 : vector<16xi32> to vector<16x1xi32>
        %gather3A_812 = vector.shape_cast %reshape3A_811 : vector<16x1xi32> to vector<16xi32>
        %gather3A_813 = tpu.dynamic_gather %get3A_182[%gather3A_812] in [0] : vector<16xf32>, vector<16xi32> -> vector<16xf32>
        %mul3A_814 = arith.constant 16 : i32
        %mul3A_815 = arith.muli %add3A_178, %mul3A_814 : i32
        %add3A_816 = arith.constant 4 : i32
        %add3A_817 = arith.addi %mul3A_815, %add3A_816 : i32
        %get3A_818 = arith.index_cast %add3A_817 : i32 to index
        %get3A_819 = arith.constant 0 : index
        %get3A_820 = tpu.vector_load %arg14[%get3A_818, %get3A_819] {strides = array<i32>} : memref<128x128xf32, #tpu.memory_space<vmem>>, vector<1x16xf32>,
        %get3A_821 = vector.shape_cast %get3A_820 : vector<1x16xf32> to vector<16xf32>
        %mul3A_822 = arith.mulf %get3A_821, %gather3A_813 : vector<16xf32>
        %mul3A_823 = arith.constant 16 : i32
        %mul3A_824 = arith.muli %add3A_178, %mul3A_823 : i32
        %add3A_825 = arith.constant 4 : i32
        %add3A_826 = arith.addi %mul3A_824, %add3A_825 : i32
        %swap3A_827 = arith.index_cast %add3A_826 : i32 to index
        %swap3A_828 = arith.constant 0 : index
        %swap3A_829 = tpu.vector_load %arg14[%swap3A_827, %swap3A_828] {strides = array<i32>} : memref<128x128xf32, #tpu.memory_space<vmem>>, vector<1x16xf32>,
        %swap3A_830 = vector.shape_cast %swap3A_829 : vector<1x16xf32> to vector<16xf32>
        %swap3A_831 = vector.shape_cast %mul3A_822 : vector<16xf32> to vector<1x16xf32>
        tpu.vector_store %arg14[%swap3A_827, %swap3A_828], %swap3A_831 {strides = array<i32>} : memref<128x128xf32, #tpu.memory_space<vmem>>, vector<1x16xf32>,
        %mul3A_832 = arith.constant 16 : i32
        %mul3A_833 = arith.muli %add3A_178, %mul3A_832 : i32
        %add3A_834 = arith.constant 4 : i32
        %add3A_835 = arith.addi %mul3A_833, %add3A_834 : i32
        %get3A_836 = arith.index_cast %add3A_835 : i32 to index
        %get3A_837 = arith.constant 16 : index
        %get3A_838 = tpu.vector_load %arg14[%get3A_836, %get3A_837] {strides = array<i32>} : memref<128x128xf32, #tpu.memory_space<vmem>>, vector<1x16xf32>,
        %get3A_839 = vector.shape_cast %get3A_838 : vector<1x16xf32> to vector<16xf32>
        %mul3A_840 = arith.mulf %get3A_839, %gather3A_813 : vector<16xf32>
        %mul3A_841 = arith.constant 16 : i32
        %mul3A_842 = arith.muli %add3A_178, %mul3A_841 : i32
        %add3A_843 = arith.constant 4 : i32
        %add3A_844 = arith.addi %mul3A_842, %add3A_843 : i32
        %swap3A_845 = arith.index_cast %add3A_844 : i32 to index
        %swap3A_846 = arith.constant 16 : index
        %swap3A_847 = tpu.vector_load %arg14[%swap3A_845, %swap3A_846] {strides = array<i32>} : memref<128x128xf32, #tpu.memory_space<vmem>>, vector<1x16xf32>,
        %swap3A_848 = vector.shape_cast %swap3A_847 : vector<1x16xf32> to vector<16xf32>
        %swap3A_849 = vector.shape_cast %mul3A_840 : vector<16xf32> to vector<1x16xf32>
        tpu.vector_store %arg14[%swap3A_845, %swap3A_846], %swap3A_849 {strides = array<i32>} : memref<128x128xf32, #tpu.memory_space<vmem>>, vector<1x16xf32>,
        %mul3A_850 = arith.constant 16 : i32
        %mul3A_851 = arith.muli %add3A_178, %mul3A_850 : i32
        %add3A_852 = arith.constant 4 : i32
        %add3A_853 = arith.addi %mul3A_851, %add3A_852 : i32
        %get3A_854 = arith.index_cast %add3A_853 : i32 to index
        %get3A_855 = arith.constant 32 : index
        %get3A_856 = tpu.vector_load %arg14[%get3A_854, %get3A_855] {strides = array<i32>} : memref<128x128xf32, #tpu.memory_space<vmem>>, vector<1x16xf32>,
        %get3A_857 = vector.shape_cast %get3A_856 : vector<1x16xf32> to vector<16xf32>
        %mul3A_858 = arith.mulf %get3A_857, %gather3A_813 : vector<16xf32>
        %mul3A_859 = arith.constant 16 : i32
        %mul3A_860 = arith.muli %add3A_178, %mul3A_859 : i32
        %add3A_861 = arith.constant 4 : i32
        %add3A_862 = arith.addi %mul3A_860, %add3A_861 : i32
        %swap3A_863 = arith.index_cast %add3A_862 : i32 to index
        %swap3A_864 = arith.constant 32 : index
        %swap3A_865 = tpu.vector_load %arg14[%swap3A_863, %swap3A_864] {strides = array<i32>} : memref<128x128xf32, #tpu.memory_space<vmem>>, vector<1x16xf32>,
        %swap3A_866 = vector.shape_cast %swap3A_865 : vector<1x16xf32> to vector<16xf32>
        %swap3A_867 = vector.shape_cast %mul3A_858 : vector<16xf32> to vector<1x16xf32>
        tpu.vector_store %arg14[%swap3A_863, %swap3A_864], %swap3A_867 {strides = array<i32>} : memref<128x128xf32, #tpu.memory_space<vmem>>, vector<1x16xf32>,
        %mul3A_868 = arith.constant 16 : i32
        %mul3A_869 = arith.muli %add3A_178, %mul3A_868 : i32
        %add3A_870 = arith.constant 4 : i32
        %add3A_871 = arith.addi %mul3A_869, %add3A_870 : i32
        %get3A_872 = arith.index_cast %add3A_871 : i32 to index
        %get3A_873 = arith.constant 48 : index
        %get3A_874 = tpu.vector_load %arg14[%get3A_872, %get3A_873] {strides = array<i32>} : memref<128x128xf32, #tpu.memory_space<vmem>>, vector<1x16xf32>,
        %get3A_875 = vector.shape_cast %get3A_874 : vector<1x16xf32> to vector<16xf32>
        %mul3A_876 = arith.mulf %get3A_875, %gather3A_813 : vector<16xf32>
        %mul3A_877 = arith.constant 16 : i32
        %mul3A_878 = arith.muli %add3A_178, %mul3A_877 : i32
        %add3A_879 = arith.constant 4 : i32
        %add3A_880 = arith.addi %mul3A_878, %add3A_879 : i32
        %swap3A_881 = arith.index_cast %add3A_880 : i32 to index
        %swap3A_882 = arith.constant 48 : index
        %swap3A_883 = tpu.vector_load %arg14[%swap3A_881, %swap3A_882] {strides = array<i32>} : memref<128x128xf32, #tpu.memory_space<vmem>>, vector<1x16xf32>,
        %swap3A_884 = vector.shape_cast %swap3A_883 : vector<1x16xf32> to vector<16xf32>
        %swap3A_885 = vector.shape_cast %mul3A_876 : vector<16xf32> to vector<1x16xf32>
        tpu.vector_store %arg14[%swap3A_881, %swap3A_882], %swap3A_885 {strides = array<i32>} : memref<128x128xf32, #tpu.memory_space<vmem>>, vector<1x16xf32>,
        %mul3A_886 = arith.constant 16 : i32
        %mul3A_887 = arith.muli %add3A_178, %mul3A_886 : i32
        %add3A_888 = arith.constant 4 : i32
        %add3A_889 = arith.addi %mul3A_887, %add3A_888 : i32
        %get3A_890 = arith.index_cast %add3A_889 : i32 to index
        %get3A_891 = arith.constant 64 : index
        %get3A_892 = tpu.vector_load %arg14[%get3A_890, %get3A_891] {strides = array<i32>} : memref<128x128xf32, #tpu.memory_space<vmem>>, vector<1x16xf32>,
        %get3A_893 = vector.shape_cast %get3A_892 : vector<1x16xf32> to vector<16xf32>
        %mul3A_894 = arith.mulf %get3A_893, %gather3A_813 : vector<16xf32>
        %mul3A_895 = arith.constant 16 : i32
        %mul3A_896 = arith.muli %add3A_178, %mul3A_895 : i32
        %add3A_897 = arith.constant 4 : i32
        %add3A_898 = arith.addi %mul3A_896, %add3A_897 : i32
        %swap3A_899 = arith.index_cast %add3A_898 : i32 to index
        %swap3A_900 = arith.constant 64 : index
        %swap3A_901 = tpu.vector_load %arg14[%swap3A_899, %swap3A_900] {strides = array<i32>} : memref<128x128xf32, #tpu.memory_space<vmem>>, vector<1x16xf32>,
        %swap3A_902 = vector.shape_cast %swap3A_901 : vector<1x16xf32> to vector<16xf32>
        %swap3A_903 = vector.shape_cast %mul3A_894 : vector<16xf32> to vector<1x16xf32>
        tpu.vector_store %arg14[%swap3A_899, %swap3A_900], %swap3A_903 {strides = array<i32>} : memref<128x128xf32, #tpu.memory_space<vmem>>, vector<1x16xf32>,
        %mul3A_904 = arith.constant 16 : i32
        %mul3A_905 = arith.muli %add3A_178, %mul3A_904 : i32
        %add3A_906 = arith.constant 4 : i32
        %add3A_907 = arith.addi %mul3A_905, %add3A_906 : i32
        %get3A_908 = arith.index_cast %add3A_907 : i32 to index
        %get3A_909 = arith.constant 80 : index
        %get3A_910 = tpu.vector_load %arg14[%get3A_908, %get3A_909] {strides = array<i32>} : memref<128x128xf32, #tpu.memory_space<vmem>>, vector<1x16xf32>,
        %get3A_911 = vector.shape_cast %get3A_910 : vector<1x16xf32> to vector<16xf32>
        %mul3A_912 = arith.mulf %get3A_911, %gather3A_813 : vector<16xf32>
        %mul3A_913 = arith.constant 16 : i32
        %mul3A_914 = arith.muli %add3A_178, %mul3A_913 : i32
        %add3A_915 = arith.constant 4 : i32
        %add3A_916 = arith.addi %mul3A_914, %add3A_915 : i32
        %swap3A_917 = arith.index_cast %add3A_916 : i32 to index
        %swap3A_918 = arith.constant 80 : index
        %swap3A_919 = tpu.vector_load %arg14[%swap3A_917, %swap3A_918] {strides = array<i32>} : memref<128x128xf32, #tpu.memory_space<vmem>>, vector<1x16xf32>,
        %swap3A_920 = vector.shape_cast %swap3A_919 : vector<1x16xf32> to vector<16xf32>
        %swap3A_921 = vector.shape_cast %mul3A_912 : vector<16xf32> to vector<1x16xf32>
        tpu.vector_store %arg14[%swap3A_917, %swap3A_918], %swap3A_921 {strides = array<i32>} : memref<128x128xf32, #tpu.memory_space<vmem>>, vector<1x16xf32>,
        %mul3A_922 = arith.constant 16 : i32
        %mul3A_923 = arith.muli %add3A_178, %mul3A_922 : i32
        %add3A_924 = arith.constant 4 : i32
        %add3A_925 = arith.addi %mul3A_923, %add3A_924 : i32
        %get3A_926 = arith.index_cast %add3A_925 : i32 to index
        %get3A_927 = arith.constant 96 : index
        %get3A_928 = tpu.vector_load %arg14[%get3A_926, %get3A_927] {strides = array<i32>} : memref<128x128xf32, #tpu.memory_space<vmem>>, vector<1x16xf32>,
        %get3A_929 = vector.shape_cast %get3A_928 : vector<1x16xf32> to vector<16xf32>
        %mul3A_930 = arith.mulf %get3A_929, %gather3A_813 : vector<16xf32>
        %mul3A_931 = arith.constant 16 : i32
        %mul3A_932 = arith.muli %add3A_178, %mul3A_931 : i32
        %add3A_933 = arith.constant 4 : i32
        %add3A_934 = arith.addi %mul3A_932, %add3A_933 : i32
        %swap3A_935 = arith.index_cast %add3A_934 : i32 to index
        %swap3A_936 = arith.constant 96 : index
        %swap3A_937 = tpu.vector_load %arg14[%swap3A_935, %swap3A_936] {strides = array<i32>} : memref<128x128xf32, #tpu.memory_space<vmem>>, vector<1x16xf32>,
        %swap3A_938 = vector.shape_cast %swap3A_937 : vector<1x16xf32> to vector<16xf32>
        %swap3A_939 = vector.shape_cast %mul3A_930 : vector<16xf32> to vector<1x16xf32>
        tpu.vector_store %arg14[%swap3A_935, %swap3A_936], %swap3A_939 {strides = array<i32>} : memref<128x128xf32, #tpu.memory_space<vmem>>, vector<1x16xf32>,
        %mul3A_940 = arith.constant 16 : i32
        %mul3A_941 = arith.muli %add3A_178, %mul3A_940 : i32
        %add3A_942 = arith.constant 4 : i32
        %add3A_943 = arith.addi %mul3A_941, %add3A_942 : i32
        %get3A_944 = arith.index_cast %add3A_943 : i32 to index
        %get3A_945 = arith.constant 112 : index
        %get3A_946 = tpu.vector_load %arg14[%get3A_944, %get3A_945] {strides = array<i32>} : memref<128x128xf32, #tpu.memory_space<vmem>>, vector<1x16xf32>,
        %get3A_947 = vector.shape_cast %get3A_946 : vector<1x16xf32> to vector<16xf32>
        %mul3A_948 = arith.mulf %get3A_947, %gather3A_813 : vector<16xf32>
        %mul3A_949 = arith.constant 16 : i32
        %mul3A_950 = arith.muli %add3A_178, %mul3A_949 : i32
        %add3A_951 = arith.constant 4 : i32
        %add3A_952 = arith.addi %mul3A_950, %add3A_951 : i32
        %swap3A_953 = arith.index_cast %add3A_952 : i32 to index
        %swap3A_954 = arith.constant 112 : index
        %swap3A_955 = tpu.vector_load %arg14[%swap3A_953, %swap3A_954] {strides = array<i32>} : memref<128x128xf32, #tpu.memory_space<vmem>>, vector<1x16xf32>,
        %swap3A_956 = vector.shape_cast %swap3A_955 : vector<1x16xf32> to vector<16xf32>
        %swap3A_957 = vector.shape_cast %mul3A_948 : vector<16xf32> to vector<1x16xf32>
        tpu.vector_store %arg14[%swap3A_953, %swap3A_954], %swap3A_957 {strides = array<i32>} : memref<128x128xf32, #tpu.memory_space<vmem>>, vector<1x16xf32>,
        %broadcast_in_dim3A_958 = arith.constant 5 : i32
        %broadcast_in_dim3A_959 = vector.broadcast %broadcast_in_dim3A_958 : i32 to vector<16xi32>
        %lt3A_960 = arith.constant 0 : i32
        %lt3A_961 = vector.broadcast %lt3A_960 : i32 to vector<16xi32>
        %lt3A_962 = arith.cmpi slt, %broadcast_in_dim3A_959, %lt3A_961 : vector<16xi32>
        %add3A_963 = arith.constant 16 : i32
        %add3A_964 = vector.broadcast %add3A_963 : i32 to vector<16xi32>
        %add3A_965 = arith.addi %broadcast_in_dim3A_959, %add3A_964 : vector<16xi32>
        %select_n3A_966 = arith.select %lt3A_962, %add3A_965, %broadcast_in_dim3A_959 : vector<16xi1>, vector<16xi32>
        %reshape3A_967 = vector.shape_cast %select_n3A_966 : vector<16xi32> to vector<16x1xi32>
        %gather3A_968 = vector.shape_cast %reshape3A_967 : vector<16x1xi32> to vector<16xi32>
        %gather3A_969 = tpu.dynamic_gather %get3A_182[%gather3A_968] in [0] : vector<16xf32>, vector<16xi32> -> vector<16xf32>
        %mul3A_970 = arith.constant 16 : i32
        %mul3A_971 = arith.muli %add3A_178, %mul3A_970 : i32
        %add3A_972 = arith.constant 5 : i32
        %add3A_973 = arith.addi %mul3A_971, %add3A_972 : i32
        %get3A_974 = arith.index_cast %add3A_973 : i32 to index
        %get3A_975 = arith.constant 0 : index
        %get3A_976 = tpu.vector_load %arg14[%get3A_974, %get3A_975] {strides = array<i32>} : memref<128x128xf32, #tpu.memory_space<vmem>>, vector<1x16xf32>,
        %get3A_977 = vector.shape_cast %get3A_976 : vector<1x16xf32> to vector<16xf32>
        %mul3A_978 = arith.mulf %get3A_977, %gather3A_969 : vector<16xf32>
        %mul3A_979 = arith.constant 16 : i32
        %mul3A_980 = arith.muli %add3A_178, %mul3A_979 : i32
        %add3A_981 = arith.constant 5 : i32
        %add3A_982 = arith.addi %mul3A_980, %add3A_981 : i32
        %swap3A_983 = arith.index_cast %add3A_982 : i32 to index
        %swap3A_984 = arith.constant 0 : index
        %swap3A_985 = tpu.vector_load %arg14[%swap3A_983, %swap3A_984] {strides = array<i32>} : memref<128x128xf32, #tpu.memory_space<vmem>>, vector<1x16xf32>,
        %swap3A_986 = vector.shape_cast %swap3A_985 : vector<1x16xf32> to vector<16xf32>
        %swap3A_987 = vector.shape_cast %mul3A_978 : vector<16xf32> to vector<1x16xf32>
        tpu.vector_store %arg14[%swap3A_983, %swap3A_984], %swap3A_987 {strides = array<i32>} : memref<128x128xf32, #tpu.memory_space<vmem>>, vector<1x16xf32>,
        %mul3A_988 = arith.constant 16 : i32
        %mul3A_989 = arith.muli %add3A_178, %mul3A_988 : i32
        %add3A_990 = arith.constant 5 : i32
        %add3A_991 = arith.addi %mul3A_989, %add3A_990 : i32
        %get3A_992 = arith.index_cast %add3A_991 : i32 to index
        %get3A_993 = arith.constant 16 : index
        %get3A_994 = tpu.vector_load %arg14[%get3A_992, %get3A_993] {strides = array<i32>} : memref<128x128xf32, #tpu.memory_space<vmem>>, vector<1x16xf32>,
        %get3A_995 = vector.shape_cast %get3A_994 : vector<1x16xf32> to vector<16xf32>
        %mul3A_996 = arith.mulf %get3A_995, %gather3A_969 : vector<16xf32>
        %mul3A_997 = arith.constant 16 : i32
        %mul3A_998 = arith.muli %add3A_178, %mul3A_997 : i32
        %add3A_999 = arith.constant 5 : i32
        %add3A_1000 = arith.addi %mul3A_998, %add3A_999 : i32
        %swap3A_1001 = arith.index_cast %add3A_1000 : i32 to index
        %swap3A_1002 = arith.constant 16 : index
        %swap3A_1003 = tpu.vector_load %arg14[%swap3A_1001, %swap3A_1002] {strides = array<i32>} : memref<128x128xf32, #tpu.memory_space<vmem>>, vector<1x16xf32>,
        %swap3A_1004 = vector.shape_cast %swap3A_1003 : vector<1x16xf32> to vector<16xf32>
        %swap3A_1005 = vector.shape_cast %mul3A_996 : vector<16xf32> to vector<1x16xf32>
        tpu.vector_store %arg14[%swap3A_1001, %swap3A_1002], %swap3A_1005 {strides = array<i32>} : memref<128x128xf32, #tpu.memory_space<vmem>>, vector<1x16xf32>,
        %mul3A_1006 = arith.constant 16 : i32
        %mul3A_1007 = arith.muli %add3A_178, %mul3A_1006 : i32
        %add3A_1008 = arith.constant 5 : i32
        %add3A_1009 = arith.addi %mul3A_1007, %add3A_1008 : i32
        %get3A_1010 = arith.index_cast %add3A_1009 : i32 to index
        %get3A_1011 = arith.constant 32 : index
        %get3A_1012 = tpu.vector_load %arg14[%get3A_1010, %get3A_1011] {strides = array<i32>} : memref<128x128xf32, #tpu.memory_space<vmem>>, vector<1x16xf32>,
        %get3A_1013 = vector.shape_cast %get3A_1012 : vector<1x16xf32> to vector<16xf32>
        %mul3A_1014 = arith.mulf %get3A_1013, %gather3A_969 : vector<16xf32>
        %mul3A_1015 = arith.constant 16 : i32
        %mul3A_1016 = arith.muli %add3A_178, %mul3A_1015 : i32
        %add3A_1017 = arith.constant 5 : i32
        %add3A_1018 = arith.addi %mul3A_1016, %add3A_1017 : i32
        %swap3A_1019 = arith.index_cast %add3A_1018 : i32 to index
        %swap3A_1020 = arith.constant 32 : index
        %swap3A_1021 = tpu.vector_load %arg14[%swap3A_1019, %swap3A_1020] {strides = array<i32>} : memref<128x128xf32, #tpu.memory_space<vmem>>, vector<1x16xf32>,
        %swap3A_1022 = vector.shape_cast %swap3A_1021 : vector<1x16xf32> to vector<16xf32>
        %swap3A_1023 = vector.shape_cast %mul3A_1014 : vector<16xf32> to vector<1x16xf32>
        tpu.vector_store %arg14[%swap3A_1019, %swap3A_1020], %swap3A_1023 {strides = array<i32>} : memref<128x128xf32, #tpu.memory_space<vmem>>, vector<1x16xf32>,
        %mul3A_1024 = arith.constant 16 : i32
        %mul3A_1025 = arith.muli %add3A_178, %mul3A_1024 : i32
        %add3A_1026 = arith.constant 5 : i32
        %add3A_1027 = arith.addi %mul3A_1025, %add3A_1026 : i32
        %get3A_1028 = arith.index_cast %add3A_1027 : i32 to index
        %get3A_1029 = arith.constant 48 : index
        %get3A_1030 = tpu.vector_load %arg14[%get3A_1028, %get3A_1029] {strides = array<i32>} : memref<128x128xf32, #tpu.memory_space<vmem>>, vector<1x16xf32>,
        %get3A_1031 = vector.shape_cast %get3A_1030 : vector<1x16xf32> to vector<16xf32>
        %mul3A_1032 = arith.mulf %get3A_1031, %gather3A_969 : vector<16xf32>
        %mul3A_1033 = arith.constant 16 : i32
        %mul3A_1034 = arith.muli %add3A_178, %mul3A_1033 : i32
        %add3A_1035 = arith.constant 5 : i32
        %add3A_1036 = arith.addi %mul3A_1034, %add3A_1035 : i32
        %swap3A_1037 = arith.index_cast %add3A_1036 : i32 to index
        %swap3A_1038 = arith.constant 48 : index
        %swap3A_1039 = tpu.vector_load %arg14[%swap3A_1037, %swap3A_1038] {strides = array<i32>} : memref<128x128xf32, #tpu.memory_space<vmem>>, vector<1x16xf32>,
        %swap3A_1040 = vector.shape_cast %swap3A_1039 : vector<1x16xf32> to vector<16xf32>
        %swap3A_1041 = vector.shape_cast %mul3A_1032 : vector<16xf32> to vector<1x16xf32>
        tpu.vector_store %arg14[%swap3A_1037, %swap3A_1038], %swap3A_1041 {strides = array<i32>} : memref<128x128xf32, #tpu.memory_space<vmem>>, vector<1x16xf32>,
        %mul3A_1042 = arith.constant 16 : i32
        %mul3A_1043 = arith.muli %add3A_178, %mul3A_1042 : i32
        %add3A_1044 = arith.constant 5 : i32
        %add3A_1045 = arith.addi %mul3A_1043, %add3A_1044 : i32
        %get3A_1046 = arith.index_cast %add3A_1045 : i32 to index
        %get3A_1047 = arith.constant 64 : index
        %get3A_1048 = tpu.vector_load %arg14[%get3A_1046, %get3A_1047] {strides = array<i32>} : memref<128x128xf32, #tpu.memory_space<vmem>>, vector<1x16xf32>,
        %get3A_1049 = vector.shape_cast %get3A_1048 : vector<1x16xf32> to vector<16xf32>
        %mul3A_1050 = arith.mulf %get3A_1049, %gather3A_969 : vector<16xf32>
        %mul3A_1051 = arith.constant 16 : i32
        %mul3A_1052 = arith.muli %add3A_178, %mul3A_1051 : i32
        %add3A_1053 = arith.constant 5 : i32
        %add3A_1054 = arith.addi %mul3A_1052, %add3A_1053 : i32
        %swap3A_1055 = arith.index_cast %add3A_1054 : i32 to index
        %swap3A_1056 = arith.constant 64 : index
        %swap3A_1057 = tpu.vector_load %arg14[%swap3A_1055, %swap3A_1056] {strides = array<i32>} : memref<128x128xf32, #tpu.memory_space<vmem>>, vector<1x16xf32>,
        %swap3A_1058 = vector.shape_cast %swap3A_1057 : vector<1x16xf32> to vector<16xf32>
        %swap3A_1059 = vector.shape_cast %mul3A_1050 : vector<16xf32> to vector<1x16xf32>
        tpu.vector_store %arg14[%swap3A_1055, %swap3A_1056], %swap3A_1059 {strides = array<i32>} : memref<128x128xf32, #tpu.memory_space<vmem>>, vector<1x16xf32>,
        %mul3A_1060 = arith.constant 16 : i32
        %mul3A_1061 = arith.muli %add3A_178, %mul3A_1060 : i32
        %add3A_1062 = arith.constant 5 : i32
        %add3A_1063 = arith.addi %mul3A_1061, %add3A_1062 : i32
        %get3A_1064 = arith.index_cast %add3A_1063 : i32 to index
        %get3A_1065 = arith.constant 80 : index
        %get3A_1066 = tpu.vector_load %arg14[%get3A_1064, %get3A_1065] {strides = array<i32>} : memref<128x128xf32, #tpu.memory_space<vmem>>, vector<1x16xf32>,
        %get3A_1067 = vector.shape_cast %get3A_1066 : vector<1x16xf32> to vector<16xf32>
        %mul3A_1068 = arith.mulf %get3A_1067, %gather3A_969 : vector<16xf32>
        %mul3A_1069 = arith.constant 16 : i32
        %mul3A_1070 = arith.muli %add3A_178, %mul3A_1069 : i32
        %add3A_1071 = arith.constant 5 : i32
        %add3A_1072 = arith.addi %mul3A_1070, %add3A_1071 : i32
        %swap3A_1073 = arith.index_cast %add3A_1072 : i32 to index
        %swap3A_1074 = arith.constant 80 : index
        %swap3A_1075 = tpu.vector_load %arg14[%swap3A_1073, %swap3A_1074] {strides = array<i32>} : memref<128x128xf32, #tpu.memory_space<vmem>>, vector<1x16xf32>,
        %swap3A_1076 = vector.shape_cast %swap3A_1075 : vector<1x16xf32> to vector<16xf32>
        %swap3A_1077 = vector.shape_cast %mul3A_1068 : vector<16xf32> to vector<1x16xf32>
        tpu.vector_store %arg14[%swap3A_1073, %swap3A_1074], %swap3A_1077 {strides = array<i32>} : memref<128x128xf32, #tpu.memory_space<vmem>>, vector<1x16xf32>,
        %mul3A_1078 = arith.constant 16 : i32
        %mul3A_1079 = arith.muli %add3A_178, %mul3A_1078 : i32
        %add3A_1080 = arith.constant 5 : i32
        %add3A_1081 = arith.addi %mul3A_1079, %add3A_1080 : i32
        %get3A_1082 = arith.index_cast %add3A_1081 : i32 to index
        %get3A_1083 = arith.constant 96 : index
        %get3A_1084 = tpu.vector_load %arg14[%get3A_1082, %get3A_1083] {strides = array<i32>} : memref<128x128xf32, #tpu.memory_space<vmem>>, vector<1x16xf32>,
        %get3A_1085 = vector.shape_cast %get3A_1084 : vector<1x16xf32> to vector<16xf32>
        %mul3A_1086 = arith.mulf %get3A_1085, %gather3A_969 : vector<16xf32>
        %mul3A_1087 = arith.constant 16 : i32
        %mul3A_1088 = arith.muli %add3A_178, %mul3A_1087 : i32
        %add3A_1089 = arith.constant 5 : i32
        %add3A_1090 = arith.addi %mul3A_1088, %add3A_1089 : i32
        %swap3A_1091 = arith.index_cast %add3A_1090 : i32 to index
        %swap3A_1092 = arith.constant 96 : index
        %swap3A_1093 = tpu.vector_load %arg14[%swap3A_1091, %swap3A_1092] {strides = array<i32>} : memref<128x128xf32, #tpu.memory_space<vmem>>, vector<1x16xf32>,
        %swap3A_1094 = vector.shape_cast %swap3A_1093 : vector<1x16xf32> to vector<16xf32>
        %swap3A_1095 = vector.shape_cast %mul3A_1086 : vector<16xf32> to vector<1x16xf32>
        tpu.vector_store %arg14[%swap3A_1091, %swap3A_1092], %swap3A_1095 {strides = array<i32>} : memref<128x128xf32, #tpu.memory_space<vmem>>, vector<1x16xf32>,
        %mul3A_1096 = arith.constant 16 : i32
        %mul3A_1097 = arith.muli %add3A_178, %mul3A_1096 : i32
        %add3A_1098 = arith.constant 5 : i32
        %add3A_1099 = arith.addi %mul3A_1097, %add3A_1098 : i32
        %get3A_1100 = arith.index_cast %add3A_1099 : i32 to index
        %get3A_1101 = arith.constant 112 : index
        %get3A_1102 = tpu.vector_load %arg14[%get3A_1100, %get3A_1101] {strides = array<i32>} : memref<128x128xf32, #tpu.memory_space<vmem>>, vector<1x16xf32>,
        %get3A_1103 = vector.shape_cast %get3A_1102 : vector<1x16xf32> to vector<16xf32>
        %mul3A_1104 = arith.mulf %get3A_1103, %gather3A_969 : vector<16xf32>
        %mul3A_1105 = arith.constant 16 : i32
        %mul3A_1106 = arith.muli %add3A_178, %mul3A_1105 : i32
        %add3A_1107 = arith.constant 5 : i32
        %add3A_1108 = arith.addi %mul3A_1106, %add3A_1107 : i32
        %swap3A_1109 = arith.index_cast %add3A_1108 : i32 to index
        %swap3A_1110 = arith.constant 112 : index
        %swap3A_1111 = tpu.vector_load %arg14[%swap3A_1109, %swap3A_1110] {strides = array<i32>} : memref<128x128xf32, #tpu.memory_space<vmem>>, vector<1x16xf32>,
        %swap3A_1112 = vector.shape_cast %swap3A_1111 : vector<1x16xf32> to vector<16xf32>
        %swap3A_1113 = vector.shape_cast %mul3A_1104 : vector<16xf32> to vector<1x16xf32>
        tpu.vector_store %arg14[%swap3A_1109, %swap3A_1110], %swap3A_1113 {strides = array<i32>} : memref<128x128xf32, #tpu.memory_space<vmem>>, vector<1x16xf32>,
        %broadcast_in_dim3A_1114 = arith.constant 6 : i32
        %broadcast_in_dim3A_1115 = vector.broadcast %broadcast_in_dim3A_1114 : i32 to vector<16xi32>
        %lt3A_1116 = arith.constant 0 : i32
        %lt3A_1117 = vector.broadcast %lt3A_1116 : i32 to vector<16xi32>
        %lt3A_1118 = arith.cmpi slt, %broadcast_in_dim3A_1115, %lt3A_1117 : vector<16xi32>
        %add3A_1119 = arith.constant 16 : i32
        %add3A_1120 = vector.broadcast %add3A_1119 : i32 to vector<16xi32>
        %add3A_1121 = arith.addi %broadcast_in_dim3A_1115, %add3A_1120 : vector<16xi32>
        %select_n3A_1122 = arith.select %lt3A_1118, %add3A_1121, %broadcast_in_dim3A_1115 : vector<16xi1>, vector<16xi32>
        %reshape3A_1123 = vector.shape_cast %select_n3A_1122 : vector<16xi32> to vector<16x1xi32>
        %gather3A_1124 = vector.shape_cast %reshape3A_1123 : vector<16x1xi32> to vector<16xi32>
        %gather3A_1125 = tpu.dynamic_gather %get3A_182[%gather3A_1124] in [0] : vector<16xf32>, vector<16xi32> -> vector<16xf32>
        %mul3A_1126 = arith.constant 16 : i32
        %mul3A_1127 = arith.muli %add3A_178, %mul3A_1126 : i32
        %add3A_1128 = arith.constant 6 : i32
        %add3A_1129 = arith.addi %mul3A_1127, %add3A_1128 : i32
        %get3A_1130 = arith.index_cast %add3A_1129 : i32 to index
        %get3A_1131 = arith.constant 0 : index
        %get3A_1132 = tpu.vector_load %arg14[%get3A_1130, %get3A_1131] {strides = array<i32>} : memref<128x128xf32, #tpu.memory_space<vmem>>, vector<1x16xf32>,
        %get3A_1133 = vector.shape_cast %get3A_1132 : vector<1x16xf32> to vector<16xf32>
        %mul3A_1134 = arith.mulf %get3A_1133, %gather3A_1125 : vector<16xf32>
        %mul3A_1135 = arith.constant 16 : i32
        %mul3A_1136 = arith.muli %add3A_178, %mul3A_1135 : i32
        %add3A_1137 = arith.constant 6 : i32
        %add3A_1138 = arith.addi %mul3A_1136, %add3A_1137 : i32
        %swap3A_1139 = arith.index_cast %add3A_1138 : i32 to index
        %swap3A_1140 = arith.constant 0 : index
        %swap3A_1141 = tpu.vector_load %arg14[%swap3A_1139, %swap3A_1140] {strides = array<i32>} : memref<128x128xf32, #tpu.memory_space<vmem>>, vector<1x16xf32>,
        %swap3A_1142 = vector.shape_cast %swap3A_1141 : vector<1x16xf32> to vector<16xf32>
        %swap3A_1143 = vector.shape_cast %mul3A_1134 : vector<16xf32> to vector<1x16xf32>
        tpu.vector_store %arg14[%swap3A_1139, %swap3A_1140], %swap3A_1143 {strides = array<i32>} : memref<128x128xf32, #tpu.memory_space<vmem>>, vector<1x16xf32>,
        %mul3A_1144 = arith.constant 16 : i32
        %mul3A_1145 = arith.muli %add3A_178, %mul3A_1144 : i32
        %add3A_1146 = arith.constant 6 : i32
        %add3A_1147 = arith.addi %mul3A_1145, %add3A_1146 : i32
        %get3A_1148 = arith.index_cast %add3A_1147 : i32 to index
        %get3A_1149 = arith.constant 16 : index
        %get3A_1150 = tpu.vector_load %arg14[%get3A_1148, %get3A_1149] {strides = array<i32>} : memref<128x128xf32, #tpu.memory_space<vmem>>, vector<1x16xf32>,
        %get3A_1151 = vector.shape_cast %get3A_1150 : vector<1x16xf32> to vector<16xf32>
        %mul3A_1152 = arith.mulf %get3A_1151, %gather3A_1125 : vector<16xf32>
        %mul3A_1153 = arith.constant 16 : i32
        %mul3A_1154 = arith.muli %add3A_178, %mul3A_1153 : i32
        %add3A_1155 = arith.constant 6 : i32
        %add3A_1156 = arith.addi %mul3A_1154, %add3A_1155 : i32
        %swap3A_1157 = arith.index_cast %add3A_1156 : i32 to index
        %swap3A_1158 = arith.constant 16 : index
        %swap3A_1159 = tpu.vector_load %arg14[%swap3A_1157, %swap3A_1158] {strides = array<i32>} : memref<128x128xf32, #tpu.memory_space<vmem>>, vector<1x16xf32>,
        %swap3A_1160 = vector.shape_cast %swap3A_1159 : vector<1x16xf32> to vector<16xf32>
        %swap3A_1161 = vector.shape_cast %mul3A_1152 : vector<16xf32> to vector<1x16xf32>
        tpu.vector_store %arg14[%swap3A_1157, %swap3A_1158], %swap3A_1161 {strides = array<i32>} : memref<128x128xf32, #tpu.memory_space<vmem>>, vector<1x16xf32>,
        %mul3A_1162 = arith.constant 16 : i32
        %mul3A_1163 = arith.muli %add3A_178, %mul3A_1162 : i32
        %add3A_1164 = arith.constant 6 : i32
        %add3A_1165 = arith.addi %mul3A_1163, %add3A_1164 : i32
        %get3A_1166 = arith.index_cast %add3A_1165 : i32 to index
        %get3A_1167 = arith.constant 32 : index
        %get3A_1168 = tpu.vector_load %arg14[%get3A_1166, %get3A_1167] {strides = array<i32>} : memref<128x128xf32, #tpu.memory_space<vmem>>, vector<1x16xf32>,
        %get3A_1169 = vector.shape_cast %get3A_1168 : vector<1x16xf32> to vector<16xf32>
        %mul3A_1170 = arith.mulf %get3A_1169, %gather3A_1125 : vector<16xf32>
        %mul3A_1171 = arith.constant 16 : i32
        %mul3A_1172 = arith.muli %add3A_178, %mul3A_1171 : i32
        %add3A_1173 = arith.constant 6 : i32
        %add3A_1174 = arith.addi %mul3A_1172, %add3A_1173 : i32
        %swap3A_1175 = arith.index_cast %add3A_1174 : i32 to index
        %swap3A_1176 = arith.constant 32 : index
        %swap3A_1177 = tpu.vector_load %arg14[%swap3A_1175, %swap3A_1176] {strides = array<i32>} : memref<128x128xf32, #tpu.memory_space<vmem>>, vector<1x16xf32>,
        %swap3A_1178 = vector.shape_cast %swap3A_1177 : vector<1x16xf32> to vector<16xf32>
        %swap3A_1179 = vector.shape_cast %mul3A_1170 : vector<16xf32> to vector<1x16xf32>
        tpu.vector_store %arg14[%swap3A_1175, %swap3A_1176], %swap3A_1179 {strides = array<i32>} : memref<128x128xf32, #tpu.memory_space<vmem>>, vector<1x16xf32>,
        %mul3A_1180 = arith.constant 16 : i32
        %mul3A_1181 = arith.muli %add3A_178, %mul3A_1180 : i32
        %add3A_1182 = arith.constant 6 : i32
        %add3A_1183 = arith.addi %mul3A_1181, %add3A_1182 : i32
        %get3A_1184 = arith.index_cast %add3A_1183 : i32 to index
        %get3A_1185 = arith.constant 48 : index
        %get3A_1186 = tpu.vector_load %arg14[%get3A_1184, %get3A_1185] {strides = array<i32>} : memref<128x128xf32, #tpu.memory_space<vmem>>, vector<1x16xf32>,
        %get3A_1187 = vector.shape_cast %get3A_1186 : vector<1x16xf32> to vector<16xf32>
        %mul3A_1188 = arith.mulf %get3A_1187, %gather3A_1125 : vector<16xf32>
        %mul3A_1189 = arith.constant 16 : i32
        %mul3A_1190 = arith.muli %add3A_178, %mul3A_1189 : i32
        %add3A_1191 = arith.constant 6 : i32
        %add3A_1192 = arith.addi %mul3A_1190, %add3A_1191 : i32
        %swap3A_1193 = arith.index_cast %add3A_1192 : i32 to index
        %swap3A_1194 = arith.constant 48 : index
        %swap3A_1195 = tpu.vector_load %arg14[%swap3A_1193, %swap3A_1194] {strides = array<i32>} : memref<128x128xf32, #tpu.memory_space<vmem>>, vector<1x16xf32>,
        %swap3A_1196 = vector.shape_cast %swap3A_1195 : vector<1x16xf32> to vector<16xf32>
        %swap3A_1197 = vector.shape_cast %mul3A_1188 : vector<16xf32> to vector<1x16xf32>
        tpu.vector_store %arg14[%swap3A_1193, %swap3A_1194], %swap3A_1197 {strides = array<i32>} : memref<128x128xf32, #tpu.memory_space<vmem>>, vector<1x16xf32>,
        %mul3A_1198 = arith.constant 16 : i32
        %mul3A_1199 = arith.muli %add3A_178, %mul3A_1198 : i32
        %add3A_1200 = arith.constant 6 : i32
        %add3A_1201 = arith.addi %mul3A_1199, %add3A_1200 : i32
        %get3A_1202 = arith.index_cast %add3A_1201 : i32 to index
        %get3A_1203 = arith.constant 64 : index
        %get3A_1204 = tpu.vector_load %arg14[%get3A_1202, %get3A_1203] {strides = array<i32>} : memref<128x128xf32, #tpu.memory_space<vmem>>, vector<1x16xf32>,
        %get3A_1205 = vector.shape_cast %get3A_1204 : vector<1x16xf32> to vector<16xf32>
        %mul3A_1206 = arith.mulf %get3A_1205, %gather3A_1125 : vector<16xf32>
        %mul3A_1207 = arith.constant 16 : i32
        %mul3A_1208 = arith.muli %add3A_178, %mul3A_1207 : i32
        %add3A_1209 = arith.constant 6 : i32
        %add3A_1210 = arith.addi %mul3A_1208, %add3A_1209 : i32
        %swap3A_1211 = arith.index_cast %add3A_1210 : i32 to index
        %swap3A_1212 = arith.constant 64 : index
        %swap3A_1213 = tpu.vector_load %arg14[%swap3A_1211, %swap3A_1212] {strides = array<i32>} : memref<128x128xf32, #tpu.memory_space<vmem>>, vector<1x16xf32>,
        %swap3A_1214 = vector.shape_cast %swap3A_1213 : vector<1x16xf32> to vector<16xf32>
        %swap3A_1215 = vector.shape_cast %mul3A_1206 : vector<16xf32> to vector<1x16xf32>
        tpu.vector_store %arg14[%swap3A_1211, %swap3A_1212], %swap3A_1215 {strides = array<i32>} : memref<128x128xf32, #tpu.memory_space<vmem>>, vector<1x16xf32>,
        %mul3A_1216 = arith.constant 16 : i32
        %mul3A_1217 = arith.muli %add3A_178, %mul3A_1216 : i32
        %add3A_1218 = arith.constant 6 : i32
        %add3A_1219 = arith.addi %mul3A_1217, %add3A_1218 : i32
        %get3A_1220 = arith.index_cast %add3A_1219 : i32 to index
        %get3A_1221 = arith.constant 80 : index
        %get3A_1222 = tpu.vector_load %arg14[%get3A_1220, %get3A_1221] {strides = array<i32>} : memref<128x128xf32, #tpu.memory_space<vmem>>, vector<1x16xf32>,
        %get3A_1223 = vector.shape_cast %get3A_1222 : vector<1x16xf32> to vector<16xf32>
        %mul3A_1224 = arith.mulf %get3A_1223, %gather3A_1125 : vector<16xf32>
        %mul3A_1225 = arith.constant 16 : i32
        %mul3A_1226 = arith.muli %add3A_178, %mul3A_1225 : i32
        %add3A_1227 = arith.constant 6 : i32
        %add3A_1228 = arith.addi %mul3A_1226, %add3A_1227 : i32
        %swap3A_1229 = arith.index_cast %add3A_1228 : i32 to index
        %swap3A_1230 = arith.constant 80 : index
        %swap3A_1231 = tpu.vector_load %arg14[%swap3A_1229, %swap3A_1230] {strides = array<i32>} : memref<128x128xf32, #tpu.memory_space<vmem>>, vector<1x16xf32>,
        %swap3A_1232 = vector.shape_cast %swap3A_1231 : vector<1x16xf32> to vector<16xf32>
        %swap3A_1233 = vector.shape_cast %mul3A_1224 : vector<16xf32> to vector<1x16xf32>
        tpu.vector_store %arg14[%swap3A_1229, %swap3A_1230], %swap3A_1233 {strides = array<i32>} : memref<128x128xf32, #tpu.memory_space<vmem>>, vector<1x16xf32>,
        %mul3A_1234 = arith.constant 16 : i32
        %mul3A_1235 = arith.muli %add3A_178, %mul3A_1234 : i32
        %add3A_1236 = arith.constant 6 : i32
        %add3A_1237 = arith.addi %mul3A_1235, %add3A_1236 : i32
        %get3A_1238 = arith.index_cast %add3A_1237 : i32 to index
        %get3A_1239 = arith.constant 96 : index
        %get3A_1240 = tpu.vector_load %arg14[%get3A_1238, %get3A_1239] {strides = array<i32>} : memref<128x128xf32, #tpu.memory_space<vmem>>, vector<1x16xf32>,
        %get3A_1241 = vector.shape_cast %get3A_1240 : vector<1x16xf32> to vector<16xf32>
        %mul3A_1242 = arith.mulf %get3A_1241, %gather3A_1125 : vector<16xf32>
        %mul3A_1243 = arith.constant 16 : i32
        %mul3A_1244 = arith.muli %add3A_178, %mul3A_1243 : i32
        %add3A_1245 = arith.constant 6 : i32
        %add3A_1246 = arith.addi %mul3A_1244, %add3A_1245 : i32
        %swap3A_1247 = arith.index_cast %add3A_1246 : i32 to index
        %swap3A_1248 = arith.constant 96 : index
        %swap3A_1249 = tpu.vector_load %arg14[%swap3A_1247, %swap3A_1248] {strides = array<i32>} : memref<128x128xf32, #tpu.memory_space<vmem>>, vector<1x16xf32>,
        %swap3A_1250 = vector.shape_cast %swap3A_1249 : vector<1x16xf32> to vector<16xf32>
        %swap3A_1251 = vector.shape_cast %mul3A_1242 : vector<16xf32> to vector<1x16xf32>
        tpu.vector_store %arg14[%swap3A_1247, %swap3A_1248], %swap3A_1251 {strides = array<i32>} : memref<128x128xf32, #tpu.memory_space<vmem>>, vector<1x16xf32>,
        %mul3A_1252 = arith.constant 16 : i32
        %mul3A_1253 = arith.muli %add3A_178, %mul3A_1252 : i32
        %add3A_1254 = arith.constant 6 : i32
        %add3A_1255 = arith.addi %mul3A_1253, %add3A_1254 : i32
        %get3A_1256 = arith.index_cast %add3A_1255 : i32 to index
        %get3A_1257 = arith.constant 112 : index
        %get3A_1258 = tpu.vector_load %arg14[%get3A_1256, %get3A_1257] {strides = array<i32>} : memref<128x128xf32, #tpu.memory_space<vmem>>, vector<1x16xf32>,
        %get3A_1259 = vector.shape_cast %get3A_1258 : vector<1x16xf32> to vector<16xf32>
        %mul3A_1260 = arith.mulf %get3A_1259, %gather3A_1125 : vector<16xf32>
        %mul3A_1261 = arith.constant 16 : i32
        %mul3A_1262 = arith.muli %add3A_178, %mul3A_1261 : i32
        %add3A_1263 = arith.constant 6 : i32
        %add3A_1264 = arith.addi %mul3A_1262, %add3A_1263 : i32
        %swap3A_1265 = arith.index_cast %add3A_1264 : i32 to index
        %swap3A_1266 = arith.constant 112 : index
        %swap3A_1267 = tpu.vector_load %arg14[%swap3A_1265, %swap3A_1266] {strides = array<i32>} : memref<128x128xf32, #tpu.memory_space<vmem>>, vector<1x16xf32>,
        %swap3A_1268 = vector.shape_cast %swap3A_1267 : vector<1x16xf32> to vector<16xf32>
        %swap3A_1269 = vector.shape_cast %mul3A_1260 : vector<16xf32> to vector<1x16xf32>
        tpu.vector_store %arg14[%swap3A_1265, %swap3A_1266], %swap3A_1269 {strides = array<i32>} : memref<128x128xf32, #tpu.memory_space<vmem>>, vector<1x16xf32>,
        %broadcast_in_dim3A_1270 = arith.constant 7 : i32
        %broadcast_in_dim3A_1271 = vector.broadcast %broadcast_in_dim3A_1270 : i32 to vector<16xi32>
        %lt3A_1272 = arith.constant 0 : i32
        %lt3A_1273 = vector.broadcast %lt3A_1272 : i32 to vector<16xi32>
        %lt3A_1274 = arith.cmpi slt, %broadcast_in_dim3A_1271, %lt3A_1273 : vector<16xi32>
        %add3A_1275 = arith.constant 16 : i32
        %add3A_1276 = vector.broadcast %add3A_1275 : i32 to vector<16xi32>
        %add3A_1277 = arith.addi %broadcast_in_dim3A_1271, %add3A_1276 : vector<16xi32>
        %select_n3A_1278 = arith.select %lt3A_1274, %add3A_1277, %broadcast_in_dim3A_1271 : vector<16xi1>, vector<16xi32>
        %reshape3A_1279 = vector.shape_cast %select_n3A_1278 : vector<16xi32> to vector<16x1xi32>
        %gather3A_1280 = vector.shape_cast %reshape3A_1279 : vector<16x1xi32> to vector<16xi32>
        %gather3A_1281 = tpu.dynamic_gather %get3A_182[%gather3A_1280] in [0] : vector<16xf32>, vector<16xi32> -> vector<16xf32>
        %mul3A_1282 = arith.constant 16 : i32
        %mul3A_1283 = arith.muli %add3A_178, %mul3A_1282 : i32
        %add3A_1284 = arith.constant 7 : i32
        %add3A_1285 = arith.addi %mul3A_1283, %add3A_1284 : i32
        %get3A_1286 = arith.index_cast %add3A_1285 : i32 to index
        %get3A_1287 = arith.constant 0 : index
        %get3A_1288 = tpu.vector_load %arg14[%get3A_1286, %get3A_1287] {strides = array<i32>} : memref<128x128xf32, #tpu.memory_space<vmem>>, vector<1x16xf32>,
        %get3A_1289 = vector.shape_cast %get3A_1288 : vector<1x16xf32> to vector<16xf32>
        %mul3A_1290 = arith.mulf %get3A_1289, %gather3A_1281 : vector<16xf32>
        %mul3A_1291 = arith.constant 16 : i32
        %mul3A_1292 = arith.muli %add3A_178, %mul3A_1291 : i32
        %add3A_1293 = arith.constant 7 : i32
        %add3A_1294 = arith.addi %mul3A_1292, %add3A_1293 : i32
        %swap3A_1295 = arith.index_cast %add3A_1294 : i32 to index
        %swap3A_1296 = arith.constant 0 : index
        %swap3A_1297 = tpu.vector_load %arg14[%swap3A_1295, %swap3A_1296] {strides = array<i32>} : memref<128x128xf32, #tpu.memory_space<vmem>>, vector<1x16xf32>,
        %swap3A_1298 = vector.shape_cast %swap3A_1297 : vector<1x16xf32> to vector<16xf32>
        %swap3A_1299 = vector.shape_cast %mul3A_1290 : vector<16xf32> to vector<1x16xf32>
        tpu.vector_store %arg14[%swap3A_1295, %swap3A_1296], %swap3A_1299 {strides = array<i32>} : memref<128x128xf32, #tpu.memory_space<vmem>>, vector<1x16xf32>,
        %mul3A_1300 = arith.constant 16 : i32
        %mul3A_1301 = arith.muli %add3A_178, %mul3A_1300 : i32
        %add3A_1302 = arith.constant 7 : i32
        %add3A_1303 = arith.addi %mul3A_1301, %add3A_1302 : i32
        %get3A_1304 = arith.index_cast %add3A_1303 : i32 to index
        %get3A_1305 = arith.constant 16 : index
        %get3A_1306 = tpu.vector_load %arg14[%get3A_1304, %get3A_1305] {strides = array<i32>} : memref<128x128xf32, #tpu.memory_space<vmem>>, vector<1x16xf32>,
        %get3A_1307 = vector.shape_cast %get3A_1306 : vector<1x16xf32> to vector<16xf32>
        %mul3A_1308 = arith.mulf %get3A_1307, %gather3A_1281 : vector<16xf32>
        %mul3A_1309 = arith.constant 16 : i32
        %mul3A_1310 = arith.muli %add3A_178, %mul3A_1309 : i32
        %add3A_1311 = arith.constant 7 : i32
        %add3A_1312 = arith.addi %mul3A_1310, %add3A_1311 : i32
        %swap3A_1313 = arith.index_cast %add3A_1312 : i32 to index
        %swap3A_1314 = arith.constant 16 : index
        %swap3A_1315 = tpu.vector_load %arg14[%swap3A_1313, %swap3A_1314] {strides = array<i32>} : memref<128x128xf32, #tpu.memory_space<vmem>>, vector<1x16xf32>,
        %swap3A_1316 = vector.shape_cast %swap3A_1315 : vector<1x16xf32> to vector<16xf32>
        %swap3A_1317 = vector.shape_cast %mul3A_1308 : vector<16xf32> to vector<1x16xf32>
        tpu.vector_store %arg14[%swap3A_1313, %swap3A_1314], %swap3A_1317 {strides = array<i32>} : memref<128x128xf32, #tpu.memory_space<vmem>>, vector<1x16xf32>,
        %mul3A_1318 = arith.constant 16 : i32
        %mul3A_1319 = arith.muli %add3A_178, %mul3A_1318 : i32
        %add3A_1320 = arith.constant 7 : i32
        %add3A_1321 = arith.addi %mul3A_1319, %add3A_1320 : i32
        %get3A_1322 = arith.index_cast %add3A_1321 : i32 to index
        %get3A_1323 = arith.constant 32 : index
        %get3A_1324 = tpu.vector_load %arg14[%get3A_1322, %get3A_1323] {strides = array<i32>} : memref<128x128xf32, #tpu.memory_space<vmem>>, vector<1x16xf32>,
        %get3A_1325 = vector.shape_cast %get3A_1324 : vector<1x16xf32> to vector<16xf32>
        %mul3A_1326 = arith.mulf %get3A_1325, %gather3A_1281 : vector<16xf32>
        %mul3A_1327 = arith.constant 16 : i32
        %mul3A_1328 = arith.muli %add3A_178, %mul3A_1327 : i32
        %add3A_1329 = arith.constant 7 : i32
        %add3A_1330 = arith.addi %mul3A_1328, %add3A_1329 : i32
        %swap3A_1331 = arith.index_cast %add3A_1330 : i32 to index
        %swap3A_1332 = arith.constant 32 : index
        %swap3A_1333 = tpu.vector_load %arg14[%swap3A_1331, %swap3A_1332] {strides = array<i32>} : memref<128x128xf32, #tpu.memory_space<vmem>>, vector<1x16xf32>,
        %swap3A_1334 = vector.shape_cast %swap3A_1333 : vector<1x16xf32> to vector<16xf32>
        %swap3A_1335 = vector.shape_cast %mul3A_1326 : vector<16xf32> to vector<1x16xf32>
        tpu.vector_store %arg14[%swap3A_1331, %swap3A_1332], %swap3A_1335 {strides = array<i32>} : memref<128x128xf32, #tpu.memory_space<vmem>>, vector<1x16xf32>,
        %mul3A_1336 = arith.constant 16 : i32
        %mul3A_1337 = arith.muli %add3A_178, %mul3A_1336 : i32
        %add3A_1338 = arith.constant 7 : i32
        %add3A_1339 = arith.addi %mul3A_1337, %add3A_1338 : i32
        %get3A_1340 = arith.index_cast %add3A_1339 : i32 to index
        %get3A_1341 = arith.constant 48 : index
        %get3A_1342 = tpu.vector_load %arg14[%get3A_1340, %get3A_1341] {strides = array<i32>} : memref<128x128xf32, #tpu.memory_space<vmem>>, vector<1x16xf32>,
        %get3A_1343 = vector.shape_cast %get3A_1342 : vector<1x16xf32> to vector<16xf32>
        %mul3A_1344 = arith.mulf %get3A_1343, %gather3A_1281 : vector<16xf32>
        %mul3A_1345 = arith.constant 16 : i32
        %mul3A_1346 = arith.muli %add3A_178, %mul3A_1345 : i32
        %add3A_1347 = arith.constant 7 : i32
        %add3A_1348 = arith.addi %mul3A_1346, %add3A_1347 : i32
        %swap3A_1349 = arith.index_cast %add3A_1348 : i32 to index
        %swap3A_1350 = arith.constant 48 : index
        %swap3A_1351 = tpu.vector_load %arg14[%swap3A_1349, %swap3A_1350] {strides = array<i32>} : memref<128x128xf32, #tpu.memory_space<vmem>>, vector<1x16xf32>,
        %swap3A_1352 = vector.shape_cast %swap3A_1351 : vector<1x16xf32> to vector<16xf32>
        %swap3A_1353 = vector.shape_cast %mul3A_1344 : vector<16xf32> to vector<1x16xf32>
        tpu.vector_store %arg14[%swap3A_1349, %swap3A_1350], %swap3A_1353 {strides = array<i32>} : memref<128x128xf32, #tpu.memory_space<vmem>>, vector<1x16xf32>,
        %mul3A_1354 = arith.constant 16 : i32
        %mul3A_1355 = arith.muli %add3A_178, %mul3A_1354 : i32
        %add3A_1356 = arith.constant 7 : i32
        %add3A_1357 = arith.addi %mul3A_1355, %add3A_1356 : i32
        %get3A_1358 = arith.index_cast %add3A_1357 : i32 to index
        %get3A_1359 = arith.constant 64 : index
        %get3A_1360 = tpu.vector_load %arg14[%get3A_1358, %get3A_1359] {strides = array<i32>} : memref<128x128xf32, #tpu.memory_space<vmem>>, vector<1x16xf32>,
        %get3A_1361 = vector.shape_cast %get3A_1360 : vector<1x16xf32> to vector<16xf32>
        %mul3A_1362 = arith.mulf %get3A_1361, %gather3A_1281 : vector<16xf32>
        %mul3A_1363 = arith.constant 16 : i32
        %mul3A_1364 = arith.muli %add3A_178, %mul3A_1363 : i32
        %add3A_1365 = arith.constant 7 : i32
        %add3A_1366 = arith.addi %mul3A_1364, %add3A_1365 : i32
        %swap3A_1367 = arith.index_cast %add3A_1366 : i32 to index
        %swap3A_1368 = arith.constant 64 : index
        %swap3A_1369 = tpu.vector_load %arg14[%swap3A_1367, %swap3A_1368] {strides = array<i32>} : memref<128x128xf32, #tpu.memory_space<vmem>>, vector<1x16xf32>,
        %swap3A_1370 = vector.shape_cast %swap3A_1369 : vector<1x16xf32> to vector<16xf32>
        %swap3A_1371 = vector.shape_cast %mul3A_1362 : vector<16xf32> to vector<1x16xf32>
        tpu.vector_store %arg14[%swap3A_1367, %swap3A_1368], %swap3A_1371 {strides = array<i32>} : memref<128x128xf32, #tpu.memory_space<vmem>>, vector<1x16xf32>,
        %mul3A_1372 = arith.constant 16 : i32
        %mul3A_1373 = arith.muli %add3A_178, %mul3A_1372 : i32
        %add3A_1374 = arith.constant 7 : i32
        %add3A_1375 = arith.addi %mul3A_1373, %add3A_1374 : i32
        %get3A_1376 = arith.index_cast %add3A_1375 : i32 to index
        %get3A_1377 = arith.constant 80 : index
        %get3A_1378 = tpu.vector_load %arg14[%get3A_1376, %get3A_1377] {strides = array<i32>} : memref<128x128xf32, #tpu.memory_space<vmem>>, vector<1x16xf32>,
        %get3A_1379 = vector.shape_cast %get3A_1378 : vector<1x16xf32> to vector<16xf32>
        %mul3A_1380 = arith.mulf %get3A_1379, %gather3A_1281 : vector<16xf32>
        %mul3A_1381 = arith.constant 16 : i32
        %mul3A_1382 = arith.muli %add3A_178, %mul3A_1381 : i32
        %add3A_1383 = arith.constant 7 : i32
        %add3A_1384 = arith.addi %mul3A_1382, %add3A_1383 : i32
        %swap3A_1385 = arith.index_cast %add3A_1384 : i32 to index
        %swap3A_1386 = arith.constant 80 : index
        %swap3A_1387 = tpu.vector_load %arg14[%swap3A_1385, %swap3A_1386] {strides = array<i32>} : memref<128x128xf32, #tpu.memory_space<vmem>>, vector<1x16xf32>,
        %swap3A_1388 = vector.shape_cast %swap3A_1387 : vector<1x16xf32> to vector<16xf32>
        %swap3A_1389 = vector.shape_cast %mul3A_1380 : vector<16xf32> to vector<1x16xf32>
        tpu.vector_store %arg14[%swap3A_1385, %swap3A_1386], %swap3A_1389 {strides = array<i32>} : memref<128x128xf32, #tpu.memory_space<vmem>>, vector<1x16xf32>,
        %mul3A_1390 = arith.constant 16 : i32
        %mul3A_1391 = arith.muli %add3A_178, %mul3A_1390 : i32
        %add3A_1392 = arith.constant 7 : i32
        %add3A_1393 = arith.addi %mul3A_1391, %add3A_1392 : i32
        %get3A_1394 = arith.index_cast %add3A_1393 : i32 to index
        %get3A_1395 = arith.constant 96 : index
        %get3A_1396 = tpu.vector_load %arg14[%get3A_1394, %get3A_1395] {strides = array<i32>} : memref<128x128xf32, #tpu.memory_space<vmem>>, vector<1x16xf32>,
        %get3A_1397 = vector.shape_cast %get3A_1396 : vector<1x16xf32> to vector<16xf32>
        %mul3A_1398 = arith.mulf %get3A_1397, %gather3A_1281 : vector<16xf32>
        %mul3A_1399 = arith.constant 16 : i32
        %mul3A_1400 = arith.muli %add3A_178, %mul3A_1399 : i32
        %add3A_1401 = arith.constant 7 : i32
        %add3A_1402 = arith.addi %mul3A_1400, %add3A_1401 : i32
        %swap3A_1403 = arith.index_cast %add3A_1402 : i32 to index
        %swap3A_1404 = arith.constant 96 : index
        %swap3A_1405 = tpu.vector_load %arg14[%swap3A_1403, %swap3A_1404] {strides = array<i32>} : memref<128x128xf32, #tpu.memory_space<vmem>>, vector<1x16xf32>,
        %swap3A_1406 = vector.shape_cast %swap3A_1405 : vector<1x16xf32> to vector<16xf32>
        %swap3A_1407 = vector.shape_cast %mul3A_1398 : vector<16xf32> to vector<1x16xf32>
        tpu.vector_store %arg14[%swap3A_1403, %swap3A_1404], %swap3A_1407 {strides = array<i32>} : memref<128x128xf32, #tpu.memory_space<vmem>>, vector<1x16xf32>,
        %mul3A_1408 = arith.constant 16 : i32
        %mul3A_1409 = arith.muli %add3A_178, %mul3A_1408 : i32
        %add3A_1410 = arith.constant 7 : i32
        %add3A_1411 = arith.addi %mul3A_1409, %add3A_1410 : i32
        %get3A_1412 = arith.index_cast %add3A_1411 : i32 to index
        %get3A_1413 = arith.constant 112 : index
        %get3A_1414 = tpu.vector_load %arg14[%get3A_1412, %get3A_1413] {strides = array<i32>} : memref<128x128xf32, #tpu.memory_space<vmem>>, vector<1x16xf32>,
        %get3A_1415 = vector.shape_cast %get3A_1414 : vector<1x16xf32> to vector<16xf32>
        %mul3A_1416 = arith.mulf %get3A_1415, %gather3A_1281 : vector<16xf32>
        %mul3A_1417 = arith.constant 16 : i32
        %mul3A_1418 = arith.muli %add3A_178, %mul3A_1417 : i32
        %add3A_1419 = arith.constant 7 : i32
        %add3A_1420 = arith.addi %mul3A_1418, %add3A_1419 : i32
        %swap3A_1421 = arith.index_cast %add3A_1420 : i32 to index
        %swap3A_1422 = arith.constant 112 : index
        %swap3A_1423 = tpu.vector_load %arg14[%swap3A_1421, %swap3A_1422] {strides = array<i32>} : memref<128x128xf32, #tpu.memory_space<vmem>>, vector<1x16xf32>,
        %swap3A_1424 = vector.shape_cast %swap3A_1423 : vector<1x16xf32> to vector<16xf32>
        %swap3A_1425 = vector.shape_cast %mul3A_1416 : vector<16xf32> to vector<1x16xf32>
        tpu.vector_store %arg14[%swap3A_1421, %swap3A_1422], %swap3A_1425 {strides = array<i32>} : memref<128x128xf32, #tpu.memory_space<vmem>>, vector<1x16xf32>,
        %broadcast_in_dim3A_1426 = arith.constant 8 : i32
        %broadcast_in_dim3A_1427 = vector.broadcast %broadcast_in_dim3A_1426 : i32 to vector<16xi32>
        %lt3A_1428 = arith.constant 0 : i32
        %lt3A_1429 = vector.broadcast %lt3A_1428 : i32 to vector<16xi32>
        %lt3A_1430 = arith.cmpi slt, %broadcast_in_dim3A_1427, %lt3A_1429 : vector<16xi32>
        %add3A_1431 = arith.constant 16 : i32
        %add3A_1432 = vector.broadcast %add3A_1431 : i32 to vector<16xi32>
        %add3A_1433 = arith.addi %broadcast_in_dim3A_1427, %add3A_1432 : vector<16xi32>
        %select_n3A_1434 = arith.select %lt3A_1430, %add3A_1433, %broadcast_in_dim3A_1427 : vector<16xi1>, vector<16xi32>
        %reshape3A_1435 = vector.shape_cast %select_n3A_1434 : vector<16xi32> to vector<16x1xi32>
        %gather3A_1436 = vector.shape_cast %reshape3A_1435 : vector<16x1xi32> to vector<16xi32>
        %gather3A_1437 = tpu.dynamic_gather %get3A_182[%gather3A_1436] in [0] : vector<16xf32>, vector<16xi32> -> vector<16xf32>
        %mul3A_1438 = arith.constant 16 : i32
        %mul3A_1439 = arith.muli %add3A_178, %mul3A_1438 : i32
        %add3A_1440 = arith.constant 8 : i32
        %add3A_1441 = arith.addi %mul3A_1439, %add3A_1440 : i32
        %get3A_1442 = arith.index_cast %add3A_1441 : i32 to index
        %get3A_1443 = arith.constant 0 : index
        %get3A_1444 = tpu.vector_load %arg14[%get3A_1442, %get3A_1443] {strides = array<i32>} : memref<128x128xf32, #tpu.memory_space<vmem>>, vector<1x16xf32>,
        %get3A_1445 = vector.shape_cast %get3A_1444 : vector<1x16xf32> to vector<16xf32>
        %mul3A_1446 = arith.mulf %get3A_1445, %gather3A_1437 : vector<16xf32>
        %mul3A_1447 = arith.constant 16 : i32
        %mul3A_1448 = arith.muli %add3A_178, %mul3A_1447 : i32
        %add3A_1449 = arith.constant 8 : i32
        %add3A_1450 = arith.addi %mul3A_1448, %add3A_1449 : i32
        %swap3A_1451 = arith.index_cast %add3A_1450 : i32 to index
        %swap3A_1452 = arith.constant 0 : index
        %swap3A_1453 = tpu.vector_load %arg14[%swap3A_1451, %swap3A_1452] {strides = array<i32>} : memref<128x128xf32, #tpu.memory_space<vmem>>, vector<1x16xf32>,
        %swap3A_1454 = vector.shape_cast %swap3A_1453 : vector<1x16xf32> to vector<16xf32>
        %swap3A_1455 = vector.shape_cast %mul3A_1446 : vector<16xf32> to vector<1x16xf32>
        tpu.vector_store %arg14[%swap3A_1451, %swap3A_1452], %swap3A_1455 {strides = array<i32>} : memref<128x128xf32, #tpu.memory_space<vmem>>, vector<1x16xf32>,
        %mul3A_1456 = arith.constant 16 : i32
        %mul3A_1457 = arith.muli %add3A_178, %mul3A_1456 : i32
        %add3A_1458 = arith.constant 8 : i32
        %add3A_1459 = arith.addi %mul3A_1457, %add3A_1458 : i32
        %get3A_1460 = arith.index_cast %add3A_1459 : i32 to index
        %get3A_1461 = arith.constant 16 : index
        %get3A_1462 = tpu.vector_load %arg14[%get3A_1460, %get3A_1461] {strides = array<i32>} : memref<128x128xf32, #tpu.memory_space<vmem>>, vector<1x16xf32>,
        %get3A_1463 = vector.shape_cast %get3A_1462 : vector<1x16xf32> to vector<16xf32>
        %mul3A_1464 = arith.mulf %get3A_1463, %gather3A_1437 : vector<16xf32>
        %mul3A_1465 = arith.constant 16 : i32
        %mul3A_1466 = arith.muli %add3A_178, %mul3A_1465 : i32
        %add3A_1467 = arith.constant 8 : i32
        %add3A_1468 = arith.addi %mul3A_1466, %add3A_1467 : i32
        %swap3A_1469 = arith.index_cast %add3A_1468 : i32 to index
        %swap3A_1470 = arith.constant 16 : index
        %swap3A_1471 = tpu.vector_load %arg14[%swap3A_1469, %swap3A_1470] {strides = array<i32>} : memref<128x128xf32, #tpu.memory_space<vmem>>, vector<1x16xf32>,
        %swap3A_1472 = vector.shape_cast %swap3A_1471 : vector<1x16xf32> to vector<16xf32>
        %swap3A_1473 = vector.shape_cast %mul3A_1464 : vector<16xf32> to vector<1x16xf32>
        tpu.vector_store %arg14[%swap3A_1469, %swap3A_1470], %swap3A_1473 {strides = array<i32>} : memref<128x128xf32, #tpu.memory_space<vmem>>, vector<1x16xf32>,
        %mul3A_1474 = arith.constant 16 : i32
        %mul3A_1475 = arith.muli %add3A_178, %mul3A_1474 : i32
        %add3A_1476 = arith.constant 8 : i32
        %add3A_1477 = arith.addi %mul3A_1475, %add3A_1476 : i32
        %get3A_1478 = arith.index_cast %add3A_1477 : i32 to index
        %get3A_1479 = arith.constant 32 : index
        %get3A_1480 = tpu.vector_load %arg14[%get3A_1478, %get3A_1479] {strides = array<i32>} : memref<128x128xf32, #tpu.memory_space<vmem>>, vector<1x16xf32>,
        %get3A_1481 = vector.shape_cast %get3A_1480 : vector<1x16xf32> to vector<16xf32>
        %mul3A_1482 = arith.mulf %get3A_1481, %gather3A_1437 : vector<16xf32>
        %mul3A_1483 = arith.constant 16 : i32
        %mul3A_1484 = arith.muli %add3A_178, %mul3A_1483 : i32
        %add3A_1485 = arith.constant 8 : i32
        %add3A_1486 = arith.addi %mul3A_1484, %add3A_1485 : i32
        %swap3A_1487 = arith.index_cast %add3A_1486 : i32 to index
        %swap3A_1488 = arith.constant 32 : index
        %swap3A_1489 = tpu.vector_load %arg14[%swap3A_1487, %swap3A_1488] {strides = array<i32>} : memref<128x128xf32, #tpu.memory_space<vmem>>, vector<1x16xf32>,
        %swap3A_1490 = vector.shape_cast %swap3A_1489 : vector<1x16xf32> to vector<16xf32>
        %swap3A_1491 = vector.shape_cast %mul3A_1482 : vector<16xf32> to vector<1x16xf32>
        tpu.vector_store %arg14[%swap3A_1487, %swap3A_1488], %swap3A_1491 {strides = array<i32>} : memref<128x128xf32, #tpu.memory_space<vmem>>, vector<1x16xf32>,
        %mul3A_1492 = arith.constant 16 : i32
        %mul3A_1493 = arith.muli %add3A_178, %mul3A_1492 : i32
        %add3A_1494 = arith.constant 8 : i32
        %add3A_1495 = arith.addi %mul3A_1493, %add3A_1494 : i32
        %get3A_1496 = arith.index_cast %add3A_1495 : i32 to index
        %get3A_1497 = arith.constant 48 : index
        %get3A_1498 = tpu.vector_load %arg14[%get3A_1496, %get3A_1497] {strides = array<i32>} : memref<128x128xf32, #tpu.memory_space<vmem>>, vector<1x16xf32>,
        %get3A_1499 = vector.shape_cast %get3A_1498 : vector<1x16xf32> to vector<16xf32>
        %mul3A_1500 = arith.mulf %get3A_1499, %gather3A_1437 : vector<16xf32>
        %mul3A_1501 = arith.constant 16 : i32
        %mul3A_1502 = arith.muli %add3A_178, %mul3A_1501 : i32
        %add3A_1503 = arith.constant 8 : i32
        %add3A_1504 = arith.addi %mul3A_1502, %add3A_1503 : i32
        %swap3A_1505 = arith.index_cast %add3A_1504 : i32 to index
        %swap3A_1506 = arith.constant 48 : index
        %swap3A_1507 = tpu.vector_load %arg14[%swap3A_1505, %swap3A_1506] {strides = array<i32>} : memref<128x128xf32, #tpu.memory_space<vmem>>, vector<1x16xf32>,
        %swap3A_1508 = vector.shape_cast %swap3A_1507 : vector<1x16xf32> to vector<16xf32>
        %swap3A_1509 = vector.shape_cast %mul3A_1500 : vector<16xf32> to vector<1x16xf32>
        tpu.vector_store %arg14[%swap3A_1505, %swap3A_1506], %swap3A_1509 {strides = array<i32>} : memref<128x128xf32, #tpu.memory_space<vmem>>, vector<1x16xf32>,
        %mul3A_1510 = arith.constant 16 : i32
        %mul3A_1511 = arith.muli %add3A_178, %mul3A_1510 : i32
        %add3A_1512 = arith.constant 8 : i32
        %add3A_1513 = arith.addi %mul3A_1511, %add3A_1512 : i32
        %get3A_1514 = arith.index_cast %add3A_1513 : i32 to index
        %get3A_1515 = arith.constant 64 : index
        %get3A_1516 = tpu.vector_load %arg14[%get3A_1514, %get3A_1515] {strides = array<i32>} : memref<128x128xf32, #tpu.memory_space<vmem>>, vector<1x16xf32>,
        %get3A_1517 = vector.shape_cast %get3A_1516 : vector<1x16xf32> to vector<16xf32>
        %mul3A_1518 = arith.mulf %get3A_1517, %gather3A_1437 : vector<16xf32>
        %mul3A_1519 = arith.constant 16 : i32
        %mul3A_1520 = arith.muli %add3A_178, %mul3A_1519 : i32
        %add3A_1521 = arith.constant 8 : i32
        %add3A_1522 = arith.addi %mul3A_1520, %add3A_1521 : i32
        %swap3A_1523 = arith.index_cast %add3A_1522 : i32 to index
        %swap3A_1524 = arith.constant 64 : index
        %swap3A_1525 = tpu.vector_load %arg14[%swap3A_1523, %swap3A_1524] {strides = array<i32>} : memref<128x128xf32, #tpu.memory_space<vmem>>, vector<1x16xf32>,
        %swap3A_1526 = vector.shape_cast %swap3A_1525 : vector<1x16xf32> to vector<16xf32>
        %swap3A_1527 = vector.shape_cast %mul3A_1518 : vector<16xf32> to vector<1x16xf32>
        tpu.vector_store %arg14[%swap3A_1523, %swap3A_1524], %swap3A_1527 {strides = array<i32>} : memref<128x128xf32, #tpu.memory_space<vmem>>, vector<1x16xf32>,
        %mul3A_1528 = arith.constant 16 : i32
        %mul3A_1529 = arith.muli %add3A_178, %mul3A_1528 : i32
        %add3A_1530 = arith.constant 8 : i32
        %add3A_1531 = arith.addi %mul3A_1529, %add3A_1530 : i32
        %get3A_1532 = arith.index_cast %add3A_1531 : i32 to index
        %get3A_1533 = arith.constant 80 : index
        %get3A_1534 = tpu.vector_load %arg14[%get3A_1532, %get3A_1533] {strides = array<i32>} : memref<128x128xf32, #tpu.memory_space<vmem>>, vector<1x16xf32>,
        %get3A_1535 = vector.shape_cast %get3A_1534 : vector<1x16xf32> to vector<16xf32>
        %mul3A_1536 = arith.mulf %get3A_1535, %gather3A_1437 : vector<16xf32>
        %mul3A_1537 = arith.constant 16 : i32
        %mul3A_1538 = arith.muli %add3A_178, %mul3A_1537 : i32
        %add3A_1539 = arith.constant 8 : i32
        %add3A_1540 = arith.addi %mul3A_1538, %add3A_1539 : i32
        %swap3A_1541 = arith.index_cast %add3A_1540 : i32 to index
        %swap3A_1542 = arith.constant 80 : index
        %swap3A_1543 = tpu.vector_load %arg14[%swap3A_1541, %swap3A_1542] {strides = array<i32>} : memref<128x128xf32, #tpu.memory_space<vmem>>, vector<1x16xf32>,
        %swap3A_1544 = vector.shape_cast %swap3A_1543 : vector<1x16xf32> to vector<16xf32>
        %swap3A_1545 = vector.shape_cast %mul3A_1536 : vector<16xf32> to vector<1x16xf32>
        tpu.vector_store %arg14[%swap3A_1541, %swap3A_1542], %swap3A_1545 {strides = array<i32>} : memref<128x128xf32, #tpu.memory_space<vmem>>, vector<1x16xf32>,
        %mul3A_1546 = arith.constant 16 : i32
        %mul3A_1547 = arith.muli %add3A_178, %mul3A_1546 : i32
        %add3A_1548 = arith.constant 8 : i32
        %add3A_1549 = arith.addi %mul3A_1547, %add3A_1548 : i32
        %get3A_1550 = arith.index_cast %add3A_1549 : i32 to index
        %get3A_1551 = arith.constant 96 : index
        %get3A_1552 = tpu.vector_load %arg14[%get3A_1550, %get3A_1551] {strides = array<i32>} : memref<128x128xf32, #tpu.memory_space<vmem>>, vector<1x16xf32>,
        %get3A_1553 = vector.shape_cast %get3A_1552 : vector<1x16xf32> to vector<16xf32>
        %mul3A_1554 = arith.mulf %get3A_1553, %gather3A_1437 : vector<16xf32>
        %mul3A_1555 = arith.constant 16 : i32
        %mul3A_1556 = arith.muli %add3A_178, %mul3A_1555 : i32
        %add3A_1557 = arith.constant 8 : i32
        %add3A_1558 = arith.addi %mul3A_1556, %add3A_1557 : i32
        %swap3A_1559 = arith.index_cast %add3A_1558 : i32 to index
        %swap3A_1560 = arith.constant 96 : index
        %swap3A_1561 = tpu.vector_load %arg14[%swap3A_1559, %swap3A_1560] {strides = array<i32>} : memref<128x128xf32, #tpu.memory_space<vmem>>, vector<1x16xf32>,
        %swap3A_1562 = vector.shape_cast %swap3A_1561 : vector<1x16xf32> to vector<16xf32>
        %swap3A_1563 = vector.shape_cast %mul3A_1554 : vector<16xf32> to vector<1x16xf32>
        tpu.vector_store %arg14[%swap3A_1559, %swap3A_1560], %swap3A_1563 {strides = array<i32>} : memref<128x128xf32, #tpu.memory_space<vmem>>, vector<1x16xf32>,
        %mul3A_1564 = arith.constant 16 : i32
        %mul3A_1565 = arith.muli %add3A_178, %mul3A_1564 : i32
        %add3A_1566 = arith.constant 8 : i32
        %add3A_1567 = arith.addi %mul3A_1565, %add3A_1566 : i32
        %get3A_1568 = arith.index_cast %add3A_1567 : i32 to index
        %get3A_1569 = arith.constant 112 : index
        %get3A_1570 = tpu.vector_load %arg14[%get3A_1568, %get3A_1569] {strides = array<i32>} : memref<128x128xf32, #tpu.memory_space<vmem>>, vector<1x16xf32>,
        %get3A_1571 = vector.shape_cast %get3A_1570 : vector<1x16xf32> to vector<16xf32>
        %mul3A_1572 = arith.mulf %get3A_1571, %gather3A_1437 : vector<16xf32>
        %mul3A_1573 = arith.constant 16 : i32
        %mul3A_1574 = arith.muli %add3A_178, %mul3A_1573 : i32
        %add3A_1575 = arith.constant 8 : i32
        %add3A_1576 = arith.addi %mul3A_1574, %add3A_1575 : i32
        %swap3A_1577 = arith.index_cast %add3A_1576 : i32 to index
        %swap3A_1578 = arith.constant 112 : index
        %swap3A_1579 = tpu.vector_load %arg14[%swap3A_1577, %swap3A_1578] {strides = array<i32>} : memref<128x128xf32, #tpu.memory_space<vmem>>, vector<1x16xf32>,
        %swap3A_1580 = vector.shape_cast %swap3A_1579 : vector<1x16xf32> to vector<16xf32>
        %swap3A_1581 = vector.shape_cast %mul3A_1572 : vector<16xf32> to vector<1x16xf32>
        tpu.vector_store %arg14[%swap3A_1577, %swap3A_1578], %swap3A_1581 {strides = array<i32>} : memref<128x128xf32, #tpu.memory_space<vmem>>, vector<1x16xf32>,
        %broadcast_in_dim3A_1582 = arith.constant 9 : i32
        %broadcast_in_dim3A_1583 = vector.broadcast %broadcast_in_dim3A_1582 : i32 to vector<16xi32>
        %lt3A_1584 = arith.constant 0 : i32
        %lt3A_1585 = vector.broadcast %lt3A_1584 : i32 to vector<16xi32>
        %lt3A_1586 = arith.cmpi slt, %broadcast_in_dim3A_1583, %lt3A_1585 : vector<16xi32>
        %add3A_1587 = arith.constant 16 : i32
        %add3A_1588 = vector.broadcast %add3A_1587 : i32 to vector<16xi32>
        %add3A_1589 = arith.addi %broadcast_in_dim3A_1583, %add3A_1588 : vector<16xi32>
        %select_n3A_1590 = arith.select %lt3A_1586, %add3A_1589, %broadcast_in_dim3A_1583 : vector<16xi1>, vector<16xi32>
        %reshape3A_1591 = vector.shape_cast %select_n3A_1590 : vector<16xi32> to vector<16x1xi32>
        %gather3A_1592 = vector.shape_cast %reshape3A_1591 : vector<16x1xi32> to vector<16xi32>
        %gather3A_1593 = tpu.dynamic_gather %get3A_182[%gather3A_1592] in [0] : vector<16xf32>, vector<16xi32> -> vector<16xf32>
        %mul3A_1594 = arith.constant 16 : i32
        %mul3A_1595 = arith.muli %add3A_178, %mul3A_1594 : i32
        %add3A_1596 = arith.constant 9 : i32
        %add3A_1597 = arith.addi %mul3A_1595, %add3A_1596 : i32
        %get3A_1598 = arith.index_cast %add3A_1597 : i32 to index
        %get3A_1599 = arith.constant 0 : index
        %get3A_1600 = tpu.vector_load %arg14[%get3A_1598, %get3A_1599] {strides = array<i32>} : memref<128x128xf32, #tpu.memory_space<vmem>>, vector<1x16xf32>,
        %get3A_1601 = vector.shape_cast %get3A_1600 : vector<1x16xf32> to vector<16xf32>
        %mul3A_1602 = arith.mulf %get3A_1601, %gather3A_1593 : vector<16xf32>
        %mul3A_1603 = arith.constant 16 : i32
        %mul3A_1604 = arith.muli %add3A_178, %mul3A_1603 : i32
        %add3A_1605 = arith.constant 9 : i32
        %add3A_1606 = arith.addi %mul3A_1604, %add3A_1605 : i32
        %swap3A_1607 = arith.index_cast %add3A_1606 : i32 to index
        %swap3A_1608 = arith.constant 0 : index
        %swap3A_1609 = tpu.vector_load %arg14[%swap3A_1607, %swap3A_1608] {strides = array<i32>} : memref<128x128xf32, #tpu.memory_space<vmem>>, vector<1x16xf32>,
        %swap3A_1610 = vector.shape_cast %swap3A_1609 : vector<1x16xf32> to vector<16xf32>
        %swap3A_1611 = vector.shape_cast %mul3A_1602 : vector<16xf32> to vector<1x16xf32>
        tpu.vector_store %arg14[%swap3A_1607, %swap3A_1608], %swap3A_1611 {strides = array<i32>} : memref<128x128xf32, #tpu.memory_space<vmem>>, vector<1x16xf32>,
        %mul3A_1612 = arith.constant 16 : i32
        %mul3A_1613 = arith.muli %add3A_178, %mul3A_1612 : i32
        %add3A_1614 = arith.constant 9 : i32
        %add3A_1615 = arith.addi %mul3A_1613, %add3A_1614 : i32
        %get3A_1616 = arith.index_cast %add3A_1615 : i32 to index
        %get3A_1617 = arith.constant 16 : index
        %get3A_1618 = tpu.vector_load %arg14[%get3A_1616, %get3A_1617] {strides = array<i32>} : memref<128x128xf32, #tpu.memory_space<vmem>>, vector<1x16xf32>,
        %get3A_1619 = vector.shape_cast %get3A_1618 : vector<1x16xf32> to vector<16xf32>
        %mul3A_1620 = arith.mulf %get3A_1619, %gather3A_1593 : vector<16xf32>
        %mul3A_1621 = arith.constant 16 : i32
        %mul3A_1622 = arith.muli %add3A_178, %mul3A_1621 : i32
        %add3A_1623 = arith.constant 9 : i32
        %add3A_1624 = arith.addi %mul3A_1622, %add3A_1623 : i32
        %swap3A_1625 = arith.index_cast %add3A_1624 : i32 to index
        %swap3A_1626 = arith.constant 16 : index
        %swap3A_1627 = tpu.vector_load %arg14[%swap3A_1625, %swap3A_1626] {strides = array<i32>} : memref<128x128xf32, #tpu.memory_space<vmem>>, vector<1x16xf32>,
        %swap3A_1628 = vector.shape_cast %swap3A_1627 : vector<1x16xf32> to vector<16xf32>
        %swap3A_1629 = vector.shape_cast %mul3A_1620 : vector<16xf32> to vector<1x16xf32>
        tpu.vector_store %arg14[%swap3A_1625, %swap3A_1626], %swap3A_1629 {strides = array<i32>} : memref<128x128xf32, #tpu.memory_space<vmem>>, vector<1x16xf32>,
        %mul3A_1630 = arith.constant 16 : i32
        %mul3A_1631 = arith.muli %add3A_178, %mul3A_1630 : i32
        %add3A_1632 = arith.constant 9 : i32
        %add3A_1633 = arith.addi %mul3A_1631, %add3A_1632 : i32
        %get3A_1634 = arith.index_cast %add3A_1633 : i32 to index
        %get3A_1635 = arith.constant 32 : index
        %get3A_1636 = tpu.vector_load %arg14[%get3A_1634, %get3A_1635] {strides = array<i32>} : memref<128x128xf32, #tpu.memory_space<vmem>>, vector<1x16xf32>,
        %get3A_1637 = vector.shape_cast %get3A_1636 : vector<1x16xf32> to vector<16xf32>
        %mul3A_1638 = arith.mulf %get3A_1637, %gather3A_1593 : vector<16xf32>
        %mul3A_1639 = arith.constant 16 : i32
        %mul3A_1640 = arith.muli %add3A_178, %mul3A_1639 : i32
        %add3A_1641 = arith.constant 9 : i32
        %add3A_1642 = arith.addi %mul3A_1640, %add3A_1641 : i32
        %swap3A_1643 = arith.index_cast %add3A_1642 : i32 to index
        %swap3A_1644 = arith.constant 32 : index
        %swap3A_1645 = tpu.vector_load %arg14[%swap3A_1643, %swap3A_1644] {strides = array<i32>} : memref<128x128xf32, #tpu.memory_space<vmem>>, vector<1x16xf32>,
        %swap3A_1646 = vector.shape_cast %swap3A_1645 : vector<1x16xf32> to vector<16xf32>
        %swap3A_1647 = vector.shape_cast %mul3A_1638 : vector<16xf32> to vector<1x16xf32>
        tpu.vector_store %arg14[%swap3A_1643, %swap3A_1644], %swap3A_1647 {strides = array<i32>} : memref<128x128xf32, #tpu.memory_space<vmem>>, vector<1x16xf32>,
        %mul3A_1648 = arith.constant 16 : i32
        %mul3A_1649 = arith.muli %add3A_178, %mul3A_1648 : i32
        %add3A_1650 = arith.constant 9 : i32
        %add3A_1651 = arith.addi %mul3A_1649, %add3A_1650 : i32
        %get3A_1652 = arith.index_cast %add3A_1651 : i32 to index
        %get3A_1653 = arith.constant 48 : index
        %get3A_1654 = tpu.vector_load %arg14[%get3A_1652, %get3A_1653] {strides = array<i32>} : memref<128x128xf32, #tpu.memory_space<vmem>>, vector<1x16xf32>,
        %get3A_1655 = vector.shape_cast %get3A_1654 : vector<1x16xf32> to vector<16xf32>
        %mul3A_1656 = arith.mulf %get3A_1655, %gather3A_1593 : vector<16xf32>
        %mul3A_1657 = arith.constant 16 : i32
        %mul3A_1658 = arith.muli %add3A_178, %mul3A_1657 : i32
        %add3A_1659 = arith.constant 9 : i32
        %add3A_1660 = arith.addi %mul3A_1658, %add3A_1659 : i32
        %swap3A_1661 = arith.index_cast %add3A_1660 : i32 to index
        %swap3A_1662 = arith.constant 48 : index
        %swap3A_1663 = tpu.vector_load %arg14[%swap3A_1661, %swap3A_1662] {strides = array<i32>} : memref<128x128xf32, #tpu.memory_space<vmem>>, vector<1x16xf32>,
        %swap3A_1664 = vector.shape_cast %swap3A_1663 : vector<1x16xf32> to vector<16xf32>
        %swap3A_1665 = vector.shape_cast %mul3A_1656 : vector<16xf32> to vector<1x16xf32>
        tpu.vector_store %arg14[%swap3A_1661, %swap3A_1662], %swap3A_1665 {strides = array<i32>} : memref<128x128xf32, #tpu.memory_space<vmem>>, vector<1x16xf32>,
        %mul3A_1666 = arith.constant 16 : i32
        %mul3A_1667 = arith.muli %add3A_178, %mul3A_1666 : i32
        %add3A_1668 = arith.constant 9 : i32
        %add3A_1669 = arith.addi %mul3A_1667, %add3A_1668 : i32
        %get3A_1670 = arith.index_cast %add3A_1669 : i32 to index
        %get3A_1671 = arith.constant 64 : index
        %get3A_1672 = tpu.vector_load %arg14[%get3A_1670, %get3A_1671] {strides = array<i32>} : memref<128x128xf32, #tpu.memory_space<vmem>>, vector<1x16xf32>,
        %get3A_1673 = vector.shape_cast %get3A_1672 : vector<1x16xf32> to vector<16xf32>
        %mul3A_1674 = arith.mulf %get3A_1673, %gather3A_1593 : vector<16xf32>
        %mul3A_1675 = arith.constant 16 : i32
        %mul3A_1676 = arith.muli %add3A_178, %mul3A_1675 : i32
        %add3A_1677 = arith.constant 9 : i32
        %add3A_1678 = arith.addi %mul3A_1676, %add3A_1677 : i32
        %swap3A_1679 = arith.index_cast %add3A_1678 : i32 to index
        %swap3A_1680 = arith.constant 64 : index
        %swap3A_1681 = tpu.vector_load %arg14[%swap3A_1679, %swap3A_1680] {strides = array<i32>} : memref<128x128xf32, #tpu.memory_space<vmem>>, vector<1x16xf32>,
        %swap3A_1682 = vector.shape_cast %swap3A_1681 : vector<1x16xf32> to vector<16xf32>
        %swap3A_1683 = vector.shape_cast %mul3A_1674 : vector<16xf32> to vector<1x16xf32>
        tpu.vector_store %arg14[%swap3A_1679, %swap3A_1680], %swap3A_1683 {strides = array<i32>} : memref<128x128xf32, #tpu.memory_space<vmem>>, vector<1x16xf32>,
        %mul3A_1684 = arith.constant 16 : i32
        %mul3A_1685 = arith.muli %add3A_178, %mul3A_1684 : i32
        %add3A_1686 = arith.constant 9 : i32
        %add3A_1687 = arith.addi %mul3A_1685, %add3A_1686 : i32
        %get3A_1688 = arith.index_cast %add3A_1687 : i32 to index
        %get3A_1689 = arith.constant 80 : index
        %get3A_1690 = tpu.vector_load %arg14[%get3A_1688, %get3A_1689] {strides = array<i32>} : memref<128x128xf32, #tpu.memory_space<vmem>>, vector<1x16xf32>,
        %get3A_1691 = vector.shape_cast %get3A_1690 : vector<1x16xf32> to vector<16xf32>
        %mul3A_1692 = arith.mulf %get3A_1691, %gather3A_1593 : vector<16xf32>
        %mul3A_1693 = arith.constant 16 : i32
        %mul3A_1694 = arith.muli %add3A_178, %mul3A_1693 : i32
        %add3A_1695 = arith.constant 9 : i32
        %add3A_1696 = arith.addi %mul3A_1694, %add3A_1695 : i32
        %swap3A_1697 = arith.index_cast %add3A_1696 : i32 to index
        %swap3A_1698 = arith.constant 80 : index
        %swap3A_1699 = tpu.vector_load %arg14[%swap3A_1697, %swap3A_1698] {strides = array<i32>} : memref<128x128xf32, #tpu.memory_space<vmem>>, vector<1x16xf32>,
        %swap3A_1700 = vector.shape_cast %swap3A_1699 : vector<1x16xf32> to vector<16xf32>
        %swap3A_1701 = vector.shape_cast %mul3A_1692 : vector<16xf32> to vector<1x16xf32>
        tpu.vector_store %arg14[%swap3A_1697, %swap3A_1698], %swap3A_1701 {strides = array<i32>} : memref<128x128xf32, #tpu.memory_space<vmem>>, vector<1x16xf32>,
        %mul3A_1702 = arith.constant 16 : i32
        %mul3A_1703 = arith.muli %add3A_178, %mul3A_1702 : i32
        %add3A_1704 = arith.constant 9 : i32
        %add3A_1705 = arith.addi %mul3A_1703, %add3A_1704 : i32
        %get3A_1706 = arith.index_cast %add3A_1705 : i32 to index
        %get3A_1707 = arith.constant 96 : index
        %get3A_1708 = tpu.vector_load %arg14[%get3A_1706, %get3A_1707] {strides = array<i32>} : memref<128x128xf32, #tpu.memory_space<vmem>>, vector<1x16xf32>,
        %get3A_1709 = vector.shape_cast %get3A_1708 : vector<1x16xf32> to vector<16xf32>
        %mul3A_1710 = arith.mulf %get3A_1709, %gather3A_1593 : vector<16xf32>
        %mul3A_1711 = arith.constant 16 : i32
        %mul3A_1712 = arith.muli %add3A_178, %mul3A_1711 : i32
        %add3A_1713 = arith.constant 9 : i32
        %add3A_1714 = arith.addi %mul3A_1712, %add3A_1713 : i32
        %swap3A_1715 = arith.index_cast %add3A_1714 : i32 to index
        %swap3A_1716 = arith.constant 96 : index
        %swap3A_1717 = tpu.vector_load %arg14[%swap3A_1715, %swap3A_1716] {strides = array<i32>} : memref<128x128xf32, #tpu.memory_space<vmem>>, vector<1x16xf32>,
        %swap3A_1718 = vector.shape_cast %swap3A_1717 : vector<1x16xf32> to vector<16xf32>
        %swap3A_1719 = vector.shape_cast %mul3A_1710 : vector<16xf32> to vector<1x16xf32>
        tpu.vector_store %arg14[%swap3A_1715, %swap3A_1716], %swap3A_1719 {strides = array<i32>} : memref<128x128xf32, #tpu.memory_space<vmem>>, vector<1x16xf32>,
        %mul3A_1720 = arith.constant 16 : i32
        %mul3A_1721 = arith.muli %add3A_178, %mul3A_1720 : i32
        %add3A_1722 = arith.constant 9 : i32
        %add3A_1723 = arith.addi %mul3A_1721, %add3A_1722 : i32
        %get3A_1724 = arith.index_cast %add3A_1723 : i32 to index
        %get3A_1725 = arith.constant 112 : index
        %get3A_1726 = tpu.vector_load %arg14[%get3A_1724, %get3A_1725] {strides = array<i32>} : memref<128x128xf32, #tpu.memory_space<vmem>>, vector<1x16xf32>,
        %get3A_1727 = vector.shape_cast %get3A_1726 : vector<1x16xf32> to vector<16xf32>
        %mul3A_1728 = arith.mulf %get3A_1727, %gather3A_1593 : vector<16xf32>
        %mul3A_1729 = arith.constant 16 : i32
        %mul3A_1730 = arith.muli %add3A_178, %mul3A_1729 : i32
        %add3A_1731 = arith.constant 9 : i32
        %add3A_1732 = arith.addi %mul3A_1730, %add3A_1731 : i32
        %swap3A_1733 = arith.index_cast %add3A_1732 : i32 to index
        %swap3A_1734 = arith.constant 112 : index
        %swap3A_1735 = tpu.vector_load %arg14[%swap3A_1733, %swap3A_1734] {strides = array<i32>} : memref<128x128xf32, #tpu.memory_space<vmem>>, vector<1x16xf32>,
        %swap3A_1736 = vector.shape_cast %swap3A_1735 : vector<1x16xf32> to vector<16xf32>
        %swap3A_1737 = vector.shape_cast %mul3A_1728 : vector<16xf32> to vector<1x16xf32>
        tpu.vector_store %arg14[%swap3A_1733, %swap3A_1734], %swap3A_1737 {strides = array<i32>} : memref<128x128xf32, #tpu.memory_space<vmem>>, vector<1x16xf32>,
        %broadcast_in_dim3A_1738 = arith.constant 10 : i32
        %broadcast_in_dim3A_1739 = vector.broadcast %broadcast_in_dim3A_1738 : i32 to vector<16xi32>
        %lt3A_1740 = arith.constant 0 : i32
        %lt3A_1741 = vector.broadcast %lt3A_1740 : i32 to vector<16xi32>
        %lt3A_1742 = arith.cmpi slt, %broadcast_in_dim3A_1739, %lt3A_1741 : vector<16xi32>
        %add3A_1743 = arith.constant 16 : i32
        %add3A_1744 = vector.broadcast %add3A_1743 : i32 to vector<16xi32>
        %add3A_1745 = arith.addi %broadcast_in_dim3A_1739, %add3A_1744 : vector<16xi32>
        %select_n3A_1746 = arith.select %lt3A_1742, %add3A_1745, %broadcast_in_dim3A_1739 : vector<16xi1>, vector<16xi32>
        %reshape3A_1747 = vector.shape_cast %select_n3A_1746 : vector<16xi32> to vector<16x1xi32>
        %gather3A_1748 = vector.shape_cast %reshape3A_1747 : vector<16x1xi32> to vector<16xi32>
        %gather3A_1749 = tpu.dynamic_gather %get3A_182[%gather3A_1748] in [0] : vector<16xf32>, vector<16xi32> -> vector<16xf32>
        %mul3A_1750 = arith.constant 16 : i32
        %mul3A_1751 = arith.muli %add3A_178, %mul3A_1750 : i32
        %add3A_1752 = arith.constant 10 : i32
        %add3A_1753 = arith.addi %mul3A_1751, %add3A_1752 : i32
        %get3A_1754 = arith.index_cast %add3A_1753 : i32 to index
        %get3A_1755 = arith.constant 0 : index
        %get3A_1756 = tpu.vector_load %arg14[%get3A_1754, %get3A_1755] {strides = array<i32>} : memref<128x128xf32, #tpu.memory_space<vmem>>, vector<1x16xf32>,
        %get3A_1757 = vector.shape_cast %get3A_1756 : vector<1x16xf32> to vector<16xf32>
        %mul3A_1758 = arith.mulf %get3A_1757, %gather3A_1749 : vector<16xf32>
        %mul3A_1759 = arith.constant 16 : i32
        %mul3A_1760 = arith.muli %add3A_178, %mul3A_1759 : i32
        %add3A_1761 = arith.constant 10 : i32
        %add3A_1762 = arith.addi %mul3A_1760, %add3A_1761 : i32
        %swap3A_1763 = arith.index_cast %add3A_1762 : i32 to index
        %swap3A_1764 = arith.constant 0 : index
        %swap3A_1765 = tpu.vector_load %arg14[%swap3A_1763, %swap3A_1764] {strides = array<i32>} : memref<128x128xf32, #tpu.memory_space<vmem>>, vector<1x16xf32>,
        %swap3A_1766 = vector.shape_cast %swap3A_1765 : vector<1x16xf32> to vector<16xf32>
        %swap3A_1767 = vector.shape_cast %mul3A_1758 : vector<16xf32> to vector<1x16xf32>
        tpu.vector_store %arg14[%swap3A_1763, %swap3A_1764], %swap3A_1767 {strides = array<i32>} : memref<128x128xf32, #tpu.memory_space<vmem>>, vector<1x16xf32>,
        %mul3A_1768 = arith.constant 16 : i32
        %mul3A_1769 = arith.muli %add3A_178, %mul3A_1768 : i32
        %add3A_1770 = arith.constant 10 : i32
        %add3A_1771 = arith.addi %mul3A_1769, %add3A_1770 : i32
        %get3A_1772 = arith.index_cast %add3A_1771 : i32 to index
        %get3A_1773 = arith.constant 16 : index
        %get3A_1774 = tpu.vector_load %arg14[%get3A_1772, %get3A_1773] {strides = array<i32>} : memref<128x128xf32, #tpu.memory_space<vmem>>, vector<1x16xf32>,
        %get3A_1775 = vector.shape_cast %get3A_1774 : vector<1x16xf32> to vector<16xf32>
        %mul3A_1776 = arith.mulf %get3A_1775, %gather3A_1749 : vector<16xf32>
        %mul3A_1777 = arith.constant 16 : i32
        %mul3A_1778 = arith.muli %add3A_178, %mul3A_1777 : i32
        %add3A_1779 = arith.constant 10 : i32
        %add3A_1780 = arith.addi %mul3A_1778, %add3A_1779 : i32
        %swap3A_1781 = arith.index_cast %add3A_1780 : i32 to index
        %swap3A_1782 = arith.constant 16 : index
        %swap3A_1783 = tpu.vector_load %arg14[%swap3A_1781, %swap3A_1782] {strides = array<i32>} : memref<128x128xf32, #tpu.memory_space<vmem>>, vector<1x16xf32>,
        %swap3A_1784 = vector.shape_cast %swap3A_1783 : vector<1x16xf32> to vector<16xf32>
        %swap3A_1785 = vector.shape_cast %mul3A_1776 : vector<16xf32> to vector<1x16xf32>
        tpu.vector_store %arg14[%swap3A_1781, %swap3A_1782], %swap3A_1785 {strides = array<i32>} : memref<128x128xf32, #tpu.memory_space<vmem>>, vector<1x16xf32>,
        %mul3A_1786 = arith.constant 16 : i32
        %mul3A_1787 = arith.muli %add3A_178, %mul3A_1786 : i32
        %add3A_1788 = arith.constant 10 : i32
        %add3A_1789 = arith.addi %mul3A_1787, %add3A_1788 : i32
        %get3A_1790 = arith.index_cast %add3A_1789 : i32 to index
        %get3A_1791 = arith.constant 32 : index
        %get3A_1792 = tpu.vector_load %arg14[%get3A_1790, %get3A_1791] {strides = array<i32>} : memref<128x128xf32, #tpu.memory_space<vmem>>, vector<1x16xf32>,
        %get3A_1793 = vector.shape_cast %get3A_1792 : vector<1x16xf32> to vector<16xf32>
        %mul3A_1794 = arith.mulf %get3A_1793, %gather3A_1749 : vector<16xf32>
        %mul3A_1795 = arith.constant 16 : i32
        %mul3A_1796 = arith.muli %add3A_178, %mul3A_1795 : i32
        %add3A_1797 = arith.constant 10 : i32
        %add3A_1798 = arith.addi %mul3A_1796, %add3A_1797 : i32
        %swap3A_1799 = arith.index_cast %add3A_1798 : i32 to index
        %swap3A_1800 = arith.constant 32 : index
        %swap3A_1801 = tpu.vector_load %arg14[%swap3A_1799, %swap3A_1800] {strides = array<i32>} : memref<128x128xf32, #tpu.memory_space<vmem>>, vector<1x16xf32>,
        %swap3A_1802 = vector.shape_cast %swap3A_1801 : vector<1x16xf32> to vector<16xf32>
        %swap3A_1803 = vector.shape_cast %mul3A_1794 : vector<16xf32> to vector<1x16xf32>
        tpu.vector_store %arg14[%swap3A_1799, %swap3A_1800], %swap3A_1803 {strides = array<i32>} : memref<128x128xf32, #tpu.memory_space<vmem>>, vector<1x16xf32>,
        %mul3A_1804 = arith.constant 16 : i32
        %mul3A_1805 = arith.muli %add3A_178, %mul3A_1804 : i32
        %add3A_1806 = arith.constant 10 : i32
        %add3A_1807 = arith.addi %mul3A_1805, %add3A_1806 : i32
        %get3A_1808 = arith.index_cast %add3A_1807 : i32 to index
        %get3A_1809 = arith.constant 48 : index
        %get3A_1810 = tpu.vector_load %arg14[%get3A_1808, %get3A_1809] {strides = array<i32>} : memref<128x128xf32, #tpu.memory_space<vmem>>, vector<1x16xf32>,
        %get3A_1811 = vector.shape_cast %get3A_1810 : vector<1x16xf32> to vector<16xf32>
        %mul3A_1812 = arith.mulf %get3A_1811, %gather3A_1749 : vector<16xf32>
        %mul3A_1813 = arith.constant 16 : i32
        %mul3A_1814 = arith.muli %add3A_178, %mul3A_1813 : i32
        %add3A_1815 = arith.constant 10 : i32
        %add3A_1816 = arith.addi %mul3A_1814, %add3A_1815 : i32
        %swap3A_1817 = arith.index_cast %add3A_1816 : i32 to index
        %swap3A_1818 = arith.constant 48 : index
        %swap3A_1819 = tpu.vector_load %arg14[%swap3A_1817, %swap3A_1818] {strides = array<i32>} : memref<128x128xf32, #tpu.memory_space<vmem>>, vector<1x16xf32>,
        %swap3A_1820 = vector.shape_cast %swap3A_1819 : vector<1x16xf32> to vector<16xf32>
        %swap3A_1821 = vector.shape_cast %mul3A_1812 : vector<16xf32> to vector<1x16xf32>
        tpu.vector_store %arg14[%swap3A_1817, %swap3A_1818], %swap3A_1821 {strides = array<i32>} : memref<128x128xf32, #tpu.memory_space<vmem>>, vector<1x16xf32>,
        %mul3A_1822 = arith.constant 16 : i32
        %mul3A_1823 = arith.muli %add3A_178, %mul3A_1822 : i32
        %add3A_1824 = arith.constant 10 : i32
        %add3A_1825 = arith.addi %mul3A_1823, %add3A_1824 : i32
        %get3A_1826 = arith.index_cast %add3A_1825 : i32 to index
        %get3A_1827 = arith.constant 64 : index
        %get3A_1828 = tpu.vector_load %arg14[%get3A_1826, %get3A_1827] {strides = array<i32>} : memref<128x128xf32, #tpu.memory_space<vmem>>, vector<1x16xf32>,
        %get3A_1829 = vector.shape_cast %get3A_1828 : vector<1x16xf32> to vector<16xf32>
        %mul3A_1830 = arith.mulf %get3A_1829, %gather3A_1749 : vector<16xf32>
        %mul3A_1831 = arith.constant 16 : i32
        %mul3A_1832 = arith.muli %add3A_178, %mul3A_1831 : i32
        %add3A_1833 = arith.constant 10 : i32
        %add3A_1834 = arith.addi %mul3A_1832, %add3A_1833 : i32
        %swap3A_1835 = arith.index_cast %add3A_1834 : i32 to index
        %swap3A_1836 = arith.constant 64 : index
        %swap3A_1837 = tpu.vector_load %arg14[%swap3A_1835, %swap3A_1836] {strides = array<i32>} : memref<128x128xf32, #tpu.memory_space<vmem>>, vector<1x16xf32>,
        %swap3A_1838 = vector.shape_cast %swap3A_1837 : vector<1x16xf32> to vector<16xf32>
        %swap3A_1839 = vector.shape_cast %mul3A_1830 : vector<16xf32> to vector<1x16xf32>
        tpu.vector_store %arg14[%swap3A_1835, %swap3A_1836], %swap3A_1839 {strides = array<i32>} : memref<128x128xf32, #tpu.memory_space<vmem>>, vector<1x16xf32>,
        %mul3A_1840 = arith.constant 16 : i32
        %mul3A_1841 = arith.muli %add3A_178, %mul3A_1840 : i32
        %add3A_1842 = arith.constant 10 : i32
        %add3A_1843 = arith.addi %mul3A_1841, %add3A_1842 : i32
        %get3A_1844 = arith.index_cast %add3A_1843 : i32 to index
        %get3A_1845 = arith.constant 80 : index
        %get3A_1846 = tpu.vector_load %arg14[%get3A_1844, %get3A_1845] {strides = array<i32>} : memref<128x128xf32, #tpu.memory_space<vmem>>, vector<1x16xf32>,
        %get3A_1847 = vector.shape_cast %get3A_1846 : vector<1x16xf32> to vector<16xf32>
        %mul3A_1848 = arith.mulf %get3A_1847, %gather3A_1749 : vector<16xf32>
        %mul3A_1849 = arith.constant 16 : i32
        %mul3A_1850 = arith.muli %add3A_178, %mul3A_1849 : i32
        %add3A_1851 = arith.constant 10 : i32
        %add3A_1852 = arith.addi %mul3A_1850, %add3A_1851 : i32
        %swap3A_1853 = arith.index_cast %add3A_1852 : i32 to index
        %swap3A_1854 = arith.constant 80 : index
        %swap3A_1855 = tpu.vector_load %arg14[%swap3A_1853, %swap3A_1854] {strides = array<i32>} : memref<128x128xf32, #tpu.memory_space<vmem>>, vector<1x16xf32>,
        %swap3A_1856 = vector.shape_cast %swap3A_1855 : vector<1x16xf32> to vector<16xf32>
        %swap3A_1857 = vector.shape_cast %mul3A_1848 : vector<16xf32> to vector<1x16xf32>
        tpu.vector_store %arg14[%swap3A_1853, %swap3A_1854], %swap3A_1857 {strides = array<i32>} : memref<128x128xf32, #tpu.memory_space<vmem>>, vector<1x16xf32>,
        %mul3A_1858 = arith.constant 16 : i32
        %mul3A_1859 = arith.muli %add3A_178, %mul3A_1858 : i32
        %add3A_1860 = arith.constant 10 : i32
        %add3A_1861 = arith.addi %mul3A_1859, %add3A_1860 : i32
        %get3A_1862 = arith.index_cast %add3A_1861 : i32 to index
        %get3A_1863 = arith.constant 96 : index
        %get3A_1864 = tpu.vector_load %arg14[%get3A_1862, %get3A_1863] {strides = array<i32>} : memref<128x128xf32, #tpu.memory_space<vmem>>, vector<1x16xf32>,
        %get3A_1865 = vector.shape_cast %get3A_1864 : vector<1x16xf32> to vector<16xf32>
        %mul3A_1866 = arith.mulf %get3A_1865, %gather3A_1749 : vector<16xf32>
        %mul3A_1867 = arith.constant 16 : i32
        %mul3A_1868 = arith.muli %add3A_178, %mul3A_1867 : i32
        %add3A_1869 = arith.constant 10 : i32
        %add3A_1870 = arith.addi %mul3A_1868, %add3A_1869 : i32
        %swap3A_1871 = arith.index_cast %add3A_1870 : i32 to index
        %swap3A_1872 = arith.constant 96 : index
        %swap3A_1873 = tpu.vector_load %arg14[%swap3A_1871, %swap3A_1872] {strides = array<i32>} : memref<128x128xf32, #tpu.memory_space<vmem>>, vector<1x16xf32>,
        %swap3A_1874 = vector.shape_cast %swap3A_1873 : vector<1x16xf32> to vector<16xf32>
        %swap3A_1875 = vector.shape_cast %mul3A_1866 : vector<16xf32> to vector<1x16xf32>
        tpu.vector_store %arg14[%swap3A_1871, %swap3A_1872], %swap3A_1875 {strides = array<i32>} : memref<128x128xf32, #tpu.memory_space<vmem>>, vector<1x16xf32>,
        %mul3A_1876 = arith.constant 16 : i32
        %mul3A_1877 = arith.muli %add3A_178, %mul3A_1876 : i32
        %add3A_1878 = arith.constant 10 : i32
        %add3A_1879 = arith.addi %mul3A_1877, %add3A_1878 : i32
        %get3A_1880 = arith.index_cast %add3A_1879 : i32 to index
        %get3A_1881 = arith.constant 112 : index
        %get3A_1882 = tpu.vector_load %arg14[%get3A_1880, %get3A_1881] {strides = array<i32>} : memref<128x128xf32, #tpu.memory_space<vmem>>, vector<1x16xf32>,
        %get3A_1883 = vector.shape_cast %get3A_1882 : vector<1x16xf32> to vector<16xf32>
        %mul3A_1884 = arith.mulf %get3A_1883, %gather3A_1749 : vector<16xf32>
        %mul3A_1885 = arith.constant 16 : i32
        %mul3A_1886 = arith.muli %add3A_178, %mul3A_1885 : i32
        %add3A_1887 = arith.constant 10 : i32
        %add3A_1888 = arith.addi %mul3A_1886, %add3A_1887 : i32
        %swap3A_1889 = arith.index_cast %add3A_1888 : i32 to index
        %swap3A_1890 = arith.constant 112 : index
        %swap3A_1891 = tpu.vector_load %arg14[%swap3A_1889, %swap3A_1890] {strides = array<i32>} : memref<128x128xf32, #tpu.memory_space<vmem>>, vector<1x16xf32>,
        %swap3A_1892 = vector.shape_cast %swap3A_1891 : vector<1x16xf32> to vector<16xf32>
        %swap3A_1893 = vector.shape_cast %mul3A_1884 : vector<16xf32> to vector<1x16xf32>
        tpu.vector_store %arg14[%swap3A_1889, %swap3A_1890], %swap3A_1893 {strides = array<i32>} : memref<128x128xf32, #tpu.memory_space<vmem>>, vector<1x16xf32>,
        %broadcast_in_dim3A_1894 = arith.constant 11 : i32
        %broadcast_in_dim3A_1895 = vector.broadcast %broadcast_in_dim3A_1894 : i32 to vector<16xi32>
        %lt3A_1896 = arith.constant 0 : i32
        %lt3A_1897 = vector.broadcast %lt3A_1896 : i32 to vector<16xi32>
        %lt3A_1898 = arith.cmpi slt, %broadcast_in_dim3A_1895, %lt3A_1897 : vector<16xi32>
        %add3A_1899 = arith.constant 16 : i32
        %add3A_1900 = vector.broadcast %add3A_1899 : i32 to vector<16xi32>
        %add3A_1901 = arith.addi %broadcast_in_dim3A_1895, %add3A_1900 : vector<16xi32>
        %select_n3A_1902 = arith.select %lt3A_1898, %add3A_1901, %broadcast_in_dim3A_1895 : vector<16xi1>, vector<16xi32>
        %reshape3A_1903 = vector.shape_cast %select_n3A_1902 : vector<16xi32> to vector<16x1xi32>
        %gather3A_1904 = vector.shape_cast %reshape3A_1903 : vector<16x1xi32> to vector<16xi32>
        %gather3A_1905 = tpu.dynamic_gather %get3A_182[%gather3A_1904] in [0] : vector<16xf32>, vector<16xi32> -> vector<16xf32>
        %mul3A_1906 = arith.constant 16 : i32
        %mul3A_1907 = arith.muli %add3A_178, %mul3A_1906 : i32
        %add3A_1908 = arith.constant 11 : i32
        %add3A_1909 = arith.addi %mul3A_1907, %add3A_1908 : i32
        %get3A_1910 = arith.index_cast %add3A_1909 : i32 to index
        %get3A_1911 = arith.constant 0 : index
        %get3A_1912 = tpu.vector_load %arg14[%get3A_1910, %get3A_1911] {strides = array<i32>} : memref<128x128xf32, #tpu.memory_space<vmem>>, vector<1x16xf32>,
        %get3A_1913 = vector.shape_cast %get3A_1912 : vector<1x16xf32> to vector<16xf32>
        %mul3A_1914 = arith.mulf %get3A_1913, %gather3A_1905 : vector<16xf32>
        %mul3A_1915 = arith.constant 16 : i32
        %mul3A_1916 = arith.muli %add3A_178, %mul3A_1915 : i32
        %add3A_1917 = arith.constant 11 : i32
        %add3A_1918 = arith.addi %mul3A_1916, %add3A_1917 : i32
        %swap3A_1919 = arith.index_cast %add3A_1918 : i32 to index
        %swap3A_1920 = arith.constant 0 : index
        %swap3A_1921 = tpu.vector_load %arg14[%swap3A_1919, %swap3A_1920] {strides = array<i32>} : memref<128x128xf32, #tpu.memory_space<vmem>>, vector<1x16xf32>,
        %swap3A_1922 = vector.shape_cast %swap3A_1921 : vector<1x16xf32> to vector<16xf32>
        %swap3A_1923 = vector.shape_cast %mul3A_1914 : vector<16xf32> to vector<1x16xf32>
        tpu.vector_store %arg14[%swap3A_1919, %swap3A_1920], %swap3A_1923 {strides = array<i32>} : memref<128x128xf32, #tpu.memory_space<vmem>>, vector<1x16xf32>,
        %mul3A_1924 = arith.constant 16 : i32
        %mul3A_1925 = arith.muli %add3A_178, %mul3A_1924 : i32
        %add3A_1926 = arith.constant 11 : i32
        %add3A_1927 = arith.addi %mul3A_1925, %add3A_1926 : i32
        %get3A_1928 = arith.index_cast %add3A_1927 : i32 to index
        %get3A_1929 = arith.constant 16 : index
        %get3A_1930 = tpu.vector_load %arg14[%get3A_1928, %get3A_1929] {strides = array<i32>} : memref<128x128xf32, #tpu.memory_space<vmem>>, vector<1x16xf32>,
        %get3A_1931 = vector.shape_cast %get3A_1930 : vector<1x16xf32> to vector<16xf32>
        %mul3A_1932 = arith.mulf %get3A_1931, %gather3A_1905 : vector<16xf32>
        %mul3A_1933 = arith.constant 16 : i32
        %mul3A_1934 = arith.muli %add3A_178, %mul3A_1933 : i32
        %add3A_1935 = arith.constant 11 : i32
        %add3A_1936 = arith.addi %mul3A_1934, %add3A_1935 : i32
        %swap3A_1937 = arith.index_cast %add3A_1936 : i32 to index
        %swap3A_1938 = arith.constant 16 : index
        %swap3A_1939 = tpu.vector_load %arg14[%swap3A_1937, %swap3A_1938] {strides = array<i32>} : memref<128x128xf32, #tpu.memory_space<vmem>>, vector<1x16xf32>,
        %swap3A_1940 = vector.shape_cast %swap3A_1939 : vector<1x16xf32> to vector<16xf32>
        %swap3A_1941 = vector.shape_cast %mul3A_1932 : vector<16xf32> to vector<1x16xf32>
        tpu.vector_store %arg14[%swap3A_1937, %swap3A_1938], %swap3A_1941 {strides = array<i32>} : memref<128x128xf32, #tpu.memory_space<vmem>>, vector<1x16xf32>,
        %mul3A_1942 = arith.constant 16 : i32
        %mul3A_1943 = arith.muli %add3A_178, %mul3A_1942 : i32
        %add3A_1944 = arith.constant 11 : i32
        %add3A_1945 = arith.addi %mul3A_1943, %add3A_1944 : i32
        %get3A_1946 = arith.index_cast %add3A_1945 : i32 to index
        %get3A_1947 = arith.constant 32 : index
        %get3A_1948 = tpu.vector_load %arg14[%get3A_1946, %get3A_1947] {strides = array<i32>} : memref<128x128xf32, #tpu.memory_space<vmem>>, vector<1x16xf32>,
        %get3A_1949 = vector.shape_cast %get3A_1948 : vector<1x16xf32> to vector<16xf32>
        %mul3A_1950 = arith.mulf %get3A_1949, %gather3A_1905 : vector<16xf32>
        %mul3A_1951 = arith.constant 16 : i32
        %mul3A_1952 = arith.muli %add3A_178, %mul3A_1951 : i32
        %add3A_1953 = arith.constant 11 : i32
        %add3A_1954 = arith.addi %mul3A_1952, %add3A_1953 : i32
        %swap3A_1955 = arith.index_cast %add3A_1954 : i32 to index
        %swap3A_1956 = arith.constant 32 : index
        %swap3A_1957 = tpu.vector_load %arg14[%swap3A_1955, %swap3A_1956] {strides = array<i32>} : memref<128x128xf32, #tpu.memory_space<vmem>>, vector<1x16xf32>,
        %swap3A_1958 = vector.shape_cast %swap3A_1957 : vector<1x16xf32> to vector<16xf32>
        %swap3A_1959 = vector.shape_cast %mul3A_1950 : vector<16xf32> to vector<1x16xf32>
        tpu.vector_store %arg14[%swap3A_1955, %swap3A_1956], %swap3A_1959 {strides = array<i32>} : memref<128x128xf32, #tpu.memory_space<vmem>>, vector<1x16xf32>,
        %mul3A_1960 = arith.constant 16 : i32
        %mul3A_1961 = arith.muli %add3A_178, %mul3A_1960 : i32
        %add3A_1962 = arith.constant 11 : i32
        %add3A_1963 = arith.addi %mul3A_1961, %add3A_1962 : i32
        %get3A_1964 = arith.index_cast %add3A_1963 : i32 to index
        %get3A_1965 = arith.constant 48 : index
        %get3A_1966 = tpu.vector_load %arg14[%get3A_1964, %get3A_1965] {strides = array<i32>} : memref<128x128xf32, #tpu.memory_space<vmem>>, vector<1x16xf32>,
        %get3A_1967 = vector.shape_cast %get3A_1966 : vector<1x16xf32> to vector<16xf32>
        %mul3A_1968 = arith.mulf %get3A_1967, %gather3A_1905 : vector<16xf32>
        %mul3A_1969 = arith.constant 16 : i32
        %mul3A_1970 = arith.muli %add3A_178, %mul3A_1969 : i32
        %add3A_1971 = arith.constant 11 : i32
        %add3A_1972 = arith.addi %mul3A_1970, %add3A_1971 : i32
        %swap3A_1973 = arith.index_cast %add3A_1972 : i32 to index
        %swap3A_1974 = arith.constant 48 : index
        %swap3A_1975 = tpu.vector_load %arg14[%swap3A_1973, %swap3A_1974] {strides = array<i32>} : memref<128x128xf32, #tpu.memory_space<vmem>>, vector<1x16xf32>,
        %swap3A_1976 = vector.shape_cast %swap3A_1975 : vector<1x16xf32> to vector<16xf32>
        %swap3A_1977 = vector.shape_cast %mul3A_1968 : vector<16xf32> to vector<1x16xf32>
        tpu.vector_store %arg14[%swap3A_1973, %swap3A_1974], %swap3A_1977 {strides = array<i32>} : memref<128x128xf32, #tpu.memory_space<vmem>>, vector<1x16xf32>,
        %mul3A_1978 = arith.constant 16 : i32
        %mul3A_1979 = arith.muli %add3A_178, %mul3A_1978 : i32
        %add3A_1980 = arith.constant 11 : i32
        %add3A_1981 = arith.addi %mul3A_1979, %add3A_1980 : i32
        %get3A_1982 = arith.index_cast %add3A_1981 : i32 to index
        %get3A_1983 = arith.constant 64 : index
        %get3A_1984 = tpu.vector_load %arg14[%get3A_1982, %get3A_1983] {strides = array<i32>} : memref<128x128xf32, #tpu.memory_space<vmem>>, vector<1x16xf32>,
        %get3A_1985 = vector.shape_cast %get3A_1984 : vector<1x16xf32> to vector<16xf32>
        %mul3A_1986 = arith.mulf %get3A_1985, %gather3A_1905 : vector<16xf32>
        %mul3A_1987 = arith.constant 16 : i32
        %mul3A_1988 = arith.muli %add3A_178, %mul3A_1987 : i32
        %add3A_1989 = arith.constant 11 : i32
        %add3A_1990 = arith.addi %mul3A_1988, %add3A_1989 : i32
        %swap3A_1991 = arith.index_cast %add3A_1990 : i32 to index
        %swap3A_1992 = arith.constant 64 : index
        %swap3A_1993 = tpu.vector_load %arg14[%swap3A_1991, %swap3A_1992] {strides = array<i32>} : memref<128x128xf32, #tpu.memory_space<vmem>>, vector<1x16xf32>,
        %swap3A_1994 = vector.shape_cast %swap3A_1993 : vector<1x16xf32> to vector<16xf32>
        %swap3A_1995 = vector.shape_cast %mul3A_1986 : vector<16xf32> to vector<1x16xf32>
        tpu.vector_store %arg14[%swap3A_1991, %swap3A_1992], %swap3A_1995 {strides = array<i32>} : memref<128x128xf32, #tpu.memory_space<vmem>>, vector<1x16xf32>,
        %mul3A_1996 = arith.constant 16 : i32
        %mul3A_1997 = arith.muli %add3A_178, %mul3A_1996 : i32
        %add3A_1998 = arith.constant 11 : i32
        %add3A_1999 = arith.addi %mul3A_1997, %add3A_1998 : i32
        %get3A_2000 = arith.index_cast %add3A_1999 : i32 to index
        %get3A_2001 = arith.constant 80 : index
        %get3A_2002 = tpu.vector_load %arg14[%get3A_2000, %get3A_2001] {strides = array<i32>} : memref<128x128xf32, #tpu.memory_space<vmem>>, vector<1x16xf32>,
        %get3A_2003 = vector.shape_cast %get3A_2002 : vector<1x16xf32> to vector<16xf32>
        %mul3A_2004 = arith.mulf %get3A_2003, %gather3A_1905 : vector<16xf32>
        %mul3A_2005 = arith.constant 16 : i32
        %mul3A_2006 = arith.muli %add3A_178, %mul3A_2005 : i32
        %add3A_2007 = arith.constant 11 : i32
        %add3A_2008 = arith.addi %mul3A_2006, %add3A_2007 : i32
        %swap3A_2009 = arith.index_cast %add3A_2008 : i32 to index
        %swap3A_2010 = arith.constant 80 : index
        %swap3A_2011 = tpu.vector_load %arg14[%swap3A_2009, %swap3A_2010] {strides = array<i32>} : memref<128x128xf32, #tpu.memory_space<vmem>>, vector<1x16xf32>,
        %swap3A_2012 = vector.shape_cast %swap3A_2011 : vector<1x16xf32> to vector<16xf32>
        %swap3A_2013 = vector.shape_cast %mul3A_2004 : vector<16xf32> to vector<1x16xf32>
        tpu.vector_store %arg14[%swap3A_2009, %swap3A_2010], %swap3A_2013 {strides = array<i32>} : memref<128x128xf32, #tpu.memory_space<vmem>>, vector<1x16xf32>,
        %mul3A_2014 = arith.constant 16 : i32
        %mul3A_2015 = arith.muli %add3A_178, %mul3A_2014 : i32
        %add3A_2016 = arith.constant 11 : i32
        %add3A_2017 = arith.addi %mul3A_2015, %add3A_2016 : i32
        %get3A_2018 = arith.index_cast %add3A_2017 : i32 to index
        %get3A_2019 = arith.constant 96 : index
        %get3A_2020 = tpu.vector_load %arg14[%get3A_2018, %get3A_2019] {strides = array<i32>} : memref<128x128xf32, #tpu.memory_space<vmem>>, vector<1x16xf32>,
        %get3A_2021 = vector.shape_cast %get3A_2020 : vector<1x16xf32> to vector<16xf32>
        %mul3A_2022 = arith.mulf %get3A_2021, %gather3A_1905 : vector<16xf32>
        %mul3A_2023 = arith.constant 16 : i32
        %mul3A_2024 = arith.muli %add3A_178, %mul3A_2023 : i32
        %add3A_2025 = arith.constant 11 : i32
        %add3A_2026 = arith.addi %mul3A_2024, %add3A_2025 : i32
        %swap3A_2027 = arith.index_cast %add3A_2026 : i32 to index
        %swap3A_2028 = arith.constant 96 : index
        %swap3A_2029 = tpu.vector_load %arg14[%swap3A_2027, %swap3A_2028] {strides = array<i32>} : memref<128x128xf32, #tpu.memory_space<vmem>>, vector<1x16xf32>,
        %swap3A_2030 = vector.shape_cast %swap3A_2029 : vector<1x16xf32> to vector<16xf32>
        %swap3A_2031 = vector.shape_cast %mul3A_2022 : vector<16xf32> to vector<1x16xf32>
        tpu.vector_store %arg14[%swap3A_2027, %swap3A_2028], %swap3A_2031 {strides = array<i32>} : memref<128x128xf32, #tpu.memory_space<vmem>>, vector<1x16xf32>,
        %mul3A_2032 = arith.constant 16 : i32
        %mul3A_2033 = arith.muli %add3A_178, %mul3A_2032 : i32
        %add3A_2034 = arith.constant 11 : i32
        %add3A_2035 = arith.addi %mul3A_2033, %add3A_2034 : i32
        %get3A_2036 = arith.index_cast %add3A_2035 : i32 to index
        %get3A_2037 = arith.constant 112 : index
        %get3A_2038 = tpu.vector_load %arg14[%get3A_2036, %get3A_2037] {strides = array<i32>} : memref<128x128xf32, #tpu.memory_space<vmem>>, vector<1x16xf32>,
        %get3A_2039 = vector.shape_cast %get3A_2038 : vector<1x16xf32> to vector<16xf32>
        %mul3A_2040 = arith.mulf %get3A_2039, %gather3A_1905 : vector<16xf32>
        %mul3A_2041 = arith.constant 16 : i32
        %mul3A_2042 = arith.muli %add3A_178, %mul3A_2041 : i32
        %add3A_2043 = arith.constant 11 : i32
        %add3A_2044 = arith.addi %mul3A_2042, %add3A_2043 : i32
        %swap3A_2045 = arith.index_cast %add3A_2044 : i32 to index
        %swap3A_2046 = arith.constant 112 : index
        %swap3A_2047 = tpu.vector_load %arg14[%swap3A_2045, %swap3A_2046] {strides = array<i32>} : memref<128x128xf32, #tpu.memory_space<vmem>>, vector<1x16xf32>,
        %swap3A_2048 = vector.shape_cast %swap3A_2047 : vector<1x16xf32> to vector<16xf32>
        %swap3A_2049 = vector.shape_cast %mul3A_2040 : vector<16xf32> to vector<1x16xf32>
        tpu.vector_store %arg14[%swap3A_2045, %swap3A_2046], %swap3A_2049 {strides = array<i32>} : memref<128x128xf32, #tpu.memory_space<vmem>>, vector<1x16xf32>,
        %broadcast_in_dim3A_2050 = arith.constant 12 : i32
        %broadcast_in_dim3A_2051 = vector.broadcast %broadcast_in_dim3A_2050 : i32 to vector<16xi32>
        %lt3A_2052 = arith.constant 0 : i32
        %lt3A_2053 = vector.broadcast %lt3A_2052 : i32 to vector<16xi32>
        %lt3A_2054 = arith.cmpi slt, %broadcast_in_dim3A_2051, %lt3A_2053 : vector<16xi32>
        %add3A_2055 = arith.constant 16 : i32
        %add3A_2056 = vector.broadcast %add3A_2055 : i32 to vector<16xi32>
        %add3A_2057 = arith.addi %broadcast_in_dim3A_2051, %add3A_2056 : vector<16xi32>
        %select_n3A_2058 = arith.select %lt3A_2054, %add3A_2057, %broadcast_in_dim3A_2051 : vector<16xi1>, vector<16xi32>
        %reshape3A_2059 = vector.shape_cast %select_n3A_2058 : vector<16xi32> to vector<16x1xi32>
        %gather3A_2060 = vector.shape_cast %reshape3A_2059 : vector<16x1xi32> to vector<16xi32>
        %gather3A_2061 = tpu.dynamic_gather %get3A_182[%gather3A_2060] in [0] : vector<16xf32>, vector<16xi32> -> vector<16xf32>
        %mul3A_2062 = arith.constant 16 : i32
        %mul3A_2063 = arith.muli %add3A_178, %mul3A_2062 : i32
        %add3A_2064 = arith.constant 12 : i32
        %add3A_2065 = arith.addi %mul3A_2063, %add3A_2064 : i32
        %get3A_2066 = arith.index_cast %add3A_2065 : i32 to index
        %get3A_2067 = arith.constant 0 : index
        %get3A_2068 = tpu.vector_load %arg14[%get3A_2066, %get3A_2067] {strides = array<i32>} : memref<128x128xf32, #tpu.memory_space<vmem>>, vector<1x16xf32>,
        %get3A_2069 = vector.shape_cast %get3A_2068 : vector<1x16xf32> to vector<16xf32>
        %mul3A_2070 = arith.mulf %get3A_2069, %gather3A_2061 : vector<16xf32>
        %mul3A_2071 = arith.constant 16 : i32
        %mul3A_2072 = arith.muli %add3A_178, %mul3A_2071 : i32
        %add3A_2073 = arith.constant 12 : i32
        %add3A_2074 = arith.addi %mul3A_2072, %add3A_2073 : i32
        %swap3A_2075 = arith.index_cast %add3A_2074 : i32 to index
        %swap3A_2076 = arith.constant 0 : index
        %swap3A_2077 = tpu.vector_load %arg14[%swap3A_2075, %swap3A_2076] {strides = array<i32>} : memref<128x128xf32, #tpu.memory_space<vmem>>, vector<1x16xf32>,
        %swap3A_2078 = vector.shape_cast %swap3A_2077 : vector<1x16xf32> to vector<16xf32>
        %swap3A_2079 = vector.shape_cast %mul3A_2070 : vector<16xf32> to vector<1x16xf32>
        tpu.vector_store %arg14[%swap3A_2075, %swap3A_2076], %swap3A_2079 {strides = array<i32>} : memref<128x128xf32, #tpu.memory_space<vmem>>, vector<1x16xf32>,
        %mul3A_2080 = arith.constant 16 : i32
        %mul3A_2081 = arith.muli %add3A_178, %mul3A_2080 : i32
        %add3A_2082 = arith.constant 12 : i32
        %add3A_2083 = arith.addi %mul3A_2081, %add3A_2082 : i32
        %get3A_2084 = arith.index_cast %add3A_2083 : i32 to index
        %get3A_2085 = arith.constant 16 : index
        %get3A_2086 = tpu.vector_load %arg14[%get3A_2084, %get3A_2085] {strides = array<i32>} : memref<128x128xf32, #tpu.memory_space<vmem>>, vector<1x16xf32>,
        %get3A_2087 = vector.shape_cast %get3A_2086 : vector<1x16xf32> to vector<16xf32>
        %mul3A_2088 = arith.mulf %get3A_2087, %gather3A_2061 : vector<16xf32>
        %mul3A_2089 = arith.constant 16 : i32
        %mul3A_2090 = arith.muli %add3A_178, %mul3A_2089 : i32
        %add3A_2091 = arith.constant 12 : i32
        %add3A_2092 = arith.addi %mul3A_2090, %add3A_2091 : i32
        %swap3A_2093 = arith.index_cast %add3A_2092 : i32 to index
        %swap3A_2094 = arith.constant 16 : index
        %swap3A_2095 = tpu.vector_load %arg14[%swap3A_2093, %swap3A_2094] {strides = array<i32>} : memref<128x128xf32, #tpu.memory_space<vmem>>, vector<1x16xf32>,
        %swap3A_2096 = vector.shape_cast %swap3A_2095 : vector<1x16xf32> to vector<16xf32>
        %swap3A_2097 = vector.shape_cast %mul3A_2088 : vector<16xf32> to vector<1x16xf32>
        tpu.vector_store %arg14[%swap3A_2093, %swap3A_2094], %swap3A_2097 {strides = array<i32>} : memref<128x128xf32, #tpu.memory_space<vmem>>, vector<1x16xf32>,
        %mul3A_2098 = arith.constant 16 : i32
        %mul3A_2099 = arith.muli %add3A_178, %mul3A_2098 : i32
        %add3A_2100 = arith.constant 12 : i32
        %add3A_2101 = arith.addi %mul3A_2099, %add3A_2100 : i32
        %get3A_2102 = arith.index_cast %add3A_2101 : i32 to index
        %get3A_2103 = arith.constant 32 : index
        %get3A_2104 = tpu.vector_load %arg14[%get3A_2102, %get3A_2103] {strides = array<i32>} : memref<128x128xf32, #tpu.memory_space<vmem>>, vector<1x16xf32>,
        %get3A_2105 = vector.shape_cast %get3A_2104 : vector<1x16xf32> to vector<16xf32>
        %mul3A_2106 = arith.mulf %get3A_2105, %gather3A_2061 : vector<16xf32>
        %mul3A_2107 = arith.constant 16 : i32
        %mul3A_2108 = arith.muli %add3A_178, %mul3A_2107 : i32
        %add3A_2109 = arith.constant 12 : i32
        %add3A_2110 = arith.addi %mul3A_2108, %add3A_2109 : i32
        %swap3A_2111 = arith.index_cast %add3A_2110 : i32 to index
        %swap3A_2112 = arith.constant 32 : index
        %swap3A_2113 = tpu.vector_load %arg14[%swap3A_2111, %swap3A_2112] {strides = array<i32>} : memref<128x128xf32, #tpu.memory_space<vmem>>, vector<1x16xf32>,
        %swap3A_2114 = vector.shape_cast %swap3A_2113 : vector<1x16xf32> to vector<16xf32>
        %swap3A_2115 = vector.shape_cast %mul3A_2106 : vector<16xf32> to vector<1x16xf32>
        tpu.vector_store %arg14[%swap3A_2111, %swap3A_2112], %swap3A_2115 {strides = array<i32>} : memref<128x128xf32, #tpu.memory_space<vmem>>, vector<1x16xf32>,
        %mul3A_2116 = arith.constant 16 : i32
        %mul3A_2117 = arith.muli %add3A_178, %mul3A_2116 : i32
        %add3A_2118 = arith.constant 12 : i32
        %add3A_2119 = arith.addi %mul3A_2117, %add3A_2118 : i32
        %get3A_2120 = arith.index_cast %add3A_2119 : i32 to index
        %get3A_2121 = arith.constant 48 : index
        %get3A_2122 = tpu.vector_load %arg14[%get3A_2120, %get3A_2121] {strides = array<i32>} : memref<128x128xf32, #tpu.memory_space<vmem>>, vector<1x16xf32>,
        %get3A_2123 = vector.shape_cast %get3A_2122 : vector<1x16xf32> to vector<16xf32>
        %mul3A_2124 = arith.mulf %get3A_2123, %gather3A_2061 : vector<16xf32>
        %mul3A_2125 = arith.constant 16 : i32
        %mul3A_2126 = arith.muli %add3A_178, %mul3A_2125 : i32
        %add3A_2127 = arith.constant 12 : i32
        %add3A_2128 = arith.addi %mul3A_2126, %add3A_2127 : i32
        %swap3A_2129 = arith.index_cast %add3A_2128 : i32 to index
        %swap3A_2130 = arith.constant 48 : index
        %swap3A_2131 = tpu.vector_load %arg14[%swap3A_2129, %swap3A_2130] {strides = array<i32>} : memref<128x128xf32, #tpu.memory_space<vmem>>, vector<1x16xf32>,
        %swap3A_2132 = vector.shape_cast %swap3A_2131 : vector<1x16xf32> to vector<16xf32>
        %swap3A_2133 = vector.shape_cast %mul3A_2124 : vector<16xf32> to vector<1x16xf32>
        tpu.vector_store %arg14[%swap3A_2129, %swap3A_2130], %swap3A_2133 {strides = array<i32>} : memref<128x128xf32, #tpu.memory_space<vmem>>, vector<1x16xf32>,
        %mul3A_2134 = arith.constant 16 : i32
        %mul3A_2135 = arith.muli %add3A_178, %mul3A_2134 : i32
        %add3A_2136 = arith.constant 12 : i32
        %add3A_2137 = arith.addi %mul3A_2135, %add3A_2136 : i32
        %get3A_2138 = arith.index_cast %add3A_2137 : i32 to index
        %get3A_2139 = arith.constant 64 : index
        %get3A_2140 = tpu.vector_load %arg14[%get3A_2138, %get3A_2139] {strides = array<i32>} : memref<128x128xf32, #tpu.memory_space<vmem>>, vector<1x16xf32>,
        %get3A_2141 = vector.shape_cast %get3A_2140 : vector<1x16xf32> to vector<16xf32>
        %mul3A_2142 = arith.mulf %get3A_2141, %gather3A_2061 : vector<16xf32>
        %mul3A_2143 = arith.constant 16 : i32
        %mul3A_2144 = arith.muli %add3A_178, %mul3A_2143 : i32
        %add3A_2145 = arith.constant 12 : i32
        %add3A_2146 = arith.addi %mul3A_2144, %add3A_2145 : i32
        %swap3A_2147 = arith.index_cast %add3A_2146 : i32 to index
        %swap3A_2148 = arith.constant 64 : index
        %swap3A_2149 = tpu.vector_load %arg14[%swap3A_2147, %swap3A_2148] {strides = array<i32>} : memref<128x128xf32, #tpu.memory_space<vmem>>, vector<1x16xf32>,
        %swap3A_2150 = vector.shape_cast %swap3A_2149 : vector<1x16xf32> to vector<16xf32>
        %swap3A_2151 = vector.shape_cast %mul3A_2142 : vector<16xf32> to vector<1x16xf32>
        tpu.vector_store %arg14[%swap3A_2147, %swap3A_2148], %swap3A_2151 {strides = array<i32>} : memref<128x128xf32, #tpu.memory_space<vmem>>, vector<1x16xf32>,
        %mul3A_2152 = arith.constant 16 : i32
        %mul3A_2153 = arith.muli %add3A_178, %mul3A_2152 : i32
        %add3A_2154 = arith.constant 12 : i32
        %add3A_2155 = arith.addi %mul3A_2153, %add3A_2154 : i32
        %get3A_2156 = arith.index_cast %add3A_2155 : i32 to index
        %get3A_2157 = arith.constant 80 : index
        %get3A_2158 = tpu.vector_load %arg14[%get3A_2156, %get3A_2157] {strides = array<i32>} : memref<128x128xf32, #tpu.memory_space<vmem>>, vector<1x16xf32>,
        %get3A_2159 = vector.shape_cast %get3A_2158 : vector<1x16xf32> to vector<16xf32>
        %mul3A_2160 = arith.mulf %get3A_2159, %gather3A_2061 : vector<16xf32>
        %mul3A_2161 = arith.constant 16 : i32
        %mul3A_2162 = arith.muli %add3A_178, %mul3A_2161 : i32
        %add3A_2163 = arith.constant 12 : i32
        %add3A_2164 = arith.addi %mul3A_2162, %add3A_2163 : i32
        %swap3A_2165 = arith.index_cast %add3A_2164 : i32 to index
        %swap3A_2166 = arith.constant 80 : index
        %swap3A_2167 = tpu.vector_load %arg14[%swap3A_2165, %swap3A_2166] {strides = array<i32>} : memref<128x128xf32, #tpu.memory_space<vmem>>, vector<1x16xf32>,
        %swap3A_2168 = vector.shape_cast %swap3A_2167 : vector<1x16xf32> to vector<16xf32>
        %swap3A_2169 = vector.shape_cast %mul3A_2160 : vector<16xf32> to vector<1x16xf32>
        tpu.vector_store %arg14[%swap3A_2165, %swap3A_2166], %swap3A_2169 {strides = array<i32>} : memref<128x128xf32, #tpu.memory_space<vmem>>, vector<1x16xf32>,
        %mul3A_2170 = arith.constant 16 : i32
        %mul3A_2171 = arith.muli %add3A_178, %mul3A_2170 : i32
        %add3A_2172 = arith.constant 12 : i32
        %add3A_2173 = arith.addi %mul3A_2171, %add3A_2172 : i32
        %get3A_2174 = arith.index_cast %add3A_2173 : i32 to index
        %get3A_2175 = arith.constant 96 : index
        %get3A_2176 = tpu.vector_load %arg14[%get3A_2174, %get3A_2175] {strides = array<i32>} : memref<128x128xf32, #tpu.memory_space<vmem>>, vector<1x16xf32>,
        %get3A_2177 = vector.shape_cast %get3A_2176 : vector<1x16xf32> to vector<16xf32>
        %mul3A_2178 = arith.mulf %get3A_2177, %gather3A_2061 : vector<16xf32>
        %mul3A_2179 = arith.constant 16 : i32
        %mul3A_2180 = arith.muli %add3A_178, %mul3A_2179 : i32
        %add3A_2181 = arith.constant 12 : i32
        %add3A_2182 = arith.addi %mul3A_2180, %add3A_2181 : i32
        %swap3A_2183 = arith.index_cast %add3A_2182 : i32 to index
        %swap3A_2184 = arith.constant 96 : index
        %swap3A_2185 = tpu.vector_load %arg14[%swap3A_2183, %swap3A_2184] {strides = array<i32>} : memref<128x128xf32, #tpu.memory_space<vmem>>, vector<1x16xf32>,
        %swap3A_2186 = vector.shape_cast %swap3A_2185 : vector<1x16xf32> to vector<16xf32>
        %swap3A_2187 = vector.shape_cast %mul3A_2178 : vector<16xf32> to vector<1x16xf32>
        tpu.vector_store %arg14[%swap3A_2183, %swap3A_2184], %swap3A_2187 {strides = array<i32>} : memref<128x128xf32, #tpu.memory_space<vmem>>, vector<1x16xf32>,
        %mul3A_2188 = arith.constant 16 : i32
        %mul3A_2189 = arith.muli %add3A_178, %mul3A_2188 : i32
        %add3A_2190 = arith.constant 12 : i32
        %add3A_2191 = arith.addi %mul3A_2189, %add3A_2190 : i32
        %get3A_2192 = arith.index_cast %add3A_2191 : i32 to index
        %get3A_2193 = arith.constant 112 : index
        %get3A_2194 = tpu.vector_load %arg14[%get3A_2192, %get3A_2193] {strides = array<i32>} : memref<128x128xf32, #tpu.memory_space<vmem>>, vector<1x16xf32>,
        %get3A_2195 = vector.shape_cast %get3A_2194 : vector<1x16xf32> to vector<16xf32>
        %mul3A_2196 = arith.mulf %get3A_2195, %gather3A_2061 : vector<16xf32>
        %mul3A_2197 = arith.constant 16 : i32
        %mul3A_2198 = arith.muli %add3A_178, %mul3A_2197 : i32
        %add3A_2199 = arith.constant 12 : i32
        %add3A_2200 = arith.addi %mul3A_2198, %add3A_2199 : i32
        %swap3A_2201 = arith.index_cast %add3A_2200 : i32 to index
        %swap3A_2202 = arith.constant 112 : index
        %swap3A_2203 = tpu.vector_load %arg14[%swap3A_2201, %swap3A_2202] {strides = array<i32>} : memref<128x128xf32, #tpu.memory_space<vmem>>, vector<1x16xf32>,
        %swap3A_2204 = vector.shape_cast %swap3A_2203 : vector<1x16xf32> to vector<16xf32>
        %swap3A_2205 = vector.shape_cast %mul3A_2196 : vector<16xf32> to vector<1x16xf32>
        tpu.vector_store %arg14[%swap3A_2201, %swap3A_2202], %swap3A_2205 {strides = array<i32>} : memref<128x128xf32, #tpu.memory_space<vmem>>, vector<1x16xf32>,
        %broadcast_in_dim3A_2206 = arith.constant 13 : i32
        %broadcast_in_dim3A_2207 = vector.broadcast %broadcast_in_dim3A_2206 : i32 to vector<16xi32>
        %lt3A_2208 = arith.constant 0 : i32
        %lt3A_2209 = vector.broadcast %lt3A_2208 : i32 to vector<16xi32>
        %lt3A_2210 = arith.cmpi slt, %broadcast_in_dim3A_2207, %lt3A_2209 : vector<16xi32>
        %add3A_2211 = arith.constant 16 : i32
        %add3A_2212 = vector.broadcast %add3A_2211 : i32 to vector<16xi32>
        %add3A_2213 = arith.addi %broadcast_in_dim3A_2207, %add3A_2212 : vector<16xi32>
        %select_n3A_2214 = arith.select %lt3A_2210, %add3A_2213, %broadcast_in_dim3A_2207 : vector<16xi1>, vector<16xi32>
        %reshape3A_2215 = vector.shape_cast %select_n3A_2214 : vector<16xi32> to vector<16x1xi32>
        %gather3A_2216 = vector.shape_cast %reshape3A_2215 : vector<16x1xi32> to vector<16xi32>
        %gather3A_2217 = tpu.dynamic_gather %get3A_182[%gather3A_2216] in [0] : vector<16xf32>, vector<16xi32> -> vector<16xf32>
        %mul3A_2218 = arith.constant 16 : i32
        %mul3A_2219 = arith.muli %add3A_178, %mul3A_2218 : i32
        %add3A_2220 = arith.constant 13 : i32
        %add3A_2221 = arith.addi %mul3A_2219, %add3A_2220 : i32
        %get3A_2222 = arith.index_cast %add3A_2221 : i32 to index
        %get3A_2223 = arith.constant 0 : index
        %get3A_2224 = tpu.vector_load %arg14[%get3A_2222, %get3A_2223] {strides = array<i32>} : memref<128x128xf32, #tpu.memory_space<vmem>>, vector<1x16xf32>,
        %get3A_2225 = vector.shape_cast %get3A_2224 : vector<1x16xf32> to vector<16xf32>
        %mul3A_2226 = arith.mulf %get3A_2225, %gather3A_2217 : vector<16xf32>
        %mul3A_2227 = arith.constant 16 : i32
        %mul3A_2228 = arith.muli %add3A_178, %mul3A_2227 : i32
        %add3A_2229 = arith.constant 13 : i32
        %add3A_2230 = arith.addi %mul3A_2228, %add3A_2229 : i32
        %swap3A_2231 = arith.index_cast %add3A_2230 : i32 to index
        %swap3A_2232 = arith.constant 0 : index
        %swap3A_2233 = tpu.vector_load %arg14[%swap3A_2231, %swap3A_2232] {strides = array<i32>} : memref<128x128xf32, #tpu.memory_space<vmem>>, vector<1x16xf32>,
        %swap3A_2234 = vector.shape_cast %swap3A_2233 : vector<1x16xf32> to vector<16xf32>
        %swap3A_2235 = vector.shape_cast %mul3A_2226 : vector<16xf32> to vector<1x16xf32>
        tpu.vector_store %arg14[%swap3A_2231, %swap3A_2232], %swap3A_2235 {strides = array<i32>} : memref<128x128xf32, #tpu.memory_space<vmem>>, vector<1x16xf32>,
        %mul3A_2236 = arith.constant 16 : i32
        %mul3A_2237 = arith.muli %add3A_178, %mul3A_2236 : i32
        %add3A_2238 = arith.constant 13 : i32
        %add3A_2239 = arith.addi %mul3A_2237, %add3A_2238 : i32
        %get3A_2240 = arith.index_cast %add3A_2239 : i32 to index
        %get3A_2241 = arith.constant 16 : index
        %get3A_2242 = tpu.vector_load %arg14[%get3A_2240, %get3A_2241] {strides = array<i32>} : memref<128x128xf32, #tpu.memory_space<vmem>>, vector<1x16xf32>,
        %get3A_2243 = vector.shape_cast %get3A_2242 : vector<1x16xf32> to vector<16xf32>
        %mul3A_2244 = arith.mulf %get3A_2243, %gather3A_2217 : vector<16xf32>
        %mul3A_2245 = arith.constant 16 : i32
        %mul3A_2246 = arith.muli %add3A_178, %mul3A_2245 : i32
        %add3A_2247 = arith.constant 13 : i32
        %add3A_2248 = arith.addi %mul3A_2246, %add3A_2247 : i32
        %swap3A_2249 = arith.index_cast %add3A_2248 : i32 to index
        %swap3A_2250 = arith.constant 16 : index
        %swap3A_2251 = tpu.vector_load %arg14[%swap3A_2249, %swap3A_2250] {strides = array<i32>} : memref<128x128xf32, #tpu.memory_space<vmem>>, vector<1x16xf32>,
        %swap3A_2252 = vector.shape_cast %swap3A_2251 : vector<1x16xf32> to vector<16xf32>
        %swap3A_2253 = vector.shape_cast %mul3A_2244 : vector<16xf32> to vector<1x16xf32>
        tpu.vector_store %arg14[%swap3A_2249, %swap3A_2250], %swap3A_2253 {strides = array<i32>} : memref<128x128xf32, #tpu.memory_space<vmem>>, vector<1x16xf32>,
        %mul3A_2254 = arith.constant 16 : i32
        %mul3A_2255 = arith.muli %add3A_178, %mul3A_2254 : i32
        %add3A_2256 = arith.constant 13 : i32
        %add3A_2257 = arith.addi %mul3A_2255, %add3A_2256 : i32
        %get3A_2258 = arith.index_cast %add3A_2257 : i32 to index
        %get3A_2259 = arith.constant 32 : index
        %get3A_2260 = tpu.vector_load %arg14[%get3A_2258, %get3A_2259] {strides = array<i32>} : memref<128x128xf32, #tpu.memory_space<vmem>>, vector<1x16xf32>,
        %get3A_2261 = vector.shape_cast %get3A_2260 : vector<1x16xf32> to vector<16xf32>
        %mul3A_2262 = arith.mulf %get3A_2261, %gather3A_2217 : vector<16xf32>
        %mul3A_2263 = arith.constant 16 : i32
        %mul3A_2264 = arith.muli %add3A_178, %mul3A_2263 : i32
        %add3A_2265 = arith.constant 13 : i32
        %add3A_2266 = arith.addi %mul3A_2264, %add3A_2265 : i32
        %swap3A_2267 = arith.index_cast %add3A_2266 : i32 to index
        %swap3A_2268 = arith.constant 32 : index
        %swap3A_2269 = tpu.vector_load %arg14[%swap3A_2267, %swap3A_2268] {strides = array<i32>} : memref<128x128xf32, #tpu.memory_space<vmem>>, vector<1x16xf32>,
        %swap3A_2270 = vector.shape_cast %swap3A_2269 : vector<1x16xf32> to vector<16xf32>
        %swap3A_2271 = vector.shape_cast %mul3A_2262 : vector<16xf32> to vector<1x16xf32>
        tpu.vector_store %arg14[%swap3A_2267, %swap3A_2268], %swap3A_2271 {strides = array<i32>} : memref<128x128xf32, #tpu.memory_space<vmem>>, vector<1x16xf32>,
        %mul3A_2272 = arith.constant 16 : i32
        %mul3A_2273 = arith.muli %add3A_178, %mul3A_2272 : i32
        %add3A_2274 = arith.constant 13 : i32
        %add3A_2275 = arith.addi %mul3A_2273, %add3A_2274 : i32
        %get3A_2276 = arith.index_cast %add3A_2275 : i32 to index
        %get3A_2277 = arith.constant 48 : index
        %get3A_2278 = tpu.vector_load %arg14[%get3A_2276, %get3A_2277] {strides = array<i32>} : memref<128x128xf32, #tpu.memory_space<vmem>>, vector<1x16xf32>,
        %get3A_2279 = vector.shape_cast %get3A_2278 : vector<1x16xf32> to vector<16xf32>
        %mul3A_2280 = arith.mulf %get3A_2279, %gather3A_2217 : vector<16xf32>
        %mul3A_2281 = arith.constant 16 : i32
        %mul3A_2282 = arith.muli %add3A_178, %mul3A_2281 : i32
        %add3A_2283 = arith.constant 13 : i32
        %add3A_2284 = arith.addi %mul3A_2282, %add3A_2283 : i32
        %swap3A_2285 = arith.index_cast %add3A_2284 : i32 to index
        %swap3A_2286 = arith.constant 48 : index
        %swap3A_2287 = tpu.vector_load %arg14[%swap3A_2285, %swap3A_2286] {strides = array<i32>} : memref<128x128xf32, #tpu.memory_space<vmem>>, vector<1x16xf32>,
        %swap3A_2288 = vector.shape_cast %swap3A_2287 : vector<1x16xf32> to vector<16xf32>
        %swap3A_2289 = vector.shape_cast %mul3A_2280 : vector<16xf32> to vector<1x16xf32>
        tpu.vector_store %arg14[%swap3A_2285, %swap3A_2286], %swap3A_2289 {strides = array<i32>} : memref<128x128xf32, #tpu.memory_space<vmem>>, vector<1x16xf32>,
        %mul3A_2290 = arith.constant 16 : i32
        %mul3A_2291 = arith.muli %add3A_178, %mul3A_2290 : i32
        %add3A_2292 = arith.constant 13 : i32
        %add3A_2293 = arith.addi %mul3A_2291, %add3A_2292 : i32
        %get3A_2294 = arith.index_cast %add3A_2293 : i32 to index
        %get3A_2295 = arith.constant 64 : index
        %get3A_2296 = tpu.vector_load %arg14[%get3A_2294, %get3A_2295] {strides = array<i32>} : memref<128x128xf32, #tpu.memory_space<vmem>>, vector<1x16xf32>,
        %get3A_2297 = vector.shape_cast %get3A_2296 : vector<1x16xf32> to vector<16xf32>
        %mul3A_2298 = arith.mulf %get3A_2297, %gather3A_2217 : vector<16xf32>
        %mul3A_2299 = arith.constant 16 : i32
        %mul3A_2300 = arith.muli %add3A_178, %mul3A_2299 : i32
        %add3A_2301 = arith.constant 13 : i32
        %add3A_2302 = arith.addi %mul3A_2300, %add3A_2301 : i32
        %swap3A_2303 = arith.index_cast %add3A_2302 : i32 to index
        %swap3A_2304 = arith.constant 64 : index
        %swap3A_2305 = tpu.vector_load %arg14[%swap3A_2303, %swap3A_2304] {strides = array<i32>} : memref<128x128xf32, #tpu.memory_space<vmem>>, vector<1x16xf32>,
        %swap3A_2306 = vector.shape_cast %swap3A_2305 : vector<1x16xf32> to vector<16xf32>
        %swap3A_2307 = vector.shape_cast %mul3A_2298 : vector<16xf32> to vector<1x16xf32>
        tpu.vector_store %arg14[%swap3A_2303, %swap3A_2304], %swap3A_2307 {strides = array<i32>} : memref<128x128xf32, #tpu.memory_space<vmem>>, vector<1x16xf32>,
        %mul3A_2308 = arith.constant 16 : i32
        %mul3A_2309 = arith.muli %add3A_178, %mul3A_2308 : i32
        %add3A_2310 = arith.constant 13 : i32
        %add3A_2311 = arith.addi %mul3A_2309, %add3A_2310 : i32
        %get3A_2312 = arith.index_cast %add3A_2311 : i32 to index
        %get3A_2313 = arith.constant 80 : index
        %get3A_2314 = tpu.vector_load %arg14[%get3A_2312, %get3A_2313] {strides = array<i32>} : memref<128x128xf32, #tpu.memory_space<vmem>>, vector<1x16xf32>,
        %get3A_2315 = vector.shape_cast %get3A_2314 : vector<1x16xf32> to vector<16xf32>
        %mul3A_2316 = arith.mulf %get3A_2315, %gather3A_2217 : vector<16xf32>
        %mul3A_2317 = arith.constant 16 : i32
        %mul3A_2318 = arith.muli %add3A_178, %mul3A_2317 : i32
        %add3A_2319 = arith.constant 13 : i32
        %add3A_2320 = arith.addi %mul3A_2318, %add3A_2319 : i32
        %swap3A_2321 = arith.index_cast %add3A_2320 : i32 to index
        %swap3A_2322 = arith.constant 80 : index
        %swap3A_2323 = tpu.vector_load %arg14[%swap3A_2321, %swap3A_2322] {strides = array<i32>} : memref<128x128xf32, #tpu.memory_space<vmem>>, vector<1x16xf32>,
        %swap3A_2324 = vector.shape_cast %swap3A_2323 : vector<1x16xf32> to vector<16xf32>
        %swap3A_2325 = vector.shape_cast %mul3A_2316 : vector<16xf32> to vector<1x16xf32>
        tpu.vector_store %arg14[%swap3A_2321, %swap3A_2322], %swap3A_2325 {strides = array<i32>} : memref<128x128xf32, #tpu.memory_space<vmem>>, vector<1x16xf32>,
        %mul3A_2326 = arith.constant 16 : i32
        %mul3A_2327 = arith.muli %add3A_178, %mul3A_2326 : i32
        %add3A_2328 = arith.constant 13 : i32
        %add3A_2329 = arith.addi %mul3A_2327, %add3A_2328 : i32
        %get3A_2330 = arith.index_cast %add3A_2329 : i32 to index
        %get3A_2331 = arith.constant 96 : index
        %get3A_2332 = tpu.vector_load %arg14[%get3A_2330, %get3A_2331] {strides = array<i32>} : memref<128x128xf32, #tpu.memory_space<vmem>>, vector<1x16xf32>,
        %get3A_2333 = vector.shape_cast %get3A_2332 : vector<1x16xf32> to vector<16xf32>
        %mul3A_2334 = arith.mulf %get3A_2333, %gather3A_2217 : vector<16xf32>
        %mul3A_2335 = arith.constant 16 : i32
        %mul3A_2336 = arith.muli %add3A_178, %mul3A_2335 : i32
        %add3A_2337 = arith.constant 13 : i32
        %add3A_2338 = arith.addi %mul3A_2336, %add3A_2337 : i32
        %swap3A_2339 = arith.index_cast %add3A_2338 : i32 to index
        %swap3A_2340 = arith.constant 96 : index
        %swap3A_2341 = tpu.vector_load %arg14[%swap3A_2339, %swap3A_2340] {strides = array<i32>} : memref<128x128xf32, #tpu.memory_space<vmem>>, vector<1x16xf32>,
        %swap3A_2342 = vector.shape_cast %swap3A_2341 : vector<1x16xf32> to vector<16xf32>
        %swap3A_2343 = vector.shape_cast %mul3A_2334 : vector<16xf32> to vector<1x16xf32>
        tpu.vector_store %arg14[%swap3A_2339, %swap3A_2340], %swap3A_2343 {strides = array<i32>} : memref<128x128xf32, #tpu.memory_space<vmem>>, vector<1x16xf32>,
        %mul3A_2344 = arith.constant 16 : i32
        %mul3A_2345 = arith.muli %add3A_178, %mul3A_2344 : i32
        %add3A_2346 = arith.constant 13 : i32
        %add3A_2347 = arith.addi %mul3A_2345, %add3A_2346 : i32
        %get3A_2348 = arith.index_cast %add3A_2347 : i32 to index
        %get3A_2349 = arith.constant 112 : index
        %get3A_2350 = tpu.vector_load %arg14[%get3A_2348, %get3A_2349] {strides = array<i32>} : memref<128x128xf32, #tpu.memory_space<vmem>>, vector<1x16xf32>,
        %get3A_2351 = vector.shape_cast %get3A_2350 : vector<1x16xf32> to vector<16xf32>
        %mul3A_2352 = arith.mulf %get3A_2351, %gather3A_2217 : vector<16xf32>
        %mul3A_2353 = arith.constant 16 : i32
        %mul3A_2354 = arith.muli %add3A_178, %mul3A_2353 : i32
        %add3A_2355 = arith.constant 13 : i32
        %add3A_2356 = arith.addi %mul3A_2354, %add3A_2355 : i32
        %swap3A_2357 = arith.index_cast %add3A_2356 : i32 to index
        %swap3A_2358 = arith.constant 112 : index
        %swap3A_2359 = tpu.vector_load %arg14[%swap3A_2357, %swap3A_2358] {strides = array<i32>} : memref<128x128xf32, #tpu.memory_space<vmem>>, vector<1x16xf32>,
        %swap3A_2360 = vector.shape_cast %swap3A_2359 : vector<1x16xf32> to vector<16xf32>
        %swap3A_2361 = vector.shape_cast %mul3A_2352 : vector<16xf32> to vector<1x16xf32>
        tpu.vector_store %arg14[%swap3A_2357, %swap3A_2358], %swap3A_2361 {strides = array<i32>} : memref<128x128xf32, #tpu.memory_space<vmem>>, vector<1x16xf32>,
        %broadcast_in_dim3A_2362 = arith.constant 14 : i32
        %broadcast_in_dim3A_2363 = vector.broadcast %broadcast_in_dim3A_2362 : i32 to vector<16xi32>
        %lt3A_2364 = arith.constant 0 : i32
        %lt3A_2365 = vector.broadcast %lt3A_2364 : i32 to vector<16xi32>
        %lt3A_2366 = arith.cmpi slt, %broadcast_in_dim3A_2363, %lt3A_2365 : vector<16xi32>
        %add3A_2367 = arith.constant 16 : i32
        %add3A_2368 = vector.broadcast %add3A_2367 : i32 to vector<16xi32>
        %add3A_2369 = arith.addi %broadcast_in_dim3A_2363, %add3A_2368 : vector<16xi32>
        %select_n3A_2370 = arith.select %lt3A_2366, %add3A_2369, %broadcast_in_dim3A_2363 : vector<16xi1>, vector<16xi32>
        %reshape3A_2371 = vector.shape_cast %select_n3A_2370 : vector<16xi32> to vector<16x1xi32>
        %gather3A_2372 = vector.shape_cast %reshape3A_2371 : vector<16x1xi32> to vector<16xi32>
        %gather3A_2373 = tpu.dynamic_gather %get3A_182[%gather3A_2372] in [0] : vector<16xf32>, vector<16xi32> -> vector<16xf32>
        %mul3A_2374 = arith.constant 16 : i32
        %mul3A_2375 = arith.muli %add3A_178, %mul3A_2374 : i32
        %add3A_2376 = arith.constant 14 : i32
        %add3A_2377 = arith.addi %mul3A_2375, %add3A_2376 : i32
        %get3A_2378 = arith.index_cast %add3A_2377 : i32 to index
        %get3A_2379 = arith.constant 0 : index
        %get3A_2380 = tpu.vector_load %arg14[%get3A_2378, %get3A_2379] {strides = array<i32>} : memref<128x128xf32, #tpu.memory_space<vmem>>, vector<1x16xf32>,
        %get3A_2381 = vector.shape_cast %get3A_2380 : vector<1x16xf32> to vector<16xf32>
        %mul3A_2382 = arith.mulf %get3A_2381, %gather3A_2373 : vector<16xf32>
        %mul3A_2383 = arith.constant 16 : i32
        %mul3A_2384 = arith.muli %add3A_178, %mul3A_2383 : i32
        %add3A_2385 = arith.constant 14 : i32
        %add3A_2386 = arith.addi %mul3A_2384, %add3A_2385 : i32
        %swap3A_2387 = arith.index_cast %add3A_2386 : i32 to index
        %swap3A_2388 = arith.constant 0 : index
        %swap3A_2389 = tpu.vector_load %arg14[%swap3A_2387, %swap3A_2388] {strides = array<i32>} : memref<128x128xf32, #tpu.memory_space<vmem>>, vector<1x16xf32>,
        %swap3A_2390 = vector.shape_cast %swap3A_2389 : vector<1x16xf32> to vector<16xf32>
        %swap3A_2391 = vector.shape_cast %mul3A_2382 : vector<16xf32> to vector<1x16xf32>
        tpu.vector_store %arg14[%swap3A_2387, %swap3A_2388], %swap3A_2391 {strides = array<i32>} : memref<128x128xf32, #tpu.memory_space<vmem>>, vector<1x16xf32>,
        %mul3A_2392 = arith.constant 16 : i32
        %mul3A_2393 = arith.muli %add3A_178, %mul3A_2392 : i32
        %add3A_2394 = arith.constant 14 : i32
        %add3A_2395 = arith.addi %mul3A_2393, %add3A_2394 : i32
        %get3A_2396 = arith.index_cast %add3A_2395 : i32 to index
        %get3A_2397 = arith.constant 16 : index
        %get3A_2398 = tpu.vector_load %arg14[%get3A_2396, %get3A_2397] {strides = array<i32>} : memref<128x128xf32, #tpu.memory_space<vmem>>, vector<1x16xf32>,
        %get3A_2399 = vector.shape_cast %get3A_2398 : vector<1x16xf32> to vector<16xf32>
        %mul3A_2400 = arith.mulf %get3A_2399, %gather3A_2373 : vector<16xf32>
        %mul3A_2401 = arith.constant 16 : i32
        %mul3A_2402 = arith.muli %add3A_178, %mul3A_2401 : i32
        %add3A_2403 = arith.constant 14 : i32
        %add3A_2404 = arith.addi %mul3A_2402, %add3A_2403 : i32
        %swap3A_2405 = arith.index_cast %add3A_2404 : i32 to index
        %swap3A_2406 = arith.constant 16 : index
        %swap3A_2407 = tpu.vector_load %arg14[%swap3A_2405, %swap3A_2406] {strides = array<i32>} : memref<128x128xf32, #tpu.memory_space<vmem>>, vector<1x16xf32>,
        %swap3A_2408 = vector.shape_cast %swap3A_2407 : vector<1x16xf32> to vector<16xf32>
        %swap3A_2409 = vector.shape_cast %mul3A_2400 : vector<16xf32> to vector<1x16xf32>
        tpu.vector_store %arg14[%swap3A_2405, %swap3A_2406], %swap3A_2409 {strides = array<i32>} : memref<128x128xf32, #tpu.memory_space<vmem>>, vector<1x16xf32>,
        %mul3A_2410 = arith.constant 16 : i32
        %mul3A_2411 = arith.muli %add3A_178, %mul3A_2410 : i32
        %add3A_2412 = arith.constant 14 : i32
        %add3A_2413 = arith.addi %mul3A_2411, %add3A_2412 : i32
        %get3A_2414 = arith.index_cast %add3A_2413 : i32 to index
        %get3A_2415 = arith.constant 32 : index
        %get3A_2416 = tpu.vector_load %arg14[%get3A_2414, %get3A_2415] {strides = array<i32>} : memref<128x128xf32, #tpu.memory_space<vmem>>, vector<1x16xf32>,
        %get3A_2417 = vector.shape_cast %get3A_2416 : vector<1x16xf32> to vector<16xf32>
        %mul3A_2418 = arith.mulf %get3A_2417, %gather3A_2373 : vector<16xf32>
        %mul3A_2419 = arith.constant 16 : i32
        %mul3A_2420 = arith.muli %add3A_178, %mul3A_2419 : i32
        %add3A_2421 = arith.constant 14 : i32
        %add3A_2422 = arith.addi %mul3A_2420, %add3A_2421 : i32
        %swap3A_2423 = arith.index_cast %add3A_2422 : i32 to index
        %swap3A_2424 = arith.constant 32 : index
        %swap3A_2425 = tpu.vector_load %arg14[%swap3A_2423, %swap3A_2424] {strides = array<i32>} : memref<128x128xf32, #tpu.memory_space<vmem>>, vector<1x16xf32>,
        %swap3A_2426 = vector.shape_cast %swap3A_2425 : vector<1x16xf32> to vector<16xf32>
        %swap3A_2427 = vector.shape_cast %mul3A_2418 : vector<16xf32> to vector<1x16xf32>
        tpu.vector_store %arg14[%swap3A_2423, %swap3A_2424], %swap3A_2427 {strides = array<i32>} : memref<128x128xf32, #tpu.memory_space<vmem>>, vector<1x16xf32>,
        %mul3A_2428 = arith.constant 16 : i32
        %mul3A_2429 = arith.muli %add3A_178, %mul3A_2428 : i32
        %add3A_2430 = arith.constant 14 : i32
        %add3A_2431 = arith.addi %mul3A_2429, %add3A_2430 : i32
        %get3A_2432 = arith.index_cast %add3A_2431 : i32 to index
        %get3A_2433 = arith.constant 48 : index
        %get3A_2434 = tpu.vector_load %arg14[%get3A_2432, %get3A_2433] {strides = array<i32>} : memref<128x128xf32, #tpu.memory_space<vmem>>, vector<1x16xf32>,
        %get3A_2435 = vector.shape_cast %get3A_2434 : vector<1x16xf32> to vector<16xf32>
        %mul3A_2436 = arith.mulf %get3A_2435, %gather3A_2373 : vector<16xf32>
        %mul3A_2437 = arith.constant 16 : i32
        %mul3A_2438 = arith.muli %add3A_178, %mul3A_2437 : i32
        %add3A_2439 = arith.constant 14 : i32
        %add3A_2440 = arith.addi %mul3A_2438, %add3A_2439 : i32
        %swap3A_2441 = arith.index_cast %add3A_2440 : i32 to index
        %swap3A_2442 = arith.constant 48 : index
        %swap3A_2443 = tpu.vector_load %arg14[%swap3A_2441, %swap3A_2442] {strides = array<i32>} : memref<128x128xf32, #tpu.memory_space<vmem>>, vector<1x16xf32>,
        %swap3A_2444 = vector.shape_cast %swap3A_2443 : vector<1x16xf32> to vector<16xf32>
        %swap3A_2445 = vector.shape_cast %mul3A_2436 : vector<16xf32> to vector<1x16xf32>
        tpu.vector_store %arg14[%swap3A_2441, %swap3A_2442], %swap3A_2445 {strides = array<i32>} : memref<128x128xf32, #tpu.memory_space<vmem>>, vector<1x16xf32>,
        %mul3A_2446 = arith.constant 16 : i32
        %mul3A_2447 = arith.muli %add3A_178, %mul3A_2446 : i32
        %add3A_2448 = arith.constant 14 : i32
        %add3A_2449 = arith.addi %mul3A_2447, %add3A_2448 : i32
        %get3A_2450 = arith.index_cast %add3A_2449 : i32 to index
        %get3A_2451 = arith.constant 64 : index
        %get3A_2452 = tpu.vector_load %arg14[%get3A_2450, %get3A_2451] {strides = array<i32>} : memref<128x128xf32, #tpu.memory_space<vmem>>, vector<1x16xf32>,
        %get3A_2453 = vector.shape_cast %get3A_2452 : vector<1x16xf32> to vector<16xf32>
        %mul3A_2454 = arith.mulf %get3A_2453, %gather3A_2373 : vector<16xf32>
        %mul3A_2455 = arith.constant 16 : i32
        %mul3A_2456 = arith.muli %add3A_178, %mul3A_2455 : i32
        %add3A_2457 = arith.constant 14 : i32
        %add3A_2458 = arith.addi %mul3A_2456, %add3A_2457 : i32
        %swap3A_2459 = arith.index_cast %add3A_2458 : i32 to index
        %swap3A_2460 = arith.constant 64 : index
        %swap3A_2461 = tpu.vector_load %arg14[%swap3A_2459, %swap3A_2460] {strides = array<i32>} : memref<128x128xf32, #tpu.memory_space<vmem>>, vector<1x16xf32>,
        %swap3A_2462 = vector.shape_cast %swap3A_2461 : vector<1x16xf32> to vector<16xf32>
        %swap3A_2463 = vector.shape_cast %mul3A_2454 : vector<16xf32> to vector<1x16xf32>
        tpu.vector_store %arg14[%swap3A_2459, %swap3A_2460], %swap3A_2463 {strides = array<i32>} : memref<128x128xf32, #tpu.memory_space<vmem>>, vector<1x16xf32>,
        %mul3A_2464 = arith.constant 16 : i32
        %mul3A_2465 = arith.muli %add3A_178, %mul3A_2464 : i32
        %add3A_2466 = arith.constant 14 : i32
        %add3A_2467 = arith.addi %mul3A_2465, %add3A_2466 : i32
        %get3A_2468 = arith.index_cast %add3A_2467 : i32 to index
        %get3A_2469 = arith.constant 80 : index
        %get3A_2470 = tpu.vector_load %arg14[%get3A_2468, %get3A_2469] {strides = array<i32>} : memref<128x128xf32, #tpu.memory_space<vmem>>, vector<1x16xf32>,
        %get3A_2471 = vector.shape_cast %get3A_2470 : vector<1x16xf32> to vector<16xf32>
        %mul3A_2472 = arith.mulf %get3A_2471, %gather3A_2373 : vector<16xf32>
        %mul3A_2473 = arith.constant 16 : i32
        %mul3A_2474 = arith.muli %add3A_178, %mul3A_2473 : i32
        %add3A_2475 = arith.constant 14 : i32
        %add3A_2476 = arith.addi %mul3A_2474, %add3A_2475 : i32
        %swap3A_2477 = arith.index_cast %add3A_2476 : i32 to index
        %swap3A_2478 = arith.constant 80 : index
        %swap3A_2479 = tpu.vector_load %arg14[%swap3A_2477, %swap3A_2478] {strides = array<i32>} : memref<128x128xf32, #tpu.memory_space<vmem>>, vector<1x16xf32>,
        %swap3A_2480 = vector.shape_cast %swap3A_2479 : vector<1x16xf32> to vector<16xf32>
        %swap3A_2481 = vector.shape_cast %mul3A_2472 : vector<16xf32> to vector<1x16xf32>
        tpu.vector_store %arg14[%swap3A_2477, %swap3A_2478], %swap3A_2481 {strides = array<i32>} : memref<128x128xf32, #tpu.memory_space<vmem>>, vector<1x16xf32>,
        %mul3A_2482 = arith.constant 16 : i32
        %mul3A_2483 = arith.muli %add3A_178, %mul3A_2482 : i32
        %add3A_2484 = arith.constant 14 : i32
        %add3A_2485 = arith.addi %mul3A_2483, %add3A_2484 : i32
        %get3A_2486 = arith.index_cast %add3A_2485 : i32 to index
        %get3A_2487 = arith.constant 96 : index
        %get3A_2488 = tpu.vector_load %arg14[%get3A_2486, %get3A_2487] {strides = array<i32>} : memref<128x128xf32, #tpu.memory_space<vmem>>, vector<1x16xf32>,
        %get3A_2489 = vector.shape_cast %get3A_2488 : vector<1x16xf32> to vector<16xf32>
        %mul3A_2490 = arith.mulf %get3A_2489, %gather3A_2373 : vector<16xf32>
        %mul3A_2491 = arith.constant 16 : i32
        %mul3A_2492 = arith.muli %add3A_178, %mul3A_2491 : i32
        %add3A_2493 = arith.constant 14 : i32
        %add3A_2494 = arith.addi %mul3A_2492, %add3A_2493 : i32
        %swap3A_2495 = arith.index_cast %add3A_2494 : i32 to index
        %swap3A_2496 = arith.constant 96 : index
        %swap3A_2497 = tpu.vector_load %arg14[%swap3A_2495, %swap3A_2496] {strides = array<i32>} : memref<128x128xf32, #tpu.memory_space<vmem>>, vector<1x16xf32>,
        %swap3A_2498 = vector.shape_cast %swap3A_2497 : vector<1x16xf32> to vector<16xf32>
        %swap3A_2499 = vector.shape_cast %mul3A_2490 : vector<16xf32> to vector<1x16xf32>
        tpu.vector_store %arg14[%swap3A_2495, %swap3A_2496], %swap3A_2499 {strides = array<i32>} : memref<128x128xf32, #tpu.memory_space<vmem>>, vector<1x16xf32>,
        %mul3A_2500 = arith.constant 16 : i32
        %mul3A_2501 = arith.muli %add3A_178, %mul3A_2500 : i32
        %add3A_2502 = arith.constant 14 : i32
        %add3A_2503 = arith.addi %mul3A_2501, %add3A_2502 : i32
        %get3A_2504 = arith.index_cast %add3A_2503 : i32 to index
        %get3A_2505 = arith.constant 112 : index
        %get3A_2506 = tpu.vector_load %arg14[%get3A_2504, %get3A_2505] {strides = array<i32>} : memref<128x128xf32, #tpu.memory_space<vmem>>, vector<1x16xf32>,
        %get3A_2507 = vector.shape_cast %get3A_2506 : vector<1x16xf32> to vector<16xf32>
        %mul3A_2508 = arith.mulf %get3A_2507, %gather3A_2373 : vector<16xf32>
        %mul3A_2509 = arith.constant 16 : i32
        %mul3A_2510 = arith.muli %add3A_178, %mul3A_2509 : i32
        %add3A_2511 = arith.constant 14 : i32
        %add3A_2512 = arith.addi %mul3A_2510, %add3A_2511 : i32
        %swap3A_2513 = arith.index_cast %add3A_2512 : i32 to index
        %swap3A_2514 = arith.constant 112 : index
        %swap3A_2515 = tpu.vector_load %arg14[%swap3A_2513, %swap3A_2514] {strides = array<i32>} : memref<128x128xf32, #tpu.memory_space<vmem>>, vector<1x16xf32>,
        %swap3A_2516 = vector.shape_cast %swap3A_2515 : vector<1x16xf32> to vector<16xf32>
        %swap3A_2517 = vector.shape_cast %mul3A_2508 : vector<16xf32> to vector<1x16xf32>
        tpu.vector_store %arg14[%swap3A_2513, %swap3A_2514], %swap3A_2517 {strides = array<i32>} : memref<128x128xf32, #tpu.memory_space<vmem>>, vector<1x16xf32>,
        %broadcast_in_dim3A_2518 = arith.constant 15 : i32
        %broadcast_in_dim3A_2519 = vector.broadcast %broadcast_in_dim3A_2518 : i32 to vector<16xi32>
        %lt3A_2520 = arith.constant 0 : i32
        %lt3A_2521 = vector.broadcast %lt3A_2520 : i32 to vector<16xi32>
        %lt3A_2522 = arith.cmpi slt, %broadcast_in_dim3A_2519, %lt3A_2521 : vector<16xi32>
        %add3A_2523 = arith.constant 16 : i32
        %add3A_2524 = vector.broadcast %add3A_2523 : i32 to vector<16xi32>
        %add3A_2525 = arith.addi %broadcast_in_dim3A_2519, %add3A_2524 : vector<16xi32>
        %select_n3A_2526 = arith.select %lt3A_2522, %add3A_2525, %broadcast_in_dim3A_2519 : vector<16xi1>, vector<16xi32>
        %reshape3A_2527 = vector.shape_cast %select_n3A_2526 : vector<16xi32> to vector<16x1xi32>
        %gather3A_2528 = vector.shape_cast %reshape3A_2527 : vector<16x1xi32> to vector<16xi32>
        %gather3A_2529 = tpu.dynamic_gather %get3A_182[%gather3A_2528] in [0] : vector<16xf32>, vector<16xi32> -> vector<16xf32>
        %mul3A_2530 = arith.constant 16 : i32
        %mul3A_2531 = arith.muli %add3A_178, %mul3A_2530 : i32
        %add3A_2532 = arith.constant 15 : i32
        %add3A_2533 = arith.addi %mul3A_2531, %add3A_2532 : i32
        %get3A_2534 = arith.index_cast %add3A_2533 : i32 to index
        %get3A_2535 = arith.constant 0 : index
        %get3A_2536 = tpu.vector_load %arg14[%get3A_2534, %get3A_2535] {strides = array<i32>} : memref<128x128xf32, #tpu.memory_space<vmem>>, vector<1x16xf32>,
        %get3A_2537 = vector.shape_cast %get3A_2536 : vector<1x16xf32> to vector<16xf32>
        %mul3A_2538 = arith.mulf %get3A_2537, %gather3A_2529 : vector<16xf32>
        %mul3A_2539 = arith.constant 16 : i32
        %mul3A_2540 = arith.muli %add3A_178, %mul3A_2539 : i32
        %add3A_2541 = arith.constant 15 : i32
        %add3A_2542 = arith.addi %mul3A_2540, %add3A_2541 : i32
        %swap3A_2543 = arith.index_cast %add3A_2542 : i32 to index
        %swap3A_2544 = arith.constant 0 : index
        %swap3A_2545 = tpu.vector_load %arg14[%swap3A_2543, %swap3A_2544] {strides = array<i32>} : memref<128x128xf32, #tpu.memory_space<vmem>>, vector<1x16xf32>,
        %swap3A_2546 = vector.shape_cast %swap3A_2545 : vector<1x16xf32> to vector<16xf32>
        %swap3A_2547 = vector.shape_cast %mul3A_2538 : vector<16xf32> to vector<1x16xf32>
        tpu.vector_store %arg14[%swap3A_2543, %swap3A_2544], %swap3A_2547 {strides = array<i32>} : memref<128x128xf32, #tpu.memory_space<vmem>>, vector<1x16xf32>,
        %mul3A_2548 = arith.constant 16 : i32
        %mul3A_2549 = arith.muli %add3A_178, %mul3A_2548 : i32
        %add3A_2550 = arith.constant 15 : i32
        %add3A_2551 = arith.addi %mul3A_2549, %add3A_2550 : i32
        %get3A_2552 = arith.index_cast %add3A_2551 : i32 to index
        %get3A_2553 = arith.constant 16 : index
        %get3A_2554 = tpu.vector_load %arg14[%get3A_2552, %get3A_2553] {strides = array<i32>} : memref<128x128xf32, #tpu.memory_space<vmem>>, vector<1x16xf32>,
        %get3A_2555 = vector.shape_cast %get3A_2554 : vector<1x16xf32> to vector<16xf32>
        %mul3A_2556 = arith.mulf %get3A_2555, %gather3A_2529 : vector<16xf32>
        %mul3A_2557 = arith.constant 16 : i32
        %mul3A_2558 = arith.muli %add3A_178, %mul3A_2557 : i32
        %add3A_2559 = arith.constant 15 : i32
        %add3A_2560 = arith.addi %mul3A_2558, %add3A_2559 : i32
        %swap3A_2561 = arith.index_cast %add3A_2560 : i32 to index
        %swap3A_2562 = arith.constant 16 : index
        %swap3A_2563 = tpu.vector_load %arg14[%swap3A_2561, %swap3A_2562] {strides = array<i32>} : memref<128x128xf32, #tpu.memory_space<vmem>>, vector<1x16xf32>,
        %swap3A_2564 = vector.shape_cast %swap3A_2563 : vector<1x16xf32> to vector<16xf32>
        %swap3A_2565 = vector.shape_cast %mul3A_2556 : vector<16xf32> to vector<1x16xf32>
        tpu.vector_store %arg14[%swap3A_2561, %swap3A_2562], %swap3A_2565 {strides = array<i32>} : memref<128x128xf32, #tpu.memory_space<vmem>>, vector<1x16xf32>,
        %mul3A_2566 = arith.constant 16 : i32
        %mul3A_2567 = arith.muli %add3A_178, %mul3A_2566 : i32
        %add3A_2568 = arith.constant 15 : i32
        %add3A_2569 = arith.addi %mul3A_2567, %add3A_2568 : i32
        %get3A_2570 = arith.index_cast %add3A_2569 : i32 to index
        %get3A_2571 = arith.constant 32 : index
        %get3A_2572 = tpu.vector_load %arg14[%get3A_2570, %get3A_2571] {strides = array<i32>} : memref<128x128xf32, #tpu.memory_space<vmem>>, vector<1x16xf32>,
        %get3A_2573 = vector.shape_cast %get3A_2572 : vector<1x16xf32> to vector<16xf32>
        %mul3A_2574 = arith.mulf %get3A_2573, %gather3A_2529 : vector<16xf32>
        %mul3A_2575 = arith.constant 16 : i32
        %mul3A_2576 = arith.muli %add3A_178, %mul3A_2575 : i32
        %add3A_2577 = arith.constant 15 : i32
        %add3A_2578 = arith.addi %mul3A_2576, %add3A_2577 : i32
        %swap3A_2579 = arith.index_cast %add3A_2578 : i32 to index
        %swap3A_2580 = arith.constant 32 : index
        %swap3A_2581 = tpu.vector_load %arg14[%swap3A_2579, %swap3A_2580] {strides = array<i32>} : memref<128x128xf32, #tpu.memory_space<vmem>>, vector<1x16xf32>,
        %swap3A_2582 = vector.shape_cast %swap3A_2581 : vector<1x16xf32> to vector<16xf32>
        %swap3A_2583 = vector.shape_cast %mul3A_2574 : vector<16xf32> to vector<1x16xf32>
        tpu.vector_store %arg14[%swap3A_2579, %swap3A_2580], %swap3A_2583 {strides = array<i32>} : memref<128x128xf32, #tpu.memory_space<vmem>>, vector<1x16xf32>,
        %mul3A_2584 = arith.constant 16 : i32
        %mul3A_2585 = arith.muli %add3A_178, %mul3A_2584 : i32
        %add3A_2586 = arith.constant 15 : i32
        %add3A_2587 = arith.addi %mul3A_2585, %add3A_2586 : i32
        %get3A_2588 = arith.index_cast %add3A_2587 : i32 to index
        %get3A_2589 = arith.constant 48 : index
        %get3A_2590 = tpu.vector_load %arg14[%get3A_2588, %get3A_2589] {strides = array<i32>} : memref<128x128xf32, #tpu.memory_space<vmem>>, vector<1x16xf32>,
        %get3A_2591 = vector.shape_cast %get3A_2590 : vector<1x16xf32> to vector<16xf32>
        %mul3A_2592 = arith.mulf %get3A_2591, %gather3A_2529 : vector<16xf32>
        %mul3A_2593 = arith.constant 16 : i32
        %mul3A_2594 = arith.muli %add3A_178, %mul3A_2593 : i32
        %add3A_2595 = arith.constant 15 : i32
        %add3A_2596 = arith.addi %mul3A_2594, %add3A_2595 : i32
        %swap3A_2597 = arith.index_cast %add3A_2596 : i32 to index
        %swap3A_2598 = arith.constant 48 : index
        %swap3A_2599 = tpu.vector_load %arg14[%swap3A_2597, %swap3A_2598] {strides = array<i32>} : memref<128x128xf32, #tpu.memory_space<vmem>>, vector<1x16xf32>,
        %swap3A_2600 = vector.shape_cast %swap3A_2599 : vector<1x16xf32> to vector<16xf32>
        %swap3A_2601 = vector.shape_cast %mul3A_2592 : vector<16xf32> to vector<1x16xf32>
        tpu.vector_store %arg14[%swap3A_2597, %swap3A_2598], %swap3A_2601 {strides = array<i32>} : memref<128x128xf32, #tpu.memory_space<vmem>>, vector<1x16xf32>,
        %mul3A_2602 = arith.constant 16 : i32
        %mul3A_2603 = arith.muli %add3A_178, %mul3A_2602 : i32
        %add3A_2604 = arith.constant 15 : i32
        %add3A_2605 = arith.addi %mul3A_2603, %add3A_2604 : i32
        %get3A_2606 = arith.index_cast %add3A_2605 : i32 to index
        %get3A_2607 = arith.constant 64 : index
        %get3A_2608 = tpu.vector_load %arg14[%get3A_2606, %get3A_2607] {strides = array<i32>} : memref<128x128xf32, #tpu.memory_space<vmem>>, vector<1x16xf32>,
        %get3A_2609 = vector.shape_cast %get3A_2608 : vector<1x16xf32> to vector<16xf32>
        %mul3A_2610 = arith.mulf %get3A_2609, %gather3A_2529 : vector<16xf32>
        %mul3A_2611 = arith.constant 16 : i32
        %mul3A_2612 = arith.muli %add3A_178, %mul3A_2611 : i32
        %add3A_2613 = arith.constant 15 : i32
        %add3A_2614 = arith.addi %mul3A_2612, %add3A_2613 : i32
        %swap3A_2615 = arith.index_cast %add3A_2614 : i32 to index
        %swap3A_2616 = arith.constant 64 : index
        %swap3A_2617 = tpu.vector_load %arg14[%swap3A_2615, %swap3A_2616] {strides = array<i32>} : memref<128x128xf32, #tpu.memory_space<vmem>>, vector<1x16xf32>,
        %swap3A_2618 = vector.shape_cast %swap3A_2617 : vector<1x16xf32> to vector<16xf32>
        %swap3A_2619 = vector.shape_cast %mul3A_2610 : vector<16xf32> to vector<1x16xf32>
        tpu.vector_store %arg14[%swap3A_2615, %swap3A_2616], %swap3A_2619 {strides = array<i32>} : memref<128x128xf32, #tpu.memory_space<vmem>>, vector<1x16xf32>,
        %mul3A_2620 = arith.constant 16 : i32
        %mul3A_2621 = arith.muli %add3A_178, %mul3A_2620 : i32
        %add3A_2622 = arith.constant 15 : i32
        %add3A_2623 = arith.addi %mul3A_2621, %add3A_2622 : i32
        %get3A_2624 = arith.index_cast %add3A_2623 : i32 to index
        %get3A_2625 = arith.constant 80 : index
        %get3A_2626 = tpu.vector_load %arg14[%get3A_2624, %get3A_2625] {strides = array<i32>} : memref<128x128xf32, #tpu.memory_space<vmem>>, vector<1x16xf32>,
        %get3A_2627 = vector.shape_cast %get3A_2626 : vector<1x16xf32> to vector<16xf32>
        %mul3A_2628 = arith.mulf %get3A_2627, %gather3A_2529 : vector<16xf32>
        %mul3A_2629 = arith.constant 16 : i32
        %mul3A_2630 = arith.muli %add3A_178, %mul3A_2629 : i32
        %add3A_2631 = arith.constant 15 : i32
        %add3A_2632 = arith.addi %mul3A_2630, %add3A_2631 : i32
        %swap3A_2633 = arith.index_cast %add3A_2632 : i32 to index
        %swap3A_2634 = arith.constant 80 : index
        %swap3A_2635 = tpu.vector_load %arg14[%swap3A_2633, %swap3A_2634] {strides = array<i32>} : memref<128x128xf32, #tpu.memory_space<vmem>>, vector<1x16xf32>,
        %swap3A_2636 = vector.shape_cast %swap3A_2635 : vector<1x16xf32> to vector<16xf32>
        %swap3A_2637 = vector.shape_cast %mul3A_2628 : vector<16xf32> to vector<1x16xf32>
        tpu.vector_store %arg14[%swap3A_2633, %swap3A_2634], %swap3A_2637 {strides = array<i32>} : memref<128x128xf32, #tpu.memory_space<vmem>>, vector<1x16xf32>,
        %mul3A_2638 = arith.constant 16 : i32
        %mul3A_2639 = arith.muli %add3A_178, %mul3A_2638 : i32
        %add3A_2640 = arith.constant 15 : i32
        %add3A_2641 = arith.addi %mul3A_2639, %add3A_2640 : i32
        %get3A_2642 = arith.index_cast %add3A_2641 : i32 to index
        %get3A_2643 = arith.constant 96 : index
        %get3A_2644 = tpu.vector_load %arg14[%get3A_2642, %get3A_2643] {strides = array<i32>} : memref<128x128xf32, #tpu.memory_space<vmem>>, vector<1x16xf32>,
        %get3A_2645 = vector.shape_cast %get3A_2644 : vector<1x16xf32> to vector<16xf32>
        %mul3A_2646 = arith.mulf %get3A_2645, %gather3A_2529 : vector<16xf32>
        %mul3A_2647 = arith.constant 16 : i32
        %mul3A_2648 = arith.muli %add3A_178, %mul3A_2647 : i32
        %add3A_2649 = arith.constant 15 : i32
        %add3A_2650 = arith.addi %mul3A_2648, %add3A_2649 : i32
        %swap3A_2651 = arith.index_cast %add3A_2650 : i32 to index
        %swap3A_2652 = arith.constant 96 : index
        %swap3A_2653 = tpu.vector_load %arg14[%swap3A_2651, %swap3A_2652] {strides = array<i32>} : memref<128x128xf32, #tpu.memory_space<vmem>>, vector<1x16xf32>,
        %swap3A_2654 = vector.shape_cast %swap3A_2653 : vector<1x16xf32> to vector<16xf32>
        %swap3A_2655 = vector.shape_cast %mul3A_2646 : vector<16xf32> to vector<1x16xf32>
        tpu.vector_store %arg14[%swap3A_2651, %swap3A_2652], %swap3A_2655 {strides = array<i32>} : memref<128x128xf32, #tpu.memory_space<vmem>>, vector<1x16xf32>,
        %mul3A_2656 = arith.constant 16 : i32
        %mul3A_2657 = arith.muli %add3A_178, %mul3A_2656 : i32
        %add3A_2658 = arith.constant 15 : i32
        %add3A_2659 = arith.addi %mul3A_2657, %add3A_2658 : i32
        %get3A_2660 = arith.index_cast %add3A_2659 : i32 to index
        %get3A_2661 = arith.constant 112 : index
        %get3A_2662 = tpu.vector_load %arg14[%get3A_2660, %get3A_2661] {strides = array<i32>} : memref<128x128xf32, #tpu.memory_space<vmem>>, vector<1x16xf32>,
        %get3A_2663 = vector.shape_cast %get3A_2662 : vector<1x16xf32> to vector<16xf32>
        %mul3A_2664 = arith.mulf %get3A_2663, %gather3A_2529 : vector<16xf32>
        %mul3A_2665 = arith.constant 16 : i32
        %mul3A_2666 = arith.muli %add3A_178, %mul3A_2665 : i32
        %add3A_2667 = arith.constant 15 : i32
        %add3A_2668 = arith.addi %mul3A_2666, %add3A_2667 : i32
        %swap3A_2669 = arith.index_cast %add3A_2668 : i32 to index
        %swap3A_2670 = arith.constant 112 : index
        %swap3A_2671 = tpu.vector_load %arg14[%swap3A_2669, %swap3A_2670] {strides = array<i32>} : memref<128x128xf32, #tpu.memory_space<vmem>>, vector<1x16xf32>,
        %swap3A_2672 = vector.shape_cast %swap3A_2671 : vector<1x16xf32> to vector<16xf32>
        %swap3A_2673 = vector.shape_cast %mul3A_2664 : vector<16xf32> to vector<1x16xf32>
        tpu.vector_store %arg14[%swap3A_2669, %swap3A_2670], %swap3A_2673 {strides = array<i32>} : memref<128x128xf32, #tpu.memory_space<vmem>>, vector<1x16xf32>,
      }
      %scan3A_150 = arith.constant 8 : i32
      %dma_start3A_151 = arith.constant 0 : i32
      %dma_start3A_152 = arith.constant 0 : i32
      %dma_start3A_153 = tpu.memref_slice %arg16[%dma_start3A_151, %dma_start3A_152] : memref<10000x128xf32, #tpu.memory_space<vmem_shared>> -> memref<10000x128xf32, #tpu.memory_space<vmem_shared>>
      tpu.enqueue_indirect_dma source(%arg14 : memref<128x128xf32, #tpu.memory_space<vmem>>) target(%dma_start3A_153 : memref<10000x128xf32, #tpu.memory_space<vmem_shared>>) offsets(%arg10 : memref<128xi32, #tpu.memory_space<vmem>>) semaphore(%arg23 : memref<!tpu.dma_semaphore, #tpu.memory_space<semaphore_mem>>) {add = true}
      %add3A_154 = arith.constant 1 : i32
      %add3A_155 = arith.addi %add3A_133, %add3A_154 : i32
      %add3A_156 = arith.constant 1 : i32
      %add3A_157 = arith.addi %add3A_155, %add3A_156 : i32
      %lt3A_158 = arith.constant 80 : i32
      %lt3A_159 = arith.cmpi slt, %add3A_157, %lt3A_158 : i32
      %convert_element_type3A_160 = arith.extui %lt3A_159 : i1 to i32
      %cond3A_161 = arith.constant 0 : i32
      %cond3A_162 = arith.cmpi ne, %convert_element_type3A_160, %cond3A_161 : i32
      scf.if %cond3A_162 {
        %ge3A = arith.constant 1 : i32
        %ge3A_174 = arith.cmpi sge, %add3A_155, %ge3A : i32
        %convert_element_type3A_175 = arith.extui %ge3A_174 : i1 to i32
        %cond3A_176 = arith.constant 0 : i32
        %cond3A_177 = arith.cmpi ne, %convert_element_type3A_175, %cond3A_176 : i32
        scf.if %cond3A_177 {
          %dma_wait3A_204 = arith.constant 0 : i32
          %dma_wait3A_205 = arith.constant 0 : i32
          %dma_wait3A_206 = tpu.memref_slice %arg16[%dma_wait3A_204, %dma_wait3A_205] : memref<10000x128xf32, #tpu.memory_space<vmem_shared>> -> memref<10000x128xf32, #tpu.memory_space<vmem_shared>>
          tpu.wait_indirect_dma semaphore(%arg23 : memref<!tpu.dma_semaphore, #tpu.memory_space<semaphore_mem>>) src(%arg14 : memref<128x128xf32, #tpu.memory_space<vmem>>) dst(%dma_wait3A_206 : memref<10000x128xf32, #tpu.memory_space<vmem_shared>>)
        } else {
        }
        %add3A_178 = arith.constant 1 : i32
        %add3A_179 = arith.addi %add3A_155, %add3A_178 : i32
        %mul3A_180 = arith.constant 128 : i32
        %mul3A_181 = arith.muli %add3A_179, %mul3A_180 : i32
        %add3A_182 = arith.addi %mul3A_48, %mul3A_181 : i32
        %dma_start3A_183 = tpu.memref_slice %arg3[%add3A_182] : memref<327680xi32, #tpu.memory_space<hbm>> -> memref<128xi32, #tpu.memory_space<hbm>>
        %dma_start3A_184 = tpu.memref_slice %arg3[%add3A_182] : memref<327680xi32, #tpu.memory_space<hbm>> -> memref<128xi32, #tpu.memory_space<hbm>>
        tpu.enqueue_dma source(%dma_start3A_184 : memref<128xi32, #tpu.memory_space<hbm>>) target(%arg8 : memref<128xi32, #tpu.memory_space<vmem>>) target_semaphore(%arg17 : memref<!tpu.dma_semaphore, #tpu.memory_space<semaphore_mem>>)
        %dma_start3A_185 = tpu.memref_slice %arg4[%add3A_182] : memref<327680xi32, #tpu.memory_space<hbm>> -> memref<128xi32, #tpu.memory_space<hbm>>
        %dma_start3A_186 = tpu.memref_slice %arg4[%add3A_182] : memref<327680xi32, #tpu.memory_space<hbm>> -> memref<128xi32, #tpu.memory_space<hbm>>
        tpu.enqueue_dma source(%dma_start3A_186 : memref<128xi32, #tpu.memory_space<hbm>>) target(%arg10 : memref<128xi32, #tpu.memory_space<vmem>>) target_semaphore(%arg19 : memref<!tpu.dma_semaphore, #tpu.memory_space<semaphore_mem>>)
        %dma_start3A_187 = tpu.memref_slice %arg5[%add3A_182] : memref<327680xf32, #tpu.memory_space<hbm>> -> memref<128xf32, #tpu.memory_space<hbm>>
        %dma_start3A_188 = tpu.memref_slice %arg5[%add3A_182] : memref<327680xf32, #tpu.memory_space<hbm>> -> memref<128xf32, #tpu.memory_space<hbm>>
        tpu.enqueue_dma source(%dma_start3A_188 : memref<128xf32, #tpu.memory_space<hbm>>) target(%arg12 : memref<128xf32, #tpu.memory_space<vmem>>) target_semaphore(%arg19 : memref<!tpu.dma_semaphore, #tpu.memory_space<semaphore_mem>>)
        %dma_wait3A_189 = arith.constant 0 : i32
        %dma_wait3A_190 = tpu.memref_slice %arg3[%dma_wait3A_189] : memref<327680xi32, #tpu.memory_space<hbm>> -> memref<128xi32, #tpu.memory_space<hbm>>
        %dma_wait3A_191 = arith.constant 0 : i32
        %dma_wait3A_192 = tpu.memref_slice %arg3[%dma_wait3A_191] : memref<327680xi32, #tpu.memory_space<hbm>> -> memref<128xi32, #tpu.memory_space<hbm>>
        tpu.wait_dma2 semaphore(%arg17 : memref<!tpu.dma_semaphore, #tpu.memory_space<semaphore_mem>>) src(%dma_wait3A_192 : memref<128xi32, #tpu.memory_space<hbm>>) dst(%arg8 : memref<128xi32, #tpu.memory_space<vmem>>)
        %dma_wait3A_193 = arith.constant 0 : i32
        %dma_wait3A_194 = tpu.memref_slice %arg4[%dma_wait3A_193] : memref<327680xi32, #tpu.memory_space<hbm>> -> memref<128xi32, #tpu.memory_space<hbm>>
        %dma_wait3A_195 = arith.constant 0 : i32
        %dma_wait3A_196 = tpu.memref_slice %arg4[%dma_wait3A_195] : memref<327680xi32, #tpu.memory_space<hbm>> -> memref<128xi32, #tpu.memory_space<hbm>>
        tpu.wait_dma2 semaphore(%arg19 : memref<!tpu.dma_semaphore, #tpu.memory_space<semaphore_mem>>) src(%dma_wait3A_196 : memref<128xi32, #tpu.memory_space<hbm>>) dst(%arg10 : memref<128xi32, #tpu.memory_space<vmem>>)
        %dma_wait3A_197 = arith.constant 0 : i32
        %dma_wait3A_198 = tpu.memref_slice %arg5[%dma_wait3A_197] : memref<327680xf32, #tpu.memory_space<hbm>> -> memref<128xf32, #tpu.memory_space<hbm>>
        %dma_wait3A_199 = arith.constant 0 : i32
        %dma_wait3A_200 = tpu.memref_slice %arg5[%dma_wait3A_199] : memref<327680xf32, #tpu.memory_space<hbm>> -> memref<128xf32, #tpu.memory_space<hbm>>
        tpu.wait_dma2 semaphore(%arg19 : memref<!tpu.dma_semaphore, #tpu.memory_space<semaphore_mem>>) src(%dma_wait3A_200 : memref<128xf32, #tpu.memory_space<hbm>>) dst(%arg12 : memref<128xf32, #tpu.memory_space<vmem>>)
        %dma_start3A_201 = arith.constant 0 : i32
        %dma_start3A_202 = arith.constant 0 : i32
        %dma_start3A_203 = tpu.memref_slice %arg2[%dma_start3A_201, %dma_start3A_202] : memref<10000x128xf32, #tpu.memory_space<hbm>> -> memref<10000x128xf32, #tpu.memory_space<hbm>>
        tpu.enqueue_indirect_dma source(%dma_start3A_203 : memref<10000x128xf32, #tpu.memory_space<hbm>>) target(%arg14 : memref<128x128xf32, #tpu.memory_space<vmem>>) offsets(%arg8 : memref<128xi32, #tpu.memory_space<vmem>>) semaphore(%arg21 : memref<!tpu.dma_semaphore, #tpu.memory_space<semaphore_mem>>)
      } else {
      }
      %dma_wait3A_163 = arith.constant 0 : i32
      %dma_wait3A_164 = arith.constant 0 : i32
      %dma_wait3A_165 = tpu.memref_slice %arg2[%dma_wait3A_163, %dma_wait3A_164] : memref<10000x128xf32, #tpu.memory_space<hbm>> -> memref<10000x128xf32, #tpu.memory_space<hbm>>
      tpu.wait_indirect_dma semaphore(%arg22 : memref<!tpu.dma_semaphore, #tpu.memory_space<semaphore_mem>>) src(%dma_wait3A_165 : memref<10000x128xf32, #tpu.memory_space<hbm>>) dst(%arg15 : memref<128x128xf32, #tpu.memory_space<vmem>>)
      %scan3A_166 = arith.constant 0 : i32
      %scan3A_167 = arith.constant 8 : i32
      %scan3A_168 = arith.addi %scan3A_166, %scan3A_167 : i32
      %scan3A_169 = arith.constant 1 : i32
      scf.for %scan3A_174 = %scan3A_166 to %scan3A_168 step %scan3A_169  : i32 {
        %mul3A_175 = arith.constant 1 : i32
        %mul3A_176 = arith.muli %scan3A_174, %mul3A_175 : i32
        %add3A_177 = arith.constant 0 : i32
        %add3A_178 = arith.addi %add3A_177, %mul3A_176 : i32
        %mul3A_179 = arith.constant 16 : i32
        %mul3A_180 = arith.muli %add3A_178, %mul3A_179 : i32
        %get3A = arith.index_cast %mul3A_180 : i32 to index
        %get3A_181 = tpu.vector_load %arg13[%get3A] {strides = array<i32>} : memref<128xf32, #tpu.memory_space<vmem>>, vector<16xf32>,
        %get3A_182 = vector.shape_cast %get3A_181 : vector<16xf32> to vector<16xf32>
        %broadcast_in_dim3A = arith.constant 0 : i32
        %broadcast_in_dim3A_183 = vector.broadcast %broadcast_in_dim3A : i32 to vector<16xi32>
        %lt3A_184 = arith.constant 0 : i32
        %lt3A_185 = vector.broadcast %lt3A_184 : i32 to vector<16xi32>
        %lt3A_186 = arith.cmpi slt, %broadcast_in_dim3A_183, %lt3A_185 : vector<16xi32>
        %add3A_187 = arith.constant 16 : i32
        %add3A_188 = vector.broadcast %add3A_187 : i32 to vector<16xi32>
        %add3A_189 = arith.addi %broadcast_in_dim3A_183, %add3A_188 : vector<16xi32>
        %select_n3A = arith.select %lt3A_186, %add3A_189, %broadcast_in_dim3A_183 : vector<16xi1>, vector<16xi32>
        %reshape3A = vector.shape_cast %select_n3A : vector<16xi32> to vector<16x1xi32>
        %gather3A = vector.shape_cast %reshape3A : vector<16x1xi32> to vector<16xi32>
        %gather3A_190 = tpu.dynamic_gather %get3A_182[%gather3A] in [0] : vector<16xf32>, vector<16xi32> -> vector<16xf32>
        %mul3A_191 = arith.constant 16 : i32
        %mul3A_192 = arith.muli %add3A_178, %mul3A_191 : i32
        %add3A_193 = arith.constant 0 : i32
        %add3A_194 = arith.addi %mul3A_192, %add3A_193 : i32
        %get3A_195 = arith.index_cast %add3A_194 : i32 to index
        %get3A_196 = arith.constant 0 : index
        %get3A_197 = tpu.vector_load %arg15[%get3A_195, %get3A_196] {strides = array<i32>} : memref<128x128xf32, #tpu.memory_space<vmem>>, vector<1x16xf32>,
        %get3A_198 = vector.shape_cast %get3A_197 : vector<1x16xf32> to vector<16xf32>
        %mul3A_199 = arith.mulf %get3A_198, %gather3A_190 : vector<16xf32>
        %mul3A_200 = arith.constant 16 : i32
        %mul3A_201 = arith.muli %add3A_178, %mul3A_200 : i32
        %add3A_202 = arith.constant 0 : i32
        %add3A_203 = arith.addi %mul3A_201, %add3A_202 : i32
        %swap3A = arith.index_cast %add3A_203 : i32 to index
        %swap3A_204 = arith.constant 0 : index
        %swap3A_205 = tpu.vector_load %arg15[%swap3A, %swap3A_204] {strides = array<i32>} : memref<128x128xf32, #tpu.memory_space<vmem>>, vector<1x16xf32>,
        %swap3A_206 = vector.shape_cast %swap3A_205 : vector<1x16xf32> to vector<16xf32>
        %swap3A_207 = vector.shape_cast %mul3A_199 : vector<16xf32> to vector<1x16xf32>
        tpu.vector_store %arg15[%swap3A, %swap3A_204], %swap3A_207 {strides = array<i32>} : memref<128x128xf32, #tpu.memory_space<vmem>>, vector<1x16xf32>,
        %mul3A_208 = arith.constant 16 : i32
        %mul3A_209 = arith.muli %add3A_178, %mul3A_208 : i32
        %add3A_210 = arith.constant 0 : i32
        %add3A_211 = arith.addi %mul3A_209, %add3A_210 : i32
        %get3A_212 = arith.index_cast %add3A_211 : i32 to index
        %get3A_213 = arith.constant 16 : index
        %get3A_214 = tpu.vector_load %arg15[%get3A_212, %get3A_213] {strides = array<i32>} : memref<128x128xf32, #tpu.memory_space<vmem>>, vector<1x16xf32>,
        %get3A_215 = vector.shape_cast %get3A_214 : vector<1x16xf32> to vector<16xf32>
        %mul3A_216 = arith.mulf %get3A_215, %gather3A_190 : vector<16xf32>
        %mul3A_217 = arith.constant 16 : i32
        %mul3A_218 = arith.muli %add3A_178, %mul3A_217 : i32
        %add3A_219 = arith.constant 0 : i32
        %add3A_220 = arith.addi %mul3A_218, %add3A_219 : i32
        %swap3A_221 = arith.index_cast %add3A_220 : i32 to index
        %swap3A_222 = arith.constant 16 : index
        %swap3A_223 = tpu.vector_load %arg15[%swap3A_221, %swap3A_222] {strides = array<i32>} : memref<128x128xf32, #tpu.memory_space<vmem>>, vector<1x16xf32>,
        %swap3A_224 = vector.shape_cast %swap3A_223 : vector<1x16xf32> to vector<16xf32>
        %swap3A_225 = vector.shape_cast %mul3A_216 : vector<16xf32> to vector<1x16xf32>
        tpu.vector_store %arg15[%swap3A_221, %swap3A_222], %swap3A_225 {strides = array<i32>} : memref<128x128xf32, #tpu.memory_space<vmem>>, vector<1x16xf32>,
        %mul3A_226 = arith.constant 16 : i32
        %mul3A_227 = arith.muli %add3A_178, %mul3A_226 : i32
        %add3A_228 = arith.constant 0 : i32
        %add3A_229 = arith.addi %mul3A_227, %add3A_228 : i32
        %get3A_230 = arith.index_cast %add3A_229 : i32 to index
        %get3A_231 = arith.constant 32 : index
        %get3A_232 = tpu.vector_load %arg15[%get3A_230, %get3A_231] {strides = array<i32>} : memref<128x128xf32, #tpu.memory_space<vmem>>, vector<1x16xf32>,
        %get3A_233 = vector.shape_cast %get3A_232 : vector<1x16xf32> to vector<16xf32>
        %mul3A_234 = arith.mulf %get3A_233, %gather3A_190 : vector<16xf32>
        %mul3A_235 = arith.constant 16 : i32
        %mul3A_236 = arith.muli %add3A_178, %mul3A_235 : i32
        %add3A_237 = arith.constant 0 : i32
        %add3A_238 = arith.addi %mul3A_236, %add3A_237 : i32
        %swap3A_239 = arith.index_cast %add3A_238 : i32 to index
        %swap3A_240 = arith.constant 32 : index
        %swap3A_241 = tpu.vector_load %arg15[%swap3A_239, %swap3A_240] {strides = array<i32>} : memref<128x128xf32, #tpu.memory_space<vmem>>, vector<1x16xf32>,
        %swap3A_242 = vector.shape_cast %swap3A_241 : vector<1x16xf32> to vector<16xf32>
        %swap3A_243 = vector.shape_cast %mul3A_234 : vector<16xf32> to vector<1x16xf32>
        tpu.vector_store %arg15[%swap3A_239, %swap3A_240], %swap3A_243 {strides = array<i32>} : memref<128x128xf32, #tpu.memory_space<vmem>>, vector<1x16xf32>,
        %mul3A_244 = arith.constant 16 : i32
        %mul3A_245 = arith.muli %add3A_178, %mul3A_244 : i32
        %add3A_246 = arith.constant 0 : i32
        %add3A_247 = arith.addi %mul3A_245, %add3A_246 : i32
        %get3A_248 = arith.index_cast %add3A_247 : i32 to index
        %get3A_249 = arith.constant 48 : index
        %get3A_250 = tpu.vector_load %arg15[%get3A_248, %get3A_249] {strides = array<i32>} : memref<128x128xf32, #tpu.memory_space<vmem>>, vector<1x16xf32>,
        %get3A_251 = vector.shape_cast %get3A_250 : vector<1x16xf32> to vector<16xf32>
        %mul3A_252 = arith.mulf %get3A_251, %gather3A_190 : vector<16xf32>
        %mul3A_253 = arith.constant 16 : i32
        %mul3A_254 = arith.muli %add3A_178, %mul3A_253 : i32
        %add3A_255 = arith.constant 0 : i32
        %add3A_256 = arith.addi %mul3A_254, %add3A_255 : i32
        %swap3A_257 = arith.index_cast %add3A_256 : i32 to index
        %swap3A_258 = arith.constant 48 : index
        %swap3A_259 = tpu.vector_load %arg15[%swap3A_257, %swap3A_258] {strides = array<i32>} : memref<128x128xf32, #tpu.memory_space<vmem>>, vector<1x16xf32>,
        %swap3A_260 = vector.shape_cast %swap3A_259 : vector<1x16xf32> to vector<16xf32>
        %swap3A_261 = vector.shape_cast %mul3A_252 : vector<16xf32> to vector<1x16xf32>
        tpu.vector_store %arg15[%swap3A_257, %swap3A_258], %swap3A_261 {strides = array<i32>} : memref<128x128xf32, #tpu.memory_space<vmem>>, vector<1x16xf32>,
        %mul3A_262 = arith.constant 16 : i32
        %mul3A_263 = arith.muli %add3A_178, %mul3A_262 : i32
        %add3A_264 = arith.constant 0 : i32
        %add3A_265 = arith.addi %mul3A_263, %add3A_264 : i32
        %get3A_266 = arith.index_cast %add3A_265 : i32 to index
        %get3A_267 = arith.constant 64 : index
        %get3A_268 = tpu.vector_load %arg15[%get3A_266, %get3A_267] {strides = array<i32>} : memref<128x128xf32, #tpu.memory_space<vmem>>, vector<1x16xf32>,
        %get3A_269 = vector.shape_cast %get3A_268 : vector<1x16xf32> to vector<16xf32>
        %mul3A_270 = arith.mulf %get3A_269, %gather3A_190 : vector<16xf32>
        %mul3A_271 = arith.constant 16 : i32
        %mul3A_272 = arith.muli %add3A_178, %mul3A_271 : i32
        %add3A_273 = arith.constant 0 : i32
        %add3A_274 = arith.addi %mul3A_272, %add3A_273 : i32
        %swap3A_275 = arith.index_cast %add3A_274 : i32 to index
        %swap3A_276 = arith.constant 64 : index
        %swap3A_277 = tpu.vector_load %arg15[%swap3A_275, %swap3A_276] {strides = array<i32>} : memref<128x128xf32, #tpu.memory_space<vmem>>, vector<1x16xf32>,
        %swap3A_278 = vector.shape_cast %swap3A_277 : vector<1x16xf32> to vector<16xf32>
        %swap3A_279 = vector.shape_cast %mul3A_270 : vector<16xf32> to vector<1x16xf32>
        tpu.vector_store %arg15[%swap3A_275, %swap3A_276], %swap3A_279 {strides = array<i32>} : memref<128x128xf32, #tpu.memory_space<vmem>>, vector<1x16xf32>,
        %mul3A_280 = arith.constant 16 : i32
        %mul3A_281 = arith.muli %add3A_178, %mul3A_280 : i32
        %add3A_282 = arith.constant 0 : i32
        %add3A_283 = arith.addi %mul3A_281, %add3A_282 : i32
        %get3A_284 = arith.index_cast %add3A_283 : i32 to index
        %get3A_285 = arith.constant 80 : index
        %get3A_286 = tpu.vector_load %arg15[%get3A_284, %get3A_285] {strides = array<i32>} : memref<128x128xf32, #tpu.memory_space<vmem>>, vector<1x16xf32>,
        %get3A_287 = vector.shape_cast %get3A_286 : vector<1x16xf32> to vector<16xf32>
        %mul3A_288 = arith.mulf %get3A_287, %gather3A_190 : vector<16xf32>
        %mul3A_289 = arith.constant 16 : i32
        %mul3A_290 = arith.muli %add3A_178, %mul3A_289 : i32
        %add3A_291 = arith.constant 0 : i32
        %add3A_292 = arith.addi %mul3A_290, %add3A_291 : i32
        %swap3A_293 = arith.index_cast %add3A_292 : i32 to index
        %swap3A_294 = arith.constant 80 : index
        %swap3A_295 = tpu.vector_load %arg15[%swap3A_293, %swap3A_294] {strides = array<i32>} : memref<128x128xf32, #tpu.memory_space<vmem>>, vector<1x16xf32>,
        %swap3A_296 = vector.shape_cast %swap3A_295 : vector<1x16xf32> to vector<16xf32>
        %swap3A_297 = vector.shape_cast %mul3A_288 : vector<16xf32> to vector<1x16xf32>
        tpu.vector_store %arg15[%swap3A_293, %swap3A_294], %swap3A_297 {strides = array<i32>} : memref<128x128xf32, #tpu.memory_space<vmem>>, vector<1x16xf32>,
        %mul3A_298 = arith.constant 16 : i32
        %mul3A_299 = arith.muli %add3A_178, %mul3A_298 : i32
        %add3A_300 = arith.constant 0 : i32
        %add3A_301 = arith.addi %mul3A_299, %add3A_300 : i32
        %get3A_302 = arith.index_cast %add3A_301 : i32 to index
        %get3A_303 = arith.constant 96 : index
        %get3A_304 = tpu.vector_load %arg15[%get3A_302, %get3A_303] {strides = array<i32>} : memref<128x128xf32, #tpu.memory_space<vmem>>, vector<1x16xf32>,
        %get3A_305 = vector.shape_cast %get3A_304 : vector<1x16xf32> to vector<16xf32>
        %mul3A_306 = arith.mulf %get3A_305, %gather3A_190 : vector<16xf32>
        %mul3A_307 = arith.constant 16 : i32
        %mul3A_308 = arith.muli %add3A_178, %mul3A_307 : i32
        %add3A_309 = arith.constant 0 : i32
        %add3A_310 = arith.addi %mul3A_308, %add3A_309 : i32
        %swap3A_311 = arith.index_cast %add3A_310 : i32 to index
        %swap3A_312 = arith.constant 96 : index
        %swap3A_313 = tpu.vector_load %arg15[%swap3A_311, %swap3A_312] {strides = array<i32>} : memref<128x128xf32, #tpu.memory_space<vmem>>, vector<1x16xf32>,
        %swap3A_314 = vector.shape_cast %swap3A_313 : vector<1x16xf32> to vector<16xf32>
        %swap3A_315 = vector.shape_cast %mul3A_306 : vector<16xf32> to vector<1x16xf32>
        tpu.vector_store %arg15[%swap3A_311, %swap3A_312], %swap3A_315 {strides = array<i32>} : memref<128x128xf32, #tpu.memory_space<vmem>>, vector<1x16xf32>,
        %mul3A_316 = arith.constant 16 : i32
        %mul3A_317 = arith.muli %add3A_178, %mul3A_316 : i32
        %add3A_318 = arith.constant 0 : i32
        %add3A_319 = arith.addi %mul3A_317, %add3A_318 : i32
        %get3A_320 = arith.index_cast %add3A_319 : i32 to index
        %get3A_321 = arith.constant 112 : index
        %get3A_322 = tpu.vector_load %arg15[%get3A_320, %get3A_321] {strides = array<i32>} : memref<128x128xf32, #tpu.memory_space<vmem>>, vector<1x16xf32>,
        %get3A_323 = vector.shape_cast %get3A_322 : vector<1x16xf32> to vector<16xf32>
        %mul3A_324 = arith.mulf %get3A_323, %gather3A_190 : vector<16xf32>
        %mul3A_325 = arith.constant 16 : i32
        %mul3A_326 = arith.muli %add3A_178, %mul3A_325 : i32
        %add3A_327 = arith.constant 0 : i32
        %add3A_328 = arith.addi %mul3A_326, %add3A_327 : i32
        %swap3A_329 = arith.index_cast %add3A_328 : i32 to index
        %swap3A_330 = arith.constant 112 : index
        %swap3A_331 = tpu.vector_load %arg15[%swap3A_329, %swap3A_330] {strides = array<i32>} : memref<128x128xf32, #tpu.memory_space<vmem>>, vector<1x16xf32>,
        %swap3A_332 = vector.shape_cast %swap3A_331 : vector<1x16xf32> to vector<16xf32>
        %swap3A_333 = vector.shape_cast %mul3A_324 : vector<16xf32> to vector<1x16xf32>
        tpu.vector_store %arg15[%swap3A_329, %swap3A_330], %swap3A_333 {strides = array<i32>} : memref<128x128xf32, #tpu.memory_space<vmem>>, vector<1x16xf32>,
        %broadcast_in_dim3A_334 = arith.constant 1 : i32
        %broadcast_in_dim3A_335 = vector.broadcast %broadcast_in_dim3A_334 : i32 to vector<16xi32>
        %lt3A_336 = arith.constant 0 : i32
        %lt3A_337 = vector.broadcast %lt3A_336 : i32 to vector<16xi32>
        %lt3A_338 = arith.cmpi slt, %broadcast_in_dim3A_335, %lt3A_337 : vector<16xi32>
        %add3A_339 = arith.constant 16 : i32
        %add3A_340 = vector.broadcast %add3A_339 : i32 to vector<16xi32>
        %add3A_341 = arith.addi %broadcast_in_dim3A_335, %add3A_340 : vector<16xi32>
        %select_n3A_342 = arith.select %lt3A_338, %add3A_341, %broadcast_in_dim3A_335 : vector<16xi1>, vector<16xi32>
        %reshape3A_343 = vector.shape_cast %select_n3A_342 : vector<16xi32> to vector<16x1xi32>
        %gather3A_344 = vector.shape_cast %reshape3A_343 : vector<16x1xi32> to vector<16xi32>
        %gather3A_345 = tpu.dynamic_gather %get3A_182[%gather3A_344] in [0] : vector<16xf32>, vector<16xi32> -> vector<16xf32>
        %mul3A_346 = arith.constant 16 : i32
        %mul3A_347 = arith.muli %add3A_178, %mul3A_346 : i32
        %add3A_348 = arith.constant 1 : i32
        %add3A_349 = arith.addi %mul3A_347, %add3A_348 : i32
        %get3A_350 = arith.index_cast %add3A_349 : i32 to index
        %get3A_351 = arith.constant 0 : index
        %get3A_352 = tpu.vector_load %arg15[%get3A_350, %get3A_351] {strides = array<i32>} : memref<128x128xf32, #tpu.memory_space<vmem>>, vector<1x16xf32>,
        %get3A_353 = vector.shape_cast %get3A_352 : vector<1x16xf32> to vector<16xf32>
        %mul3A_354 = arith.mulf %get3A_353, %gather3A_345 : vector<16xf32>
        %mul3A_355 = arith.constant 16 : i32
        %mul3A_356 = arith.muli %add3A_178, %mul3A_355 : i32
        %add3A_357 = arith.constant 1 : i32
        %add3A_358 = arith.addi %mul3A_356, %add3A_357 : i32
        %swap3A_359 = arith.index_cast %add3A_358 : i32 to index
        %swap3A_360 = arith.constant 0 : index
        %swap3A_361 = tpu.vector_load %arg15[%swap3A_359, %swap3A_360] {strides = array<i32>} : memref<128x128xf32, #tpu.memory_space<vmem>>, vector<1x16xf32>,
        %swap3A_362 = vector.shape_cast %swap3A_361 : vector<1x16xf32> to vector<16xf32>
        %swap3A_363 = vector.shape_cast %mul3A_354 : vector<16xf32> to vector<1x16xf32>
        tpu.vector_store %arg15[%swap3A_359, %swap3A_360], %swap3A_363 {strides = array<i32>} : memref<128x128xf32, #tpu.memory_space<vmem>>, vector<1x16xf32>,
        %mul3A_364 = arith.constant 16 : i32
        %mul3A_365 = arith.muli %add3A_178, %mul3A_364 : i32
        %add3A_366 = arith.constant 1 : i32
        %add3A_367 = arith.addi %mul3A_365, %add3A_366 : i32
        %get3A_368 = arith.index_cast %add3A_367 : i32 to index
        %get3A_369 = arith.constant 16 : index
        %get3A_370 = tpu.vector_load %arg15[%get3A_368, %get3A_369] {strides = array<i32>} : memref<128x128xf32, #tpu.memory_space<vmem>>, vector<1x16xf32>,
        %get3A_371 = vector.shape_cast %get3A_370 : vector<1x16xf32> to vector<16xf32>
        %mul3A_372 = arith.mulf %get3A_371, %gather3A_345 : vector<16xf32>
        %mul3A_373 = arith.constant 16 : i32
        %mul3A_374 = arith.muli %add3A_178, %mul3A_373 : i32
        %add3A_375 = arith.constant 1 : i32
        %add3A_376 = arith.addi %mul3A_374, %add3A_375 : i32
        %swap3A_377 = arith.index_cast %add3A_376 : i32 to index
        %swap3A_378 = arith.constant 16 : index
        %swap3A_379 = tpu.vector_load %arg15[%swap3A_377, %swap3A_378] {strides = array<i32>} : memref<128x128xf32, #tpu.memory_space<vmem>>, vector<1x16xf32>,
        %swap3A_380 = vector.shape_cast %swap3A_379 : vector<1x16xf32> to vector<16xf32>
        %swap3A_381 = vector.shape_cast %mul3A_372 : vector<16xf32> to vector<1x16xf32>
        tpu.vector_store %arg15[%swap3A_377, %swap3A_378], %swap3A_381 {strides = array<i32>} : memref<128x128xf32, #tpu.memory_space<vmem>>, vector<1x16xf32>,
        %mul3A_382 = arith.constant 16 : i32
        %mul3A_383 = arith.muli %add3A_178, %mul3A_382 : i32
        %add3A_384 = arith.constant 1 : i32
        %add3A_385 = arith.addi %mul3A_383, %add3A_384 : i32
        %get3A_386 = arith.index_cast %add3A_385 : i32 to index
        %get3A_387 = arith.constant 32 : index
        %get3A_388 = tpu.vector_load %arg15[%get3A_386, %get3A_387] {strides = array<i32>} : memref<128x128xf32, #tpu.memory_space<vmem>>, vector<1x16xf32>,
        %get3A_389 = vector.shape_cast %get3A_388 : vector<1x16xf32> to vector<16xf32>
        %mul3A_390 = arith.mulf %get3A_389, %gather3A_345 : vector<16xf32>
        %mul3A_391 = arith.constant 16 : i32
        %mul3A_392 = arith.muli %add3A_178, %mul3A_391 : i32
        %add3A_393 = arith.constant 1 : i32
        %add3A_394 = arith.addi %mul3A_392, %add3A_393 : i32
        %swap3A_395 = arith.index_cast %add3A_394 : i32 to index
        %swap3A_396 = arith.constant 32 : index
        %swap3A_397 = tpu.vector_load %arg15[%swap3A_395, %swap3A_396] {strides = array<i32>} : memref<128x128xf32, #tpu.memory_space<vmem>>, vector<1x16xf32>,
        %swap3A_398 = vector.shape_cast %swap3A_397 : vector<1x16xf32> to vector<16xf32>
        %swap3A_399 = vector.shape_cast %mul3A_390 : vector<16xf32> to vector<1x16xf32>
        tpu.vector_store %arg15[%swap3A_395, %swap3A_396], %swap3A_399 {strides = array<i32>} : memref<128x128xf32, #tpu.memory_space<vmem>>, vector<1x16xf32>,
        %mul3A_400 = arith.constant 16 : i32
        %mul3A_401 = arith.muli %add3A_178, %mul3A_400 : i32
        %add3A_402 = arith.constant 1 : i32
        %add3A_403 = arith.addi %mul3A_401, %add3A_402 : i32
        %get3A_404 = arith.index_cast %add3A_403 : i32 to index
        %get3A_405 = arith.constant 48 : index
        %get3A_406 = tpu.vector_load %arg15[%get3A_404, %get3A_405] {strides = array<i32>} : memref<128x128xf32, #tpu.memory_space<vmem>>, vector<1x16xf32>,
        %get3A_407 = vector.shape_cast %get3A_406 : vector<1x16xf32> to vector<16xf32>
        %mul3A_408 = arith.mulf %get3A_407, %gather3A_345 : vector<16xf32>
        %mul3A_409 = arith.constant 16 : i32
        %mul3A_410 = arith.muli %add3A_178, %mul3A_409 : i32
        %add3A_411 = arith.constant 1 : i32
        %add3A_412 = arith.addi %mul3A_410, %add3A_411 : i32
        %swap3A_413 = arith.index_cast %add3A_412 : i32 to index
        %swap3A_414 = arith.constant 48 : index
        %swap3A_415 = tpu.vector_load %arg15[%swap3A_413, %swap3A_414] {strides = array<i32>} : memref<128x128xf32, #tpu.memory_space<vmem>>, vector<1x16xf32>,
        %swap3A_416 = vector.shape_cast %swap3A_415 : vector<1x16xf32> to vector<16xf32>
        %swap3A_417 = vector.shape_cast %mul3A_408 : vector<16xf32> to vector<1x16xf32>
        tpu.vector_store %arg15[%swap3A_413, %swap3A_414], %swap3A_417 {strides = array<i32>} : memref<128x128xf32, #tpu.memory_space<vmem>>, vector<1x16xf32>,
        %mul3A_418 = arith.constant 16 : i32
        %mul3A_419 = arith.muli %add3A_178, %mul3A_418 : i32
        %add3A_420 = arith.constant 1 : i32
        %add3A_421 = arith.addi %mul3A_419, %add3A_420 : i32
        %get3A_422 = arith.index_cast %add3A_421 : i32 to index
        %get3A_423 = arith.constant 64 : index
        %get3A_424 = tpu.vector_load %arg15[%get3A_422, %get3A_423] {strides = array<i32>} : memref<128x128xf32, #tpu.memory_space<vmem>>, vector<1x16xf32>,
        %get3A_425 = vector.shape_cast %get3A_424 : vector<1x16xf32> to vector<16xf32>
        %mul3A_426 = arith.mulf %get3A_425, %gather3A_345 : vector<16xf32>
        %mul3A_427 = arith.constant 16 : i32
        %mul3A_428 = arith.muli %add3A_178, %mul3A_427 : i32
        %add3A_429 = arith.constant 1 : i32
        %add3A_430 = arith.addi %mul3A_428, %add3A_429 : i32
        %swap3A_431 = arith.index_cast %add3A_430 : i32 to index
        %swap3A_432 = arith.constant 64 : index
        %swap3A_433 = tpu.vector_load %arg15[%swap3A_431, %swap3A_432] {strides = array<i32>} : memref<128x128xf32, #tpu.memory_space<vmem>>, vector<1x16xf32>,
        %swap3A_434 = vector.shape_cast %swap3A_433 : vector<1x16xf32> to vector<16xf32>
        %swap3A_435 = vector.shape_cast %mul3A_426 : vector<16xf32> to vector<1x16xf32>
        tpu.vector_store %arg15[%swap3A_431, %swap3A_432], %swap3A_435 {strides = array<i32>} : memref<128x128xf32, #tpu.memory_space<vmem>>, vector<1x16xf32>,
        %mul3A_436 = arith.constant 16 : i32
        %mul3A_437 = arith.muli %add3A_178, %mul3A_436 : i32
        %add3A_438 = arith.constant 1 : i32
        %add3A_439 = arith.addi %mul3A_437, %add3A_438 : i32
        %get3A_440 = arith.index_cast %add3A_439 : i32 to index
        %get3A_441 = arith.constant 80 : index
        %get3A_442 = tpu.vector_load %arg15[%get3A_440, %get3A_441] {strides = array<i32>} : memref<128x128xf32, #tpu.memory_space<vmem>>, vector<1x16xf32>,
        %get3A_443 = vector.shape_cast %get3A_442 : vector<1x16xf32> to vector<16xf32>
        %mul3A_444 = arith.mulf %get3A_443, %gather3A_345 : vector<16xf32>
        %mul3A_445 = arith.constant 16 : i32
        %mul3A_446 = arith.muli %add3A_178, %mul3A_445 : i32
        %add3A_447 = arith.constant 1 : i32
        %add3A_448 = arith.addi %mul3A_446, %add3A_447 : i32
        %swap3A_449 = arith.index_cast %add3A_448 : i32 to index
        %swap3A_450 = arith.constant 80 : index
        %swap3A_451 = tpu.vector_load %arg15[%swap3A_449, %swap3A_450] {strides = array<i32>} : memref<128x128xf32, #tpu.memory_space<vmem>>, vector<1x16xf32>,
        %swap3A_452 = vector.shape_cast %swap3A_451 : vector<1x16xf32> to vector<16xf32>
        %swap3A_453 = vector.shape_cast %mul3A_444 : vector<16xf32> to vector<1x16xf32>
        tpu.vector_store %arg15[%swap3A_449, %swap3A_450], %swap3A_453 {strides = array<i32>} : memref<128x128xf32, #tpu.memory_space<vmem>>, vector<1x16xf32>,
        %mul3A_454 = arith.constant 16 : i32
        %mul3A_455 = arith.muli %add3A_178, %mul3A_454 : i32
        %add3A_456 = arith.constant 1 : i32
        %add3A_457 = arith.addi %mul3A_455, %add3A_456 : i32
        %get3A_458 = arith.index_cast %add3A_457 : i32 to index
        %get3A_459 = arith.constant 96 : index
        %get3A_460 = tpu.vector_load %arg15[%get3A_458, %get3A_459] {strides = array<i32>} : memref<128x128xf32, #tpu.memory_space<vmem>>, vector<1x16xf32>,
        %get3A_461 = vector.shape_cast %get3A_460 : vector<1x16xf32> to vector<16xf32>
        %mul3A_462 = arith.mulf %get3A_461, %gather3A_345 : vector<16xf32>
        %mul3A_463 = arith.constant 16 : i32
        %mul3A_464 = arith.muli %add3A_178, %mul3A_463 : i32
        %add3A_465 = arith.constant 1 : i32
        %add3A_466 = arith.addi %mul3A_464, %add3A_465 : i32
        %swap3A_467 = arith.index_cast %add3A_466 : i32 to index
        %swap3A_468 = arith.constant 96 : index
        %swap3A_469 = tpu.vector_load %arg15[%swap3A_467, %swap3A_468] {strides = array<i32>} : memref<128x128xf32, #tpu.memory_space<vmem>>, vector<1x16xf32>,
        %swap3A_470 = vector.shape_cast %swap3A_469 : vector<1x16xf32> to vector<16xf32>
        %swap3A_471 = vector.shape_cast %mul3A_462 : vector<16xf32> to vector<1x16xf32>
        tpu.vector_store %arg15[%swap3A_467, %swap3A_468], %swap3A_471 {strides = array<i32>} : memref<128x128xf32, #tpu.memory_space<vmem>>, vector<1x16xf32>,
        %mul3A_472 = arith.constant 16 : i32
        %mul3A_473 = arith.muli %add3A_178, %mul3A_472 : i32
        %add3A_474 = arith.constant 1 : i32
        %add3A_475 = arith.addi %mul3A_473, %add3A_474 : i32
        %get3A_476 = arith.index_cast %add3A_475 : i32 to index
        %get3A_477 = arith.constant 112 : index
        %get3A_478 = tpu.vector_load %arg15[%get3A_476, %get3A_477] {strides = array<i32>} : memref<128x128xf32, #tpu.memory_space<vmem>>, vector<1x16xf32>,
        %get3A_479 = vector.shape_cast %get3A_478 : vector<1x16xf32> to vector<16xf32>
        %mul3A_480 = arith.mulf %get3A_479, %gather3A_345 : vector<16xf32>
        %mul3A_481 = arith.constant 16 : i32
        %mul3A_482 = arith.muli %add3A_178, %mul3A_481 : i32
        %add3A_483 = arith.constant 1 : i32
        %add3A_484 = arith.addi %mul3A_482, %add3A_483 : i32
        %swap3A_485 = arith.index_cast %add3A_484 : i32 to index
        %swap3A_486 = arith.constant 112 : index
        %swap3A_487 = tpu.vector_load %arg15[%swap3A_485, %swap3A_486] {strides = array<i32>} : memref<128x128xf32, #tpu.memory_space<vmem>>, vector<1x16xf32>,
        %swap3A_488 = vector.shape_cast %swap3A_487 : vector<1x16xf32> to vector<16xf32>
        %swap3A_489 = vector.shape_cast %mul3A_480 : vector<16xf32> to vector<1x16xf32>
        tpu.vector_store %arg15[%swap3A_485, %swap3A_486], %swap3A_489 {strides = array<i32>} : memref<128x128xf32, #tpu.memory_space<vmem>>, vector<1x16xf32>,
        %broadcast_in_dim3A_490 = arith.constant 2 : i32
        %broadcast_in_dim3A_491 = vector.broadcast %broadcast_in_dim3A_490 : i32 to vector<16xi32>
        %lt3A_492 = arith.constant 0 : i32
        %lt3A_493 = vector.broadcast %lt3A_492 : i32 to vector<16xi32>
        %lt3A_494 = arith.cmpi slt, %broadcast_in_dim3A_491, %lt3A_493 : vector<16xi32>
        %add3A_495 = arith.constant 16 : i32
        %add3A_496 = vector.broadcast %add3A_495 : i32 to vector<16xi32>
        %add3A_497 = arith.addi %broadcast_in_dim3A_491, %add3A_496 : vector<16xi32>
        %select_n3A_498 = arith.select %lt3A_494, %add3A_497, %broadcast_in_dim3A_491 : vector<16xi1>, vector<16xi32>
        %reshape3A_499 = vector.shape_cast %select_n3A_498 : vector<16xi32> to vector<16x1xi32>
        %gather3A_500 = vector.shape_cast %reshape3A_499 : vector<16x1xi32> to vector<16xi32>
        %gather3A_501 = tpu.dynamic_gather %get3A_182[%gather3A_500] in [0] : vector<16xf32>, vector<16xi32> -> vector<16xf32>
        %mul3A_502 = arith.constant 16 : i32
        %mul3A_503 = arith.muli %add3A_178, %mul3A_502 : i32
        %add3A_504 = arith.constant 2 : i32
        %add3A_505 = arith.addi %mul3A_503, %add3A_504 : i32
        %get3A_506 = arith.index_cast %add3A_505 : i32 to index
        %get3A_507 = arith.constant 0 : index
        %get3A_508 = tpu.vector_load %arg15[%get3A_506, %get3A_507] {strides = array<i32>} : memref<128x128xf32, #tpu.memory_space<vmem>>, vector<1x16xf32>,
        %get3A_509 = vector.shape_cast %get3A_508 : vector<1x16xf32> to vector<16xf32>
        %mul3A_510 = arith.mulf %get3A_509, %gather3A_501 : vector<16xf32>
        %mul3A_511 = arith.constant 16 : i32
        %mul3A_512 = arith.muli %add3A_178, %mul3A_511 : i32
        %add3A_513 = arith.constant 2 : i32
        %add3A_514 = arith.addi %mul3A_512, %add3A_513 : i32
        %swap3A_515 = arith.index_cast %add3A_514 : i32 to index
        %swap3A_516 = arith.constant 0 : index
        %swap3A_517 = tpu.vector_load %arg15[%swap3A_515, %swap3A_516] {strides = array<i32>} : memref<128x128xf32, #tpu.memory_space<vmem>>, vector<1x16xf32>,
        %swap3A_518 = vector.shape_cast %swap3A_517 : vector<1x16xf32> to vector<16xf32>
        %swap3A_519 = vector.shape_cast %mul3A_510 : vector<16xf32> to vector<1x16xf32>
        tpu.vector_store %arg15[%swap3A_515, %swap3A_516], %swap3A_519 {strides = array<i32>} : memref<128x128xf32, #tpu.memory_space<vmem>>, vector<1x16xf32>,
        %mul3A_520 = arith.constant 16 : i32
        %mul3A_521 = arith.muli %add3A_178, %mul3A_520 : i32
        %add3A_522 = arith.constant 2 : i32
        %add3A_523 = arith.addi %mul3A_521, %add3A_522 : i32
        %get3A_524 = arith.index_cast %add3A_523 : i32 to index
        %get3A_525 = arith.constant 16 : index
        %get3A_526 = tpu.vector_load %arg15[%get3A_524, %get3A_525] {strides = array<i32>} : memref<128x128xf32, #tpu.memory_space<vmem>>, vector<1x16xf32>,
        %get3A_527 = vector.shape_cast %get3A_526 : vector<1x16xf32> to vector<16xf32>
        %mul3A_528 = arith.mulf %get3A_527, %gather3A_501 : vector<16xf32>
        %mul3A_529 = arith.constant 16 : i32
        %mul3A_530 = arith.muli %add3A_178, %mul3A_529 : i32
        %add3A_531 = arith.constant 2 : i32
        %add3A_532 = arith.addi %mul3A_530, %add3A_531 : i32
        %swap3A_533 = arith.index_cast %add3A_532 : i32 to index
        %swap3A_534 = arith.constant 16 : index
        %swap3A_535 = tpu.vector_load %arg15[%swap3A_533, %swap3A_534] {strides = array<i32>} : memref<128x128xf32, #tpu.memory_space<vmem>>, vector<1x16xf32>,
        %swap3A_536 = vector.shape_cast %swap3A_535 : vector<1x16xf32> to vector<16xf32>
        %swap3A_537 = vector.shape_cast %mul3A_528 : vector<16xf32> to vector<1x16xf32>
        tpu.vector_store %arg15[%swap3A_533, %swap3A_534], %swap3A_537 {strides = array<i32>} : memref<128x128xf32, #tpu.memory_space<vmem>>, vector<1x16xf32>,
        %mul3A_538 = arith.constant 16 : i32
        %mul3A_539 = arith.muli %add3A_178, %mul3A_538 : i32
        %add3A_540 = arith.constant 2 : i32
        %add3A_541 = arith.addi %mul3A_539, %add3A_540 : i32
        %get3A_542 = arith.index_cast %add3A_541 : i32 to index
        %get3A_543 = arith.constant 32 : index
        %get3A_544 = tpu.vector_load %arg15[%get3A_542, %get3A_543] {strides = array<i32>} : memref<128x128xf32, #tpu.memory_space<vmem>>, vector<1x16xf32>,
        %get3A_545 = vector.shape_cast %get3A_544 : vector<1x16xf32> to vector<16xf32>
        %mul3A_546 = arith.mulf %get3A_545, %gather3A_501 : vector<16xf32>
        %mul3A_547 = arith.constant 16 : i32
        %mul3A_548 = arith.muli %add3A_178, %mul3A_547 : i32
        %add3A_549 = arith.constant 2 : i32
        %add3A_550 = arith.addi %mul3A_548, %add3A_549 : i32
        %swap3A_551 = arith.index_cast %add3A_550 : i32 to index
        %swap3A_552 = arith.constant 32 : index
        %swap3A_553 = tpu.vector_load %arg15[%swap3A_551, %swap3A_552] {strides = array<i32>} : memref<128x128xf32, #tpu.memory_space<vmem>>, vector<1x16xf32>,
        %swap3A_554 = vector.shape_cast %swap3A_553 : vector<1x16xf32> to vector<16xf32>
        %swap3A_555 = vector.shape_cast %mul3A_546 : vector<16xf32> to vector<1x16xf32>
        tpu.vector_store %arg15[%swap3A_551, %swap3A_552], %swap3A_555 {strides = array<i32>} : memref<128x128xf32, #tpu.memory_space<vmem>>, vector<1x16xf32>,
        %mul3A_556 = arith.constant 16 : i32
        %mul3A_557 = arith.muli %add3A_178, %mul3A_556 : i32
        %add3A_558 = arith.constant 2 : i32
        %add3A_559 = arith.addi %mul3A_557, %add3A_558 : i32
        %get3A_560 = arith.index_cast %add3A_559 : i32 to index
        %get3A_561 = arith.constant 48 : index
        %get3A_562 = tpu.vector_load %arg15[%get3A_560, %get3A_561] {strides = array<i32>} : memref<128x128xf32, #tpu.memory_space<vmem>>, vector<1x16xf32>,
        %get3A_563 = vector.shape_cast %get3A_562 : vector<1x16xf32> to vector<16xf32>
        %mul3A_564 = arith.mulf %get3A_563, %gather3A_501 : vector<16xf32>
        %mul3A_565 = arith.constant 16 : i32
        %mul3A_566 = arith.muli %add3A_178, %mul3A_565 : i32
        %add3A_567 = arith.constant 2 : i32
        %add3A_568 = arith.addi %mul3A_566, %add3A_567 : i32
        %swap3A_569 = arith.index_cast %add3A_568 : i32 to index
        %swap3A_570 = arith.constant 48 : index
        %swap3A_571 = tpu.vector_load %arg15[%swap3A_569, %swap3A_570] {strides = array<i32>} : memref<128x128xf32, #tpu.memory_space<vmem>>, vector<1x16xf32>,
        %swap3A_572 = vector.shape_cast %swap3A_571 : vector<1x16xf32> to vector<16xf32>
        %swap3A_573 = vector.shape_cast %mul3A_564 : vector<16xf32> to vector<1x16xf32>
        tpu.vector_store %arg15[%swap3A_569, %swap3A_570], %swap3A_573 {strides = array<i32>} : memref<128x128xf32, #tpu.memory_space<vmem>>, vector<1x16xf32>,
        %mul3A_574 = arith.constant 16 : i32
        %mul3A_575 = arith.muli %add3A_178, %mul3A_574 : i32
        %add3A_576 = arith.constant 2 : i32
        %add3A_577 = arith.addi %mul3A_575, %add3A_576 : i32
        %get3A_578 = arith.index_cast %add3A_577 : i32 to index
        %get3A_579 = arith.constant 64 : index
        %get3A_580 = tpu.vector_load %arg15[%get3A_578, %get3A_579] {strides = array<i32>} : memref<128x128xf32, #tpu.memory_space<vmem>>, vector<1x16xf32>,
        %get3A_581 = vector.shape_cast %get3A_580 : vector<1x16xf32> to vector<16xf32>
        %mul3A_582 = arith.mulf %get3A_581, %gather3A_501 : vector<16xf32>
        %mul3A_583 = arith.constant 16 : i32
        %mul3A_584 = arith.muli %add3A_178, %mul3A_583 : i32
        %add3A_585 = arith.constant 2 : i32
        %add3A_586 = arith.addi %mul3A_584, %add3A_585 : i32
        %swap3A_587 = arith.index_cast %add3A_586 : i32 to index
        %swap3A_588 = arith.constant 64 : index
        %swap3A_589 = tpu.vector_load %arg15[%swap3A_587, %swap3A_588] {strides = array<i32>} : memref<128x128xf32, #tpu.memory_space<vmem>>, vector<1x16xf32>,
        %swap3A_590 = vector.shape_cast %swap3A_589 : vector<1x16xf32> to vector<16xf32>
        %swap3A_591 = vector.shape_cast %mul3A_582 : vector<16xf32> to vector<1x16xf32>
        tpu.vector_store %arg15[%swap3A_587, %swap3A_588], %swap3A_591 {strides = array<i32>} : memref<128x128xf32, #tpu.memory_space<vmem>>, vector<1x16xf32>,
        %mul3A_592 = arith.constant 16 : i32
        %mul3A_593 = arith.muli %add3A_178, %mul3A_592 : i32
        %add3A_594 = arith.constant 2 : i32
        %add3A_595 = arith.addi %mul3A_593, %add3A_594 : i32
        %get3A_596 = arith.index_cast %add3A_595 : i32 to index
        %get3A_597 = arith.constant 80 : index
        %get3A_598 = tpu.vector_load %arg15[%get3A_596, %get3A_597] {strides = array<i32>} : memref<128x128xf32, #tpu.memory_space<vmem>>, vector<1x16xf32>,
        %get3A_599 = vector.shape_cast %get3A_598 : vector<1x16xf32> to vector<16xf32>
        %mul3A_600 = arith.mulf %get3A_599, %gather3A_501 : vector<16xf32>
        %mul3A_601 = arith.constant 16 : i32
        %mul3A_602 = arith.muli %add3A_178, %mul3A_601 : i32
        %add3A_603 = arith.constant 2 : i32
        %add3A_604 = arith.addi %mul3A_602, %add3A_603 : i32
        %swap3A_605 = arith.index_cast %add3A_604 : i32 to index
        %swap3A_606 = arith.constant 80 : index
        %swap3A_607 = tpu.vector_load %arg15[%swap3A_605, %swap3A_606] {strides = array<i32>} : memref<128x128xf32, #tpu.memory_space<vmem>>, vector<1x16xf32>,
        %swap3A_608 = vector.shape_cast %swap3A_607 : vector<1x16xf32> to vector<16xf32>
        %swap3A_609 = vector.shape_cast %mul3A_600 : vector<16xf32> to vector<1x16xf32>
        tpu.vector_store %arg15[%swap3A_605, %swap3A_606], %swap3A_609 {strides = array<i32>} : memref<128x128xf32, #tpu.memory_space<vmem>>, vector<1x16xf32>,
        %mul3A_610 = arith.constant 16 : i32
        %mul3A_611 = arith.muli %add3A_178, %mul3A_610 : i32
        %add3A_612 = arith.constant 2 : i32
        %add3A_613 = arith.addi %mul3A_611, %add3A_612 : i32
        %get3A_614 = arith.index_cast %add3A_613 : i32 to index
        %get3A_615 = arith.constant 96 : index
        %get3A_616 = tpu.vector_load %arg15[%get3A_614, %get3A_615] {strides = array<i32>} : memref<128x128xf32, #tpu.memory_space<vmem>>, vector<1x16xf32>,
        %get3A_617 = vector.shape_cast %get3A_616 : vector<1x16xf32> to vector<16xf32>
        %mul3A_618 = arith.mulf %get3A_617, %gather3A_501 : vector<16xf32>
        %mul3A_619 = arith.constant 16 : i32
        %mul3A_620 = arith.muli %add3A_178, %mul3A_619 : i32
        %add3A_621 = arith.constant 2 : i32
        %add3A_622 = arith.addi %mul3A_620, %add3A_621 : i32
        %swap3A_623 = arith.index_cast %add3A_622 : i32 to index
        %swap3A_624 = arith.constant 96 : index
        %swap3A_625 = tpu.vector_load %arg15[%swap3A_623, %swap3A_624] {strides = array<i32>} : memref<128x128xf32, #tpu.memory_space<vmem>>, vector<1x16xf32>,
        %swap3A_626 = vector.shape_cast %swap3A_625 : vector<1x16xf32> to vector<16xf32>
        %swap3A_627 = vector.shape_cast %mul3A_618 : vector<16xf32> to vector<1x16xf32>
        tpu.vector_store %arg15[%swap3A_623, %swap3A_624], %swap3A_627 {strides = array<i32>} : memref<128x128xf32, #tpu.memory_space<vmem>>, vector<1x16xf32>,
        %mul3A_628 = arith.constant 16 : i32
        %mul3A_629 = arith.muli %add3A_178, %mul3A_628 : i32
        %add3A_630 = arith.constant 2 : i32
        %add3A_631 = arith.addi %mul3A_629, %add3A_630 : i32
        %get3A_632 = arith.index_cast %add3A_631 : i32 to index
        %get3A_633 = arith.constant 112 : index
        %get3A_634 = tpu.vector_load %arg15[%get3A_632, %get3A_633] {strides = array<i32>} : memref<128x128xf32, #tpu.memory_space<vmem>>, vector<1x16xf32>,
        %get3A_635 = vector.shape_cast %get3A_634 : vector<1x16xf32> to vector<16xf32>
        %mul3A_636 = arith.mulf %get3A_635, %gather3A_501 : vector<16xf32>
        %mul3A_637 = arith.constant 16 : i32
        %mul3A_638 = arith.muli %add3A_178, %mul3A_637 : i32
        %add3A_639 = arith.constant 2 : i32
        %add3A_640 = arith.addi %mul3A_638, %add3A_639 : i32
        %swap3A_641 = arith.index_cast %add3A_640 : i32 to index
        %swap3A_642 = arith.constant 112 : index
        %swap3A_643 = tpu.vector_load %arg15[%swap3A_641, %swap3A_642] {strides = array<i32>} : memref<128x128xf32, #tpu.memory_space<vmem>>, vector<1x16xf32>,
        %swap3A_644 = vector.shape_cast %swap3A_643 : vector<1x16xf32> to vector<16xf32>
        %swap3A_645 = vector.shape_cast %mul3A_636 : vector<16xf32> to vector<1x16xf32>
        tpu.vector_store %arg15[%swap3A_641, %swap3A_642], %swap3A_645 {strides = array<i32>} : memref<128x128xf32, #tpu.memory_space<vmem>>, vector<1x16xf32>,
        %broadcast_in_dim3A_646 = arith.constant 3 : i32
        %broadcast_in_dim3A_647 = vector.broadcast %broadcast_in_dim3A_646 : i32 to vector<16xi32>
        %lt3A_648 = arith.constant 0 : i32
        %lt3A_649 = vector.broadcast %lt3A_648 : i32 to vector<16xi32>
        %lt3A_650 = arith.cmpi slt, %broadcast_in_dim3A_647, %lt3A_649 : vector<16xi32>
        %add3A_651 = arith.constant 16 : i32
        %add3A_652 = vector.broadcast %add3A_651 : i32 to vector<16xi32>
        %add3A_653 = arith.addi %broadcast_in_dim3A_647, %add3A_652 : vector<16xi32>
        %select_n3A_654 = arith.select %lt3A_650, %add3A_653, %broadcast_in_dim3A_647 : vector<16xi1>, vector<16xi32>
        %reshape3A_655 = vector.shape_cast %select_n3A_654 : vector<16xi32> to vector<16x1xi32>
        %gather3A_656 = vector.shape_cast %reshape3A_655 : vector<16x1xi32> to vector<16xi32>
        %gather3A_657 = tpu.dynamic_gather %get3A_182[%gather3A_656] in [0] : vector<16xf32>, vector<16xi32> -> vector<16xf32>
        %mul3A_658 = arith.constant 16 : i32
        %mul3A_659 = arith.muli %add3A_178, %mul3A_658 : i32
        %add3A_660 = arith.constant 3 : i32
        %add3A_661 = arith.addi %mul3A_659, %add3A_660 : i32
        %get3A_662 = arith.index_cast %add3A_661 : i32 to index
        %get3A_663 = arith.constant 0 : index
        %get3A_664 = tpu.vector_load %arg15[%get3A_662, %get3A_663] {strides = array<i32>} : memref<128x128xf32, #tpu.memory_space<vmem>>, vector<1x16xf32>,
        %get3A_665 = vector.shape_cast %get3A_664 : vector<1x16xf32> to vector<16xf32>
        %mul3A_666 = arith.mulf %get3A_665, %gather3A_657 : vector<16xf32>
        %mul3A_667 = arith.constant 16 : i32
        %mul3A_668 = arith.muli %add3A_178, %mul3A_667 : i32
        %add3A_669 = arith.constant 3 : i32
        %add3A_670 = arith.addi %mul3A_668, %add3A_669 : i32
        %swap3A_671 = arith.index_cast %add3A_670 : i32 to index
        %swap3A_672 = arith.constant 0 : index
        %swap3A_673 = tpu.vector_load %arg15[%swap3A_671, %swap3A_672] {strides = array<i32>} : memref<128x128xf32, #tpu.memory_space<vmem>>, vector<1x16xf32>,
        %swap3A_674 = vector.shape_cast %swap3A_673 : vector<1x16xf32> to vector<16xf32>
        %swap3A_675 = vector.shape_cast %mul3A_666 : vector<16xf32> to vector<1x16xf32>
        tpu.vector_store %arg15[%swap3A_671, %swap3A_672], %swap3A_675 {strides = array<i32>} : memref<128x128xf32, #tpu.memory_space<vmem>>, vector<1x16xf32>,
        %mul3A_676 = arith.constant 16 : i32
        %mul3A_677 = arith.muli %add3A_178, %mul3A_676 : i32
        %add3A_678 = arith.constant 3 : i32
        %add3A_679 = arith.addi %mul3A_677, %add3A_678 : i32
        %get3A_680 = arith.index_cast %add3A_679 : i32 to index
        %get3A_681 = arith.constant 16 : index
        %get3A_682 = tpu.vector_load %arg15[%get3A_680, %get3A_681] {strides = array<i32>} : memref<128x128xf32, #tpu.memory_space<vmem>>, vector<1x16xf32>,
        %get3A_683 = vector.shape_cast %get3A_682 : vector<1x16xf32> to vector<16xf32>
        %mul3A_684 = arith.mulf %get3A_683, %gather3A_657 : vector<16xf32>
        %mul3A_685 = arith.constant 16 : i32
        %mul3A_686 = arith.muli %add3A_178, %mul3A_685 : i32
        %add3A_687 = arith.constant 3 : i32
        %add3A_688 = arith.addi %mul3A_686, %add3A_687 : i32
        %swap3A_689 = arith.index_cast %add3A_688 : i32 to index
        %swap3A_690 = arith.constant 16 : index
        %swap3A_691 = tpu.vector_load %arg15[%swap3A_689, %swap3A_690] {strides = array<i32>} : memref<128x128xf32, #tpu.memory_space<vmem>>, vector<1x16xf32>,
        %swap3A_692 = vector.shape_cast %swap3A_691 : vector<1x16xf32> to vector<16xf32>
        %swap3A_693 = vector.shape_cast %mul3A_684 : vector<16xf32> to vector<1x16xf32>
        tpu.vector_store %arg15[%swap3A_689, %swap3A_690], %swap3A_693 {strides = array<i32>} : memref<128x128xf32, #tpu.memory_space<vmem>>, vector<1x16xf32>,
        %mul3A_694 = arith.constant 16 : i32
        %mul3A_695 = arith.muli %add3A_178, %mul3A_694 : i32
        %add3A_696 = arith.constant 3 : i32
        %add3A_697 = arith.addi %mul3A_695, %add3A_696 : i32
        %get3A_698 = arith.index_cast %add3A_697 : i32 to index
        %get3A_699 = arith.constant 32 : index
        %get3A_700 = tpu.vector_load %arg15[%get3A_698, %get3A_699] {strides = array<i32>} : memref<128x128xf32, #tpu.memory_space<vmem>>, vector<1x16xf32>,
        %get3A_701 = vector.shape_cast %get3A_700 : vector<1x16xf32> to vector<16xf32>
        %mul3A_702 = arith.mulf %get3A_701, %gather3A_657 : vector<16xf32>
        %mul3A_703 = arith.constant 16 : i32
        %mul3A_704 = arith.muli %add3A_178, %mul3A_703 : i32
        %add3A_705 = arith.constant 3 : i32
        %add3A_706 = arith.addi %mul3A_704, %add3A_705 : i32
        %swap3A_707 = arith.index_cast %add3A_706 : i32 to index
        %swap3A_708 = arith.constant 32 : index
        %swap3A_709 = tpu.vector_load %arg15[%swap3A_707, %swap3A_708] {strides = array<i32>} : memref<128x128xf32, #tpu.memory_space<vmem>>, vector<1x16xf32>,
        %swap3A_710 = vector.shape_cast %swap3A_709 : vector<1x16xf32> to vector<16xf32>
        %swap3A_711 = vector.shape_cast %mul3A_702 : vector<16xf32> to vector<1x16xf32>
        tpu.vector_store %arg15[%swap3A_707, %swap3A_708], %swap3A_711 {strides = array<i32>} : memref<128x128xf32, #tpu.memory_space<vmem>>, vector<1x16xf32>,
        %mul3A_712 = arith.constant 16 : i32
        %mul3A_713 = arith.muli %add3A_178, %mul3A_712 : i32
        %add3A_714 = arith.constant 3 : i32
        %add3A_715 = arith.addi %mul3A_713, %add3A_714 : i32
        %get3A_716 = arith.index_cast %add3A_715 : i32 to index
        %get3A_717 = arith.constant 48 : index
        %get3A_718 = tpu.vector_load %arg15[%get3A_716, %get3A_717] {strides = array<i32>} : memref<128x128xf32, #tpu.memory_space<vmem>>, vector<1x16xf32>,
        %get3A_719 = vector.shape_cast %get3A_718 : vector<1x16xf32> to vector<16xf32>
        %mul3A_720 = arith.mulf %get3A_719, %gather3A_657 : vector<16xf32>
        %mul3A_721 = arith.constant 16 : i32
        %mul3A_722 = arith.muli %add3A_178, %mul3A_721 : i32
        %add3A_723 = arith.constant 3 : i32
        %add3A_724 = arith.addi %mul3A_722, %add3A_723 : i32
        %swap3A_725 = arith.index_cast %add3A_724 : i32 to index
        %swap3A_726 = arith.constant 48 : index
        %swap3A_727 = tpu.vector_load %arg15[%swap3A_725, %swap3A_726] {strides = array<i32>} : memref<128x128xf32, #tpu.memory_space<vmem>>, vector<1x16xf32>,
        %swap3A_728 = vector.shape_cast %swap3A_727 : vector<1x16xf32> to vector<16xf32>
        %swap3A_729 = vector.shape_cast %mul3A_720 : vector<16xf32> to vector<1x16xf32>
        tpu.vector_store %arg15[%swap3A_725, %swap3A_726], %swap3A_729 {strides = array<i32>} : memref<128x128xf32, #tpu.memory_space<vmem>>, vector<1x16xf32>,
        %mul3A_730 = arith.constant 16 : i32
        %mul3A_731 = arith.muli %add3A_178, %mul3A_730 : i32
        %add3A_732 = arith.constant 3 : i32
        %add3A_733 = arith.addi %mul3A_731, %add3A_732 : i32
        %get3A_734 = arith.index_cast %add3A_733 : i32 to index
        %get3A_735 = arith.constant 64 : index
        %get3A_736 = tpu.vector_load %arg15[%get3A_734, %get3A_735] {strides = array<i32>} : memref<128x128xf32, #tpu.memory_space<vmem>>, vector<1x16xf32>,
        %get3A_737 = vector.shape_cast %get3A_736 : vector<1x16xf32> to vector<16xf32>
        %mul3A_738 = arith.mulf %get3A_737, %gather3A_657 : vector<16xf32>
        %mul3A_739 = arith.constant 16 : i32
        %mul3A_740 = arith.muli %add3A_178, %mul3A_739 : i32
        %add3A_741 = arith.constant 3 : i32
        %add3A_742 = arith.addi %mul3A_740, %add3A_741 : i32
        %swap3A_743 = arith.index_cast %add3A_742 : i32 to index
        %swap3A_744 = arith.constant 64 : index
        %swap3A_745 = tpu.vector_load %arg15[%swap3A_743, %swap3A_744] {strides = array<i32>} : memref<128x128xf32, #tpu.memory_space<vmem>>, vector<1x16xf32>,
        %swap3A_746 = vector.shape_cast %swap3A_745 : vector<1x16xf32> to vector<16xf32>
        %swap3A_747 = vector.shape_cast %mul3A_738 : vector<16xf32> to vector<1x16xf32>
        tpu.vector_store %arg15[%swap3A_743, %swap3A_744], %swap3A_747 {strides = array<i32>} : memref<128x128xf32, #tpu.memory_space<vmem>>, vector<1x16xf32>,
        %mul3A_748 = arith.constant 16 : i32
        %mul3A_749 = arith.muli %add3A_178, %mul3A_748 : i32
        %add3A_750 = arith.constant 3 : i32
        %add3A_751 = arith.addi %mul3A_749, %add3A_750 : i32
        %get3A_752 = arith.index_cast %add3A_751 : i32 to index
        %get3A_753 = arith.constant 80 : index
        %get3A_754 = tpu.vector_load %arg15[%get3A_752, %get3A_753] {strides = array<i32>} : memref<128x128xf32, #tpu.memory_space<vmem>>, vector<1x16xf32>,
        %get3A_755 = vector.shape_cast %get3A_754 : vector<1x16xf32> to vector<16xf32>
        %mul3A_756 = arith.mulf %get3A_755, %gather3A_657 : vector<16xf32>
        %mul3A_757 = arith.constant 16 : i32
        %mul3A_758 = arith.muli %add3A_178, %mul3A_757 : i32
        %add3A_759 = arith.constant 3 : i32
        %add3A_760 = arith.addi %mul3A_758, %add3A_759 : i32
        %swap3A_761 = arith.index_cast %add3A_760 : i32 to index
        %swap3A_762 = arith.constant 80 : index
        %swap3A_763 = tpu.vector_load %arg15[%swap3A_761, %swap3A_762] {strides = array<i32>} : memref<128x128xf32, #tpu.memory_space<vmem>>, vector<1x16xf32>,
        %swap3A_764 = vector.shape_cast %swap3A_763 : vector<1x16xf32> to vector<16xf32>
        %swap3A_765 = vector.shape_cast %mul3A_756 : vector<16xf32> to vector<1x16xf32>
        tpu.vector_store %arg15[%swap3A_761, %swap3A_762], %swap3A_765 {strides = array<i32>} : memref<128x128xf32, #tpu.memory_space<vmem>>, vector<1x16xf32>,
        %mul3A_766 = arith.constant 16 : i32
        %mul3A_767 = arith.muli %add3A_178, %mul3A_766 : i32
        %add3A_768 = arith.constant 3 : i32
        %add3A_769 = arith.addi %mul3A_767, %add3A_768 : i32
        %get3A_770 = arith.index_cast %add3A_769 : i32 to index
        %get3A_771 = arith.constant 96 : index
        %get3A_772 = tpu.vector_load %arg15[%get3A_770, %get3A_771] {strides = array<i32>} : memref<128x128xf32, #tpu.memory_space<vmem>>, vector<1x16xf32>,
        %get3A_773 = vector.shape_cast %get3A_772 : vector<1x16xf32> to vector<16xf32>
        %mul3A_774 = arith.mulf %get3A_773, %gather3A_657 : vector<16xf32>
        %mul3A_775 = arith.constant 16 : i32
        %mul3A_776 = arith.muli %add3A_178, %mul3A_775 : i32
        %add3A_777 = arith.constant 3 : i32
        %add3A_778 = arith.addi %mul3A_776, %add3A_777 : i32
        %swap3A_779 = arith.index_cast %add3A_778 : i32 to index
        %swap3A_780 = arith.constant 96 : index
        %swap3A_781 = tpu.vector_load %arg15[%swap3A_779, %swap3A_780] {strides = array<i32>} : memref<128x128xf32, #tpu.memory_space<vmem>>, vector<1x16xf32>,
        %swap3A_782 = vector.shape_cast %swap3A_781 : vector<1x16xf32> to vector<16xf32>
        %swap3A_783 = vector.shape_cast %mul3A_774 : vector<16xf32> to vector<1x16xf32>
        tpu.vector_store %arg15[%swap3A_779, %swap3A_780], %swap3A_783 {strides = array<i32>} : memref<128x128xf32, #tpu.memory_space<vmem>>, vector<1x16xf32>,
        %mul3A_784 = arith.constant 16 : i32
        %mul3A_785 = arith.muli %add3A_178, %mul3A_784 : i32
        %add3A_786 = arith.constant 3 : i32
        %add3A_787 = arith.addi %mul3A_785, %add3A_786 : i32
        %get3A_788 = arith.index_cast %add3A_787 : i32 to index
        %get3A_789 = arith.constant 112 : index
        %get3A_790 = tpu.vector_load %arg15[%get3A_788, %get3A_789] {strides = array<i32>} : memref<128x128xf32, #tpu.memory_space<vmem>>, vector<1x16xf32>,
        %get3A_791 = vector.shape_cast %get3A_790 : vector<1x16xf32> to vector<16xf32>
        %mul3A_792 = arith.mulf %get3A_791, %gather3A_657 : vector<16xf32>
        %mul3A_793 = arith.constant 16 : i32
        %mul3A_794 = arith.muli %add3A_178, %mul3A_793 : i32
        %add3A_795 = arith.constant 3 : i32
        %add3A_796 = arith.addi %mul3A_794, %add3A_795 : i32
        %swap3A_797 = arith.index_cast %add3A_796 : i32 to index
        %swap3A_798 = arith.constant 112 : index
        %swap3A_799 = tpu.vector_load %arg15[%swap3A_797, %swap3A_798] {strides = array<i32>} : memref<128x128xf32, #tpu.memory_space<vmem>>, vector<1x16xf32>,
        %swap3A_800 = vector.shape_cast %swap3A_799 : vector<1x16xf32> to vector<16xf32>
        %swap3A_801 = vector.shape_cast %mul3A_792 : vector<16xf32> to vector<1x16xf32>
        tpu.vector_store %arg15[%swap3A_797, %swap3A_798], %swap3A_801 {strides = array<i32>} : memref<128x128xf32, #tpu.memory_space<vmem>>, vector<1x16xf32>,
        %broadcast_in_dim3A_802 = arith.constant 4 : i32
        %broadcast_in_dim3A_803 = vector.broadcast %broadcast_in_dim3A_802 : i32 to vector<16xi32>
        %lt3A_804 = arith.constant 0 : i32
        %lt3A_805 = vector.broadcast %lt3A_804 : i32 to vector<16xi32>
        %lt3A_806 = arith.cmpi slt, %broadcast_in_dim3A_803, %lt3A_805 : vector<16xi32>
        %add3A_807 = arith.constant 16 : i32
        %add3A_808 = vector.broadcast %add3A_807 : i32 to vector<16xi32>
        %add3A_809 = arith.addi %broadcast_in_dim3A_803, %add3A_808 : vector<16xi32>
        %select_n3A_810 = arith.select %lt3A_806, %add3A_809, %broadcast_in_dim3A_803 : vector<16xi1>, vector<16xi32>
        %reshape3A_811 = vector.shape_cast %select_n3A_810 : vector<16xi32> to vector<16x1xi32>
        %gather3A_812 = vector.shape_cast %reshape3A_811 : vector<16x1xi32> to vector<16xi32>
        %gather3A_813 = tpu.dynamic_gather %get3A_182[%gather3A_812] in [0] : vector<16xf32>, vector<16xi32> -> vector<16xf32>
        %mul3A_814 = arith.constant 16 : i32
        %mul3A_815 = arith.muli %add3A_178, %mul3A_814 : i32
        %add3A_816 = arith.constant 4 : i32
        %add3A_817 = arith.addi %mul3A_815, %add3A_816 : i32
        %get3A_818 = arith.index_cast %add3A_817 : i32 to index
        %get3A_819 = arith.constant 0 : index
        %get3A_820 = tpu.vector_load %arg15[%get3A_818, %get3A_819] {strides = array<i32>} : memref<128x128xf32, #tpu.memory_space<vmem>>, vector<1x16xf32>,
        %get3A_821 = vector.shape_cast %get3A_820 : vector<1x16xf32> to vector<16xf32>
        %mul3A_822 = arith.mulf %get3A_821, %gather3A_813 : vector<16xf32>
        %mul3A_823 = arith.constant 16 : i32
        %mul3A_824 = arith.muli %add3A_178, %mul3A_823 : i32
        %add3A_825 = arith.constant 4 : i32
        %add3A_826 = arith.addi %mul3A_824, %add3A_825 : i32
        %swap3A_827 = arith.index_cast %add3A_826 : i32 to index
        %swap3A_828 = arith.constant 0 : index
        %swap3A_829 = tpu.vector_load %arg15[%swap3A_827, %swap3A_828] {strides = array<i32>} : memref<128x128xf32, #tpu.memory_space<vmem>>, vector<1x16xf32>,
        %swap3A_830 = vector.shape_cast %swap3A_829 : vector<1x16xf32> to vector<16xf32>
        %swap3A_831 = vector.shape_cast %mul3A_822 : vector<16xf32> to vector<1x16xf32>
        tpu.vector_store %arg15[%swap3A_827, %swap3A_828], %swap3A_831 {strides = array<i32>} : memref<128x128xf32, #tpu.memory_space<vmem>>, vector<1x16xf32>,
        %mul3A_832 = arith.constant 16 : i32
        %mul3A_833 = arith.muli %add3A_178, %mul3A_832 : i32
        %add3A_834 = arith.constant 4 : i32
        %add3A_835 = arith.addi %mul3A_833, %add3A_834 : i32
        %get3A_836 = arith.index_cast %add3A_835 : i32 to index
        %get3A_837 = arith.constant 16 : index
        %get3A_838 = tpu.vector_load %arg15[%get3A_836, %get3A_837] {strides = array<i32>} : memref<128x128xf32, #tpu.memory_space<vmem>>, vector<1x16xf32>,
        %get3A_839 = vector.shape_cast %get3A_838 : vector<1x16xf32> to vector<16xf32>
        %mul3A_840 = arith.mulf %get3A_839, %gather3A_813 : vector<16xf32>
        %mul3A_841 = arith.constant 16 : i32
        %mul3A_842 = arith.muli %add3A_178, %mul3A_841 : i32
        %add3A_843 = arith.constant 4 : i32
        %add3A_844 = arith.addi %mul3A_842, %add3A_843 : i32
        %swap3A_845 = arith.index_cast %add3A_844 : i32 to index
        %swap3A_846 = arith.constant 16 : index
        %swap3A_847 = tpu.vector_load %arg15[%swap3A_845, %swap3A_846] {strides = array<i32>} : memref<128x128xf32, #tpu.memory_space<vmem>>, vector<1x16xf32>,
        %swap3A_848 = vector.shape_cast %swap3A_847 : vector<1x16xf32> to vector<16xf32>
        %swap3A_849 = vector.shape_cast %mul3A_840 : vector<16xf32> to vector<1x16xf32>
        tpu.vector_store %arg15[%swap3A_845, %swap3A_846], %swap3A_849 {strides = array<i32>} : memref<128x128xf32, #tpu.memory_space<vmem>>, vector<1x16xf32>,
        %mul3A_850 = arith.constant 16 : i32
        %mul3A_851 = arith.muli %add3A_178, %mul3A_850 : i32
        %add3A_852 = arith.constant 4 : i32
        %add3A_853 = arith.addi %mul3A_851, %add3A_852 : i32
        %get3A_854 = arith.index_cast %add3A_853 : i32 to index
        %get3A_855 = arith.constant 32 : index
        %get3A_856 = tpu.vector_load %arg15[%get3A_854, %get3A_855] {strides = array<i32>} : memref<128x128xf32, #tpu.memory_space<vmem>>, vector<1x16xf32>,
        %get3A_857 = vector.shape_cast %get3A_856 : vector<1x16xf32> to vector<16xf32>
        %mul3A_858 = arith.mulf %get3A_857, %gather3A_813 : vector<16xf32>
        %mul3A_859 = arith.constant 16 : i32
        %mul3A_860 = arith.muli %add3A_178, %mul3A_859 : i32
        %add3A_861 = arith.constant 4 : i32
        %add3A_862 = arith.addi %mul3A_860, %add3A_861 : i32
        %swap3A_863 = arith.index_cast %add3A_862 : i32 to index
        %swap3A_864 = arith.constant 32 : index
        %swap3A_865 = tpu.vector_load %arg15[%swap3A_863, %swap3A_864] {strides = array<i32>} : memref<128x128xf32, #tpu.memory_space<vmem>>, vector<1x16xf32>,
        %swap3A_866 = vector.shape_cast %swap3A_865 : vector<1x16xf32> to vector<16xf32>
        %swap3A_867 = vector.shape_cast %mul3A_858 : vector<16xf32> to vector<1x16xf32>
        tpu.vector_store %arg15[%swap3A_863, %swap3A_864], %swap3A_867 {strides = array<i32>} : memref<128x128xf32, #tpu.memory_space<vmem>>, vector<1x16xf32>,
        %mul3A_868 = arith.constant 16 : i32
        %mul3A_869 = arith.muli %add3A_178, %mul3A_868 : i32
        %add3A_870 = arith.constant 4 : i32
        %add3A_871 = arith.addi %mul3A_869, %add3A_870 : i32
        %get3A_872 = arith.index_cast %add3A_871 : i32 to index
        %get3A_873 = arith.constant 48 : index
        %get3A_874 = tpu.vector_load %arg15[%get3A_872, %get3A_873] {strides = array<i32>} : memref<128x128xf32, #tpu.memory_space<vmem>>, vector<1x16xf32>,
        %get3A_875 = vector.shape_cast %get3A_874 : vector<1x16xf32> to vector<16xf32>
        %mul3A_876 = arith.mulf %get3A_875, %gather3A_813 : vector<16xf32>
        %mul3A_877 = arith.constant 16 : i32
        %mul3A_878 = arith.muli %add3A_178, %mul3A_877 : i32
        %add3A_879 = arith.constant 4 : i32
        %add3A_880 = arith.addi %mul3A_878, %add3A_879 : i32
        %swap3A_881 = arith.index_cast %add3A_880 : i32 to index
        %swap3A_882 = arith.constant 48 : index
        %swap3A_883 = tpu.vector_load %arg15[%swap3A_881, %swap3A_882] {strides = array<i32>} : memref<128x128xf32, #tpu.memory_space<vmem>>, vector<1x16xf32>,
        %swap3A_884 = vector.shape_cast %swap3A_883 : vector<1x16xf32> to vector<16xf32>
        %swap3A_885 = vector.shape_cast %mul3A_876 : vector<16xf32> to vector<1x16xf32>
        tpu.vector_store %arg15[%swap3A_881, %swap3A_882], %swap3A_885 {strides = array<i32>} : memref<128x128xf32, #tpu.memory_space<vmem>>, vector<1x16xf32>,
        %mul3A_886 = arith.constant 16 : i32
        %mul3A_887 = arith.muli %add3A_178, %mul3A_886 : i32
        %add3A_888 = arith.constant 4 : i32
        %add3A_889 = arith.addi %mul3A_887, %add3A_888 : i32
        %get3A_890 = arith.index_cast %add3A_889 : i32 to index
        %get3A_891 = arith.constant 64 : index
        %get3A_892 = tpu.vector_load %arg15[%get3A_890, %get3A_891] {strides = array<i32>} : memref<128x128xf32, #tpu.memory_space<vmem>>, vector<1x16xf32>,
        %get3A_893 = vector.shape_cast %get3A_892 : vector<1x16xf32> to vector<16xf32>
        %mul3A_894 = arith.mulf %get3A_893, %gather3A_813 : vector<16xf32>
        %mul3A_895 = arith.constant 16 : i32
        %mul3A_896 = arith.muli %add3A_178, %mul3A_895 : i32
        %add3A_897 = arith.constant 4 : i32
        %add3A_898 = arith.addi %mul3A_896, %add3A_897 : i32
        %swap3A_899 = arith.index_cast %add3A_898 : i32 to index
        %swap3A_900 = arith.constant 64 : index
        %swap3A_901 = tpu.vector_load %arg15[%swap3A_899, %swap3A_900] {strides = array<i32>} : memref<128x128xf32, #tpu.memory_space<vmem>>, vector<1x16xf32>,
        %swap3A_902 = vector.shape_cast %swap3A_901 : vector<1x16xf32> to vector<16xf32>
        %swap3A_903 = vector.shape_cast %mul3A_894 : vector<16xf32> to vector<1x16xf32>
        tpu.vector_store %arg15[%swap3A_899, %swap3A_900], %swap3A_903 {strides = array<i32>} : memref<128x128xf32, #tpu.memory_space<vmem>>, vector<1x16xf32>,
        %mul3A_904 = arith.constant 16 : i32
        %mul3A_905 = arith.muli %add3A_178, %mul3A_904 : i32
        %add3A_906 = arith.constant 4 : i32
        %add3A_907 = arith.addi %mul3A_905, %add3A_906 : i32
        %get3A_908 = arith.index_cast %add3A_907 : i32 to index
        %get3A_909 = arith.constant 80 : index
        %get3A_910 = tpu.vector_load %arg15[%get3A_908, %get3A_909] {strides = array<i32>} : memref<128x128xf32, #tpu.memory_space<vmem>>, vector<1x16xf32>,
        %get3A_911 = vector.shape_cast %get3A_910 : vector<1x16xf32> to vector<16xf32>
        %mul3A_912 = arith.mulf %get3A_911, %gather3A_813 : vector<16xf32>
        %mul3A_913 = arith.constant 16 : i32
        %mul3A_914 = arith.muli %add3A_178, %mul3A_913 : i32
        %add3A_915 = arith.constant 4 : i32
        %add3A_916 = arith.addi %mul3A_914, %add3A_915 : i32
        %swap3A_917 = arith.index_cast %add3A_916 : i32 to index
        %swap3A_918 = arith.constant 80 : index
        %swap3A_919 = tpu.vector_load %arg15[%swap3A_917, %swap3A_918] {strides = array<i32>} : memref<128x128xf32, #tpu.memory_space<vmem>>, vector<1x16xf32>,
        %swap3A_920 = vector.shape_cast %swap3A_919 : vector<1x16xf32> to vector<16xf32>
        %swap3A_921 = vector.shape_cast %mul3A_912 : vector<16xf32> to vector<1x16xf32>
        tpu.vector_store %arg15[%swap3A_917, %swap3A_918], %swap3A_921 {strides = array<i32>} : memref<128x128xf32, #tpu.memory_space<vmem>>, vector<1x16xf32>,
        %mul3A_922 = arith.constant 16 : i32
        %mul3A_923 = arith.muli %add3A_178, %mul3A_922 : i32
        %add3A_924 = arith.constant 4 : i32
        %add3A_925 = arith.addi %mul3A_923, %add3A_924 : i32
        %get3A_926 = arith.index_cast %add3A_925 : i32 to index
        %get3A_927 = arith.constant 96 : index
        %get3A_928 = tpu.vector_load %arg15[%get3A_926, %get3A_927] {strides = array<i32>} : memref<128x128xf32, #tpu.memory_space<vmem>>, vector<1x16xf32>,
        %get3A_929 = vector.shape_cast %get3A_928 : vector<1x16xf32> to vector<16xf32>
        %mul3A_930 = arith.mulf %get3A_929, %gather3A_813 : vector<16xf32>
        %mul3A_931 = arith.constant 16 : i32
        %mul3A_932 = arith.muli %add3A_178, %mul3A_931 : i32
        %add3A_933 = arith.constant 4 : i32
        %add3A_934 = arith.addi %mul3A_932, %add3A_933 : i32
        %swap3A_935 = arith.index_cast %add3A_934 : i32 to index
        %swap3A_936 = arith.constant 96 : index
        %swap3A_937 = tpu.vector_load %arg15[%swap3A_935, %swap3A_936] {strides = array<i32>} : memref<128x128xf32, #tpu.memory_space<vmem>>, vector<1x16xf32>,
        %swap3A_938 = vector.shape_cast %swap3A_937 : vector<1x16xf32> to vector<16xf32>
        %swap3A_939 = vector.shape_cast %mul3A_930 : vector<16xf32> to vector<1x16xf32>
        tpu.vector_store %arg15[%swap3A_935, %swap3A_936], %swap3A_939 {strides = array<i32>} : memref<128x128xf32, #tpu.memory_space<vmem>>, vector<1x16xf32>,
        %mul3A_940 = arith.constant 16 : i32
        %mul3A_941 = arith.muli %add3A_178, %mul3A_940 : i32
        %add3A_942 = arith.constant 4 : i32
        %add3A_943 = arith.addi %mul3A_941, %add3A_942 : i32
        %get3A_944 = arith.index_cast %add3A_943 : i32 to index
        %get3A_945 = arith.constant 112 : index
        %get3A_946 = tpu.vector_load %arg15[%get3A_944, %get3A_945] {strides = array<i32>} : memref<128x128xf32, #tpu.memory_space<vmem>>, vector<1x16xf32>,
        %get3A_947 = vector.shape_cast %get3A_946 : vector<1x16xf32> to vector<16xf32>
        %mul3A_948 = arith.mulf %get3A_947, %gather3A_813 : vector<16xf32>
        %mul3A_949 = arith.constant 16 : i32
        %mul3A_950 = arith.muli %add3A_178, %mul3A_949 : i32
        %add3A_951 = arith.constant 4 : i32
        %add3A_952 = arith.addi %mul3A_950, %add3A_951 : i32
        %swap3A_953 = arith.index_cast %add3A_952 : i32 to index
        %swap3A_954 = arith.constant 112 : index
        %swap3A_955 = tpu.vector_load %arg15[%swap3A_953, %swap3A_954] {strides = array<i32>} : memref<128x128xf32, #tpu.memory_space<vmem>>, vector<1x16xf32>,
        %swap3A_956 = vector.shape_cast %swap3A_955 : vector<1x16xf32> to vector<16xf32>
        %swap3A_957 = vector.shape_cast %mul3A_948 : vector<16xf32> to vector<1x16xf32>
        tpu.vector_store %arg15[%swap3A_953, %swap3A_954], %swap3A_957 {strides = array<i32>} : memref<128x128xf32, #tpu.memory_space<vmem>>, vector<1x16xf32>,
        %broadcast_in_dim3A_958 = arith.constant 5 : i32
        %broadcast_in_dim3A_959 = vector.broadcast %broadcast_in_dim3A_958 : i32 to vector<16xi32>
        %lt3A_960 = arith.constant 0 : i32
        %lt3A_961 = vector.broadcast %lt3A_960 : i32 to vector<16xi32>
        %lt3A_962 = arith.cmpi slt, %broadcast_in_dim3A_959, %lt3A_961 : vector<16xi32>
        %add3A_963 = arith.constant 16 : i32
        %add3A_964 = vector.broadcast %add3A_963 : i32 to vector<16xi32>
        %add3A_965 = arith.addi %broadcast_in_dim3A_959, %add3A_964 : vector<16xi32>
        %select_n3A_966 = arith.select %lt3A_962, %add3A_965, %broadcast_in_dim3A_959 : vector<16xi1>, vector<16xi32>
        %reshape3A_967 = vector.shape_cast %select_n3A_966 : vector<16xi32> to vector<16x1xi32>
        %gather3A_968 = vector.shape_cast %reshape3A_967 : vector<16x1xi32> to vector<16xi32>
        %gather3A_969 = tpu.dynamic_gather %get3A_182[%gather3A_968] in [0] : vector<16xf32>, vector<16xi32> -> vector<16xf32>
        %mul3A_970 = arith.constant 16 : i32
        %mul3A_971 = arith.muli %add3A_178, %mul3A_970 : i32
        %add3A_972 = arith.constant 5 : i32
        %add3A_973 = arith.addi %mul3A_971, %add3A_972 : i32
        %get3A_974 = arith.index_cast %add3A_973 : i32 to index
        %get3A_975 = arith.constant 0 : index
        %get3A_976 = tpu.vector_load %arg15[%get3A_974, %get3A_975] {strides = array<i32>} : memref<128x128xf32, #tpu.memory_space<vmem>>, vector<1x16xf32>,
        %get3A_977 = vector.shape_cast %get3A_976 : vector<1x16xf32> to vector<16xf32>
        %mul3A_978 = arith.mulf %get3A_977, %gather3A_969 : vector<16xf32>
        %mul3A_979 = arith.constant 16 : i32
        %mul3A_980 = arith.muli %add3A_178, %mul3A_979 : i32
        %add3A_981 = arith.constant 5 : i32
        %add3A_982 = arith.addi %mul3A_980, %add3A_981 : i32
        %swap3A_983 = arith.index_cast %add3A_982 : i32 to index
        %swap3A_984 = arith.constant 0 : index
        %swap3A_985 = tpu.vector_load %arg15[%swap3A_983, %swap3A_984] {strides = array<i32>} : memref<128x128xf32, #tpu.memory_space<vmem>>, vector<1x16xf32>,
        %swap3A_986 = vector.shape_cast %swap3A_985 : vector<1x16xf32> to vector<16xf32>
        %swap3A_987 = vector.shape_cast %mul3A_978 : vector<16xf32> to vector<1x16xf32>
        tpu.vector_store %arg15[%swap3A_983, %swap3A_984], %swap3A_987 {strides = array<i32>} : memref<128x128xf32, #tpu.memory_space<vmem>>, vector<1x16xf32>,
        %mul3A_988 = arith.constant 16 : i32
        %mul3A_989 = arith.muli %add3A_178, %mul3A_988 : i32
        %add3A_990 = arith.constant 5 : i32
        %add3A_991 = arith.addi %mul3A_989, %add3A_990 : i32
        %get3A_992 = arith.index_cast %add3A_991 : i32 to index
        %get3A_993 = arith.constant 16 : index
        %get3A_994 = tpu.vector_load %arg15[%get3A_992, %get3A_993] {strides = array<i32>} : memref<128x128xf32, #tpu.memory_space<vmem>>, vector<1x16xf32>,
        %get3A_995 = vector.shape_cast %get3A_994 : vector<1x16xf32> to vector<16xf32>
        %mul3A_996 = arith.mulf %get3A_995, %gather3A_969 : vector<16xf32>
        %mul3A_997 = arith.constant 16 : i32
        %mul3A_998 = arith.muli %add3A_178, %mul3A_997 : i32
        %add3A_999 = arith.constant 5 : i32
        %add3A_1000 = arith.addi %mul3A_998, %add3A_999 : i32
        %swap3A_1001 = arith.index_cast %add3A_1000 : i32 to index
        %swap3A_1002 = arith.constant 16 : index
        %swap3A_1003 = tpu.vector_load %arg15[%swap3A_1001, %swap3A_1002] {strides = array<i32>} : memref<128x128xf32, #tpu.memory_space<vmem>>, vector<1x16xf32>,
        %swap3A_1004 = vector.shape_cast %swap3A_1003 : vector<1x16xf32> to vector<16xf32>
        %swap3A_1005 = vector.shape_cast %mul3A_996 : vector<16xf32> to vector<1x16xf32>
        tpu.vector_store %arg15[%swap3A_1001, %swap3A_1002], %swap3A_1005 {strides = array<i32>} : memref<128x128xf32, #tpu.memory_space<vmem>>, vector<1x16xf32>,
        %mul3A_1006 = arith.constant 16 : i32
        %mul3A_1007 = arith.muli %add3A_178, %mul3A_1006 : i32
        %add3A_1008 = arith.constant 5 : i32
        %add3A_1009 = arith.addi %mul3A_1007, %add3A_1008 : i32
        %get3A_1010 = arith.index_cast %add3A_1009 : i32 to index
        %get3A_1011 = arith.constant 32 : index
        %get3A_1012 = tpu.vector_load %arg15[%get3A_1010, %get3A_1011] {strides = array<i32>} : memref<128x128xf32, #tpu.memory_space<vmem>>, vector<1x16xf32>,
        %get3A_1013 = vector.shape_cast %get3A_1012 : vector<1x16xf32> to vector<16xf32>
        %mul3A_1014 = arith.mulf %get3A_1013, %gather3A_969 : vector<16xf32>
        %mul3A_1015 = arith.constant 16 : i32
        %mul3A_1016 = arith.muli %add3A_178, %mul3A_1015 : i32
        %add3A_1017 = arith.constant 5 : i32
        %add3A_1018 = arith.addi %mul3A_1016, %add3A_1017 : i32
        %swap3A_1019 = arith.index_cast %add3A_1018 : i32 to index
        %swap3A_1020 = arith.constant 32 : index
        %swap3A_1021 = tpu.vector_load %arg15[%swap3A_1019, %swap3A_1020] {strides = array<i32>} : memref<128x128xf32, #tpu.memory_space<vmem>>, vector<1x16xf32>,
        %swap3A_1022 = vector.shape_cast %swap3A_1021 : vector<1x16xf32> to vector<16xf32>
        %swap3A_1023 = vector.shape_cast %mul3A_1014 : vector<16xf32> to vector<1x16xf32>
        tpu.vector_store %arg15[%swap3A_1019, %swap3A_1020], %swap3A_1023 {strides = array<i32>} : memref<128x128xf32, #tpu.memory_space<vmem>>, vector<1x16xf32>,
        %mul3A_1024 = arith.constant 16 : i32
        %mul3A_1025 = arith.muli %add3A_178, %mul3A_1024 : i32
        %add3A_1026 = arith.constant 5 : i32
        %add3A_1027 = arith.addi %mul3A_1025, %add3A_1026 : i32
        %get3A_1028 = arith.index_cast %add3A_1027 : i32 to index
        %get3A_1029 = arith.constant 48 : index
        %get3A_1030 = tpu.vector_load %arg15[%get3A_1028, %get3A_1029] {strides = array<i32>} : memref<128x128xf32, #tpu.memory_space<vmem>>, vector<1x16xf32>,
        %get3A_1031 = vector.shape_cast %get3A_1030 : vector<1x16xf32> to vector<16xf32>
        %mul3A_1032 = arith.mulf %get3A_1031, %gather3A_969 : vector<16xf32>
        %mul3A_1033 = arith.constant 16 : i32
        %mul3A_1034 = arith.muli %add3A_178, %mul3A_1033 : i32
        %add3A_1035 = arith.constant 5 : i32
        %add3A_1036 = arith.addi %mul3A_1034, %add3A_1035 : i32
        %swap3A_1037 = arith.index_cast %add3A_1036 : i32 to index
        %swap3A_1038 = arith.constant 48 : index
        %swap3A_1039 = tpu.vector_load %arg15[%swap3A_1037, %swap3A_1038] {strides = array<i32>} : memref<128x128xf32, #tpu.memory_space<vmem>>, vector<1x16xf32>,
        %swap3A_1040 = vector.shape_cast %swap3A_1039 : vector<1x16xf32> to vector<16xf32>
        %swap3A_1041 = vector.shape_cast %mul3A_1032 : vector<16xf32> to vector<1x16xf32>
        tpu.vector_store %arg15[%swap3A_1037, %swap3A_1038], %swap3A_1041 {strides = array<i32>} : memref<128x128xf32, #tpu.memory_space<vmem>>, vector<1x16xf32>,
        %mul3A_1042 = arith.constant 16 : i32
        %mul3A_1043 = arith.muli %add3A_178, %mul3A_1042 : i32
        %add3A_1044 = arith.constant 5 : i32
        %add3A_1045 = arith.addi %mul3A_1043, %add3A_1044 : i32
        %get3A_1046 = arith.index_cast %add3A_1045 : i32 to index
        %get3A_1047 = arith.constant 64 : index
        %get3A_1048 = tpu.vector_load %arg15[%get3A_1046, %get3A_1047] {strides = array<i32>} : memref<128x128xf32, #tpu.memory_space<vmem>>, vector<1x16xf32>,
        %get3A_1049 = vector.shape_cast %get3A_1048 : vector<1x16xf32> to vector<16xf32>
        %mul3A_1050 = arith.mulf %get3A_1049, %gather3A_969 : vector<16xf32>
        %mul3A_1051 = arith.constant 16 : i32
        %mul3A_1052 = arith.muli %add3A_178, %mul3A_1051 : i32
        %add3A_1053 = arith.constant 5 : i32
        %add3A_1054 = arith.addi %mul3A_1052, %add3A_1053 : i32
        %swap3A_1055 = arith.index_cast %add3A_1054 : i32 to index
        %swap3A_1056 = arith.constant 64 : index
        %swap3A_1057 = tpu.vector_load %arg15[%swap3A_1055, %swap3A_1056] {strides = array<i32>} : memref<128x128xf32, #tpu.memory_space<vmem>>, vector<1x16xf32>,
        %swap3A_1058 = vector.shape_cast %swap3A_1057 : vector<1x16xf32> to vector<16xf32>
        %swap3A_1059 = vector.shape_cast %mul3A_1050 : vector<16xf32> to vector<1x16xf32>
        tpu.vector_store %arg15[%swap3A_1055, %swap3A_1056], %swap3A_1059 {strides = array<i32>} : memref<128x128xf32, #tpu.memory_space<vmem>>, vector<1x16xf32>,
        %mul3A_1060 = arith.constant 16 : i32
        %mul3A_1061 = arith.muli %add3A_178, %mul3A_1060 : i32
        %add3A_1062 = arith.constant 5 : i32
        %add3A_1063 = arith.addi %mul3A_1061, %add3A_1062 : i32
        %get3A_1064 = arith.index_cast %add3A_1063 : i32 to index
        %get3A_1065 = arith.constant 80 : index
        %get3A_1066 = tpu.vector_load %arg15[%get3A_1064, %get3A_1065] {strides = array<i32>} : memref<128x128xf32, #tpu.memory_space<vmem>>, vector<1x16xf32>,
        %get3A_1067 = vector.shape_cast %get3A_1066 : vector<1x16xf32> to vector<16xf32>
        %mul3A_1068 = arith.mulf %get3A_1067, %gather3A_969 : vector<16xf32>
        %mul3A_1069 = arith.constant 16 : i32
        %mul3A_1070 = arith.muli %add3A_178, %mul3A_1069 : i32
        %add3A_1071 = arith.constant 5 : i32
        %add3A_1072 = arith.addi %mul3A_1070, %add3A_1071 : i32
        %swap3A_1073 = arith.index_cast %add3A_1072 : i32 to index
        %swap3A_1074 = arith.constant 80 : index
        %swap3A_1075 = tpu.vector_load %arg15[%swap3A_1073, %swap3A_1074] {strides = array<i32>} : memref<128x128xf32, #tpu.memory_space<vmem>>, vector<1x16xf32>,
        %swap3A_1076 = vector.shape_cast %swap3A_1075 : vector<1x16xf32> to vector<16xf32>
        %swap3A_1077 = vector.shape_cast %mul3A_1068 : vector<16xf32> to vector<1x16xf32>
        tpu.vector_store %arg15[%swap3A_1073, %swap3A_1074], %swap3A_1077 {strides = array<i32>} : memref<128x128xf32, #tpu.memory_space<vmem>>, vector<1x16xf32>,
        %mul3A_1078 = arith.constant 16 : i32
        %mul3A_1079 = arith.muli %add3A_178, %mul3A_1078 : i32
        %add3A_1080 = arith.constant 5 : i32
        %add3A_1081 = arith.addi %mul3A_1079, %add3A_1080 : i32
        %get3A_1082 = arith.index_cast %add3A_1081 : i32 to index
        %get3A_1083 = arith.constant 96 : index
        %get3A_1084 = tpu.vector_load %arg15[%get3A_1082, %get3A_1083] {strides = array<i32>} : memref<128x128xf32, #tpu.memory_space<vmem>>, vector<1x16xf32>,
        %get3A_1085 = vector.shape_cast %get3A_1084 : vector<1x16xf32> to vector<16xf32>
        %mul3A_1086 = arith.mulf %get3A_1085, %gather3A_969 : vector<16xf32>
        %mul3A_1087 = arith.constant 16 : i32
        %mul3A_1088 = arith.muli %add3A_178, %mul3A_1087 : i32
        %add3A_1089 = arith.constant 5 : i32
        %add3A_1090 = arith.addi %mul3A_1088, %add3A_1089 : i32
        %swap3A_1091 = arith.index_cast %add3A_1090 : i32 to index
        %swap3A_1092 = arith.constant 96 : index
        %swap3A_1093 = tpu.vector_load %arg15[%swap3A_1091, %swap3A_1092] {strides = array<i32>} : memref<128x128xf32, #tpu.memory_space<vmem>>, vector<1x16xf32>,
        %swap3A_1094 = vector.shape_cast %swap3A_1093 : vector<1x16xf32> to vector<16xf32>
        %swap3A_1095 = vector.shape_cast %mul3A_1086 : vector<16xf32> to vector<1x16xf32>
        tpu.vector_store %arg15[%swap3A_1091, %swap3A_1092], %swap3A_1095 {strides = array<i32>} : memref<128x128xf32, #tpu.memory_space<vmem>>, vector<1x16xf32>,
        %mul3A_1096 = arith.constant 16 : i32
        %mul3A_1097 = arith.muli %add3A_178, %mul3A_1096 : i32
        %add3A_1098 = arith.constant 5 : i32
        %add3A_1099 = arith.addi %mul3A_1097, %add3A_1098 : i32
        %get3A_1100 = arith.index_cast %add3A_1099 : i32 to index
        %get3A_1101 = arith.constant 112 : index
        %get3A_1102 = tpu.vector_load %arg15[%get3A_1100, %get3A_1101] {strides = array<i32>} : memref<128x128xf32, #tpu.memory_space<vmem>>, vector<1x16xf32>,
        %get3A_1103 = vector.shape_cast %get3A_1102 : vector<1x16xf32> to vector<16xf32>
        %mul3A_1104 = arith.mulf %get3A_1103, %gather3A_969 : vector<16xf32>
        %mul3A_1105 = arith.constant 16 : i32
        %mul3A_1106 = arith.muli %add3A_178, %mul3A_1105 : i32
        %add3A_1107 = arith.constant 5 : i32
        %add3A_1108 = arith.addi %mul3A_1106, %add3A_1107 : i32
        %swap3A_1109 = arith.index_cast %add3A_1108 : i32 to index
        %swap3A_1110 = arith.constant 112 : index
        %swap3A_1111 = tpu.vector_load %arg15[%swap3A_1109, %swap3A_1110] {strides = array<i32>} : memref<128x128xf32, #tpu.memory_space<vmem>>, vector<1x16xf32>,
        %swap3A_1112 = vector.shape_cast %swap3A_1111 : vector<1x16xf32> to vector<16xf32>
        %swap3A_1113 = vector.shape_cast %mul3A_1104 : vector<16xf32> to vector<1x16xf32>
        tpu.vector_store %arg15[%swap3A_1109, %swap3A_1110], %swap3A_1113 {strides = array<i32>} : memref<128x128xf32, #tpu.memory_space<vmem>>, vector<1x16xf32>,
        %broadcast_in_dim3A_1114 = arith.constant 6 : i32
        %broadcast_in_dim3A_1115 = vector.broadcast %broadcast_in_dim3A_1114 : i32 to vector<16xi32>
        %lt3A_1116 = arith.constant 0 : i32
        %lt3A_1117 = vector.broadcast %lt3A_1116 : i32 to vector<16xi32>
        %lt3A_1118 = arith.cmpi slt, %broadcast_in_dim3A_1115, %lt3A_1117 : vector<16xi32>
        %add3A_1119 = arith.constant 16 : i32
        %add3A_1120 = vector.broadcast %add3A_1119 : i32 to vector<16xi32>
        %add3A_1121 = arith.addi %broadcast_in_dim3A_1115, %add3A_1120 : vector<16xi32>
        %select_n3A_1122 = arith.select %lt3A_1118, %add3A_1121, %broadcast_in_dim3A_1115 : vector<16xi1>, vector<16xi32>
        %reshape3A_1123 = vector.shape_cast %select_n3A_1122 : vector<16xi32> to vector<16x1xi32>
        %gather3A_1124 = vector.shape_cast %reshape3A_1123 : vector<16x1xi32> to vector<16xi32>
        %gather3A_1125 = tpu.dynamic_gather %get3A_182[%gather3A_1124] in [0] : vector<16xf32>, vector<16xi32> -> vector<16xf32>
        %mul3A_1126 = arith.constant 16 : i32
        %mul3A_1127 = arith.muli %add3A_178, %mul3A_1126 : i32
        %add3A_1128 = arith.constant 6 : i32
        %add3A_1129 = arith.addi %mul3A_1127, %add3A_1128 : i32
        %get3A_1130 = arith.index_cast %add3A_1129 : i32 to index
        %get3A_1131 = arith.constant 0 : index
        %get3A_1132 = tpu.vector_load %arg15[%get3A_1130, %get3A_1131] {strides = array<i32>} : memref<128x128xf32, #tpu.memory_space<vmem>>, vector<1x16xf32>,
        %get3A_1133 = vector.shape_cast %get3A_1132 : vector<1x16xf32> to vector<16xf32>
        %mul3A_1134 = arith.mulf %get3A_1133, %gather3A_1125 : vector<16xf32>
        %mul3A_1135 = arith.constant 16 : i32
        %mul3A_1136 = arith.muli %add3A_178, %mul3A_1135 : i32
        %add3A_1137 = arith.constant 6 : i32
        %add3A_1138 = arith.addi %mul3A_1136, %add3A_1137 : i32
        %swap3A_1139 = arith.index_cast %add3A_1138 : i32 to index
        %swap3A_1140 = arith.constant 0 : index
        %swap3A_1141 = tpu.vector_load %arg15[%swap3A_1139, %swap3A_1140] {strides = array<i32>} : memref<128x128xf32, #tpu.memory_space<vmem>>, vector<1x16xf32>,
        %swap3A_1142 = vector.shape_cast %swap3A_1141 : vector<1x16xf32> to vector<16xf32>
        %swap3A_1143 = vector.shape_cast %mul3A_1134 : vector<16xf32> to vector<1x16xf32>
        tpu.vector_store %arg15[%swap3A_1139, %swap3A_1140], %swap3A_1143 {strides = array<i32>} : memref<128x128xf32, #tpu.memory_space<vmem>>, vector<1x16xf32>,
        %mul3A_1144 = arith.constant 16 : i32
        %mul3A_1145 = arith.muli %add3A_178, %mul3A_1144 : i32
        %add3A_1146 = arith.constant 6 : i32
        %add3A_1147 = arith.addi %mul3A_1145, %add3A_1146 : i32
        %get3A_1148 = arith.index_cast %add3A_1147 : i32 to index
        %get3A_1149 = arith.constant 16 : index
        %get3A_1150 = tpu.vector_load %arg15[%get3A_1148, %get3A_1149] {strides = array<i32>} : memref<128x128xf32, #tpu.memory_space<vmem>>, vector<1x16xf32>,
        %get3A_1151 = vector.shape_cast %get3A_1150 : vector<1x16xf32> to vector<16xf32>
        %mul3A_1152 = arith.mulf %get3A_1151, %gather3A_1125 : vector<16xf32>
        %mul3A_1153 = arith.constant 16 : i32
        %mul3A_1154 = arith.muli %add3A_178, %mul3A_1153 : i32
        %add3A_1155 = arith.constant 6 : i32
        %add3A_1156 = arith.addi %mul3A_1154, %add3A_1155 : i32
        %swap3A_1157 = arith.index_cast %add3A_1156 : i32 to index
        %swap3A_1158 = arith.constant 16 : index
        %swap3A_1159 = tpu.vector_load %arg15[%swap3A_1157, %swap3A_1158] {strides = array<i32>} : memref<128x128xf32, #tpu.memory_space<vmem>>, vector<1x16xf32>,
        %swap3A_1160 = vector.shape_cast %swap3A_1159 : vector<1x16xf32> to vector<16xf32>
        %swap3A_1161 = vector.shape_cast %mul3A_1152 : vector<16xf32> to vector<1x16xf32>
        tpu.vector_store %arg15[%swap3A_1157, %swap3A_1158], %swap3A_1161 {strides = array<i32>} : memref<128x128xf32, #tpu.memory_space<vmem>>, vector<1x16xf32>,
        %mul3A_1162 = arith.constant 16 : i32
        %mul3A_1163 = arith.muli %add3A_178, %mul3A_1162 : i32
        %add3A_1164 = arith.constant 6 : i32
        %add3A_1165 = arith.addi %mul3A_1163, %add3A_1164 : i32
        %get3A_1166 = arith.index_cast %add3A_1165 : i32 to index
        %get3A_1167 = arith.constant 32 : index
        %get3A_1168 = tpu.vector_load %arg15[%get3A_1166, %get3A_1167] {strides = array<i32>} : memref<128x128xf32, #tpu.memory_space<vmem>>, vector<1x16xf32>,
        %get3A_1169 = vector.shape_cast %get3A_1168 : vector<1x16xf32> to vector<16xf32>
        %mul3A_1170 = arith.mulf %get3A_1169, %gather3A_1125 : vector<16xf32>
        %mul3A_1171 = arith.constant 16 : i32
        %mul3A_1172 = arith.muli %add3A_178, %mul3A_1171 : i32
        %add3A_1173 = arith.constant 6 : i32
        %add3A_1174 = arith.addi %mul3A_1172, %add3A_1173 : i32
        %swap3A_1175 = arith.index_cast %add3A_1174 : i32 to index
        %swap3A_1176 = arith.constant 32 : index
        %swap3A_1177 = tpu.vector_load %arg15[%swap3A_1175, %swap3A_1176] {strides = array<i32>} : memref<128x128xf32, #tpu.memory_space<vmem>>, vector<1x16xf32>,
        %swap3A_1178 = vector.shape_cast %swap3A_1177 : vector<1x16xf32> to vector<16xf32>
        %swap3A_1179 = vector.shape_cast %mul3A_1170 : vector<16xf32> to vector<1x16xf32>
        tpu.vector_store %arg15[%swap3A_1175, %swap3A_1176], %swap3A_1179 {strides = array<i32>} : memref<128x128xf32, #tpu.memory_space<vmem>>, vector<1x16xf32>,
        %mul3A_1180 = arith.constant 16 : i32
        %mul3A_1181 = arith.muli %add3A_178, %mul3A_1180 : i32
        %add3A_1182 = arith.constant 6 : i32
        %add3A_1183 = arith.addi %mul3A_1181, %add3A_1182 : i32
        %get3A_1184 = arith.index_cast %add3A_1183 : i32 to index
        %get3A_1185 = arith.constant 48 : index
        %get3A_1186 = tpu.vector_load %arg15[%get3A_1184, %get3A_1185] {strides = array<i32>} : memref<128x128xf32, #tpu.memory_space<vmem>>, vector<1x16xf32>,
        %get3A_1187 = vector.shape_cast %get3A_1186 : vector<1x16xf32> to vector<16xf32>
        %mul3A_1188 = arith.mulf %get3A_1187, %gather3A_1125 : vector<16xf32>
        %mul3A_1189 = arith.constant 16 : i32
        %mul3A_1190 = arith.muli %add3A_178, %mul3A_1189 : i32
        %add3A_1191 = arith.constant 6 : i32
        %add3A_1192 = arith.addi %mul3A_1190, %add3A_1191 : i32
        %swap3A_1193 = arith.index_cast %add3A_1192 : i32 to index
        %swap3A_1194 = arith.constant 48 : index
        %swap3A_1195 = tpu.vector_load %arg15[%swap3A_1193, %swap3A_1194] {strides = array<i32>} : memref<128x128xf32, #tpu.memory_space<vmem>>, vector<1x16xf32>,
        %swap3A_1196 = vector.shape_cast %swap3A_1195 : vector<1x16xf32> to vector<16xf32>
        %swap3A_1197 = vector.shape_cast %mul3A_1188 : vector<16xf32> to vector<1x16xf32>
        tpu.vector_store %arg15[%swap3A_1193, %swap3A_1194], %swap3A_1197 {strides = array<i32>} : memref<128x128xf32, #tpu.memory_space<vmem>>, vector<1x16xf32>,
        %mul3A_1198 = arith.constant 16 : i32
        %mul3A_1199 = arith.muli %add3A_178, %mul3A_1198 : i32
        %add3A_1200 = arith.constant 6 : i32
        %add3A_1201 = arith.addi %mul3A_1199, %add3A_1200 : i32
        %get3A_1202 = arith.index_cast %add3A_1201 : i32 to index
        %get3A_1203 = arith.constant 64 : index
        %get3A_1204 = tpu.vector_load %arg15[%get3A_1202, %get3A_1203] {strides = array<i32>} : memref<128x128xf32, #tpu.memory_space<vmem>>, vector<1x16xf32>,
        %get3A_1205 = vector.shape_cast %get3A_1204 : vector<1x16xf32> to vector<16xf32>
        %mul3A_1206 = arith.mulf %get3A_1205, %gather3A_1125 : vector<16xf32>
        %mul3A_1207 = arith.constant 16 : i32
        %mul3A_1208 = arith.muli %add3A_178, %mul3A_1207 : i32
        %add3A_1209 = arith.constant 6 : i32
        %add3A_1210 = arith.addi %mul3A_1208, %add3A_1209 : i32
        %swap3A_1211 = arith.index_cast %add3A_1210 : i32 to index
        %swap3A_1212 = arith.constant 64 : index
        %swap3A_1213 = tpu.vector_load %arg15[%swap3A_1211, %swap3A_1212] {strides = array<i32>} : memref<128x128xf32, #tpu.memory_space<vmem>>, vector<1x16xf32>,
        %swap3A_1214 = vector.shape_cast %swap3A_1213 : vector<1x16xf32> to vector<16xf32>
        %swap3A_1215 = vector.shape_cast %mul3A_1206 : vector<16xf32> to vector<1x16xf32>
        tpu.vector_store %arg15[%swap3A_1211, %swap3A_1212], %swap3A_1215 {strides = array<i32>} : memref<128x128xf32, #tpu.memory_space<vmem>>, vector<1x16xf32>,
        %mul3A_1216 = arith.constant 16 : i32
        %mul3A_1217 = arith.muli %add3A_178, %mul3A_1216 : i32
        %add3A_1218 = arith.constant 6 : i32
        %add3A_1219 = arith.addi %mul3A_1217, %add3A_1218 : i32
        %get3A_1220 = arith.index_cast %add3A_1219 : i32 to index
        %get3A_1221 = arith.constant 80 : index
        %get3A_1222 = tpu.vector_load %arg15[%get3A_1220, %get3A_1221] {strides = array<i32>} : memref<128x128xf32, #tpu.memory_space<vmem>>, vector<1x16xf32>,
        %get3A_1223 = vector.shape_cast %get3A_1222 : vector<1x16xf32> to vector<16xf32>
        %mul3A_1224 = arith.mulf %get3A_1223, %gather3A_1125 : vector<16xf32>
        %mul3A_1225 = arith.constant 16 : i32
        %mul3A_1226 = arith.muli %add3A_178, %mul3A_1225 : i32
        %add3A_1227 = arith.constant 6 : i32
        %add3A_1228 = arith.addi %mul3A_1226, %add3A_1227 : i32
        %swap3A_1229 = arith.index_cast %add3A_1228 : i32 to index
        %swap3A_1230 = arith.constant 80 : index
        %swap3A_1231 = tpu.vector_load %arg15[%swap3A_1229, %swap3A_1230] {strides = array<i32>} : memref<128x128xf32, #tpu.memory_space<vmem>>, vector<1x16xf32>,
        %swap3A_1232 = vector.shape_cast %swap3A_1231 : vector<1x16xf32> to vector<16xf32>
        %swap3A_1233 = vector.shape_cast %mul3A_1224 : vector<16xf32> to vector<1x16xf32>
        tpu.vector_store %arg15[%swap3A_1229, %swap3A_1230], %swap3A_1233 {strides = array<i32>} : memref<128x128xf32, #tpu.memory_space<vmem>>, vector<1x16xf32>,
        %mul3A_1234 = arith.constant 16 : i32
        %mul3A_1235 = arith.muli %add3A_178, %mul3A_1234 : i32
        %add3A_1236 = arith.constant 6 : i32
        %add3A_1237 = arith.addi %mul3A_1235, %add3A_1236 : i32
        %get3A_1238 = arith.index_cast %add3A_1237 : i32 to index
        %get3A_1239 = arith.constant 96 : index
        %get3A_1240 = tpu.vector_load %arg15[%get3A_1238, %get3A_1239] {strides = array<i32>} : memref<128x128xf32, #tpu.memory_space<vmem>>, vector<1x16xf32>,
        %get3A_1241 = vector.shape_cast %get3A_1240 : vector<1x16xf32> to vector<16xf32>
        %mul3A_1242 = arith.mulf %get3A_1241, %gather3A_1125 : vector<16xf32>
        %mul3A_1243 = arith.constant 16 : i32
        %mul3A_1244 = arith.muli %add3A_178, %mul3A_1243 : i32
        %add3A_1245 = arith.constant 6 : i32
        %add3A_1246 = arith.addi %mul3A_1244, %add3A_1245 : i32
        %swap3A_1247 = arith.index_cast %add3A_1246 : i32 to index
        %swap3A_1248 = arith.constant 96 : index
        %swap3A_1249 = tpu.vector_load %arg15[%swap3A_1247, %swap3A_1248] {strides = array<i32>} : memref<128x128xf32, #tpu.memory_space<vmem>>, vector<1x16xf32>,
        %swap3A_1250 = vector.shape_cast %swap3A_1249 : vector<1x16xf32> to vector<16xf32>
        %swap3A_1251 = vector.shape_cast %mul3A_1242 : vector<16xf32> to vector<1x16xf32>
        tpu.vector_store %arg15[%swap3A_1247, %swap3A_1248], %swap3A_1251 {strides = array<i32>} : memref<128x128xf32, #tpu.memory_space<vmem>>, vector<1x16xf32>,
        %mul3A_1252 = arith.constant 16 : i32
        %mul3A_1253 = arith.muli %add3A_178, %mul3A_1252 : i32
        %add3A_1254 = arith.constant 6 : i32
        %add3A_1255 = arith.addi %mul3A_1253, %add3A_1254 : i32
        %get3A_1256 = arith.index_cast %add3A_1255 : i32 to index
        %get3A_1257 = arith.constant 112 : index
        %get3A_1258 = tpu.vector_load %arg15[%get3A_1256, %get3A_1257] {strides = array<i32>} : memref<128x128xf32, #tpu.memory_space<vmem>>, vector<1x16xf32>,
        %get3A_1259 = vector.shape_cast %get3A_1258 : vector<1x16xf32> to vector<16xf32>
        %mul3A_1260 = arith.mulf %get3A_1259, %gather3A_1125 : vector<16xf32>
        %mul3A_1261 = arith.constant 16 : i32
        %mul3A_1262 = arith.muli %add3A_178, %mul3A_1261 : i32
        %add3A_1263 = arith.constant 6 : i32
        %add3A_1264 = arith.addi %mul3A_1262, %add3A_1263 : i32
        %swap3A_1265 = arith.index_cast %add3A_1264 : i32 to index
        %swap3A_1266 = arith.constant 112 : index
        %swap3A_1267 = tpu.vector_load %arg15[%swap3A_1265, %swap3A_1266] {strides = array<i32>} : memref<128x128xf32, #tpu.memory_space<vmem>>, vector<1x16xf32>,
        %swap3A_1268 = vector.shape_cast %swap3A_1267 : vector<1x16xf32> to vector<16xf32>
        %swap3A_1269 = vector.shape_cast %mul3A_1260 : vector<16xf32> to vector<1x16xf32>
        tpu.vector_store %arg15[%swap3A_1265, %swap3A_1266], %swap3A_1269 {strides = array<i32>} : memref<128x128xf32, #tpu.memory_space<vmem>>, vector<1x16xf32>,
        %broadcast_in_dim3A_1270 = arith.constant 7 : i32
        %broadcast_in_dim3A_1271 = vector.broadcast %broadcast_in_dim3A_1270 : i32 to vector<16xi32>
        %lt3A_1272 = arith.constant 0 : i32
        %lt3A_1273 = vector.broadcast %lt3A_1272 : i32 to vector<16xi32>
        %lt3A_1274 = arith.cmpi slt, %broadcast_in_dim3A_1271, %lt3A_1273 : vector<16xi32>
        %add3A_1275 = arith.constant 16 : i32
        %add3A_1276 = vector.broadcast %add3A_1275 : i32 to vector<16xi32>
        %add3A_1277 = arith.addi %broadcast_in_dim3A_1271, %add3A_1276 : vector<16xi32>
        %select_n3A_1278 = arith.select %lt3A_1274, %add3A_1277, %broadcast_in_dim3A_1271 : vector<16xi1>, vector<16xi32>
        %reshape3A_1279 = vector.shape_cast %select_n3A_1278 : vector<16xi32> to vector<16x1xi32>
        %gather3A_1280 = vector.shape_cast %reshape3A_1279 : vector<16x1xi32> to vector<16xi32>
        %gather3A_1281 = tpu.dynamic_gather %get3A_182[%gather3A_1280] in [0] : vector<16xf32>, vector<16xi32> -> vector<16xf32>
        %mul3A_1282 = arith.constant 16 : i32
        %mul3A_1283 = arith.muli %add3A_178, %mul3A_1282 : i32
        %add3A_1284 = arith.constant 7 : i32
        %add3A_1285 = arith.addi %mul3A_1283, %add3A_1284 : i32
        %get3A_1286 = arith.index_cast %add3A_1285 : i32 to index
        %get3A_1287 = arith.constant 0 : index
        %get3A_1288 = tpu.vector_load %arg15[%get3A_1286, %get3A_1287] {strides = array<i32>} : memref<128x128xf32, #tpu.memory_space<vmem>>, vector<1x16xf32>,
        %get3A_1289 = vector.shape_cast %get3A_1288 : vector<1x16xf32> to vector<16xf32>
        %mul3A_1290 = arith.mulf %get3A_1289, %gather3A_1281 : vector<16xf32>
        %mul3A_1291 = arith.constant 16 : i32
        %mul3A_1292 = arith.muli %add3A_178, %mul3A_1291 : i32
        %add3A_1293 = arith.constant 7 : i32
        %add3A_1294 = arith.addi %mul3A_1292, %add3A_1293 : i32
        %swap3A_1295 = arith.index_cast %add3A_1294 : i32 to index
        %swap3A_1296 = arith.constant 0 : index
        %swap3A_1297 = tpu.vector_load %arg15[%swap3A_1295, %swap3A_1296] {strides = array<i32>} : memref<128x128xf32, #tpu.memory_space<vmem>>, vector<1x16xf32>,
        %swap3A_1298 = vector.shape_cast %swap3A_1297 : vector<1x16xf32> to vector<16xf32>
        %swap3A_1299 = vector.shape_cast %mul3A_1290 : vector<16xf32> to vector<1x16xf32>
        tpu.vector_store %arg15[%swap3A_1295, %swap3A_1296], %swap3A_1299 {strides = array<i32>} : memref<128x128xf32, #tpu.memory_space<vmem>>, vector<1x16xf32>,
        %mul3A_1300 = arith.constant 16 : i32
        %mul3A_1301 = arith.muli %add3A_178, %mul3A_1300 : i32
        %add3A_1302 = arith.constant 7 : i32
        %add3A_1303 = arith.addi %mul3A_1301, %add3A_1302 : i32
        %get3A_1304 = arith.index_cast %add3A_1303 : i32 to index
        %get3A_1305 = arith.constant 16 : index
        %get3A_1306 = tpu.vector_load %arg15[%get3A_1304, %get3A_1305] {strides = array<i32>} : memref<128x128xf32, #tpu.memory_space<vmem>>, vector<1x16xf32>,
        %get3A_1307 = vector.shape_cast %get3A_1306 : vector<1x16xf32> to vector<16xf32>
        %mul3A_1308 = arith.mulf %get3A_1307, %gather3A_1281 : vector<16xf32>
        %mul3A_1309 = arith.constant 16 : i32
        %mul3A_1310 = arith.muli %add3A_178, %mul3A_1309 : i32
        %add3A_1311 = arith.constant 7 : i32
        %add3A_1312 = arith.addi %mul3A_1310, %add3A_1311 : i32
        %swap3A_1313 = arith.index_cast %add3A_1312 : i32 to index
        %swap3A_1314 = arith.constant 16 : index
        %swap3A_1315 = tpu.vector_load %arg15[%swap3A_1313, %swap3A_1314] {strides = array<i32>} : memref<128x128xf32, #tpu.memory_space<vmem>>, vector<1x16xf32>,
        %swap3A_1316 = vector.shape_cast %swap3A_1315 : vector<1x16xf32> to vector<16xf32>
        %swap3A_1317 = vector.shape_cast %mul3A_1308 : vector<16xf32> to vector<1x16xf32>
        tpu.vector_store %arg15[%swap3A_1313, %swap3A_1314], %swap3A_1317 {strides = array<i32>} : memref<128x128xf32, #tpu.memory_space<vmem>>, vector<1x16xf32>,
        %mul3A_1318 = arith.constant 16 : i32
        %mul3A_1319 = arith.muli %add3A_178, %mul3A_1318 : i32
        %add3A_1320 = arith.constant 7 : i32
        %add3A_1321 = arith.addi %mul3A_1319, %add3A_1320 : i32
        %get3A_1322 = arith.index_cast %add3A_1321 : i32 to index
        %get3A_1323 = arith.constant 32 : index
        %get3A_1324 = tpu.vector_load %arg15[%get3A_1322, %get3A_1323] {strides = array<i32>} : memref<128x128xf32, #tpu.memory_space<vmem>>, vector<1x16xf32>,
        %get3A_1325 = vector.shape_cast %get3A_1324 : vector<1x16xf32> to vector<16xf32>
        %mul3A_1326 = arith.mulf %get3A_1325, %gather3A_1281 : vector<16xf32>
        %mul3A_1327 = arith.constant 16 : i32
        %mul3A_1328 = arith.muli %add3A_178, %mul3A_1327 : i32
        %add3A_1329 = arith.constant 7 : i32
        %add3A_1330 = arith.addi %mul3A_1328, %add3A_1329 : i32
        %swap3A_1331 = arith.index_cast %add3A_1330 : i32 to index
        %swap3A_1332 = arith.constant 32 : index
        %swap3A_1333 = tpu.vector_load %arg15[%swap3A_1331, %swap3A_1332] {strides = array<i32>} : memref<128x128xf32, #tpu.memory_space<vmem>>, vector<1x16xf32>,
        %swap3A_1334 = vector.shape_cast %swap3A_1333 : vector<1x16xf32> to vector<16xf32>
        %swap3A_1335 = vector.shape_cast %mul3A_1326 : vector<16xf32> to vector<1x16xf32>
        tpu.vector_store %arg15[%swap3A_1331, %swap3A_1332], %swap3A_1335 {strides = array<i32>} : memref<128x128xf32, #tpu.memory_space<vmem>>, vector<1x16xf32>,
        %mul3A_1336 = arith.constant 16 : i32
        %mul3A_1337 = arith.muli %add3A_178, %mul3A_1336 : i32
        %add3A_1338 = arith.constant 7 : i32
        %add3A_1339 = arith.addi %mul3A_1337, %add3A_1338 : i32
        %get3A_1340 = arith.index_cast %add3A_1339 : i32 to index
        %get3A_1341 = arith.constant 48 : index
        %get3A_1342 = tpu.vector_load %arg15[%get3A_1340, %get3A_1341] {strides = array<i32>} : memref<128x128xf32, #tpu.memory_space<vmem>>, vector<1x16xf32>,
        %get3A_1343 = vector.shape_cast %get3A_1342 : vector<1x16xf32> to vector<16xf32>
        %mul3A_1344 = arith.mulf %get3A_1343, %gather3A_1281 : vector<16xf32>
        %mul3A_1345 = arith.constant 16 : i32
        %mul3A_1346 = arith.muli %add3A_178, %mul3A_1345 : i32
        %add3A_1347 = arith.constant 7 : i32
        %add3A_1348 = arith.addi %mul3A_1346, %add3A_1347 : i32
        %swap3A_1349 = arith.index_cast %add3A_1348 : i32 to index
        %swap3A_1350 = arith.constant 48 : index
        %swap3A_1351 = tpu.vector_load %arg15[%swap3A_1349, %swap3A_1350] {strides = array<i32>} : memref<128x128xf32, #tpu.memory_space<vmem>>, vector<1x16xf32>,
        %swap3A_1352 = vector.shape_cast %swap3A_1351 : vector<1x16xf32> to vector<16xf32>
        %swap3A_1353 = vector.shape_cast %mul3A_1344 : vector<16xf32> to vector<1x16xf32>
        tpu.vector_store %arg15[%swap3A_1349, %swap3A_1350], %swap3A_1353 {strides = array<i32>} : memref<128x128xf32, #tpu.memory_space<vmem>>, vector<1x16xf32>,
        %mul3A_1354 = arith.constant 16 : i32
        %mul3A_1355 = arith.muli %add3A_178, %mul3A_1354 : i32
        %add3A_1356 = arith.constant 7 : i32
        %add3A_1357 = arith.addi %mul3A_1355, %add3A_1356 : i32
        %get3A_1358 = arith.index_cast %add3A_1357 : i32 to index
        %get3A_1359 = arith.constant 64 : index
        %get3A_1360 = tpu.vector_load %arg15[%get3A_1358, %get3A_1359] {strides = array<i32>} : memref<128x128xf32, #tpu.memory_space<vmem>>, vector<1x16xf32>,
        %get3A_1361 = vector.shape_cast %get3A_1360 : vector<1x16xf32> to vector<16xf32>
        %mul3A_1362 = arith.mulf %get3A_1361, %gather3A_1281 : vector<16xf32>
        %mul3A_1363 = arith.constant 16 : i32
        %mul3A_1364 = arith.muli %add3A_178, %mul3A_1363 : i32
        %add3A_1365 = arith.constant 7 : i32
        %add3A_1366 = arith.addi %mul3A_1364, %add3A_1365 : i32
        %swap3A_1367 = arith.index_cast %add3A_1366 : i32 to index
        %swap3A_1368 = arith.constant 64 : index
        %swap3A_1369 = tpu.vector_load %arg15[%swap3A_1367, %swap3A_1368] {strides = array<i32>} : memref<128x128xf32, #tpu.memory_space<vmem>>, vector<1x16xf32>,
        %swap3A_1370 = vector.shape_cast %swap3A_1369 : vector<1x16xf32> to vector<16xf32>
        %swap3A_1371 = vector.shape_cast %mul3A_1362 : vector<16xf32> to vector<1x16xf32>
        tpu.vector_store %arg15[%swap3A_1367, %swap3A_1368], %swap3A_1371 {strides = array<i32>} : memref<128x128xf32, #tpu.memory_space<vmem>>, vector<1x16xf32>,
        %mul3A_1372 = arith.constant 16 : i32
        %mul3A_1373 = arith.muli %add3A_178, %mul3A_1372 : i32
        %add3A_1374 = arith.constant 7 : i32
        %add3A_1375 = arith.addi %mul3A_1373, %add3A_1374 : i32
        %get3A_1376 = arith.index_cast %add3A_1375 : i32 to index
        %get3A_1377 = arith.constant 80 : index
        %get3A_1378 = tpu.vector_load %arg15[%get3A_1376, %get3A_1377] {strides = array<i32>} : memref<128x128xf32, #tpu.memory_space<vmem>>, vector<1x16xf32>,
        %get3A_1379 = vector.shape_cast %get3A_1378 : vector<1x16xf32> to vector<16xf32>
        %mul3A_1380 = arith.mulf %get3A_1379, %gather3A_1281 : vector<16xf32>
        %mul3A_1381 = arith.constant 16 : i32
        %mul3A_1382 = arith.muli %add3A_178, %mul3A_1381 : i32
        %add3A_1383 = arith.constant 7 : i32
        %add3A_1384 = arith.addi %mul3A_1382, %add3A_1383 : i32
        %swap3A_1385 = arith.index_cast %add3A_1384 : i32 to index
        %swap3A_1386 = arith.constant 80 : index
        %swap3A_1387 = tpu.vector_load %arg15[%swap3A_1385, %swap3A_1386] {strides = array<i32>} : memref<128x128xf32, #tpu.memory_space<vmem>>, vector<1x16xf32>,
        %swap3A_1388 = vector.shape_cast %swap3A_1387 : vector<1x16xf32> to vector<16xf32>
        %swap3A_1389 = vector.shape_cast %mul3A_1380 : vector<16xf32> to vector<1x16xf32>
        tpu.vector_store %arg15[%swap3A_1385, %swap3A_1386], %swap3A_1389 {strides = array<i32>} : memref<128x128xf32, #tpu.memory_space<vmem>>, vector<1x16xf32>,
        %mul3A_1390 = arith.constant 16 : i32
        %mul3A_1391 = arith.muli %add3A_178, %mul3A_1390 : i32
        %add3A_1392 = arith.constant 7 : i32
        %add3A_1393 = arith.addi %mul3A_1391, %add3A_1392 : i32
        %get3A_1394 = arith.index_cast %add3A_1393 : i32 to index
        %get3A_1395 = arith.constant 96 : index
        %get3A_1396 = tpu.vector_load %arg15[%get3A_1394, %get3A_1395] {strides = array<i32>} : memref<128x128xf32, #tpu.memory_space<vmem>>, vector<1x16xf32>,
        %get3A_1397 = vector.shape_cast %get3A_1396 : vector<1x16xf32> to vector<16xf32>
        %mul3A_1398 = arith.mulf %get3A_1397, %gather3A_1281 : vector<16xf32>
        %mul3A_1399 = arith.constant 16 : i32
        %mul3A_1400 = arith.muli %add3A_178, %mul3A_1399 : i32
        %add3A_1401 = arith.constant 7 : i32
        %add3A_1402 = arith.addi %mul3A_1400, %add3A_1401 : i32
        %swap3A_1403 = arith.index_cast %add3A_1402 : i32 to index
        %swap3A_1404 = arith.constant 96 : index
        %swap3A_1405 = tpu.vector_load %arg15[%swap3A_1403, %swap3A_1404] {strides = array<i32>} : memref<128x128xf32, #tpu.memory_space<vmem>>, vector<1x16xf32>,
        %swap3A_1406 = vector.shape_cast %swap3A_1405 : vector<1x16xf32> to vector<16xf32>
        %swap3A_1407 = vector.shape_cast %mul3A_1398 : vector<16xf32> to vector<1x16xf32>
        tpu.vector_store %arg15[%swap3A_1403, %swap3A_1404], %swap3A_1407 {strides = array<i32>} : memref<128x128xf32, #tpu.memory_space<vmem>>, vector<1x16xf32>,
        %mul3A_1408 = arith.constant 16 : i32
        %mul3A_1409 = arith.muli %add3A_178, %mul3A_1408 : i32
        %add3A_1410 = arith.constant 7 : i32
        %add3A_1411 = arith.addi %mul3A_1409, %add3A_1410 : i32
        %get3A_1412 = arith.index_cast %add3A_1411 : i32 to index
        %get3A_1413 = arith.constant 112 : index
        %get3A_1414 = tpu.vector_load %arg15[%get3A_1412, %get3A_1413] {strides = array<i32>} : memref<128x128xf32, #tpu.memory_space<vmem>>, vector<1x16xf32>,
        %get3A_1415 = vector.shape_cast %get3A_1414 : vector<1x16xf32> to vector<16xf32>
        %mul3A_1416 = arith.mulf %get3A_1415, %gather3A_1281 : vector<16xf32>
        %mul3A_1417 = arith.constant 16 : i32
        %mul3A_1418 = arith.muli %add3A_178, %mul3A_1417 : i32
        %add3A_1419 = arith.constant 7 : i32
        %add3A_1420 = arith.addi %mul3A_1418, %add3A_1419 : i32
        %swap3A_1421 = arith.index_cast %add3A_1420 : i32 to index
        %swap3A_1422 = arith.constant 112 : index
        %swap3A_1423 = tpu.vector_load %arg15[%swap3A_1421, %swap3A_1422] {strides = array<i32>} : memref<128x128xf32, #tpu.memory_space<vmem>>, vector<1x16xf32>,
        %swap3A_1424 = vector.shape_cast %swap3A_1423 : vector<1x16xf32> to vector<16xf32>
        %swap3A_1425 = vector.shape_cast %mul3A_1416 : vector<16xf32> to vector<1x16xf32>
        tpu.vector_store %arg15[%swap3A_1421, %swap3A_1422], %swap3A_1425 {strides = array<i32>} : memref<128x128xf32, #tpu.memory_space<vmem>>, vector<1x16xf32>,
        %broadcast_in_dim3A_1426 = arith.constant 8 : i32
        %broadcast_in_dim3A_1427 = vector.broadcast %broadcast_in_dim3A_1426 : i32 to vector<16xi32>
        %lt3A_1428 = arith.constant 0 : i32
        %lt3A_1429 = vector.broadcast %lt3A_1428 : i32 to vector<16xi32>
        %lt3A_1430 = arith.cmpi slt, %broadcast_in_dim3A_1427, %lt3A_1429 : vector<16xi32>
        %add3A_1431 = arith.constant 16 : i32
        %add3A_1432 = vector.broadcast %add3A_1431 : i32 to vector<16xi32>
        %add3A_1433 = arith.addi %broadcast_in_dim3A_1427, %add3A_1432 : vector<16xi32>
        %select_n3A_1434 = arith.select %lt3A_1430, %add3A_1433, %broadcast_in_dim3A_1427 : vector<16xi1>, vector<16xi32>
        %reshape3A_1435 = vector.shape_cast %select_n3A_1434 : vector<16xi32> to vector<16x1xi32>
        %gather3A_1436 = vector.shape_cast %reshape3A_1435 : vector<16x1xi32> to vector<16xi32>
        %gather3A_1437 = tpu.dynamic_gather %get3A_182[%gather3A_1436] in [0] : vector<16xf32>, vector<16xi32> -> vector<16xf32>
        %mul3A_1438 = arith.constant 16 : i32
        %mul3A_1439 = arith.muli %add3A_178, %mul3A_1438 : i32
        %add3A_1440 = arith.constant 8 : i32
        %add3A_1441 = arith.addi %mul3A_1439, %add3A_1440 : i32
        %get3A_1442 = arith.index_cast %add3A_1441 : i32 to index
        %get3A_1443 = arith.constant 0 : index
        %get3A_1444 = tpu.vector_load %arg15[%get3A_1442, %get3A_1443] {strides = array<i32>} : memref<128x128xf32, #tpu.memory_space<vmem>>, vector<1x16xf32>,
        %get3A_1445 = vector.shape_cast %get3A_1444 : vector<1x16xf32> to vector<16xf32>
        %mul3A_1446 = arith.mulf %get3A_1445, %gather3A_1437 : vector<16xf32>
        %mul3A_1447 = arith.constant 16 : i32
        %mul3A_1448 = arith.muli %add3A_178, %mul3A_1447 : i32
        %add3A_1449 = arith.constant 8 : i32
        %add3A_1450 = arith.addi %mul3A_1448, %add3A_1449 : i32
        %swap3A_1451 = arith.index_cast %add3A_1450 : i32 to index
        %swap3A_1452 = arith.constant 0 : index
        %swap3A_1453 = tpu.vector_load %arg15[%swap3A_1451, %swap3A_1452] {strides = array<i32>} : memref<128x128xf32, #tpu.memory_space<vmem>>, vector<1x16xf32>,
        %swap3A_1454 = vector.shape_cast %swap3A_1453 : vector<1x16xf32> to vector<16xf32>
        %swap3A_1455 = vector.shape_cast %mul3A_1446 : vector<16xf32> to vector<1x16xf32>
        tpu.vector_store %arg15[%swap3A_1451, %swap3A_1452], %swap3A_1455 {strides = array<i32>} : memref<128x128xf32, #tpu.memory_space<vmem>>, vector<1x16xf32>,
        %mul3A_1456 = arith.constant 16 : i32
        %mul3A_1457 = arith.muli %add3A_178, %mul3A_1456 : i32
        %add3A_1458 = arith.constant 8 : i32
        %add3A_1459 = arith.addi %mul3A_1457, %add3A_1458 : i32
        %get3A_1460 = arith.index_cast %add3A_1459 : i32 to index
        %get3A_1461 = arith.constant 16 : index
        %get3A_1462 = tpu.vector_load %arg15[%get3A_1460, %get3A_1461] {strides = array<i32>} : memref<128x128xf32, #tpu.memory_space<vmem>>, vector<1x16xf32>,
        %get3A_1463 = vector.shape_cast %get3A_1462 : vector<1x16xf32> to vector<16xf32>
        %mul3A_1464 = arith.mulf %get3A_1463, %gather3A_1437 : vector<16xf32>
        %mul3A_1465 = arith.constant 16 : i32
        %mul3A_1466 = arith.muli %add3A_178, %mul3A_1465 : i32
        %add3A_1467 = arith.constant 8 : i32
        %add3A_1468 = arith.addi %mul3A_1466, %add3A_1467 : i32
        %swap3A_1469 = arith.index_cast %add3A_1468 : i32 to index
        %swap3A_1470 = arith.constant 16 : index
        %swap3A_1471 = tpu.vector_load %arg15[%swap3A_1469, %swap3A_1470] {strides = array<i32>} : memref<128x128xf32, #tpu.memory_space<vmem>>, vector<1x16xf32>,
        %swap3A_1472 = vector.shape_cast %swap3A_1471 : vector<1x16xf32> to vector<16xf32>
        %swap3A_1473 = vector.shape_cast %mul3A_1464 : vector<16xf32> to vector<1x16xf32>
        tpu.vector_store %arg15[%swap3A_1469, %swap3A_1470], %swap3A_1473 {strides = array<i32>} : memref<128x128xf32, #tpu.memory_space<vmem>>, vector<1x16xf32>,
        %mul3A_1474 = arith.constant 16 : i32
        %mul3A_1475 = arith.muli %add3A_178, %mul3A_1474 : i32
        %add3A_1476 = arith.constant 8 : i32
        %add3A_1477 = arith.addi %mul3A_1475, %add3A_1476 : i32
        %get3A_1478 = arith.index_cast %add3A_1477 : i32 to index
        %get3A_1479 = arith.constant 32 : index
        %get3A_1480 = tpu.vector_load %arg15[%get3A_1478, %get3A_1479] {strides = array<i32>} : memref<128x128xf32, #tpu.memory_space<vmem>>, vector<1x16xf32>,
        %get3A_1481 = vector.shape_cast %get3A_1480 : vector<1x16xf32> to vector<16xf32>
        %mul3A_1482 = arith.mulf %get3A_1481, %gather3A_1437 : vector<16xf32>
        %mul3A_1483 = arith.constant 16 : i32
        %mul3A_1484 = arith.muli %add3A_178, %mul3A_1483 : i32
        %add3A_1485 = arith.constant 8 : i32
        %add3A_1486 = arith.addi %mul3A_1484, %add3A_1485 : i32
        %swap3A_1487 = arith.index_cast %add3A_1486 : i32 to index
        %swap3A_1488 = arith.constant 32 : index
        %swap3A_1489 = tpu.vector_load %arg15[%swap3A_1487, %swap3A_1488] {strides = array<i32>} : memref<128x128xf32, #tpu.memory_space<vmem>>, vector<1x16xf32>,
        %swap3A_1490 = vector.shape_cast %swap3A_1489 : vector<1x16xf32> to vector<16xf32>
        %swap3A_1491 = vector.shape_cast %mul3A_1482 : vector<16xf32> to vector<1x16xf32>
        tpu.vector_store %arg15[%swap3A_1487, %swap3A_1488], %swap3A_1491 {strides = array<i32>} : memref<128x128xf32, #tpu.memory_space<vmem>>, vector<1x16xf32>,
        %mul3A_1492 = arith.constant 16 : i32
        %mul3A_1493 = arith.muli %add3A_178, %mul3A_1492 : i32
        %add3A_1494 = arith.constant 8 : i32
        %add3A_1495 = arith.addi %mul3A_1493, %add3A_1494 : i32
        %get3A_1496 = arith.index_cast %add3A_1495 : i32 to index
        %get3A_1497 = arith.constant 48 : index
        %get3A_1498 = tpu.vector_load %arg15[%get3A_1496, %get3A_1497] {strides = array<i32>} : memref<128x128xf32, #tpu.memory_space<vmem>>, vector<1x16xf32>,
        %get3A_1499 = vector.shape_cast %get3A_1498 : vector<1x16xf32> to vector<16xf32>
        %mul3A_1500 = arith.mulf %get3A_1499, %gather3A_1437 : vector<16xf32>
        %mul3A_1501 = arith.constant 16 : i32
        %mul3A_1502 = arith.muli %add3A_178, %mul3A_1501 : i32
        %add3A_1503 = arith.constant 8 : i32
        %add3A_1504 = arith.addi %mul3A_1502, %add3A_1503 : i32
        %swap3A_1505 = arith.index_cast %add3A_1504 : i32 to index
        %swap3A_1506 = arith.constant 48 : index
        %swap3A_1507 = tpu.vector_load %arg15[%swap3A_1505, %swap3A_1506] {strides = array<i32>} : memref<128x128xf32, #tpu.memory_space<vmem>>, vector<1x16xf32>,
        %swap3A_1508 = vector.shape_cast %swap3A_1507 : vector<1x16xf32> to vector<16xf32>
        %swap3A_1509 = vector.shape_cast %mul3A_1500 : vector<16xf32> to vector<1x16xf32>
        tpu.vector_store %arg15[%swap3A_1505, %swap3A_1506], %swap3A_1509 {strides = array<i32>} : memref<128x128xf32, #tpu.memory_space<vmem>>, vector<1x16xf32>,
        %mul3A_1510 = arith.constant 16 : i32
        %mul3A_1511 = arith.muli %add3A_178, %mul3A_1510 : i32
        %add3A_1512 = arith.constant 8 : i32
        %add3A_1513 = arith.addi %mul3A_1511, %add3A_1512 : i32
        %get3A_1514 = arith.index_cast %add3A_1513 : i32 to index
        %get3A_1515 = arith.constant 64 : index
        %get3A_1516 = tpu.vector_load %arg15[%get3A_1514, %get3A_1515] {strides = array<i32>} : memref<128x128xf32, #tpu.memory_space<vmem>>, vector<1x16xf32>,
        %get3A_1517 = vector.shape_cast %get3A_1516 : vector<1x16xf32> to vector<16xf32>
        %mul3A_1518 = arith.mulf %get3A_1517, %gather3A_1437 : vector<16xf32>
        %mul3A_1519 = arith.constant 16 : i32
        %mul3A_1520 = arith.muli %add3A_178, %mul3A_1519 : i32
        %add3A_1521 = arith.constant 8 : i32
        %add3A_1522 = arith.addi %mul3A_1520, %add3A_1521 : i32
        %swap3A_1523 = arith.index_cast %add3A_1522 : i32 to index
        %swap3A_1524 = arith.constant 64 : index
        %swap3A_1525 = tpu.vector_load %arg15[%swap3A_1523, %swap3A_1524] {strides = array<i32>} : memref<128x128xf32, #tpu.memory_space<vmem>>, vector<1x16xf32>,
        %swap3A_1526 = vector.shape_cast %swap3A_1525 : vector<1x16xf32> to vector<16xf32>
        %swap3A_1527 = vector.shape_cast %mul3A_1518 : vector<16xf32> to vector<1x16xf32>
        tpu.vector_store %arg15[%swap3A_1523, %swap3A_1524], %swap3A_1527 {strides = array<i32>} : memref<128x128xf32, #tpu.memory_space<vmem>>, vector<1x16xf32>,
        %mul3A_1528 = arith.constant 16 : i32
        %mul3A_1529 = arith.muli %add3A_178, %mul3A_1528 : i32
        %add3A_1530 = arith.constant 8 : i32
        %add3A_1531 = arith.addi %mul3A_1529, %add3A_1530 : i32
        %get3A_1532 = arith.index_cast %add3A_1531 : i32 to index
        %get3A_1533 = arith.constant 80 : index
        %get3A_1534 = tpu.vector_load %arg15[%get3A_1532, %get3A_1533] {strides = array<i32>} : memref<128x128xf32, #tpu.memory_space<vmem>>, vector<1x16xf32>,
        %get3A_1535 = vector.shape_cast %get3A_1534 : vector<1x16xf32> to vector<16xf32>
        %mul3A_1536 = arith.mulf %get3A_1535, %gather3A_1437 : vector<16xf32>
        %mul3A_1537 = arith.constant 16 : i32
        %mul3A_1538 = arith.muli %add3A_178, %mul3A_1537 : i32
        %add3A_1539 = arith.constant 8 : i32
        %add3A_1540 = arith.addi %mul3A_1538, %add3A_1539 : i32
        %swap3A_1541 = arith.index_cast %add3A_1540 : i32 to index
        %swap3A_1542 = arith.constant 80 : index
        %swap3A_1543 = tpu.vector_load %arg15[%swap3A_1541, %swap3A_1542] {strides = array<i32>} : memref<128x128xf32, #tpu.memory_space<vmem>>, vector<1x16xf32>,
        %swap3A_1544 = vector.shape_cast %swap3A_1543 : vector<1x16xf32> to vector<16xf32>
        %swap3A_1545 = vector.shape_cast %mul3A_1536 : vector<16xf32> to vector<1x16xf32>
        tpu.vector_store %arg15[%swap3A_1541, %swap3A_1542], %swap3A_1545 {strides = array<i32>} : memref<128x128xf32, #tpu.memory_space<vmem>>, vector<1x16xf32>,
        %mul3A_1546 = arith.constant 16 : i32
        %mul3A_1547 = arith.muli %add3A_178, %mul3A_1546 : i32
        %add3A_1548 = arith.constant 8 : i32
        %add3A_1549 = arith.addi %mul3A_1547, %add3A_1548 : i32
        %get3A_1550 = arith.index_cast %add3A_1549 : i32 to index
        %get3A_1551 = arith.constant 96 : index
        %get3A_1552 = tpu.vector_load %arg15[%get3A_1550, %get3A_1551] {strides = array<i32>} : memref<128x128xf32, #tpu.memory_space<vmem>>, vector<1x16xf32>,
        %get3A_1553 = vector.shape_cast %get3A_1552 : vector<1x16xf32> to vector<16xf32>
        %mul3A_1554 = arith.mulf %get3A_1553, %gather3A_1437 : vector<16xf32>
        %mul3A_1555 = arith.constant 16 : i32
        %mul3A_1556 = arith.muli %add3A_178, %mul3A_1555 : i32
        %add3A_1557 = arith.constant 8 : i32
        %add3A_1558 = arith.addi %mul3A_1556, %add3A_1557 : i32
        %swap3A_1559 = arith.index_cast %add3A_1558 : i32 to index
        %swap3A_1560 = arith.constant 96 : index
        %swap3A_1561 = tpu.vector_load %arg15[%swap3A_1559, %swap3A_1560] {strides = array<i32>} : memref<128x128xf32, #tpu.memory_space<vmem>>, vector<1x16xf32>,
        %swap3A_1562 = vector.shape_cast %swap3A_1561 : vector<1x16xf32> to vector<16xf32>
        %swap3A_1563 = vector.shape_cast %mul3A_1554 : vector<16xf32> to vector<1x16xf32>
        tpu.vector_store %arg15[%swap3A_1559, %swap3A_1560], %swap3A_1563 {strides = array<i32>} : memref<128x128xf32, #tpu.memory_space<vmem>>, vector<1x16xf32>,
        %mul3A_1564 = arith.constant 16 : i32
        %mul3A_1565 = arith.muli %add3A_178, %mul3A_1564 : i32
        %add3A_1566 = arith.constant 8 : i32
        %add3A_1567 = arith.addi %mul3A_1565, %add3A_1566 : i32
        %get3A_1568 = arith.index_cast %add3A_1567 : i32 to index
        %get3A_1569 = arith.constant 112 : index
        %get3A_1570 = tpu.vector_load %arg15[%get3A_1568, %get3A_1569] {strides = array<i32>} : memref<128x128xf32, #tpu.memory_space<vmem>>, vector<1x16xf32>,
        %get3A_1571 = vector.shape_cast %get3A_1570 : vector<1x16xf32> to vector<16xf32>
        %mul3A_1572 = arith.mulf %get3A_1571, %gather3A_1437 : vector<16xf32>
        %mul3A_1573 = arith.constant 16 : i32
        %mul3A_1574 = arith.muli %add3A_178, %mul3A_1573 : i32
        %add3A_1575 = arith.constant 8 : i32
        %add3A_1576 = arith.addi %mul3A_1574, %add3A_1575 : i32
        %swap3A_1577 = arith.index_cast %add3A_1576 : i32 to index
        %swap3A_1578 = arith.constant 112 : index
        %swap3A_1579 = tpu.vector_load %arg15[%swap3A_1577, %swap3A_1578] {strides = array<i32>} : memref<128x128xf32, #tpu.memory_space<vmem>>, vector<1x16xf32>,
        %swap3A_1580 = vector.shape_cast %swap3A_1579 : vector<1x16xf32> to vector<16xf32>
        %swap3A_1581 = vector.shape_cast %mul3A_1572 : vector<16xf32> to vector<1x16xf32>
        tpu.vector_store %arg15[%swap3A_1577, %swap3A_1578], %swap3A_1581 {strides = array<i32>} : memref<128x128xf32, #tpu.memory_space<vmem>>, vector<1x16xf32>,
        %broadcast_in_dim3A_1582 = arith.constant 9 : i32
        %broadcast_in_dim3A_1583 = vector.broadcast %broadcast_in_dim3A_1582 : i32 to vector<16xi32>
        %lt3A_1584 = arith.constant 0 : i32
        %lt3A_1585 = vector.broadcast %lt3A_1584 : i32 to vector<16xi32>
        %lt3A_1586 = arith.cmpi slt, %broadcast_in_dim3A_1583, %lt3A_1585 : vector<16xi32>
        %add3A_1587 = arith.constant 16 : i32
        %add3A_1588 = vector.broadcast %add3A_1587 : i32 to vector<16xi32>
        %add3A_1589 = arith.addi %broadcast_in_dim3A_1583, %add3A_1588 : vector<16xi32>
        %select_n3A_1590 = arith.select %lt3A_1586, %add3A_1589, %broadcast_in_dim3A_1583 : vector<16xi1>, vector<16xi32>
        %reshape3A_1591 = vector.shape_cast %select_n3A_1590 : vector<16xi32> to vector<16x1xi32>
        %gather3A_1592 = vector.shape_cast %reshape3A_1591 : vector<16x1xi32> to vector<16xi32>
        %gather3A_1593 = tpu.dynamic_gather %get3A_182[%gather3A_1592] in [0] : vector<16xf32>, vector<16xi32> -> vector<16xf32>
        %mul3A_1594 = arith.constant 16 : i32
        %mul3A_1595 = arith.muli %add3A_178, %mul3A_1594 : i32
        %add3A_1596 = arith.constant 9 : i32
        %add3A_1597 = arith.addi %mul3A_1595, %add3A_1596 : i32
        %get3A_1598 = arith.index_cast %add3A_1597 : i32 to index
        %get3A_1599 = arith.constant 0 : index
        %get3A_1600 = tpu.vector_load %arg15[%get3A_1598, %get3A_1599] {strides = array<i32>} : memref<128x128xf32, #tpu.memory_space<vmem>>, vector<1x16xf32>,
        %get3A_1601 = vector.shape_cast %get3A_1600 : vector<1x16xf32> to vector<16xf32>
        %mul3A_1602 = arith.mulf %get3A_1601, %gather3A_1593 : vector<16xf32>
        %mul3A_1603 = arith.constant 16 : i32
        %mul3A_1604 = arith.muli %add3A_178, %mul3A_1603 : i32
        %add3A_1605 = arith.constant 9 : i32
        %add3A_1606 = arith.addi %mul3A_1604, %add3A_1605 : i32
        %swap3A_1607 = arith.index_cast %add3A_1606 : i32 to index
        %swap3A_1608 = arith.constant 0 : index
        %swap3A_1609 = tpu.vector_load %arg15[%swap3A_1607, %swap3A_1608] {strides = array<i32>} : memref<128x128xf32, #tpu.memory_space<vmem>>, vector<1x16xf32>,
        %swap3A_1610 = vector.shape_cast %swap3A_1609 : vector<1x16xf32> to vector<16xf32>
        %swap3A_1611 = vector.shape_cast %mul3A_1602 : vector<16xf32> to vector<1x16xf32>
        tpu.vector_store %arg15[%swap3A_1607, %swap3A_1608], %swap3A_1611 {strides = array<i32>} : memref<128x128xf32, #tpu.memory_space<vmem>>, vector<1x16xf32>,
        %mul3A_1612 = arith.constant 16 : i32
        %mul3A_1613 = arith.muli %add3A_178, %mul3A_1612 : i32
        %add3A_1614 = arith.constant 9 : i32
        %add3A_1615 = arith.addi %mul3A_1613, %add3A_1614 : i32
        %get3A_1616 = arith.index_cast %add3A_1615 : i32 to index
        %get3A_1617 = arith.constant 16 : index
        %get3A_1618 = tpu.vector_load %arg15[%get3A_1616, %get3A_1617] {strides = array<i32>} : memref<128x128xf32, #tpu.memory_space<vmem>>, vector<1x16xf32>,
        %get3A_1619 = vector.shape_cast %get3A_1618 : vector<1x16xf32> to vector<16xf32>
        %mul3A_1620 = arith.mulf %get3A_1619, %gather3A_1593 : vector<16xf32>
        %mul3A_1621 = arith.constant 16 : i32
        %mul3A_1622 = arith.muli %add3A_178, %mul3A_1621 : i32
        %add3A_1623 = arith.constant 9 : i32
        %add3A_1624 = arith.addi %mul3A_1622, %add3A_1623 : i32
        %swap3A_1625 = arith.index_cast %add3A_1624 : i32 to index
        %swap3A_1626 = arith.constant 16 : index
        %swap3A_1627 = tpu.vector_load %arg15[%swap3A_1625, %swap3A_1626] {strides = array<i32>} : memref<128x128xf32, #tpu.memory_space<vmem>>, vector<1x16xf32>,
        %swap3A_1628 = vector.shape_cast %swap3A_1627 : vector<1x16xf32> to vector<16xf32>
        %swap3A_1629 = vector.shape_cast %mul3A_1620 : vector<16xf32> to vector<1x16xf32>
        tpu.vector_store %arg15[%swap3A_1625, %swap3A_1626], %swap3A_1629 {strides = array<i32>} : memref<128x128xf32, #tpu.memory_space<vmem>>, vector<1x16xf32>,
        %mul3A_1630 = arith.constant 16 : i32
        %mul3A_1631 = arith.muli %add3A_178, %mul3A_1630 : i32
        %add3A_1632 = arith.constant 9 : i32
        %add3A_1633 = arith.addi %mul3A_1631, %add3A_1632 : i32
        %get3A_1634 = arith.index_cast %add3A_1633 : i32 to index
        %get3A_1635 = arith.constant 32 : index
        %get3A_1636 = tpu.vector_load %arg15[%get3A_1634, %get3A_1635] {strides = array<i32>} : memref<128x128xf32, #tpu.memory_space<vmem>>, vector<1x16xf32>,
        %get3A_1637 = vector.shape_cast %get3A_1636 : vector<1x16xf32> to vector<16xf32>
        %mul3A_1638 = arith.mulf %get3A_1637, %gather3A_1593 : vector<16xf32>
        %mul3A_1639 = arith.constant 16 : i32
        %mul3A_1640 = arith.muli %add3A_178, %mul3A_1639 : i32
        %add3A_1641 = arith.constant 9 : i32
        %add3A_1642 = arith.addi %mul3A_1640, %add3A_1641 : i32
        %swap3A_1643 = arith.index_cast %add3A_1642 : i32 to index
        %swap3A_1644 = arith.constant 32 : index
        %swap3A_1645 = tpu.vector_load %arg15[%swap3A_1643, %swap3A_1644] {strides = array<i32>} : memref<128x128xf32, #tpu.memory_space<vmem>>, vector<1x16xf32>,
        %swap3A_1646 = vector.shape_cast %swap3A_1645 : vector<1x16xf32> to vector<16xf32>
        %swap3A_1647 = vector.shape_cast %mul3A_1638 : vector<16xf32> to vector<1x16xf32>
        tpu.vector_store %arg15[%swap3A_1643, %swap3A_1644], %swap3A_1647 {strides = array<i32>} : memref<128x128xf32, #tpu.memory_space<vmem>>, vector<1x16xf32>,
        %mul3A_1648 = arith.constant 16 : i32
        %mul3A_1649 = arith.muli %add3A_178, %mul3A_1648 : i32
        %add3A_1650 = arith.constant 9 : i32
        %add3A_1651 = arith.addi %mul3A_1649, %add3A_1650 : i32
        %get3A_1652 = arith.index_cast %add3A_1651 : i32 to index
        %get3A_1653 = arith.constant 48 : index
        %get3A_1654 = tpu.vector_load %arg15[%get3A_1652, %get3A_1653] {strides = array<i32>} : memref<128x128xf32, #tpu.memory_space<vmem>>, vector<1x16xf32>,
        %get3A_1655 = vector.shape_cast %get3A_1654 : vector<1x16xf32> to vector<16xf32>
        %mul3A_1656 = arith.mulf %get3A_1655, %gather3A_1593 : vector<16xf32>
        %mul3A_1657 = arith.constant 16 : i32
        %mul3A_1658 = arith.muli %add3A_178, %mul3A_1657 : i32
        %add3A_1659 = arith.constant 9 : i32
        %add3A_1660 = arith.addi %mul3A_1658, %add3A_1659 : i32
        %swap3A_1661 = arith.index_cast %add3A_1660 : i32 to index
        %swap3A_1662 = arith.constant 48 : index
        %swap3A_1663 = tpu.vector_load %arg15[%swap3A_1661, %swap3A_1662] {strides = array<i32>} : memref<128x128xf32, #tpu.memory_space<vmem>>, vector<1x16xf32>,
        %swap3A_1664 = vector.shape_cast %swap3A_1663 : vector<1x16xf32> to vector<16xf32>
        %swap3A_1665 = vector.shape_cast %mul3A_1656 : vector<16xf32> to vector<1x16xf32>
        tpu.vector_store %arg15[%swap3A_1661, %swap3A_1662], %swap3A_1665 {strides = array<i32>} : memref<128x128xf32, #tpu.memory_space<vmem>>, vector<1x16xf32>,
        %mul3A_1666 = arith.constant 16 : i32
        %mul3A_1667 = arith.muli %add3A_178, %mul3A_1666 : i32
        %add3A_1668 = arith.constant 9 : i32
        %add3A_1669 = arith.addi %mul3A_1667, %add3A_1668 : i32
        %get3A_1670 = arith.index_cast %add3A_1669 : i32 to index
        %get3A_1671 = arith.constant 64 : index
        %get3A_1672 = tpu.vector_load %arg15[%get3A_1670, %get3A_1671] {strides = array<i32>} : memref<128x128xf32, #tpu.memory_space<vmem>>, vector<1x16xf32>,
        %get3A_1673 = vector.shape_cast %get3A_1672 : vector<1x16xf32> to vector<16xf32>
        %mul3A_1674 = arith.mulf %get3A_1673, %gather3A_1593 : vector<16xf32>
        %mul3A_1675 = arith.constant 16 : i32
        %mul3A_1676 = arith.muli %add3A_178, %mul3A_1675 : i32
        %add3A_1677 = arith.constant 9 : i32
        %add3A_1678 = arith.addi %mul3A_1676, %add3A_1677 : i32
        %swap3A_1679 = arith.index_cast %add3A_1678 : i32 to index
        %swap3A_1680 = arith.constant 64 : index
        %swap3A_1681 = tpu.vector_load %arg15[%swap3A_1679, %swap3A_1680] {strides = array<i32>} : memref<128x128xf32, #tpu.memory_space<vmem>>, vector<1x16xf32>,
        %swap3A_1682 = vector.shape_cast %swap3A_1681 : vector<1x16xf32> to vector<16xf32>
        %swap3A_1683 = vector.shape_cast %mul3A_1674 : vector<16xf32> to vector<1x16xf32>
        tpu.vector_store %arg15[%swap3A_1679, %swap3A_1680], %swap3A_1683 {strides = array<i32>} : memref<128x128xf32, #tpu.memory_space<vmem>>, vector<1x16xf32>,
        %mul3A_1684 = arith.constant 16 : i32
        %mul3A_1685 = arith.muli %add3A_178, %mul3A_1684 : i32
        %add3A_1686 = arith.constant 9 : i32
        %add3A_1687 = arith.addi %mul3A_1685, %add3A_1686 : i32
        %get3A_1688 = arith.index_cast %add3A_1687 : i32 to index
        %get3A_1689 = arith.constant 80 : index
        %get3A_1690 = tpu.vector_load %arg15[%get3A_1688, %get3A_1689] {strides = array<i32>} : memref<128x128xf32, #tpu.memory_space<vmem>>, vector<1x16xf32>,
        %get3A_1691 = vector.shape_cast %get3A_1690 : vector<1x16xf32> to vector<16xf32>
        %mul3A_1692 = arith.mulf %get3A_1691, %gather3A_1593 : vector<16xf32>
        %mul3A_1693 = arith.constant 16 : i32
        %mul3A_1694 = arith.muli %add3A_178, %mul3A_1693 : i32
        %add3A_1695 = arith.constant 9 : i32
        %add3A_1696 = arith.addi %mul3A_1694, %add3A_1695 : i32
        %swap3A_1697 = arith.index_cast %add3A_1696 : i32 to index
        %swap3A_1698 = arith.constant 80 : index
        %swap3A_1699 = tpu.vector_load %arg15[%swap3A_1697, %swap3A_1698] {strides = array<i32>} : memref<128x128xf32, #tpu.memory_space<vmem>>, vector<1x16xf32>,
        %swap3A_1700 = vector.shape_cast %swap3A_1699 : vector<1x16xf32> to vector<16xf32>
        %swap3A_1701 = vector.shape_cast %mul3A_1692 : vector<16xf32> to vector<1x16xf32>
        tpu.vector_store %arg15[%swap3A_1697, %swap3A_1698], %swap3A_1701 {strides = array<i32>} : memref<128x128xf32, #tpu.memory_space<vmem>>, vector<1x16xf32>,
        %mul3A_1702 = arith.constant 16 : i32
        %mul3A_1703 = arith.muli %add3A_178, %mul3A_1702 : i32
        %add3A_1704 = arith.constant 9 : i32
        %add3A_1705 = arith.addi %mul3A_1703, %add3A_1704 : i32
        %get3A_1706 = arith.index_cast %add3A_1705 : i32 to index
        %get3A_1707 = arith.constant 96 : index
        %get3A_1708 = tpu.vector_load %arg15[%get3A_1706, %get3A_1707] {strides = array<i32>} : memref<128x128xf32, #tpu.memory_space<vmem>>, vector<1x16xf32>,
        %get3A_1709 = vector.shape_cast %get3A_1708 : vector<1x16xf32> to vector<16xf32>
        %mul3A_1710 = arith.mulf %get3A_1709, %gather3A_1593 : vector<16xf32>
        %mul3A_1711 = arith.constant 16 : i32
        %mul3A_1712 = arith.muli %add3A_178, %mul3A_1711 : i32
        %add3A_1713 = arith.constant 9 : i32
        %add3A_1714 = arith.addi %mul3A_1712, %add3A_1713 : i32
        %swap3A_1715 = arith.index_cast %add3A_1714 : i32 to index
        %swap3A_1716 = arith.constant 96 : index
        %swap3A_1717 = tpu.vector_load %arg15[%swap3A_1715, %swap3A_1716] {strides = array<i32>} : memref<128x128xf32, #tpu.memory_space<vmem>>, vector<1x16xf32>,
        %swap3A_1718 = vector.shape_cast %swap3A_1717 : vector<1x16xf32> to vector<16xf32>
        %swap3A_1719 = vector.shape_cast %mul3A_1710 : vector<16xf32> to vector<1x16xf32>
        tpu.vector_store %arg15[%swap3A_1715, %swap3A_1716], %swap3A_1719 {strides = array<i32>} : memref<128x128xf32, #tpu.memory_space<vmem>>, vector<1x16xf32>,
        %mul3A_1720 = arith.constant 16 : i32
        %mul3A_1721 = arith.muli %add3A_178, %mul3A_1720 : i32
        %add3A_1722 = arith.constant 9 : i32
        %add3A_1723 = arith.addi %mul3A_1721, %add3A_1722 : i32
        %get3A_1724 = arith.index_cast %add3A_1723 : i32 to index
        %get3A_1725 = arith.constant 112 : index
        %get3A_1726 = tpu.vector_load %arg15[%get3A_1724, %get3A_1725] {strides = array<i32>} : memref<128x128xf32, #tpu.memory_space<vmem>>, vector<1x16xf32>,
        %get3A_1727 = vector.shape_cast %get3A_1726 : vector<1x16xf32> to vector<16xf32>
        %mul3A_1728 = arith.mulf %get3A_1727, %gather3A_1593 : vector<16xf32>
        %mul3A_1729 = arith.constant 16 : i32
        %mul3A_1730 = arith.muli %add3A_178, %mul3A_1729 : i32
        %add3A_1731 = arith.constant 9 : i32
        %add3A_1732 = arith.addi %mul3A_1730, %add3A_1731 : i32
        %swap3A_1733 = arith.index_cast %add3A_1732 : i32 to index
        %swap3A_1734 = arith.constant 112 : index
        %swap3A_1735 = tpu.vector_load %arg15[%swap3A_1733, %swap3A_1734] {strides = array<i32>} : memref<128x128xf32, #tpu.memory_space<vmem>>, vector<1x16xf32>,
        %swap3A_1736 = vector.shape_cast %swap3A_1735 : vector<1x16xf32> to vector<16xf32>
        %swap3A_1737 = vector.shape_cast %mul3A_1728 : vector<16xf32> to vector<1x16xf32>
        tpu.vector_store %arg15[%swap3A_1733, %swap3A_1734], %swap3A_1737 {strides = array<i32>} : memref<128x128xf32, #tpu.memory_space<vmem>>, vector<1x16xf32>,
        %broadcast_in_dim3A_1738 = arith.constant 10 : i32
        %broadcast_in_dim3A_1739 = vector.broadcast %broadcast_in_dim3A_1738 : i32 to vector<16xi32>
        %lt3A_1740 = arith.constant 0 : i32
        %lt3A_1741 = vector.broadcast %lt3A_1740 : i32 to vector<16xi32>
        %lt3A_1742 = arith.cmpi slt, %broadcast_in_dim3A_1739, %lt3A_1741 : vector<16xi32>
        %add3A_1743 = arith.constant 16 : i32
        %add3A_1744 = vector.broadcast %add3A_1743 : i32 to vector<16xi32>
        %add3A_1745 = arith.addi %broadcast_in_dim3A_1739, %add3A_1744 : vector<16xi32>
        %select_n3A_1746 = arith.select %lt3A_1742, %add3A_1745, %broadcast_in_dim3A_1739 : vector<16xi1>, vector<16xi32>
        %reshape3A_1747 = vector.shape_cast %select_n3A_1746 : vector<16xi32> to vector<16x1xi32>
        %gather3A_1748 = vector.shape_cast %reshape3A_1747 : vector<16x1xi32> to vector<16xi32>
        %gather3A_1749 = tpu.dynamic_gather %get3A_182[%gather3A_1748] in [0] : vector<16xf32>, vector<16xi32> -> vector<16xf32>
        %mul3A_1750 = arith.constant 16 : i32
        %mul3A_1751 = arith.muli %add3A_178, %mul3A_1750 : i32
        %add3A_1752 = arith.constant 10 : i32
        %add3A_1753 = arith.addi %mul3A_1751, %add3A_1752 : i32
        %get3A_1754 = arith.index_cast %add3A_1753 : i32 to index
        %get3A_1755 = arith.constant 0 : index
        %get3A_1756 = tpu.vector_load %arg15[%get3A_1754, %get3A_1755] {strides = array<i32>} : memref<128x128xf32, #tpu.memory_space<vmem>>, vector<1x16xf32>,
        %get3A_1757 = vector.shape_cast %get3A_1756 : vector<1x16xf32> to vector<16xf32>
        %mul3A_1758 = arith.mulf %get3A_1757, %gather3A_1749 : vector<16xf32>
        %mul3A_1759 = arith.constant 16 : i32
        %mul3A_1760 = arith.muli %add3A_178, %mul3A_1759 : i32
        %add3A_1761 = arith.constant 10 : i32
        %add3A_1762 = arith.addi %mul3A_1760, %add3A_1761 : i32
        %swap3A_1763 = arith.index_cast %add3A_1762 : i32 to index
        %swap3A_1764 = arith.constant 0 : index
        %swap3A_1765 = tpu.vector_load %arg15[%swap3A_1763, %swap3A_1764] {strides = array<i32>} : memref<128x128xf32, #tpu.memory_space<vmem>>, vector<1x16xf32>,
        %swap3A_1766 = vector.shape_cast %swap3A_1765 : vector<1x16xf32> to vector<16xf32>
        %swap3A_1767 = vector.shape_cast %mul3A_1758 : vector<16xf32> to vector<1x16xf32>
        tpu.vector_store %arg15[%swap3A_1763, %swap3A_1764], %swap3A_1767 {strides = array<i32>} : memref<128x128xf32, #tpu.memory_space<vmem>>, vector<1x16xf32>,
        %mul3A_1768 = arith.constant 16 : i32
        %mul3A_1769 = arith.muli %add3A_178, %mul3A_1768 : i32
        %add3A_1770 = arith.constant 10 : i32
        %add3A_1771 = arith.addi %mul3A_1769, %add3A_1770 : i32
        %get3A_1772 = arith.index_cast %add3A_1771 : i32 to index
        %get3A_1773 = arith.constant 16 : index
        %get3A_1774 = tpu.vector_load %arg15[%get3A_1772, %get3A_1773] {strides = array<i32>} : memref<128x128xf32, #tpu.memory_space<vmem>>, vector<1x16xf32>,
        %get3A_1775 = vector.shape_cast %get3A_1774 : vector<1x16xf32> to vector<16xf32>
        %mul3A_1776 = arith.mulf %get3A_1775, %gather3A_1749 : vector<16xf32>
        %mul3A_1777 = arith.constant 16 : i32
        %mul3A_1778 = arith.muli %add3A_178, %mul3A_1777 : i32
        %add3A_1779 = arith.constant 10 : i32
        %add3A_1780 = arith.addi %mul3A_1778, %add3A_1779 : i32
        %swap3A_1781 = arith.index_cast %add3A_1780 : i32 to index
        %swap3A_1782 = arith.constant 16 : index
        %swap3A_1783 = tpu.vector_load %arg15[%swap3A_1781, %swap3A_1782] {strides = array<i32>} : memref<128x128xf32, #tpu.memory_space<vmem>>, vector<1x16xf32>,
        %swap3A_1784 = vector.shape_cast %swap3A_1783 : vector<1x16xf32> to vector<16xf32>
        %swap3A_1785 = vector.shape_cast %mul3A_1776 : vector<16xf32> to vector<1x16xf32>
        tpu.vector_store %arg15[%swap3A_1781, %swap3A_1782], %swap3A_1785 {strides = array<i32>} : memref<128x128xf32, #tpu.memory_space<vmem>>, vector<1x16xf32>,
        %mul3A_1786 = arith.constant 16 : i32
        %mul3A_1787 = arith.muli %add3A_178, %mul3A_1786 : i32
        %add3A_1788 = arith.constant 10 : i32
        %add3A_1789 = arith.addi %mul3A_1787, %add3A_1788 : i32
        %get3A_1790 = arith.index_cast %add3A_1789 : i32 to index
        %get3A_1791 = arith.constant 32 : index
        %get3A_1792 = tpu.vector_load %arg15[%get3A_1790, %get3A_1791] {strides = array<i32>} : memref<128x128xf32, #tpu.memory_space<vmem>>, vector<1x16xf32>,
        %get3A_1793 = vector.shape_cast %get3A_1792 : vector<1x16xf32> to vector<16xf32>
        %mul3A_1794 = arith.mulf %get3A_1793, %gather3A_1749 : vector<16xf32>
        %mul3A_1795 = arith.constant 16 : i32
        %mul3A_1796 = arith.muli %add3A_178, %mul3A_1795 : i32
        %add3A_1797 = arith.constant 10 : i32
        %add3A_1798 = arith.addi %mul3A_1796, %add3A_1797 : i32
        %swap3A_1799 = arith.index_cast %add3A_1798 : i32 to index
        %swap3A_1800 = arith.constant 32 : index
        %swap3A_1801 = tpu.vector_load %arg15[%swap3A_1799, %swap3A_1800] {strides = array<i32>} : memref<128x128xf32, #tpu.memory_space<vmem>>, vector<1x16xf32>,
        %swap3A_1802 = vector.shape_cast %swap3A_1801 : vector<1x16xf32> to vector<16xf32>
        %swap3A_1803 = vector.shape_cast %mul3A_1794 : vector<16xf32> to vector<1x16xf32>
        tpu.vector_store %arg15[%swap3A_1799, %swap3A_1800], %swap3A_1803 {strides = array<i32>} : memref<128x128xf32, #tpu.memory_space<vmem>>, vector<1x16xf32>,
        %mul3A_1804 = arith.constant 16 : i32
        %mul3A_1805 = arith.muli %add3A_178, %mul3A_1804 : i32
        %add3A_1806 = arith.constant 10 : i32
        %add3A_1807 = arith.addi %mul3A_1805, %add3A_1806 : i32
        %get3A_1808 = arith.index_cast %add3A_1807 : i32 to index
        %get3A_1809 = arith.constant 48 : index
        %get3A_1810 = tpu.vector_load %arg15[%get3A_1808, %get3A_1809] {strides = array<i32>} : memref<128x128xf32, #tpu.memory_space<vmem>>, vector<1x16xf32>,
        %get3A_1811 = vector.shape_cast %get3A_1810 : vector<1x16xf32> to vector<16xf32>
        %mul3A_1812 = arith.mulf %get3A_1811, %gather3A_1749 : vector<16xf32>
        %mul3A_1813 = arith.constant 16 : i32
        %mul3A_1814 = arith.muli %add3A_178, %mul3A_1813 : i32
        %add3A_1815 = arith.constant 10 : i32
        %add3A_1816 = arith.addi %mul3A_1814, %add3A_1815 : i32
        %swap3A_1817 = arith.index_cast %add3A_1816 : i32 to index
        %swap3A_1818 = arith.constant 48 : index
        %swap3A_1819 = tpu.vector_load %arg15[%swap3A_1817, %swap3A_1818] {strides = array<i32>} : memref<128x128xf32, #tpu.memory_space<vmem>>, vector<1x16xf32>,
        %swap3A_1820 = vector.shape_cast %swap3A_1819 : vector<1x16xf32> to vector<16xf32>
        %swap3A_1821 = vector.shape_cast %mul3A_1812 : vector<16xf32> to vector<1x16xf32>
        tpu.vector_store %arg15[%swap3A_1817, %swap3A_1818], %swap3A_1821 {strides = array<i32>} : memref<128x128xf32, #tpu.memory_space<vmem>>, vector<1x16xf32>,
        %mul3A_1822 = arith.constant 16 : i32
        %mul3A_1823 = arith.muli %add3A_178, %mul3A_1822 : i32
        %add3A_1824 = arith.constant 10 : i32
        %add3A_1825 = arith.addi %mul3A_1823, %add3A_1824 : i32
        %get3A_1826 = arith.index_cast %add3A_1825 : i32 to index
        %get3A_1827 = arith.constant 64 : index
        %get3A_1828 = tpu.vector_load %arg15[%get3A_1826, %get3A_1827] {strides = array<i32>} : memref<128x128xf32, #tpu.memory_space<vmem>>, vector<1x16xf32>,
        %get3A_1829 = vector.shape_cast %get3A_1828 : vector<1x16xf32> to vector<16xf32>
        %mul3A_1830 = arith.mulf %get3A_1829, %gather3A_1749 : vector<16xf32>
        %mul3A_1831 = arith.constant 16 : i32
        %mul3A_1832 = arith.muli %add3A_178, %mul3A_1831 : i32
        %add3A_1833 = arith.constant 10 : i32
        %add3A_1834 = arith.addi %mul3A_1832, %add3A_1833 : i32
        %swap3A_1835 = arith.index_cast %add3A_1834 : i32 to index
        %swap3A_1836 = arith.constant 64 : index
        %swap3A_1837 = tpu.vector_load %arg15[%swap3A_1835, %swap3A_1836] {strides = array<i32>} : memref<128x128xf32, #tpu.memory_space<vmem>>, vector<1x16xf32>,
        %swap3A_1838 = vector.shape_cast %swap3A_1837 : vector<1x16xf32> to vector<16xf32>
        %swap3A_1839 = vector.shape_cast %mul3A_1830 : vector<16xf32> to vector<1x16xf32>
        tpu.vector_store %arg15[%swap3A_1835, %swap3A_1836], %swap3A_1839 {strides = array<i32>} : memref<128x128xf32, #tpu.memory_space<vmem>>, vector<1x16xf32>,
        %mul3A_1840 = arith.constant 16 : i32
        %mul3A_1841 = arith.muli %add3A_178, %mul3A_1840 : i32
        %add3A_1842 = arith.constant 10 : i32
        %add3A_1843 = arith.addi %mul3A_1841, %add3A_1842 : i32
        %get3A_1844 = arith.index_cast %add3A_1843 : i32 to index
        %get3A_1845 = arith.constant 80 : index
        %get3A_1846 = tpu.vector_load %arg15[%get3A_1844, %get3A_1845] {strides = array<i32>} : memref<128x128xf32, #tpu.memory_space<vmem>>, vector<1x16xf32>,
        %get3A_1847 = vector.shape_cast %get3A_1846 : vector<1x16xf32> to vector<16xf32>
        %mul3A_1848 = arith.mulf %get3A_1847, %gather3A_1749 : vector<16xf32>
        %mul3A_1849 = arith.constant 16 : i32
        %mul3A_1850 = arith.muli %add3A_178, %mul3A_1849 : i32
        %add3A_1851 = arith.constant 10 : i32
        %add3A_1852 = arith.addi %mul3A_1850, %add3A_1851 : i32
        %swap3A_1853 = arith.index_cast %add3A_1852 : i32 to index
        %swap3A_1854 = arith.constant 80 : index
        %swap3A_1855 = tpu.vector_load %arg15[%swap3A_1853, %swap3A_1854] {strides = array<i32>} : memref<128x128xf32, #tpu.memory_space<vmem>>, vector<1x16xf32>,
        %swap3A_1856 = vector.shape_cast %swap3A_1855 : vector<1x16xf32> to vector<16xf32>
        %swap3A_1857 = vector.shape_cast %mul3A_1848 : vector<16xf32> to vector<1x16xf32>
        tpu.vector_store %arg15[%swap3A_1853, %swap3A_1854], %swap3A_1857 {strides = array<i32>} : memref<128x128xf32, #tpu.memory_space<vmem>>, vector<1x16xf32>,
        %mul3A_1858 = arith.constant 16 : i32
        %mul3A_1859 = arith.muli %add3A_178, %mul3A_1858 : i32
        %add3A_1860 = arith.constant 10 : i32
        %add3A_1861 = arith.addi %mul3A_1859, %add3A_1860 : i32
        %get3A_1862 = arith.index_cast %add3A_1861 : i32 to index
        %get3A_1863 = arith.constant 96 : index
        %get3A_1864 = tpu.vector_load %arg15[%get3A_1862, %get3A_1863] {strides = array<i32>} : memref<128x128xf32, #tpu.memory_space<vmem>>, vector<1x16xf32>,
        %get3A_1865 = vector.shape_cast %get3A_1864 : vector<1x16xf32> to vector<16xf32>
        %mul3A_1866 = arith.mulf %get3A_1865, %gather3A_1749 : vector<16xf32>
        %mul3A_1867 = arith.constant 16 : i32
        %mul3A_1868 = arith.muli %add3A_178, %mul3A_1867 : i32
        %add3A_1869 = arith.constant 10 : i32
        %add3A_1870 = arith.addi %mul3A_1868, %add3A_1869 : i32
        %swap3A_1871 = arith.index_cast %add3A_1870 : i32 to index
        %swap3A_1872 = arith.constant 96 : index
        %swap3A_1873 = tpu.vector_load %arg15[%swap3A_1871, %swap3A_1872] {strides = array<i32>} : memref<128x128xf32, #tpu.memory_space<vmem>>, vector<1x16xf32>,
        %swap3A_1874 = vector.shape_cast %swap3A_1873 : vector<1x16xf32> to vector<16xf32>
        %swap3A_1875 = vector.shape_cast %mul3A_1866 : vector<16xf32> to vector<1x16xf32>
        tpu.vector_store %arg15[%swap3A_1871, %swap3A_1872], %swap3A_1875 {strides = array<i32>} : memref<128x128xf32, #tpu.memory_space<vmem>>, vector<1x16xf32>,
        %mul3A_1876 = arith.constant 16 : i32
        %mul3A_1877 = arith.muli %add3A_178, %mul3A_1876 : i32
        %add3A_1878 = arith.constant 10 : i32
        %add3A_1879 = arith.addi %mul3A_1877, %add3A_1878 : i32
        %get3A_1880 = arith.index_cast %add3A_1879 : i32 to index
        %get3A_1881 = arith.constant 112 : index
        %get3A_1882 = tpu.vector_load %arg15[%get3A_1880, %get3A_1881] {strides = array<i32>} : memref<128x128xf32, #tpu.memory_space<vmem>>, vector<1x16xf32>,
        %get3A_1883 = vector.shape_cast %get3A_1882 : vector<1x16xf32> to vector<16xf32>
        %mul3A_1884 = arith.mulf %get3A_1883, %gather3A_1749 : vector<16xf32>
        %mul3A_1885 = arith.constant 16 : i32
        %mul3A_1886 = arith.muli %add3A_178, %mul3A_1885 : i32
        %add3A_1887 = arith.constant 10 : i32
        %add3A_1888 = arith.addi %mul3A_1886, %add3A_1887 : i32
        %swap3A_1889 = arith.index_cast %add3A_1888 : i32 to index
        %swap3A_1890 = arith.constant 112 : index
        %swap3A_1891 = tpu.vector_load %arg15[%swap3A_1889, %swap3A_1890] {strides = array<i32>} : memref<128x128xf32, #tpu.memory_space<vmem>>, vector<1x16xf32>,
        %swap3A_1892 = vector.shape_cast %swap3A_1891 : vector<1x16xf32> to vector<16xf32>
        %swap3A_1893 = vector.shape_cast %mul3A_1884 : vector<16xf32> to vector<1x16xf32>
        tpu.vector_store %arg15[%swap3A_1889, %swap3A_1890], %swap3A_1893 {strides = array<i32>} : memref<128x128xf32, #tpu.memory_space<vmem>>, vector<1x16xf32>,
        %broadcast_in_dim3A_1894 = arith.constant 11 : i32
        %broadcast_in_dim3A_1895 = vector.broadcast %broadcast_in_dim3A_1894 : i32 to vector<16xi32>
        %lt3A_1896 = arith.constant 0 : i32
        %lt3A_1897 = vector.broadcast %lt3A_1896 : i32 to vector<16xi32>
        %lt3A_1898 = arith.cmpi slt, %broadcast_in_dim3A_1895, %lt3A_1897 : vector<16xi32>
        %add3A_1899 = arith.constant 16 : i32
        %add3A_1900 = vector.broadcast %add3A_1899 : i32 to vector<16xi32>
        %add3A_1901 = arith.addi %broadcast_in_dim3A_1895, %add3A_1900 : vector<16xi32>
        %select_n3A_1902 = arith.select %lt3A_1898, %add3A_1901, %broadcast_in_dim3A_1895 : vector<16xi1>, vector<16xi32>
        %reshape3A_1903 = vector.shape_cast %select_n3A_1902 : vector<16xi32> to vector<16x1xi32>
        %gather3A_1904 = vector.shape_cast %reshape3A_1903 : vector<16x1xi32> to vector<16xi32>
        %gather3A_1905 = tpu.dynamic_gather %get3A_182[%gather3A_1904] in [0] : vector<16xf32>, vector<16xi32> -> vector<16xf32>
        %mul3A_1906 = arith.constant 16 : i32
        %mul3A_1907 = arith.muli %add3A_178, %mul3A_1906 : i32
        %add3A_1908 = arith.constant 11 : i32
        %add3A_1909 = arith.addi %mul3A_1907, %add3A_1908 : i32
        %get3A_1910 = arith.index_cast %add3A_1909 : i32 to index
        %get3A_1911 = arith.constant 0 : index
        %get3A_1912 = tpu.vector_load %arg15[%get3A_1910, %get3A_1911] {strides = array<i32>} : memref<128x128xf32, #tpu.memory_space<vmem>>, vector<1x16xf32>,
        %get3A_1913 = vector.shape_cast %get3A_1912 : vector<1x16xf32> to vector<16xf32>
        %mul3A_1914 = arith.mulf %get3A_1913, %gather3A_1905 : vector<16xf32>
        %mul3A_1915 = arith.constant 16 : i32
        %mul3A_1916 = arith.muli %add3A_178, %mul3A_1915 : i32
        %add3A_1917 = arith.constant 11 : i32
        %add3A_1918 = arith.addi %mul3A_1916, %add3A_1917 : i32
        %swap3A_1919 = arith.index_cast %add3A_1918 : i32 to index
        %swap3A_1920 = arith.constant 0 : index
        %swap3A_1921 = tpu.vector_load %arg15[%swap3A_1919, %swap3A_1920] {strides = array<i32>} : memref<128x128xf32, #tpu.memory_space<vmem>>, vector<1x16xf32>,
        %swap3A_1922 = vector.shape_cast %swap3A_1921 : vector<1x16xf32> to vector<16xf32>
        %swap3A_1923 = vector.shape_cast %mul3A_1914 : vector<16xf32> to vector<1x16xf32>
        tpu.vector_store %arg15[%swap3A_1919, %swap3A_1920], %swap3A_1923 {strides = array<i32>} : memref<128x128xf32, #tpu.memory_space<vmem>>, vector<1x16xf32>,
        %mul3A_1924 = arith.constant 16 : i32
        %mul3A_1925 = arith.muli %add3A_178, %mul3A_1924 : i32
        %add3A_1926 = arith.constant 11 : i32
        %add3A_1927 = arith.addi %mul3A_1925, %add3A_1926 : i32
        %get3A_1928 = arith.index_cast %add3A_1927 : i32 to index
        %get3A_1929 = arith.constant 16 : index
        %get3A_1930 = tpu.vector_load %arg15[%get3A_1928, %get3A_1929] {strides = array<i32>} : memref<128x128xf32, #tpu.memory_space<vmem>>, vector<1x16xf32>,
        %get3A_1931 = vector.shape_cast %get3A_1930 : vector<1x16xf32> to vector<16xf32>
        %mul3A_1932 = arith.mulf %get3A_1931, %gather3A_1905 : vector<16xf32>
        %mul3A_1933 = arith.constant 16 : i32
        %mul3A_1934 = arith.muli %add3A_178, %mul3A_1933 : i32
        %add3A_1935 = arith.constant 11 : i32
        %add3A_1936 = arith.addi %mul3A_1934, %add3A_1935 : i32
        %swap3A_1937 = arith.index_cast %add3A_1936 : i32 to index
        %swap3A_1938 = arith.constant 16 : index
        %swap3A_1939 = tpu.vector_load %arg15[%swap3A_1937, %swap3A_1938] {strides = array<i32>} : memref<128x128xf32, #tpu.memory_space<vmem>>, vector<1x16xf32>,
        %swap3A_1940 = vector.shape_cast %swap3A_1939 : vector<1x16xf32> to vector<16xf32>
        %swap3A_1941 = vector.shape_cast %mul3A_1932 : vector<16xf32> to vector<1x16xf32>
        tpu.vector_store %arg15[%swap3A_1937, %swap3A_1938], %swap3A_1941 {strides = array<i32>} : memref<128x128xf32, #tpu.memory_space<vmem>>, vector<1x16xf32>,
        %mul3A_1942 = arith.constant 16 : i32
        %mul3A_1943 = arith.muli %add3A_178, %mul3A_1942 : i32
        %add3A_1944 = arith.constant 11 : i32
        %add3A_1945 = arith.addi %mul3A_1943, %add3A_1944 : i32
        %get3A_1946 = arith.index_cast %add3A_1945 : i32 to index
        %get3A_1947 = arith.constant 32 : index
        %get3A_1948 = tpu.vector_load %arg15[%get3A_1946, %get3A_1947] {strides = array<i32>} : memref<128x128xf32, #tpu.memory_space<vmem>>, vector<1x16xf32>,
        %get3A_1949 = vector.shape_cast %get3A_1948 : vector<1x16xf32> to vector<16xf32>
        %mul3A_1950 = arith.mulf %get3A_1949, %gather3A_1905 : vector<16xf32>
        %mul3A_1951 = arith.constant 16 : i32
        %mul3A_1952 = arith.muli %add3A_178, %mul3A_1951 : i32
        %add3A_1953 = arith.constant 11 : i32
        %add3A_1954 = arith.addi %mul3A_1952, %add3A_1953 : i32
        %swap3A_1955 = arith.index_cast %add3A_1954 : i32 to index
        %swap3A_1956 = arith.constant 32 : index
        %swap3A_1957 = tpu.vector_load %arg15[%swap3A_1955, %swap3A_1956] {strides = array<i32>} : memref<128x128xf32, #tpu.memory_space<vmem>>, vector<1x16xf32>,
        %swap3A_1958 = vector.shape_cast %swap3A_1957 : vector<1x16xf32> to vector<16xf32>
        %swap3A_1959 = vector.shape_cast %mul3A_1950 : vector<16xf32> to vector<1x16xf32>
        tpu.vector_store %arg15[%swap3A_1955, %swap3A_1956], %swap3A_1959 {strides = array<i32>} : memref<128x128xf32, #tpu.memory_space<vmem>>, vector<1x16xf32>,
        %mul3A_1960 = arith.constant 16 : i32
        %mul3A_1961 = arith.muli %add3A_178, %mul3A_1960 : i32
        %add3A_1962 = arith.constant 11 : i32
        %add3A_1963 = arith.addi %mul3A_1961, %add3A_1962 : i32
        %get3A_1964 = arith.index_cast %add3A_1963 : i32 to index
        %get3A_1965 = arith.constant 48 : index
        %get3A_1966 = tpu.vector_load %arg15[%get3A_1964, %get3A_1965] {strides = array<i32>} : memref<128x128xf32, #tpu.memory_space<vmem>>, vector<1x16xf32>,
        %get3A_1967 = vector.shape_cast %get3A_1966 : vector<1x16xf32> to vector<16xf32>
        %mul3A_1968 = arith.mulf %get3A_1967, %gather3A_1905 : vector<16xf32>
        %mul3A_1969 = arith.constant 16 : i32
        %mul3A_1970 = arith.muli %add3A_178, %mul3A_1969 : i32
        %add3A_1971 = arith.constant 11 : i32
        %add3A_1972 = arith.addi %mul3A_1970, %add3A_1971 : i32
        %swap3A_1973 = arith.index_cast %add3A_1972 : i32 to index
        %swap3A_1974 = arith.constant 48 : index
        %swap3A_1975 = tpu.vector_load %arg15[%swap3A_1973, %swap3A_1974] {strides = array<i32>} : memref<128x128xf32, #tpu.memory_space<vmem>>, vector<1x16xf32>,
        %swap3A_1976 = vector.shape_cast %swap3A_1975 : vector<1x16xf32> to vector<16xf32>
        %swap3A_1977 = vector.shape_cast %mul3A_1968 : vector<16xf32> to vector<1x16xf32>
        tpu.vector_store %arg15[%swap3A_1973, %swap3A_1974], %swap3A_1977 {strides = array<i32>} : memref<128x128xf32, #tpu.memory_space<vmem>>, vector<1x16xf32>,
        %mul3A_1978 = arith.constant 16 : i32
        %mul3A_1979 = arith.muli %add3A_178, %mul3A_1978 : i32
        %add3A_1980 = arith.constant 11 : i32
        %add3A_1981 = arith.addi %mul3A_1979, %add3A_1980 : i32
        %get3A_1982 = arith.index_cast %add3A_1981 : i32 to index
        %get3A_1983 = arith.constant 64 : index
        %get3A_1984 = tpu.vector_load %arg15[%get3A_1982, %get3A_1983] {strides = array<i32>} : memref<128x128xf32, #tpu.memory_space<vmem>>, vector<1x16xf32>,
        %get3A_1985 = vector.shape_cast %get3A_1984 : vector<1x16xf32> to vector<16xf32>
        %mul3A_1986 = arith.mulf %get3A_1985, %gather3A_1905 : vector<16xf32>
        %mul3A_1987 = arith.constant 16 : i32
        %mul3A_1988 = arith.muli %add3A_178, %mul3A_1987 : i32
        %add3A_1989 = arith.constant 11 : i32
        %add3A_1990 = arith.addi %mul3A_1988, %add3A_1989 : i32
        %swap3A_1991 = arith.index_cast %add3A_1990 : i32 to index
        %swap3A_1992 = arith.constant 64 : index
        %swap3A_1993 = tpu.vector_load %arg15[%swap3A_1991, %swap3A_1992] {strides = array<i32>} : memref<128x128xf32, #tpu.memory_space<vmem>>, vector<1x16xf32>,
        %swap3A_1994 = vector.shape_cast %swap3A_1993 : vector<1x16xf32> to vector<16xf32>
        %swap3A_1995 = vector.shape_cast %mul3A_1986 : vector<16xf32> to vector<1x16xf32>
        tpu.vector_store %arg15[%swap3A_1991, %swap3A_1992], %swap3A_1995 {strides = array<i32>} : memref<128x128xf32, #tpu.memory_space<vmem>>, vector<1x16xf32>,
        %mul3A_1996 = arith.constant 16 : i32
        %mul3A_1997 = arith.muli %add3A_178, %mul3A_1996 : i32
        %add3A_1998 = arith.constant 11 : i32
        %add3A_1999 = arith.addi %mul3A_1997, %add3A_1998 : i32
        %get3A_2000 = arith.index_cast %add3A_1999 : i32 to index
        %get3A_2001 = arith.constant 80 : index
        %get3A_2002 = tpu.vector_load %arg15[%get3A_2000, %get3A_2001] {strides = array<i32>} : memref<128x128xf32, #tpu.memory_space<vmem>>, vector<1x16xf32>,
        %get3A_2003 = vector.shape_cast %get3A_2002 : vector<1x16xf32> to vector<16xf32>
        %mul3A_2004 = arith.mulf %get3A_2003, %gather3A_1905 : vector<16xf32>
        %mul3A_2005 = arith.constant 16 : i32
        %mul3A_2006 = arith.muli %add3A_178, %mul3A_2005 : i32
        %add3A_2007 = arith.constant 11 : i32
        %add3A_2008 = arith.addi %mul3A_2006, %add3A_2007 : i32
        %swap3A_2009 = arith.index_cast %add3A_2008 : i32 to index
        %swap3A_2010 = arith.constant 80 : index
        %swap3A_2011 = tpu.vector_load %arg15[%swap3A_2009, %swap3A_2010] {strides = array<i32>} : memref<128x128xf32, #tpu.memory_space<vmem>>, vector<1x16xf32>,
        %swap3A_2012 = vector.shape_cast %swap3A_2011 : vector<1x16xf32> to vector<16xf32>
        %swap3A_2013 = vector.shape_cast %mul3A_2004 : vector<16xf32> to vector<1x16xf32>
        tpu.vector_store %arg15[%swap3A_2009, %swap3A_2010], %swap3A_2013 {strides = array<i32>} : memref<128x128xf32, #tpu.memory_space<vmem>>, vector<1x16xf32>,
        %mul3A_2014 = arith.constant 16 : i32
        %mul3A_2015 = arith.muli %add3A_178, %mul3A_2014 : i32
        %add3A_2016 = arith.constant 11 : i32
        %add3A_2017 = arith.addi %mul3A_2015, %add3A_2016 : i32
        %get3A_2018 = arith.index_cast %add3A_2017 : i32 to index
        %get3A_2019 = arith.constant 96 : index
        %get3A_2020 = tpu.vector_load %arg15[%get3A_2018, %get3A_2019] {strides = array<i32>} : memref<128x128xf32, #tpu.memory_space<vmem>>, vector<1x16xf32>,
        %get3A_2021 = vector.shape_cast %get3A_2020 : vector<1x16xf32> to vector<16xf32>
        %mul3A_2022 = arith.mulf %get3A_2021, %gather3A_1905 : vector<16xf32>
        %mul3A_2023 = arith.constant 16 : i32
        %mul3A_2024 = arith.muli %add3A_178, %mul3A_2023 : i32
        %add3A_2025 = arith.constant 11 : i32
        %add3A_2026 = arith.addi %mul3A_2024, %add3A_2025 : i32
        %swap3A_2027 = arith.index_cast %add3A_2026 : i32 to index
        %swap3A_2028 = arith.constant 96 : index
        %swap3A_2029 = tpu.vector_load %arg15[%swap3A_2027, %swap3A_2028] {strides = array<i32>} : memref<128x128xf32, #tpu.memory_space<vmem>>, vector<1x16xf32>,
        %swap3A_2030 = vector.shape_cast %swap3A_2029 : vector<1x16xf32> to vector<16xf32>
        %swap3A_2031 = vector.shape_cast %mul3A_2022 : vector<16xf32> to vector<1x16xf32>
        tpu.vector_store %arg15[%swap3A_2027, %swap3A_2028], %swap3A_2031 {strides = array<i32>} : memref<128x128xf32, #tpu.memory_space<vmem>>, vector<1x16xf32>,
        %mul3A_2032 = arith.constant 16 : i32
        %mul3A_2033 = arith.muli %add3A_178, %mul3A_2032 : i32
        %add3A_2034 = arith.constant 11 : i32
        %add3A_2035 = arith.addi %mul3A_2033, %add3A_2034 : i32
        %get3A_2036 = arith.index_cast %add3A_2035 : i32 to index
        %get3A_2037 = arith.constant 112 : index
        %get3A_2038 = tpu.vector_load %arg15[%get3A_2036, %get3A_2037] {strides = array<i32>} : memref<128x128xf32, #tpu.memory_space<vmem>>, vector<1x16xf32>,
        %get3A_2039 = vector.shape_cast %get3A_2038 : vector<1x16xf32> to vector<16xf32>
        %mul3A_2040 = arith.mulf %get3A_2039, %gather3A_1905 : vector<16xf32>
        %mul3A_2041 = arith.constant 16 : i32
        %mul3A_2042 = arith.muli %add3A_178, %mul3A_2041 : i32
        %add3A_2043 = arith.constant 11 : i32
        %add3A_2044 = arith.addi %mul3A_2042, %add3A_2043 : i32
        %swap3A_2045 = arith.index_cast %add3A_2044 : i32 to index
        %swap3A_2046 = arith.constant 112 : index
        %swap3A_2047 = tpu.vector_load %arg15[%swap3A_2045, %swap3A_2046] {strides = array<i32>} : memref<128x128xf32, #tpu.memory_space<vmem>>, vector<1x16xf32>,
        %swap3A_2048 = vector.shape_cast %swap3A_2047 : vector<1x16xf32> to vector<16xf32>
        %swap3A_2049 = vector.shape_cast %mul3A_2040 : vector<16xf32> to vector<1x16xf32>
        tpu.vector_store %arg15[%swap3A_2045, %swap3A_2046], %swap3A_2049 {strides = array<i32>} : memref<128x128xf32, #tpu.memory_space<vmem>>, vector<1x16xf32>,
        %broadcast_in_dim3A_2050 = arith.constant 12 : i32
        %broadcast_in_dim3A_2051 = vector.broadcast %broadcast_in_dim3A_2050 : i32 to vector<16xi32>
        %lt3A_2052 = arith.constant 0 : i32
        %lt3A_2053 = vector.broadcast %lt3A_2052 : i32 to vector<16xi32>
        %lt3A_2054 = arith.cmpi slt, %broadcast_in_dim3A_2051, %lt3A_2053 : vector<16xi32>
        %add3A_2055 = arith.constant 16 : i32
        %add3A_2056 = vector.broadcast %add3A_2055 : i32 to vector<16xi32>
        %add3A_2057 = arith.addi %broadcast_in_dim3A_2051, %add3A_2056 : vector<16xi32>
        %select_n3A_2058 = arith.select %lt3A_2054, %add3A_2057, %broadcast_in_dim3A_2051 : vector<16xi1>, vector<16xi32>
        %reshape3A_2059 = vector.shape_cast %select_n3A_2058 : vector<16xi32> to vector<16x1xi32>
        %gather3A_2060 = vector.shape_cast %reshape3A_2059 : vector<16x1xi32> to vector<16xi32>
        %gather3A_2061 = tpu.dynamic_gather %get3A_182[%gather3A_2060] in [0] : vector<16xf32>, vector<16xi32> -> vector<16xf32>
        %mul3A_2062 = arith.constant 16 : i32
        %mul3A_2063 = arith.muli %add3A_178, %mul3A_2062 : i32
        %add3A_2064 = arith.constant 12 : i32
        %add3A_2065 = arith.addi %mul3A_2063, %add3A_2064 : i32
        %get3A_2066 = arith.index_cast %add3A_2065 : i32 to index
        %get3A_2067 = arith.constant 0 : index
        %get3A_2068 = tpu.vector_load %arg15[%get3A_2066, %get3A_2067] {strides = array<i32>} : memref<128x128xf32, #tpu.memory_space<vmem>>, vector<1x16xf32>,
        %get3A_2069 = vector.shape_cast %get3A_2068 : vector<1x16xf32> to vector<16xf32>
        %mul3A_2070 = arith.mulf %get3A_2069, %gather3A_2061 : vector<16xf32>
        %mul3A_2071 = arith.constant 16 : i32
        %mul3A_2072 = arith.muli %add3A_178, %mul3A_2071 : i32
        %add3A_2073 = arith.constant 12 : i32
        %add3A_2074 = arith.addi %mul3A_2072, %add3A_2073 : i32
        %swap3A_2075 = arith.index_cast %add3A_2074 : i32 to index
        %swap3A_2076 = arith.constant 0 : index
        %swap3A_2077 = tpu.vector_load %arg15[%swap3A_2075, %swap3A_2076] {strides = array<i32>} : memref<128x128xf32, #tpu.memory_space<vmem>>, vector<1x16xf32>,
        %swap3A_2078 = vector.shape_cast %swap3A_2077 : vector<1x16xf32> to vector<16xf32>
        %swap3A_2079 = vector.shape_cast %mul3A_2070 : vector<16xf32> to vector<1x16xf32>
        tpu.vector_store %arg15[%swap3A_2075, %swap3A_2076], %swap3A_2079 {strides = array<i32>} : memref<128x128xf32, #tpu.memory_space<vmem>>, vector<1x16xf32>,
        %mul3A_2080 = arith.constant 16 : i32
        %mul3A_2081 = arith.muli %add3A_178, %mul3A_2080 : i32
        %add3A_2082 = arith.constant 12 : i32
        %add3A_2083 = arith.addi %mul3A_2081, %add3A_2082 : i32
        %get3A_2084 = arith.index_cast %add3A_2083 : i32 to index
        %get3A_2085 = arith.constant 16 : index
        %get3A_2086 = tpu.vector_load %arg15[%get3A_2084, %get3A_2085] {strides = array<i32>} : memref<128x128xf32, #tpu.memory_space<vmem>>, vector<1x16xf32>,
        %get3A_2087 = vector.shape_cast %get3A_2086 : vector<1x16xf32> to vector<16xf32>
        %mul3A_2088 = arith.mulf %get3A_2087, %gather3A_2061 : vector<16xf32>
        %mul3A_2089 = arith.constant 16 : i32
        %mul3A_2090 = arith.muli %add3A_178, %mul3A_2089 : i32
        %add3A_2091 = arith.constant 12 : i32
        %add3A_2092 = arith.addi %mul3A_2090, %add3A_2091 : i32
        %swap3A_2093 = arith.index_cast %add3A_2092 : i32 to index
        %swap3A_2094 = arith.constant 16 : index
        %swap3A_2095 = tpu.vector_load %arg15[%swap3A_2093, %swap3A_2094] {strides = array<i32>} : memref<128x128xf32, #tpu.memory_space<vmem>>, vector<1x16xf32>,
        %swap3A_2096 = vector.shape_cast %swap3A_2095 : vector<1x16xf32> to vector<16xf32>
        %swap3A_2097 = vector.shape_cast %mul3A_2088 : vector<16xf32> to vector<1x16xf32>
        tpu.vector_store %arg15[%swap3A_2093, %swap3A_2094], %swap3A_2097 {strides = array<i32>} : memref<128x128xf32, #tpu.memory_space<vmem>>, vector<1x16xf32>,
        %mul3A_2098 = arith.constant 16 : i32
        %mul3A_2099 = arith.muli %add3A_178, %mul3A_2098 : i32
        %add3A_2100 = arith.constant 12 : i32
        %add3A_2101 = arith.addi %mul3A_2099, %add3A_2100 : i32
        %get3A_2102 = arith.index_cast %add3A_2101 : i32 to index
        %get3A_2103 = arith.constant 32 : index
        %get3A_2104 = tpu.vector_load %arg15[%get3A_2102, %get3A_2103] {strides = array<i32>} : memref<128x128xf32, #tpu.memory_space<vmem>>, vector<1x16xf32>,
        %get3A_2105 = vector.shape_cast %get3A_2104 : vector<1x16xf32> to vector<16xf32>
        %mul3A_2106 = arith.mulf %get3A_2105, %gather3A_2061 : vector<16xf32>
        %mul3A_2107 = arith.constant 16 : i32
        %mul3A_2108 = arith.muli %add3A_178, %mul3A_2107 : i32
        %add3A_2109 = arith.constant 12 : i32
        %add3A_2110 = arith.addi %mul3A_2108, %add3A_2109 : i32
        %swap3A_2111 = arith.index_cast %add3A_2110 : i32 to index
        %swap3A_2112 = arith.constant 32 : index
        %swap3A_2113 = tpu.vector_load %arg15[%swap3A_2111, %swap3A_2112] {strides = array<i32>} : memref<128x128xf32, #tpu.memory_space<vmem>>, vector<1x16xf32>,
        %swap3A_2114 = vector.shape_cast %swap3A_2113 : vector<1x16xf32> to vector<16xf32>
        %swap3A_2115 = vector.shape_cast %mul3A_2106 : vector<16xf32> to vector<1x16xf32>
        tpu.vector_store %arg15[%swap3A_2111, %swap3A_2112], %swap3A_2115 {strides = array<i32>} : memref<128x128xf32, #tpu.memory_space<vmem>>, vector<1x16xf32>,
        %mul3A_2116 = arith.constant 16 : i32
        %mul3A_2117 = arith.muli %add3A_178, %mul3A_2116 : i32
        %add3A_2118 = arith.constant 12 : i32
        %add3A_2119 = arith.addi %mul3A_2117, %add3A_2118 : i32
        %get3A_2120 = arith.index_cast %add3A_2119 : i32 to index
        %get3A_2121 = arith.constant 48 : index
        %get3A_2122 = tpu.vector_load %arg15[%get3A_2120, %get3A_2121] {strides = array<i32>} : memref<128x128xf32, #tpu.memory_space<vmem>>, vector<1x16xf32>,
        %get3A_2123 = vector.shape_cast %get3A_2122 : vector<1x16xf32> to vector<16xf32>
        %mul3A_2124 = arith.mulf %get3A_2123, %gather3A_2061 : vector<16xf32>
        %mul3A_2125 = arith.constant 16 : i32
        %mul3A_2126 = arith.muli %add3A_178, %mul3A_2125 : i32
        %add3A_2127 = arith.constant 12 : i32
        %add3A_2128 = arith.addi %mul3A_2126, %add3A_2127 : i32
        %swap3A_2129 = arith.index_cast %add3A_2128 : i32 to index
        %swap3A_2130 = arith.constant 48 : index
        %swap3A_2131 = tpu.vector_load %arg15[%swap3A_2129, %swap3A_2130] {strides = array<i32>} : memref<128x128xf32, #tpu.memory_space<vmem>>, vector<1x16xf32>,
        %swap3A_2132 = vector.shape_cast %swap3A_2131 : vector<1x16xf32> to vector<16xf32>
        %swap3A_2133 = vector.shape_cast %mul3A_2124 : vector<16xf32> to vector<1x16xf32>
        tpu.vector_store %arg15[%swap3A_2129, %swap3A_2130], %swap3A_2133 {strides = array<i32>} : memref<128x128xf32, #tpu.memory_space<vmem>>, vector<1x16xf32>,
        %mul3A_2134 = arith.constant 16 : i32
        %mul3A_2135 = arith.muli %add3A_178, %mul3A_2134 : i32
        %add3A_2136 = arith.constant 12 : i32
        %add3A_2137 = arith.addi %mul3A_2135, %add3A_2136 : i32
        %get3A_2138 = arith.index_cast %add3A_2137 : i32 to index
        %get3A_2139 = arith.constant 64 : index
        %get3A_2140 = tpu.vector_load %arg15[%get3A_2138, %get3A_2139] {strides = array<i32>} : memref<128x128xf32, #tpu.memory_space<vmem>>, vector<1x16xf32>,
        %get3A_2141 = vector.shape_cast %get3A_2140 : vector<1x16xf32> to vector<16xf32>
        %mul3A_2142 = arith.mulf %get3A_2141, %gather3A_2061 : vector<16xf32>
        %mul3A_2143 = arith.constant 16 : i32
        %mul3A_2144 = arith.muli %add3A_178, %mul3A_2143 : i32
        %add3A_2145 = arith.constant 12 : i32
        %add3A_2146 = arith.addi %mul3A_2144, %add3A_2145 : i32
        %swap3A_2147 = arith.index_cast %add3A_2146 : i32 to index
        %swap3A_2148 = arith.constant 64 : index
        %swap3A_2149 = tpu.vector_load %arg15[%swap3A_2147, %swap3A_2148] {strides = array<i32>} : memref<128x128xf32, #tpu.memory_space<vmem>>, vector<1x16xf32>,
        %swap3A_2150 = vector.shape_cast %swap3A_2149 : vector<1x16xf32> to vector<16xf32>
        %swap3A_2151 = vector.shape_cast %mul3A_2142 : vector<16xf32> to vector<1x16xf32>
        tpu.vector_store %arg15[%swap3A_2147, %swap3A_2148], %swap3A_2151 {strides = array<i32>} : memref<128x128xf32, #tpu.memory_space<vmem>>, vector<1x16xf32>,
        %mul3A_2152 = arith.constant 16 : i32
        %mul3A_2153 = arith.muli %add3A_178, %mul3A_2152 : i32
        %add3A_2154 = arith.constant 12 : i32
        %add3A_2155 = arith.addi %mul3A_2153, %add3A_2154 : i32
        %get3A_2156 = arith.index_cast %add3A_2155 : i32 to index
        %get3A_2157 = arith.constant 80 : index
        %get3A_2158 = tpu.vector_load %arg15[%get3A_2156, %get3A_2157] {strides = array<i32>} : memref<128x128xf32, #tpu.memory_space<vmem>>, vector<1x16xf32>,
        %get3A_2159 = vector.shape_cast %get3A_2158 : vector<1x16xf32> to vector<16xf32>
        %mul3A_2160 = arith.mulf %get3A_2159, %gather3A_2061 : vector<16xf32>
        %mul3A_2161 = arith.constant 16 : i32
        %mul3A_2162 = arith.muli %add3A_178, %mul3A_2161 : i32
        %add3A_2163 = arith.constant 12 : i32
        %add3A_2164 = arith.addi %mul3A_2162, %add3A_2163 : i32
        %swap3A_2165 = arith.index_cast %add3A_2164 : i32 to index
        %swap3A_2166 = arith.constant 80 : index
        %swap3A_2167 = tpu.vector_load %arg15[%swap3A_2165, %swap3A_2166] {strides = array<i32>} : memref<128x128xf32, #tpu.memory_space<vmem>>, vector<1x16xf32>,
        %swap3A_2168 = vector.shape_cast %swap3A_2167 : vector<1x16xf32> to vector<16xf32>
        %swap3A_2169 = vector.shape_cast %mul3A_2160 : vector<16xf32> to vector<1x16xf32>
        tpu.vector_store %arg15[%swap3A_2165, %swap3A_2166], %swap3A_2169 {strides = array<i32>} : memref<128x128xf32, #tpu.memory_space<vmem>>, vector<1x16xf32>,
        %mul3A_2170 = arith.constant 16 : i32
        %mul3A_2171 = arith.muli %add3A_178, %mul3A_2170 : i32
        %add3A_2172 = arith.constant 12 : i32
        %add3A_2173 = arith.addi %mul3A_2171, %add3A_2172 : i32
        %get3A_2174 = arith.index_cast %add3A_2173 : i32 to index
        %get3A_2175 = arith.constant 96 : index
        %get3A_2176 = tpu.vector_load %arg15[%get3A_2174, %get3A_2175] {strides = array<i32>} : memref<128x128xf32, #tpu.memory_space<vmem>>, vector<1x16xf32>,
        %get3A_2177 = vector.shape_cast %get3A_2176 : vector<1x16xf32> to vector<16xf32>
        %mul3A_2178 = arith.mulf %get3A_2177, %gather3A_2061 : vector<16xf32>
        %mul3A_2179 = arith.constant 16 : i32
        %mul3A_2180 = arith.muli %add3A_178, %mul3A_2179 : i32
        %add3A_2181 = arith.constant 12 : i32
        %add3A_2182 = arith.addi %mul3A_2180, %add3A_2181 : i32
        %swap3A_2183 = arith.index_cast %add3A_2182 : i32 to index
        %swap3A_2184 = arith.constant 96 : index
        %swap3A_2185 = tpu.vector_load %arg15[%swap3A_2183, %swap3A_2184] {strides = array<i32>} : memref<128x128xf32, #tpu.memory_space<vmem>>, vector<1x16xf32>,
        %swap3A_2186 = vector.shape_cast %swap3A_2185 : vector<1x16xf32> to vector<16xf32>
        %swap3A_2187 = vector.shape_cast %mul3A_2178 : vector<16xf32> to vector<1x16xf32>
        tpu.vector_store %arg15[%swap3A_2183, %swap3A_2184], %swap3A_2187 {strides = array<i32>} : memref<128x128xf32, #tpu.memory_space<vmem>>, vector<1x16xf32>,
        %mul3A_2188 = arith.constant 16 : i32
        %mul3A_2189 = arith.muli %add3A_178, %mul3A_2188 : i32
        %add3A_2190 = arith.constant 12 : i32
        %add3A_2191 = arith.addi %mul3A_2189, %add3A_2190 : i32
        %get3A_2192 = arith.index_cast %add3A_2191 : i32 to index
        %get3A_2193 = arith.constant 112 : index
        %get3A_2194 = tpu.vector_load %arg15[%get3A_2192, %get3A_2193] {strides = array<i32>} : memref<128x128xf32, #tpu.memory_space<vmem>>, vector<1x16xf32>,
        %get3A_2195 = vector.shape_cast %get3A_2194 : vector<1x16xf32> to vector<16xf32>
        %mul3A_2196 = arith.mulf %get3A_2195, %gather3A_2061 : vector<16xf32>
        %mul3A_2197 = arith.constant 16 : i32
        %mul3A_2198 = arith.muli %add3A_178, %mul3A_2197 : i32
        %add3A_2199 = arith.constant 12 : i32
        %add3A_2200 = arith.addi %mul3A_2198, %add3A_2199 : i32
        %swap3A_2201 = arith.index_cast %add3A_2200 : i32 to index
        %swap3A_2202 = arith.constant 112 : index
        %swap3A_2203 = tpu.vector_load %arg15[%swap3A_2201, %swap3A_2202] {strides = array<i32>} : memref<128x128xf32, #tpu.memory_space<vmem>>, vector<1x16xf32>,
        %swap3A_2204 = vector.shape_cast %swap3A_2203 : vector<1x16xf32> to vector<16xf32>
        %swap3A_2205 = vector.shape_cast %mul3A_2196 : vector<16xf32> to vector<1x16xf32>
        tpu.vector_store %arg15[%swap3A_2201, %swap3A_2202], %swap3A_2205 {strides = array<i32>} : memref<128x128xf32, #tpu.memory_space<vmem>>, vector<1x16xf32>,
        %broadcast_in_dim3A_2206 = arith.constant 13 : i32
        %broadcast_in_dim3A_2207 = vector.broadcast %broadcast_in_dim3A_2206 : i32 to vector<16xi32>
        %lt3A_2208 = arith.constant 0 : i32
        %lt3A_2209 = vector.broadcast %lt3A_2208 : i32 to vector<16xi32>
        %lt3A_2210 = arith.cmpi slt, %broadcast_in_dim3A_2207, %lt3A_2209 : vector<16xi32>
        %add3A_2211 = arith.constant 16 : i32
        %add3A_2212 = vector.broadcast %add3A_2211 : i32 to vector<16xi32>
        %add3A_2213 = arith.addi %broadcast_in_dim3A_2207, %add3A_2212 : vector<16xi32>
        %select_n3A_2214 = arith.select %lt3A_2210, %add3A_2213, %broadcast_in_dim3A_2207 : vector<16xi1>, vector<16xi32>
        %reshape3A_2215 = vector.shape_cast %select_n3A_2214 : vector<16xi32> to vector<16x1xi32>
        %gather3A_2216 = vector.shape_cast %reshape3A_2215 : vector<16x1xi32> to vector<16xi32>
        %gather3A_2217 = tpu.dynamic_gather %get3A_182[%gather3A_2216] in [0] : vector<16xf32>, vector<16xi32> -> vector<16xf32>
        %mul3A_2218 = arith.constant 16 : i32
        %mul3A_2219 = arith.muli %add3A_178, %mul3A_2218 : i32
        %add3A_2220 = arith.constant 13 : i32
        %add3A_2221 = arith.addi %mul3A_2219, %add3A_2220 : i32
        %get3A_2222 = arith.index_cast %add3A_2221 : i32 to index
        %get3A_2223 = arith.constant 0 : index
        %get3A_2224 = tpu.vector_load %arg15[%get3A_2222, %get3A_2223] {strides = array<i32>} : memref<128x128xf32, #tpu.memory_space<vmem>>, vector<1x16xf32>,
        %get3A_2225 = vector.shape_cast %get3A_2224 : vector<1x16xf32> to vector<16xf32>
        %mul3A_2226 = arith.mulf %get3A_2225, %gather3A_2217 : vector<16xf32>
        %mul3A_2227 = arith.constant 16 : i32
        %mul3A_2228 = arith.muli %add3A_178, %mul3A_2227 : i32
        %add3A_2229 = arith.constant 13 : i32
        %add3A_2230 = arith.addi %mul3A_2228, %add3A_2229 : i32
        %swap3A_2231 = arith.index_cast %add3A_2230 : i32 to index
        %swap3A_2232 = arith.constant 0 : index
        %swap3A_2233 = tpu.vector_load %arg15[%swap3A_2231, %swap3A_2232] {strides = array<i32>} : memref<128x128xf32, #tpu.memory_space<vmem>>, vector<1x16xf32>,
        %swap3A_2234 = vector.shape_cast %swap3A_2233 : vector<1x16xf32> to vector<16xf32>
        %swap3A_2235 = vector.shape_cast %mul3A_2226 : vector<16xf32> to vector<1x16xf32>
        tpu.vector_store %arg15[%swap3A_2231, %swap3A_2232], %swap3A_2235 {strides = array<i32>} : memref<128x128xf32, #tpu.memory_space<vmem>>, vector<1x16xf32>,
        %mul3A_2236 = arith.constant 16 : i32
        %mul3A_2237 = arith.muli %add3A_178, %mul3A_2236 : i32
        %add3A_2238 = arith.constant 13 : i32
        %add3A_2239 = arith.addi %mul3A_2237, %add3A_2238 : i32
        %get3A_2240 = arith.index_cast %add3A_2239 : i32 to index
        %get3A_2241 = arith.constant 16 : index
        %get3A_2242 = tpu.vector_load %arg15[%get3A_2240, %get3A_2241] {strides = array<i32>} : memref<128x128xf32, #tpu.memory_space<vmem>>, vector<1x16xf32>,
        %get3A_2243 = vector.shape_cast %get3A_2242 : vector<1x16xf32> to vector<16xf32>
        %mul3A_2244 = arith.mulf %get3A_2243, %gather3A_2217 : vector<16xf32>
        %mul3A_2245 = arith.constant 16 : i32
        %mul3A_2246 = arith.muli %add3A_178, %mul3A_2245 : i32
        %add3A_2247 = arith.constant 13 : i32
        %add3A_2248 = arith.addi %mul3A_2246, %add3A_2247 : i32
        %swap3A_2249 = arith.index_cast %add3A_2248 : i32 to index
        %swap3A_2250 = arith.constant 16 : index
        %swap3A_2251 = tpu.vector_load %arg15[%swap3A_2249, %swap3A_2250] {strides = array<i32>} : memref<128x128xf32, #tpu.memory_space<vmem>>, vector<1x16xf32>,
        %swap3A_2252 = vector.shape_cast %swap3A_2251 : vector<1x16xf32> to vector<16xf32>
        %swap3A_2253 = vector.shape_cast %mul3A_2244 : vector<16xf32> to vector<1x16xf32>
        tpu.vector_store %arg15[%swap3A_2249, %swap3A_2250], %swap3A_2253 {strides = array<i32>} : memref<128x128xf32, #tpu.memory_space<vmem>>, vector<1x16xf32>,
        %mul3A_2254 = arith.constant 16 : i32
        %mul3A_2255 = arith.muli %add3A_178, %mul3A_2254 : i32
        %add3A_2256 = arith.constant 13 : i32
        %add3A_2257 = arith.addi %mul3A_2255, %add3A_2256 : i32
        %get3A_2258 = arith.index_cast %add3A_2257 : i32 to index
        %get3A_2259 = arith.constant 32 : index
        %get3A_2260 = tpu.vector_load %arg15[%get3A_2258, %get3A_2259] {strides = array<i32>} : memref<128x128xf32, #tpu.memory_space<vmem>>, vector<1x16xf32>,
        %get3A_2261 = vector.shape_cast %get3A_2260 : vector<1x16xf32> to vector<16xf32>
        %mul3A_2262 = arith.mulf %get3A_2261, %gather3A_2217 : vector<16xf32>
        %mul3A_2263 = arith.constant 16 : i32
        %mul3A_2264 = arith.muli %add3A_178, %mul3A_2263 : i32
        %add3A_2265 = arith.constant 13 : i32
        %add3A_2266 = arith.addi %mul3A_2264, %add3A_2265 : i32
        %swap3A_2267 = arith.index_cast %add3A_2266 : i32 to index
        %swap3A_2268 = arith.constant 32 : index
        %swap3A_2269 = tpu.vector_load %arg15[%swap3A_2267, %swap3A_2268] {strides = array<i32>} : memref<128x128xf32, #tpu.memory_space<vmem>>, vector<1x16xf32>,
        %swap3A_2270 = vector.shape_cast %swap3A_2269 : vector<1x16xf32> to vector<16xf32>
        %swap3A_2271 = vector.shape_cast %mul3A_2262 : vector<16xf32> to vector<1x16xf32>
        tpu.vector_store %arg15[%swap3A_2267, %swap3A_2268], %swap3A_2271 {strides = array<i32>} : memref<128x128xf32, #tpu.memory_space<vmem>>, vector<1x16xf32>,
        %mul3A_2272 = arith.constant 16 : i32
        %mul3A_2273 = arith.muli %add3A_178, %mul3A_2272 : i32
        %add3A_2274 = arith.constant 13 : i32
        %add3A_2275 = arith.addi %mul3A_2273, %add3A_2274 : i32
        %get3A_2276 = arith.index_cast %add3A_2275 : i32 to index
        %get3A_2277 = arith.constant 48 : index
        %get3A_2278 = tpu.vector_load %arg15[%get3A_2276, %get3A_2277] {strides = array<i32>} : memref<128x128xf32, #tpu.memory_space<vmem>>, vector<1x16xf32>,
        %get3A_2279 = vector.shape_cast %get3A_2278 : vector<1x16xf32> to vector<16xf32>
        %mul3A_2280 = arith.mulf %get3A_2279, %gather3A_2217 : vector<16xf32>
        %mul3A_2281 = arith.constant 16 : i32
        %mul3A_2282 = arith.muli %add3A_178, %mul3A_2281 : i32
        %add3A_2283 = arith.constant 13 : i32
        %add3A_2284 = arith.addi %mul3A_2282, %add3A_2283 : i32
        %swap3A_2285 = arith.index_cast %add3A_2284 : i32 to index
        %swap3A_2286 = arith.constant 48 : index
        %swap3A_2287 = tpu.vector_load %arg15[%swap3A_2285, %swap3A_2286] {strides = array<i32>} : memref<128x128xf32, #tpu.memory_space<vmem>>, vector<1x16xf32>,
        %swap3A_2288 = vector.shape_cast %swap3A_2287 : vector<1x16xf32> to vector<16xf32>
        %swap3A_2289 = vector.shape_cast %mul3A_2280 : vector<16xf32> to vector<1x16xf32>
        tpu.vector_store %arg15[%swap3A_2285, %swap3A_2286], %swap3A_2289 {strides = array<i32>} : memref<128x128xf32, #tpu.memory_space<vmem>>, vector<1x16xf32>,
        %mul3A_2290 = arith.constant 16 : i32
        %mul3A_2291 = arith.muli %add3A_178, %mul3A_2290 : i32
        %add3A_2292 = arith.constant 13 : i32
        %add3A_2293 = arith.addi %mul3A_2291, %add3A_2292 : i32
        %get3A_2294 = arith.index_cast %add3A_2293 : i32 to index
        %get3A_2295 = arith.constant 64 : index
        %get3A_2296 = tpu.vector_load %arg15[%get3A_2294, %get3A_2295] {strides = array<i32>} : memref<128x128xf32, #tpu.memory_space<vmem>>, vector<1x16xf32>,
        %get3A_2297 = vector.shape_cast %get3A_2296 : vector<1x16xf32> to vector<16xf32>
        %mul3A_2298 = arith.mulf %get3A_2297, %gather3A_2217 : vector<16xf32>
        %mul3A_2299 = arith.constant 16 : i32
        %mul3A_2300 = arith.muli %add3A_178, %mul3A_2299 : i32
        %add3A_2301 = arith.constant 13 : i32
        %add3A_2302 = arith.addi %mul3A_2300, %add3A_2301 : i32
        %swap3A_2303 = arith.index_cast %add3A_2302 : i32 to index
        %swap3A_2304 = arith.constant 64 : index
        %swap3A_2305 = tpu.vector_load %arg15[%swap3A_2303, %swap3A_2304] {strides = array<i32>} : memref<128x128xf32, #tpu.memory_space<vmem>>, vector<1x16xf32>,
        %swap3A_2306 = vector.shape_cast %swap3A_2305 : vector<1x16xf32> to vector<16xf32>
        %swap3A_2307 = vector.shape_cast %mul3A_2298 : vector<16xf32> to vector<1x16xf32>
        tpu.vector_store %arg15[%swap3A_2303, %swap3A_2304], %swap3A_2307 {strides = array<i32>} : memref<128x128xf32, #tpu.memory_space<vmem>>, vector<1x16xf32>,
        %mul3A_2308 = arith.constant 16 : i32
        %mul3A_2309 = arith.muli %add3A_178, %mul3A_2308 : i32
        %add3A_2310 = arith.constant 13 : i32
        %add3A_2311 = arith.addi %mul3A_2309, %add3A_2310 : i32
        %get3A_2312 = arith.index_cast %add3A_2311 : i32 to index
        %get3A_2313 = arith.constant 80 : index
        %get3A_2314 = tpu.vector_load %arg15[%get3A_2312, %get3A_2313] {strides = array<i32>} : memref<128x128xf32, #tpu.memory_space<vmem>>, vector<1x16xf32>,
        %get3A_2315 = vector.shape_cast %get3A_2314 : vector<1x16xf32> to vector<16xf32>
        %mul3A_2316 = arith.mulf %get3A_2315, %gather3A_2217 : vector<16xf32>
        %mul3A_2317 = arith.constant 16 : i32
        %mul3A_2318 = arith.muli %add3A_178, %mul3A_2317 : i32
        %add3A_2319 = arith.constant 13 : i32
        %add3A_2320 = arith.addi %mul3A_2318, %add3A_2319 : i32
        %swap3A_2321 = arith.index_cast %add3A_2320 : i32 to index
        %swap3A_2322 = arith.constant 80 : index
        %swap3A_2323 = tpu.vector_load %arg15[%swap3A_2321, %swap3A_2322] {strides = array<i32>} : memref<128x128xf32, #tpu.memory_space<vmem>>, vector<1x16xf32>,
        %swap3A_2324 = vector.shape_cast %swap3A_2323 : vector<1x16xf32> to vector<16xf32>
        %swap3A_2325 = vector.shape_cast %mul3A_2316 : vector<16xf32> to vector<1x16xf32>
        tpu.vector_store %arg15[%swap3A_2321, %swap3A_2322], %swap3A_2325 {strides = array<i32>} : memref<128x128xf32, #tpu.memory_space<vmem>>, vector<1x16xf32>,
        %mul3A_2326 = arith.constant 16 : i32
        %mul3A_2327 = arith.muli %add3A_178, %mul3A_2326 : i32
        %add3A_2328 = arith.constant 13 : i32
        %add3A_2329 = arith.addi %mul3A_2327, %add3A_2328 : i32
        %get3A_2330 = arith.index_cast %add3A_2329 : i32 to index
        %get3A_2331 = arith.constant 96 : index
        %get3A_2332 = tpu.vector_load %arg15[%get3A_2330, %get3A_2331] {strides = array<i32>} : memref<128x128xf32, #tpu.memory_space<vmem>>, vector<1x16xf32>,
        %get3A_2333 = vector.shape_cast %get3A_2332 : vector<1x16xf32> to vector<16xf32>
        %mul3A_2334 = arith.mulf %get3A_2333, %gather3A_2217 : vector<16xf32>
        %mul3A_2335 = arith.constant 16 : i32
        %mul3A_2336 = arith.muli %add3A_178, %mul3A_2335 : i32
        %add3A_2337 = arith.constant 13 : i32
        %add3A_2338 = arith.addi %mul3A_2336, %add3A_2337 : i32
        %swap3A_2339 = arith.index_cast %add3A_2338 : i32 to index
        %swap3A_2340 = arith.constant 96 : index
        %swap3A_2341 = tpu.vector_load %arg15[%swap3A_2339, %swap3A_2340] {strides = array<i32>} : memref<128x128xf32, #tpu.memory_space<vmem>>, vector<1x16xf32>,
        %swap3A_2342 = vector.shape_cast %swap3A_2341 : vector<1x16xf32> to vector<16xf32>
        %swap3A_2343 = vector.shape_cast %mul3A_2334 : vector<16xf32> to vector<1x16xf32>
        tpu.vector_store %arg15[%swap3A_2339, %swap3A_2340], %swap3A_2343 {strides = array<i32>} : memref<128x128xf32, #tpu.memory_space<vmem>>, vector<1x16xf32>,
        %mul3A_2344 = arith.constant 16 : i32
        %mul3A_2345 = arith.muli %add3A_178, %mul3A_2344 : i32
        %add3A_2346 = arith.constant 13 : i32
        %add3A_2347 = arith.addi %mul3A_2345, %add3A_2346 : i32
        %get3A_2348 = arith.index_cast %add3A_2347 : i32 to index
        %get3A_2349 = arith.constant 112 : index
        %get3A_2350 = tpu.vector_load %arg15[%get3A_2348, %get3A_2349] {strides = array<i32>} : memref<128x128xf32, #tpu.memory_space<vmem>>, vector<1x16xf32>,
        %get3A_2351 = vector.shape_cast %get3A_2350 : vector<1x16xf32> to vector<16xf32>
        %mul3A_2352 = arith.mulf %get3A_2351, %gather3A_2217 : vector<16xf32>
        %mul3A_2353 = arith.constant 16 : i32
        %mul3A_2354 = arith.muli %add3A_178, %mul3A_2353 : i32
        %add3A_2355 = arith.constant 13 : i32
        %add3A_2356 = arith.addi %mul3A_2354, %add3A_2355 : i32
        %swap3A_2357 = arith.index_cast %add3A_2356 : i32 to index
        %swap3A_2358 = arith.constant 112 : index
        %swap3A_2359 = tpu.vector_load %arg15[%swap3A_2357, %swap3A_2358] {strides = array<i32>} : memref<128x128xf32, #tpu.memory_space<vmem>>, vector<1x16xf32>,
        %swap3A_2360 = vector.shape_cast %swap3A_2359 : vector<1x16xf32> to vector<16xf32>
        %swap3A_2361 = vector.shape_cast %mul3A_2352 : vector<16xf32> to vector<1x16xf32>
        tpu.vector_store %arg15[%swap3A_2357, %swap3A_2358], %swap3A_2361 {strides = array<i32>} : memref<128x128xf32, #tpu.memory_space<vmem>>, vector<1x16xf32>,
        %broadcast_in_dim3A_2362 = arith.constant 14 : i32
        %broadcast_in_dim3A_2363 = vector.broadcast %broadcast_in_dim3A_2362 : i32 to vector<16xi32>
        %lt3A_2364 = arith.constant 0 : i32
        %lt3A_2365 = vector.broadcast %lt3A_2364 : i32 to vector<16xi32>
        %lt3A_2366 = arith.cmpi slt, %broadcast_in_dim3A_2363, %lt3A_2365 : vector<16xi32>
        %add3A_2367 = arith.constant 16 : i32
        %add3A_2368 = vector.broadcast %add3A_2367 : i32 to vector<16xi32>
        %add3A_2369 = arith.addi %broadcast_in_dim3A_2363, %add3A_2368 : vector<16xi32>
        %select_n3A_2370 = arith.select %lt3A_2366, %add3A_2369, %broadcast_in_dim3A_2363 : vector<16xi1>, vector<16xi32>
        %reshape3A_2371 = vector.shape_cast %select_n3A_2370 : vector<16xi32> to vector<16x1xi32>
        %gather3A_2372 = vector.shape_cast %reshape3A_2371 : vector<16x1xi32> to vector<16xi32>
        %gather3A_2373 = tpu.dynamic_gather %get3A_182[%gather3A_2372] in [0] : vector<16xf32>, vector<16xi32> -> vector<16xf32>
        %mul3A_2374 = arith.constant 16 : i32
        %mul3A_2375 = arith.muli %add3A_178, %mul3A_2374 : i32
        %add3A_2376 = arith.constant 14 : i32
        %add3A_2377 = arith.addi %mul3A_2375, %add3A_2376 : i32
        %get3A_2378 = arith.index_cast %add3A_2377 : i32 to index
        %get3A_2379 = arith.constant 0 : index
        %get3A_2380 = tpu.vector_load %arg15[%get3A_2378, %get3A_2379] {strides = array<i32>} : memref<128x128xf32, #tpu.memory_space<vmem>>, vector<1x16xf32>,
        %get3A_2381 = vector.shape_cast %get3A_2380 : vector<1x16xf32> to vector<16xf32>
        %mul3A_2382 = arith.mulf %get3A_2381, %gather3A_2373 : vector<16xf32>
        %mul3A_2383 = arith.constant 16 : i32
        %mul3A_2384 = arith.muli %add3A_178, %mul3A_2383 : i32
        %add3A_2385 = arith.constant 14 : i32
        %add3A_2386 = arith.addi %mul3A_2384, %add3A_2385 : i32
        %swap3A_2387 = arith.index_cast %add3A_2386 : i32 to index
        %swap3A_2388 = arith.constant 0 : index
        %swap3A_2389 = tpu.vector_load %arg15[%swap3A_2387, %swap3A_2388] {strides = array<i32>} : memref<128x128xf32, #tpu.memory_space<vmem>>, vector<1x16xf32>,
        %swap3A_2390 = vector.shape_cast %swap3A_2389 : vector<1x16xf32> to vector<16xf32>
        %swap3A_2391 = vector.shape_cast %mul3A_2382 : vector<16xf32> to vector<1x16xf32>
        tpu.vector_store %arg15[%swap3A_2387, %swap3A_2388], %swap3A_2391 {strides = array<i32>} : memref<128x128xf32, #tpu.memory_space<vmem>>, vector<1x16xf32>,
        %mul3A_2392 = arith.constant 16 : i32
        %mul3A_2393 = arith.muli %add3A_178, %mul3A_2392 : i32
        %add3A_2394 = arith.constant 14 : i32
        %add3A_2395 = arith.addi %mul3A_2393, %add3A_2394 : i32
        %get3A_2396 = arith.index_cast %add3A_2395 : i32 to index
        %get3A_2397 = arith.constant 16 : index
        %get3A_2398 = tpu.vector_load %arg15[%get3A_2396, %get3A_2397] {strides = array<i32>} : memref<128x128xf32, #tpu.memory_space<vmem>>, vector<1x16xf32>,
        %get3A_2399 = vector.shape_cast %get3A_2398 : vector<1x16xf32> to vector<16xf32>
        %mul3A_2400 = arith.mulf %get3A_2399, %gather3A_2373 : vector<16xf32>
        %mul3A_2401 = arith.constant 16 : i32
        %mul3A_2402 = arith.muli %add3A_178, %mul3A_2401 : i32
        %add3A_2403 = arith.constant 14 : i32
        %add3A_2404 = arith.addi %mul3A_2402, %add3A_2403 : i32
        %swap3A_2405 = arith.index_cast %add3A_2404 : i32 to index
        %swap3A_2406 = arith.constant 16 : index
        %swap3A_2407 = tpu.vector_load %arg15[%swap3A_2405, %swap3A_2406] {strides = array<i32>} : memref<128x128xf32, #tpu.memory_space<vmem>>, vector<1x16xf32>,
        %swap3A_2408 = vector.shape_cast %swap3A_2407 : vector<1x16xf32> to vector<16xf32>
        %swap3A_2409 = vector.shape_cast %mul3A_2400 : vector<16xf32> to vector<1x16xf32>
        tpu.vector_store %arg15[%swap3A_2405, %swap3A_2406], %swap3A_2409 {strides = array<i32>} : memref<128x128xf32, #tpu.memory_space<vmem>>, vector<1x16xf32>,
        %mul3A_2410 = arith.constant 16 : i32
        %mul3A_2411 = arith.muli %add3A_178, %mul3A_2410 : i32
        %add3A_2412 = arith.constant 14 : i32
        %add3A_2413 = arith.addi %mul3A_2411, %add3A_2412 : i32
        %get3A_2414 = arith.index_cast %add3A_2413 : i32 to index
        %get3A_2415 = arith.constant 32 : index
        %get3A_2416 = tpu.vector_load %arg15[%get3A_2414, %get3A_2415] {strides = array<i32>} : memref<128x128xf32, #tpu.memory_space<vmem>>, vector<1x16xf32>,
        %get3A_2417 = vector.shape_cast %get3A_2416 : vector<1x16xf32> to vector<16xf32>
        %mul3A_2418 = arith.mulf %get3A_2417, %gather3A_2373 : vector<16xf32>
        %mul3A_2419 = arith.constant 16 : i32
        %mul3A_2420 = arith.muli %add3A_178, %mul3A_2419 : i32
        %add3A_2421 = arith.constant 14 : i32
        %add3A_2422 = arith.addi %mul3A_2420, %add3A_2421 : i32
        %swap3A_2423 = arith.index_cast %add3A_2422 : i32 to index
        %swap3A_2424 = arith.constant 32 : index
        %swap3A_2425 = tpu.vector_load %arg15[%swap3A_2423, %swap3A_2424] {strides = array<i32>} : memref<128x128xf32, #tpu.memory_space<vmem>>, vector<1x16xf32>,
        %swap3A_2426 = vector.shape_cast %swap3A_2425 : vector<1x16xf32> to vector<16xf32>
        %swap3A_2427 = vector.shape_cast %mul3A_2418 : vector<16xf32> to vector<1x16xf32>
        tpu.vector_store %arg15[%swap3A_2423, %swap3A_2424], %swap3A_2427 {strides = array<i32>} : memref<128x128xf32, #tpu.memory_space<vmem>>, vector<1x16xf32>,
        %mul3A_2428 = arith.constant 16 : i32
        %mul3A_2429 = arith.muli %add3A_178, %mul3A_2428 : i32
        %add3A_2430 = arith.constant 14 : i32
        %add3A_2431 = arith.addi %mul3A_2429, %add3A_2430 : i32
        %get3A_2432 = arith.index_cast %add3A_2431 : i32 to index
        %get3A_2433 = arith.constant 48 : index
        %get3A_2434 = tpu.vector_load %arg15[%get3A_2432, %get3A_2433] {strides = array<i32>} : memref<128x128xf32, #tpu.memory_space<vmem>>, vector<1x16xf32>,
        %get3A_2435 = vector.shape_cast %get3A_2434 : vector<1x16xf32> to vector<16xf32>
        %mul3A_2436 = arith.mulf %get3A_2435, %gather3A_2373 : vector<16xf32>
        %mul3A_2437 = arith.constant 16 : i32
        %mul3A_2438 = arith.muli %add3A_178, %mul3A_2437 : i32
        %add3A_2439 = arith.constant 14 : i32
        %add3A_2440 = arith.addi %mul3A_2438, %add3A_2439 : i32
        %swap3A_2441 = arith.index_cast %add3A_2440 : i32 to index
        %swap3A_2442 = arith.constant 48 : index
        %swap3A_2443 = tpu.vector_load %arg15[%swap3A_2441, %swap3A_2442] {strides = array<i32>} : memref<128x128xf32, #tpu.memory_space<vmem>>, vector<1x16xf32>,
        %swap3A_2444 = vector.shape_cast %swap3A_2443 : vector<1x16xf32> to vector<16xf32>
        %swap3A_2445 = vector.shape_cast %mul3A_2436 : vector<16xf32> to vector<1x16xf32>
        tpu.vector_store %arg15[%swap3A_2441, %swap3A_2442], %swap3A_2445 {strides = array<i32>} : memref<128x128xf32, #tpu.memory_space<vmem>>, vector<1x16xf32>,
        %mul3A_2446 = arith.constant 16 : i32
        %mul3A_2447 = arith.muli %add3A_178, %mul3A_2446 : i32
        %add3A_2448 = arith.constant 14 : i32
        %add3A_2449 = arith.addi %mul3A_2447, %add3A_2448 : i32
        %get3A_2450 = arith.index_cast %add3A_2449 : i32 to index
        %get3A_2451 = arith.constant 64 : index
        %get3A_2452 = tpu.vector_load %arg15[%get3A_2450, %get3A_2451] {strides = array<i32>} : memref<128x128xf32, #tpu.memory_space<vmem>>, vector<1x16xf32>,
        %get3A_2453 = vector.shape_cast %get3A_2452 : vector<1x16xf32> to vector<16xf32>
        %mul3A_2454 = arith.mulf %get3A_2453, %gather3A_2373 : vector<16xf32>
        %mul3A_2455 = arith.constant 16 : i32
        %mul3A_2456 = arith.muli %add3A_178, %mul3A_2455 : i32
        %add3A_2457 = arith.constant 14 : i32
        %add3A_2458 = arith.addi %mul3A_2456, %add3A_2457 : i32
        %swap3A_2459 = arith.index_cast %add3A_2458 : i32 to index
        %swap3A_2460 = arith.constant 64 : index
        %swap3A_2461 = tpu.vector_load %arg15[%swap3A_2459, %swap3A_2460] {strides = array<i32>} : memref<128x128xf32, #tpu.memory_space<vmem>>, vector<1x16xf32>,
        %swap3A_2462 = vector.shape_cast %swap3A_2461 : vector<1x16xf32> to vector<16xf32>
        %swap3A_2463 = vector.shape_cast %mul3A_2454 : vector<16xf32> to vector<1x16xf32>
        tpu.vector_store %arg15[%swap3A_2459, %swap3A_2460], %swap3A_2463 {strides = array<i32>} : memref<128x128xf32, #tpu.memory_space<vmem>>, vector<1x16xf32>,
        %mul3A_2464 = arith.constant 16 : i32
        %mul3A_2465 = arith.muli %add3A_178, %mul3A_2464 : i32
        %add3A_2466 = arith.constant 14 : i32
        %add3A_2467 = arith.addi %mul3A_2465, %add3A_2466 : i32
        %get3A_2468 = arith.index_cast %add3A_2467 : i32 to index
        %get3A_2469 = arith.constant 80 : index
        %get3A_2470 = tpu.vector_load %arg15[%get3A_2468, %get3A_2469] {strides = array<i32>} : memref<128x128xf32, #tpu.memory_space<vmem>>, vector<1x16xf32>,
        %get3A_2471 = vector.shape_cast %get3A_2470 : vector<1x16xf32> to vector<16xf32>
        %mul3A_2472 = arith.mulf %get3A_2471, %gather3A_2373 : vector<16xf32>
        %mul3A_2473 = arith.constant 16 : i32
        %mul3A_2474 = arith.muli %add3A_178, %mul3A_2473 : i32
        %add3A_2475 = arith.constant 14 : i32
        %add3A_2476 = arith.addi %mul3A_2474, %add3A_2475 : i32
        %swap3A_2477 = arith.index_cast %add3A_2476 : i32 to index
        %swap3A_2478 = arith.constant 80 : index
        %swap3A_2479 = tpu.vector_load %arg15[%swap3A_2477, %swap3A_2478] {strides = array<i32>} : memref<128x128xf32, #tpu.memory_space<vmem>>, vector<1x16xf32>,
        %swap3A_2480 = vector.shape_cast %swap3A_2479 : vector<1x16xf32> to vector<16xf32>
        %swap3A_2481 = vector.shape_cast %mul3A_2472 : vector<16xf32> to vector<1x16xf32>
        tpu.vector_store %arg15[%swap3A_2477, %swap3A_2478], %swap3A_2481 {strides = array<i32>} : memref<128x128xf32, #tpu.memory_space<vmem>>, vector<1x16xf32>,
        %mul3A_2482 = arith.constant 16 : i32
        %mul3A_2483 = arith.muli %add3A_178, %mul3A_2482 : i32
        %add3A_2484 = arith.constant 14 : i32
        %add3A_2485 = arith.addi %mul3A_2483, %add3A_2484 : i32
        %get3A_2486 = arith.index_cast %add3A_2485 : i32 to index
        %get3A_2487 = arith.constant 96 : index
        %get3A_2488 = tpu.vector_load %arg15[%get3A_2486, %get3A_2487] {strides = array<i32>} : memref<128x128xf32, #tpu.memory_space<vmem>>, vector<1x16xf32>,
        %get3A_2489 = vector.shape_cast %get3A_2488 : vector<1x16xf32> to vector<16xf32>
        %mul3A_2490 = arith.mulf %get3A_2489, %gather3A_2373 : vector<16xf32>
        %mul3A_2491 = arith.constant 16 : i32
        %mul3A_2492 = arith.muli %add3A_178, %mul3A_2491 : i32
        %add3A_2493 = arith.constant 14 : i32
        %add3A_2494 = arith.addi %mul3A_2492, %add3A_2493 : i32
        %swap3A_2495 = arith.index_cast %add3A_2494 : i32 to index
        %swap3A_2496 = arith.constant 96 : index
        %swap3A_2497 = tpu.vector_load %arg15[%swap3A_2495, %swap3A_2496] {strides = array<i32>} : memref<128x128xf32, #tpu.memory_space<vmem>>, vector<1x16xf32>,
        %swap3A_2498 = vector.shape_cast %swap3A_2497 : vector<1x16xf32> to vector<16xf32>
        %swap3A_2499 = vector.shape_cast %mul3A_2490 : vector<16xf32> to vector<1x16xf32>
        tpu.vector_store %arg15[%swap3A_2495, %swap3A_2496], %swap3A_2499 {strides = array<i32>} : memref<128x128xf32, #tpu.memory_space<vmem>>, vector<1x16xf32>,
        %mul3A_2500 = arith.constant 16 : i32
        %mul3A_2501 = arith.muli %add3A_178, %mul3A_2500 : i32
        %add3A_2502 = arith.constant 14 : i32
        %add3A_2503 = arith.addi %mul3A_2501, %add3A_2502 : i32
        %get3A_2504 = arith.index_cast %add3A_2503 : i32 to index
        %get3A_2505 = arith.constant 112 : index
        %get3A_2506 = tpu.vector_load %arg15[%get3A_2504, %get3A_2505] {strides = array<i32>} : memref<128x128xf32, #tpu.memory_space<vmem>>, vector<1x16xf32>,
        %get3A_2507 = vector.shape_cast %get3A_2506 : vector<1x16xf32> to vector<16xf32>
        %mul3A_2508 = arith.mulf %get3A_2507, %gather3A_2373 : vector<16xf32>
        %mul3A_2509 = arith.constant 16 : i32
        %mul3A_2510 = arith.muli %add3A_178, %mul3A_2509 : i32
        %add3A_2511 = arith.constant 14 : i32
        %add3A_2512 = arith.addi %mul3A_2510, %add3A_2511 : i32
        %swap3A_2513 = arith.index_cast %add3A_2512 : i32 to index
        %swap3A_2514 = arith.constant 112 : index
        %swap3A_2515 = tpu.vector_load %arg15[%swap3A_2513, %swap3A_2514] {strides = array<i32>} : memref<128x128xf32, #tpu.memory_space<vmem>>, vector<1x16xf32>,
        %swap3A_2516 = vector.shape_cast %swap3A_2515 : vector<1x16xf32> to vector<16xf32>
        %swap3A_2517 = vector.shape_cast %mul3A_2508 : vector<16xf32> to vector<1x16xf32>
        tpu.vector_store %arg15[%swap3A_2513, %swap3A_2514], %swap3A_2517 {strides = array<i32>} : memref<128x128xf32, #tpu.memory_space<vmem>>, vector<1x16xf32>,
        %broadcast_in_dim3A_2518 = arith.constant 15 : i32
        %broadcast_in_dim3A_2519 = vector.broadcast %broadcast_in_dim3A_2518 : i32 to vector<16xi32>
        %lt3A_2520 = arith.constant 0 : i32
        %lt3A_2521 = vector.broadcast %lt3A_2520 : i32 to vector<16xi32>
        %lt3A_2522 = arith.cmpi slt, %broadcast_in_dim3A_2519, %lt3A_2521 : vector<16xi32>
        %add3A_2523 = arith.constant 16 : i32
        %add3A_2524 = vector.broadcast %add3A_2523 : i32 to vector<16xi32>
        %add3A_2525 = arith.addi %broadcast_in_dim3A_2519, %add3A_2524 : vector<16xi32>
        %select_n3A_2526 = arith.select %lt3A_2522, %add3A_2525, %broadcast_in_dim3A_2519 : vector<16xi1>, vector<16xi32>
        %reshape3A_2527 = vector.shape_cast %select_n3A_2526 : vector<16xi32> to vector<16x1xi32>
        %gather3A_2528 = vector.shape_cast %reshape3A_2527 : vector<16x1xi32> to vector<16xi32>
        %gather3A_2529 = tpu.dynamic_gather %get3A_182[%gather3A_2528] in [0] : vector<16xf32>, vector<16xi32> -> vector<16xf32>
        %mul3A_2530 = arith.constant 16 : i32
        %mul3A_2531 = arith.muli %add3A_178, %mul3A_2530 : i32
        %add3A_2532 = arith.constant 15 : i32
        %add3A_2533 = arith.addi %mul3A_2531, %add3A_2532 : i32
        %get3A_2534 = arith.index_cast %add3A_2533 : i32 to index
        %get3A_2535 = arith.constant 0 : index
        %get3A_2536 = tpu.vector_load %arg15[%get3A_2534, %get3A_2535] {strides = array<i32>} : memref<128x128xf32, #tpu.memory_space<vmem>>, vector<1x16xf32>,
        %get3A_2537 = vector.shape_cast %get3A_2536 : vector<1x16xf32> to vector<16xf32>
        %mul3A_2538 = arith.mulf %get3A_2537, %gather3A_2529 : vector<16xf32>
        %mul3A_2539 = arith.constant 16 : i32
        %mul3A_2540 = arith.muli %add3A_178, %mul3A_2539 : i32
        %add3A_2541 = arith.constant 15 : i32
        %add3A_2542 = arith.addi %mul3A_2540, %add3A_2541 : i32
        %swap3A_2543 = arith.index_cast %add3A_2542 : i32 to index
        %swap3A_2544 = arith.constant 0 : index
        %swap3A_2545 = tpu.vector_load %arg15[%swap3A_2543, %swap3A_2544] {strides = array<i32>} : memref<128x128xf32, #tpu.memory_space<vmem>>, vector<1x16xf32>,
        %swap3A_2546 = vector.shape_cast %swap3A_2545 : vector<1x16xf32> to vector<16xf32>
        %swap3A_2547 = vector.shape_cast %mul3A_2538 : vector<16xf32> to vector<1x16xf32>
        tpu.vector_store %arg15[%swap3A_2543, %swap3A_2544], %swap3A_2547 {strides = array<i32>} : memref<128x128xf32, #tpu.memory_space<vmem>>, vector<1x16xf32>,
        %mul3A_2548 = arith.constant 16 : i32
        %mul3A_2549 = arith.muli %add3A_178, %mul3A_2548 : i32
        %add3A_2550 = arith.constant 15 : i32
        %add3A_2551 = arith.addi %mul3A_2549, %add3A_2550 : i32
        %get3A_2552 = arith.index_cast %add3A_2551 : i32 to index
        %get3A_2553 = arith.constant 16 : index
        %get3A_2554 = tpu.vector_load %arg15[%get3A_2552, %get3A_2553] {strides = array<i32>} : memref<128x128xf32, #tpu.memory_space<vmem>>, vector<1x16xf32>,
        %get3A_2555 = vector.shape_cast %get3A_2554 : vector<1x16xf32> to vector<16xf32>
        %mul3A_2556 = arith.mulf %get3A_2555, %gather3A_2529 : vector<16xf32>
        %mul3A_2557 = arith.constant 16 : i32
        %mul3A_2558 = arith.muli %add3A_178, %mul3A_2557 : i32
        %add3A_2559 = arith.constant 15 : i32
        %add3A_2560 = arith.addi %mul3A_2558, %add3A_2559 : i32
        %swap3A_2561 = arith.index_cast %add3A_2560 : i32 to index
        %swap3A_2562 = arith.constant 16 : index
        %swap3A_2563 = tpu.vector_load %arg15[%swap3A_2561, %swap3A_2562] {strides = array<i32>} : memref<128x128xf32, #tpu.memory_space<vmem>>, vector<1x16xf32>,
        %swap3A_2564 = vector.shape_cast %swap3A_2563 : vector<1x16xf32> to vector<16xf32>
        %swap3A_2565 = vector.shape_cast %mul3A_2556 : vector<16xf32> to vector<1x16xf32>
        tpu.vector_store %arg15[%swap3A_2561, %swap3A_2562], %swap3A_2565 {strides = array<i32>} : memref<128x128xf32, #tpu.memory_space<vmem>>, vector<1x16xf32>,
        %mul3A_2566 = arith.constant 16 : i32
        %mul3A_2567 = arith.muli %add3A_178, %mul3A_2566 : i32
        %add3A_2568 = arith.constant 15 : i32
        %add3A_2569 = arith.addi %mul3A_2567, %add3A_2568 : i32
        %get3A_2570 = arith.index_cast %add3A_2569 : i32 to index
        %get3A_2571 = arith.constant 32 : index
        %get3A_2572 = tpu.vector_load %arg15[%get3A_2570, %get3A_2571] {strides = array<i32>} : memref<128x128xf32, #tpu.memory_space<vmem>>, vector<1x16xf32>,
        %get3A_2573 = vector.shape_cast %get3A_2572 : vector<1x16xf32> to vector<16xf32>
        %mul3A_2574 = arith.mulf %get3A_2573, %gather3A_2529 : vector<16xf32>
        %mul3A_2575 = arith.constant 16 : i32
        %mul3A_2576 = arith.muli %add3A_178, %mul3A_2575 : i32
        %add3A_2577 = arith.constant 15 : i32
        %add3A_2578 = arith.addi %mul3A_2576, %add3A_2577 : i32
        %swap3A_2579 = arith.index_cast %add3A_2578 : i32 to index
        %swap3A_2580 = arith.constant 32 : index
        %swap3A_2581 = tpu.vector_load %arg15[%swap3A_2579, %swap3A_2580] {strides = array<i32>} : memref<128x128xf32, #tpu.memory_space<vmem>>, vector<1x16xf32>,
        %swap3A_2582 = vector.shape_cast %swap3A_2581 : vector<1x16xf32> to vector<16xf32>
        %swap3A_2583 = vector.shape_cast %mul3A_2574 : vector<16xf32> to vector<1x16xf32>
        tpu.vector_store %arg15[%swap3A_2579, %swap3A_2580], %swap3A_2583 {strides = array<i32>} : memref<128x128xf32, #tpu.memory_space<vmem>>, vector<1x16xf32>,
        %mul3A_2584 = arith.constant 16 : i32
        %mul3A_2585 = arith.muli %add3A_178, %mul3A_2584 : i32
        %add3A_2586 = arith.constant 15 : i32
        %add3A_2587 = arith.addi %mul3A_2585, %add3A_2586 : i32
        %get3A_2588 = arith.index_cast %add3A_2587 : i32 to index
        %get3A_2589 = arith.constant 48 : index
        %get3A_2590 = tpu.vector_load %arg15[%get3A_2588, %get3A_2589] {strides = array<i32>} : memref<128x128xf32, #tpu.memory_space<vmem>>, vector<1x16xf32>,
        %get3A_2591 = vector.shape_cast %get3A_2590 : vector<1x16xf32> to vector<16xf32>
        %mul3A_2592 = arith.mulf %get3A_2591, %gather3A_2529 : vector<16xf32>
        %mul3A_2593 = arith.constant 16 : i32
        %mul3A_2594 = arith.muli %add3A_178, %mul3A_2593 : i32
        %add3A_2595 = arith.constant 15 : i32
        %add3A_2596 = arith.addi %mul3A_2594, %add3A_2595 : i32
        %swap3A_2597 = arith.index_cast %add3A_2596 : i32 to index
        %swap3A_2598 = arith.constant 48 : index
        %swap3A_2599 = tpu.vector_load %arg15[%swap3A_2597, %swap3A_2598] {strides = array<i32>} : memref<128x128xf32, #tpu.memory_space<vmem>>, vector<1x16xf32>,
        %swap3A_2600 = vector.shape_cast %swap3A_2599 : vector<1x16xf32> to vector<16xf32>
        %swap3A_2601 = vector.shape_cast %mul3A_2592 : vector<16xf32> to vector<1x16xf32>
        tpu.vector_store %arg15[%swap3A_2597, %swap3A_2598], %swap3A_2601 {strides = array<i32>} : memref<128x128xf32, #tpu.memory_space<vmem>>, vector<1x16xf32>,
        %mul3A_2602 = arith.constant 16 : i32
        %mul3A_2603 = arith.muli %add3A_178, %mul3A_2602 : i32
        %add3A_2604 = arith.constant 15 : i32
        %add3A_2605 = arith.addi %mul3A_2603, %add3A_2604 : i32
        %get3A_2606 = arith.index_cast %add3A_2605 : i32 to index
        %get3A_2607 = arith.constant 64 : index
        %get3A_2608 = tpu.vector_load %arg15[%get3A_2606, %get3A_2607] {strides = array<i32>} : memref<128x128xf32, #tpu.memory_space<vmem>>, vector<1x16xf32>,
        %get3A_2609 = vector.shape_cast %get3A_2608 : vector<1x16xf32> to vector<16xf32>
        %mul3A_2610 = arith.mulf %get3A_2609, %gather3A_2529 : vector<16xf32>
        %mul3A_2611 = arith.constant 16 : i32
        %mul3A_2612 = arith.muli %add3A_178, %mul3A_2611 : i32
        %add3A_2613 = arith.constant 15 : i32
        %add3A_2614 = arith.addi %mul3A_2612, %add3A_2613 : i32
        %swap3A_2615 = arith.index_cast %add3A_2614 : i32 to index
        %swap3A_2616 = arith.constant 64 : index
        %swap3A_2617 = tpu.vector_load %arg15[%swap3A_2615, %swap3A_2616] {strides = array<i32>} : memref<128x128xf32, #tpu.memory_space<vmem>>, vector<1x16xf32>,
        %swap3A_2618 = vector.shape_cast %swap3A_2617 : vector<1x16xf32> to vector<16xf32>
        %swap3A_2619 = vector.shape_cast %mul3A_2610 : vector<16xf32> to vector<1x16xf32>
        tpu.vector_store %arg15[%swap3A_2615, %swap3A_2616], %swap3A_2619 {strides = array<i32>} : memref<128x128xf32, #tpu.memory_space<vmem>>, vector<1x16xf32>,
        %mul3A_2620 = arith.constant 16 : i32
        %mul3A_2621 = arith.muli %add3A_178, %mul3A_2620 : i32
        %add3A_2622 = arith.constant 15 : i32
        %add3A_2623 = arith.addi %mul3A_2621, %add3A_2622 : i32
        %get3A_2624 = arith.index_cast %add3A_2623 : i32 to index
        %get3A_2625 = arith.constant 80 : index
        %get3A_2626 = tpu.vector_load %arg15[%get3A_2624, %get3A_2625] {strides = array<i32>} : memref<128x128xf32, #tpu.memory_space<vmem>>, vector<1x16xf32>,
        %get3A_2627 = vector.shape_cast %get3A_2626 : vector<1x16xf32> to vector<16xf32>
        %mul3A_2628 = arith.mulf %get3A_2627, %gather3A_2529 : vector<16xf32>
        %mul3A_2629 = arith.constant 16 : i32
        %mul3A_2630 = arith.muli %add3A_178, %mul3A_2629 : i32
        %add3A_2631 = arith.constant 15 : i32
        %add3A_2632 = arith.addi %mul3A_2630, %add3A_2631 : i32
        %swap3A_2633 = arith.index_cast %add3A_2632 : i32 to index
        %swap3A_2634 = arith.constant 80 : index
        %swap3A_2635 = tpu.vector_load %arg15[%swap3A_2633, %swap3A_2634] {strides = array<i32>} : memref<128x128xf32, #tpu.memory_space<vmem>>, vector<1x16xf32>,
        %swap3A_2636 = vector.shape_cast %swap3A_2635 : vector<1x16xf32> to vector<16xf32>
        %swap3A_2637 = vector.shape_cast %mul3A_2628 : vector<16xf32> to vector<1x16xf32>
        tpu.vector_store %arg15[%swap3A_2633, %swap3A_2634], %swap3A_2637 {strides = array<i32>} : memref<128x128xf32, #tpu.memory_space<vmem>>, vector<1x16xf32>,
        %mul3A_2638 = arith.constant 16 : i32
        %mul3A_2639 = arith.muli %add3A_178, %mul3A_2638 : i32
        %add3A_2640 = arith.constant 15 : i32
        %add3A_2641 = arith.addi %mul3A_2639, %add3A_2640 : i32
        %get3A_2642 = arith.index_cast %add3A_2641 : i32 to index
        %get3A_2643 = arith.constant 96 : index
        %get3A_2644 = tpu.vector_load %arg15[%get3A_2642, %get3A_2643] {strides = array<i32>} : memref<128x128xf32, #tpu.memory_space<vmem>>, vector<1x16xf32>,
        %get3A_2645 = vector.shape_cast %get3A_2644 : vector<1x16xf32> to vector<16xf32>
        %mul3A_2646 = arith.mulf %get3A_2645, %gather3A_2529 : vector<16xf32>
        %mul3A_2647 = arith.constant 16 : i32
        %mul3A_2648 = arith.muli %add3A_178, %mul3A_2647 : i32
        %add3A_2649 = arith.constant 15 : i32
        %add3A_2650 = arith.addi %mul3A_2648, %add3A_2649 : i32
        %swap3A_2651 = arith.index_cast %add3A_2650 : i32 to index
        %swap3A_2652 = arith.constant 96 : index
        %swap3A_2653 = tpu.vector_load %arg15[%swap3A_2651, %swap3A_2652] {strides = array<i32>} : memref<128x128xf32, #tpu.memory_space<vmem>>, vector<1x16xf32>,
        %swap3A_2654 = vector.shape_cast %swap3A_2653 : vector<1x16xf32> to vector<16xf32>
        %swap3A_2655 = vector.shape_cast %mul3A_2646 : vector<16xf32> to vector<1x16xf32>
        tpu.vector_store %arg15[%swap3A_2651, %swap3A_2652], %swap3A_2655 {strides = array<i32>} : memref<128x128xf32, #tpu.memory_space<vmem>>, vector<1x16xf32>,
        %mul3A_2656 = arith.constant 16 : i32
        %mul3A_2657 = arith.muli %add3A_178, %mul3A_2656 : i32
        %add3A_2658 = arith.constant 15 : i32
        %add3A_2659 = arith.addi %mul3A_2657, %add3A_2658 : i32
        %get3A_2660 = arith.index_cast %add3A_2659 : i32 to index
        %get3A_2661 = arith.constant 112 : index
        %get3A_2662 = tpu.vector_load %arg15[%get3A_2660, %get3A_2661] {strides = array<i32>} : memref<128x128xf32, #tpu.memory_space<vmem>>, vector<1x16xf32>,
        %get3A_2663 = vector.shape_cast %get3A_2662 : vector<1x16xf32> to vector<16xf32>
        %mul3A_2664 = arith.mulf %get3A_2663, %gather3A_2529 : vector<16xf32>
        %mul3A_2665 = arith.constant 16 : i32
        %mul3A_2666 = arith.muli %add3A_178, %mul3A_2665 : i32
        %add3A_2667 = arith.constant 15 : i32
        %add3A_2668 = arith.addi %mul3A_2666, %add3A_2667 : i32
        %swap3A_2669 = arith.index_cast %add3A_2668 : i32 to index
        %swap3A_2670 = arith.constant 112 : index
        %swap3A_2671 = tpu.vector_load %arg15[%swap3A_2669, %swap3A_2670] {strides = array<i32>} : memref<128x128xf32, #tpu.memory_space<vmem>>, vector<1x16xf32>,
        %swap3A_2672 = vector.shape_cast %swap3A_2671 : vector<1x16xf32> to vector<16xf32>
        %swap3A_2673 = vector.shape_cast %mul3A_2664 : vector<16xf32> to vector<1x16xf32>
        tpu.vector_store %arg15[%swap3A_2669, %swap3A_2670], %swap3A_2673 {strides = array<i32>} : memref<128x128xf32, #tpu.memory_space<vmem>>, vector<1x16xf32>,
      }
      %scan3A_170 = arith.constant 8 : i32
      %dma_start3A_171 = arith.constant 0 : i32
      %dma_start3A_172 = arith.constant 0 : i32
      %dma_start3A_173 = tpu.memref_slice %arg16[%dma_start3A_171, %dma_start3A_172] : memref<10000x128xf32, #tpu.memory_space<vmem_shared>> -> memref<10000x128xf32, #tpu.memory_space<vmem_shared>>
      tpu.enqueue_indirect_dma source(%arg15 : memref<128x128xf32, #tpu.memory_space<vmem>>) target(%dma_start3A_173 : memref<10000x128xf32, #tpu.memory_space<vmem_shared>>) offsets(%arg11 : memref<128xi32, #tpu.memory_space<vmem>>) semaphore(%arg24 : memref<!tpu.dma_semaphore, #tpu.memory_space<semaphore_mem>>) {add = true}
    }
    %scan3A_71 = arith.constant 40 : i32
    %dma_wait3A_72 = arith.constant 0 : i32
    %dma_wait3A_73 = arith.constant 0 : i32
    %dma_wait3A_74 = tpu.memref_slice %arg16[%dma_wait3A_72, %dma_wait3A_73] : memref<10000x128xf32, #tpu.memory_space<vmem_shared>> -> memref<10000x128xf32, #tpu.memory_space<vmem_shared>>
    tpu.wait_indirect_dma semaphore(%arg23 : memref<!tpu.dma_semaphore, #tpu.memory_space<semaphore_mem>>) src(%arg14 : memref<128x128xf32, #tpu.memory_space<vmem>>) dst(%dma_wait3A_74 : memref<10000x128xf32, #tpu.memory_space<vmem_shared>>)
    %dma_wait3A_75 = arith.constant 0 : i32
    %dma_wait3A_76 = arith.constant 0 : i32
    %dma_wait3A_77 = tpu.memref_slice %arg16[%dma_wait3A_75, %dma_wait3A_76] : memref<10000x128xf32, #tpu.memory_space<vmem_shared>> -> memref<10000x128xf32, #tpu.memory_space<vmem_shared>>
    tpu.wait_indirect_dma semaphore(%arg24 : memref<!tpu.dma_semaphore, #tpu.memory_space<semaphore_mem>>) src(%arg15 : memref<128x128xf32, #tpu.memory_space<vmem>>) dst(%dma_wait3A_77 : memref<10000x128xf32, #tpu.memory_space<vmem_shared>>)
    %barrier3A_78 = arith.constant 0 : index
    tpu.barrier barrier_id(%barrier3A_78)
    %mul3A_79 = arith.constant 5 : i32
    %mul3A_80 = arith.muli %arg1, %mul3A_79 : i32
    %add3A_81 = arith.constant 0 : i32
    %add3A_82 = arith.addi %mul3A_80, %add3A_81 : i32
    %lt3A_83 = arith.constant 78 : i32
    %lt3A_84 = arith.cmpi slt, %add3A_82, %lt3A_83 : i32
    %convert_element_type3A_85 = arith.extui %lt3A_84 : i1 to i32
    %cond3A_86 = arith.constant 0 : i32
    %cond3A_87 = arith.cmpi ne, %convert_element_type3A_85, %cond3A_86 : i32
    scf.if %cond3A_87 {
      %mul3A_129 = arith.constant 128 : i32
      %mul3A_130 = arith.muli %add3A_82, %mul3A_129 : i32
      %mul3A_131 = arith.constant 128 : i32
      %mul3A_132 = arith.muli %add3A_82, %mul3A_131 : i32
      "tpu.region"() ({
        %run_scoped3A = tpu.sem_alloc : memref<!tpu.dma_semaphore, #tpu.memory_space<semaphore_mem>>
        %dma_start3A_133 = arith.constant 0 : i32
        %dma_start3A_134 = tpu.memref_slice %arg7[%arg0, %mul3A_132, %dma_start3A_133] : memref<2x10000x128xf32, #tpu.memory_space<hbm>> -> memref<1x128x128xf32, #tpu.memory_space<hbm>>
        %dma_start3A_135 = tpu.memref_squeeze %dma_start3A_134 : memref<1x128x128xf32, #tpu.memory_space<hbm>> -> memref<128x128xf32, #tpu.memory_space<hbm>>
        %dma_start3A_136 = arith.constant 0 : i32
        %dma_start3A_137 = tpu.memref_slice %arg16[%mul3A_130, %dma_start3A_136] : memref<10000x128xf32, #tpu.memory_space<vmem_shared>> -> memref<128x128xf32, #tpu.memory_space<vmem_shared>>
        tpu.enqueue_dma source(%dma_start3A_137 : memref<128x128xf32, #tpu.memory_space<vmem_shared>>) target(%dma_start3A_135 : memref<128x128xf32, #tpu.memory_space<hbm>>) target_semaphore(%run_scoped3A : memref<!tpu.dma_semaphore, #tpu.memory_space<semaphore_mem>>)
        %dma_wait3A_138 = arith.constant 0 : i32
        %dma_wait3A_139 = tpu.memref_slice %arg7[%arg0, %mul3A_132, %dma_wait3A_138] : memref<2x10000x128xf32, #tpu.memory_space<hbm>> -> memref<1x128x128xf32, #tpu.memory_space<hbm>>
        %dma_wait3A_140 = tpu.memref_squeeze %dma_wait3A_139 : memref<1x128x128xf32, #tpu.memory_space<hbm>> -> memref<128x128xf32, #tpu.memory_space<hbm>>
        %dma_wait3A_141 = arith.constant 0 : i32
        %dma_wait3A_142 = tpu.memref_slice %arg16[%mul3A_130, %dma_wait3A_141] : memref<10000x128xf32, #tpu.memory_space<vmem_shared>> -> memref<128x128xf32, #tpu.memory_space<vmem_shared>>
        tpu.wait_dma2 semaphore(%run_scoped3A : memref<!tpu.dma_semaphore, #tpu.memory_space<semaphore_mem>>) src(%dma_wait3A_142 : memref<128x128xf32, #tpu.memory_space<vmem_shared>>) dst(%dma_wait3A_140 : memref<128x128xf32, #tpu.memory_space<hbm>>)
        tpu.yield
      }) : () -> ()
    } else {
    }
    %mul3A_88 = arith.constant 5 : i32
    %mul3A_89 = arith.muli %arg1, %mul3A_88 : i32
    %add3A_90 = arith.constant 1 : i32
    %add3A_91 = arith.addi %mul3A_89, %add3A_90 : i32
    %lt3A_92 = arith.constant 78 : i32
    %lt3A_93 = arith.cmpi slt, %add3A_91, %lt3A_92 : i32
    %convert_element_type3A_94 = arith.extui %lt3A_93 : i1 to i32
    %cond3A_95 = arith.constant 0 : i32
    %cond3A_96 = arith.cmpi ne, %convert_element_type3A_94, %cond3A_95 : i32
    scf.if %cond3A_96 {
      %mul3A_129 = arith.constant 128 : i32
      %mul3A_130 = arith.muli %add3A_91, %mul3A_129 : i32
      %mul3A_131 = arith.constant 128 : i32
      %mul3A_132 = arith.muli %add3A_91, %mul3A_131 : i32
      "tpu.region"() ({
        %run_scoped3A = tpu.sem_alloc : memref<!tpu.dma_semaphore, #tpu.memory_space<semaphore_mem>>
        %dma_start3A_133 = arith.constant 0 : i32
        %dma_start3A_134 = tpu.memref_slice %arg7[%arg0, %mul3A_132, %dma_start3A_133] : memref<2x10000x128xf32, #tpu.memory_space<hbm>> -> memref<1x128x128xf32, #tpu.memory_space<hbm>>
        %dma_start3A_135 = tpu.memref_squeeze %dma_start3A_134 : memref<1x128x128xf32, #tpu.memory_space<hbm>> -> memref<128x128xf32, #tpu.memory_space<hbm>>
        %dma_start3A_136 = arith.constant 0 : i32
        %dma_start3A_137 = tpu.memref_slice %arg16[%mul3A_130, %dma_start3A_136] : memref<10000x128xf32, #tpu.memory_space<vmem_shared>> -> memref<128x128xf32, #tpu.memory_space<vmem_shared>>
        tpu.enqueue_dma source(%dma_start3A_137 : memref<128x128xf32, #tpu.memory_space<vmem_shared>>) target(%dma_start3A_135 : memref<128x128xf32, #tpu.memory_space<hbm>>) target_semaphore(%run_scoped3A : memref<!tpu.dma_semaphore, #tpu.memory_space<semaphore_mem>>)
        %dma_wait3A_138 = arith.constant 0 : i32
        %dma_wait3A_139 = tpu.memref_slice %arg7[%arg0, %mul3A_132, %dma_wait3A_138] : memref<2x10000x128xf32, #tpu.memory_space<hbm>> -> memref<1x128x128xf32, #tpu.memory_space<hbm>>
        %dma_wait3A_140 = tpu.memref_squeeze %dma_wait3A_139 : memref<1x128x128xf32, #tpu.memory_space<hbm>> -> memref<128x128xf32, #tpu.memory_space<hbm>>
        %dma_wait3A_141 = arith.constant 0 : i32
        %dma_wait3A_142 = tpu.memref_slice %arg16[%mul3A_130, %dma_wait3A_141] : memref<10000x128xf32, #tpu.memory_space<vmem_shared>> -> memref<128x128xf32, #tpu.memory_space<vmem_shared>>
        tpu.wait_dma2 semaphore(%run_scoped3A : memref<!tpu.dma_semaphore, #tpu.memory_space<semaphore_mem>>) src(%dma_wait3A_142 : memref<128x128xf32, #tpu.memory_space<vmem_shared>>) dst(%dma_wait3A_140 : memref<128x128xf32, #tpu.memory_space<hbm>>)
        tpu.yield
      }) : () -> ()
    } else {
    }
    %mul3A_97 = arith.constant 5 : i32
    %mul3A_98 = arith.muli %arg1, %mul3A_97 : i32
    %add3A_99 = arith.constant 2 : i32
    %add3A_100 = arith.addi %mul3A_98, %add3A_99 : i32
    %lt3A_101 = arith.constant 78 : i32
    %lt3A_102 = arith.cmpi slt, %add3A_100, %lt3A_101 : i32
    %convert_element_type3A_103 = arith.extui %lt3A_102 : i1 to i32
    %cond3A_104 = arith.constant 0 : i32
    %cond3A_105 = arith.cmpi ne, %convert_element_type3A_103, %cond3A_104 : i32
    scf.if %cond3A_105 {
      %mul3A_129 = arith.constant 128 : i32
      %mul3A_130 = arith.muli %add3A_100, %mul3A_129 : i32
      %mul3A_131 = arith.constant 128 : i32
      %mul3A_132 = arith.muli %add3A_100, %mul3A_131 : i32
      "tpu.region"() ({
        %run_scoped3A = tpu.sem_alloc : memref<!tpu.dma_semaphore, #tpu.memory_space<semaphore_mem>>
        %dma_start3A_133 = arith.constant 0 : i32
        %dma_start3A_134 = tpu.memref_slice %arg7[%arg0, %mul3A_132, %dma_start3A_133] : memref<2x10000x128xf32, #tpu.memory_space<hbm>> -> memref<1x128x128xf32, #tpu.memory_space<hbm>>
        %dma_start3A_135 = tpu.memref_squeeze %dma_start3A_134 : memref<1x128x128xf32, #tpu.memory_space<hbm>> -> memref<128x128xf32, #tpu.memory_space<hbm>>
        %dma_start3A_136 = arith.constant 0 : i32
        %dma_start3A_137 = tpu.memref_slice %arg16[%mul3A_130, %dma_start3A_136] : memref<10000x128xf32, #tpu.memory_space<vmem_shared>> -> memref<128x128xf32, #tpu.memory_space<vmem_shared>>
        tpu.enqueue_dma source(%dma_start3A_137 : memref<128x128xf32, #tpu.memory_space<vmem_shared>>) target(%dma_start3A_135 : memref<128x128xf32, #tpu.memory_space<hbm>>) target_semaphore(%run_scoped3A : memref<!tpu.dma_semaphore, #tpu.memory_space<semaphore_mem>>)
        %dma_wait3A_138 = arith.constant 0 : i32
        %dma_wait3A_139 = tpu.memref_slice %arg7[%arg0, %mul3A_132, %dma_wait3A_138] : memref<2x10000x128xf32, #tpu.memory_space<hbm>> -> memref<1x128x128xf32, #tpu.memory_space<hbm>>
        %dma_wait3A_140 = tpu.memref_squeeze %dma_wait3A_139 : memref<1x128x128xf32, #tpu.memory_space<hbm>> -> memref<128x128xf32, #tpu.memory_space<hbm>>
        %dma_wait3A_141 = arith.constant 0 : i32
        %dma_wait3A_142 = tpu.memref_slice %arg16[%mul3A_130, %dma_wait3A_141] : memref<10000x128xf32, #tpu.memory_space<vmem_shared>> -> memref<128x128xf32, #tpu.memory_space<vmem_shared>>
        tpu.wait_dma2 semaphore(%run_scoped3A : memref<!tpu.dma_semaphore, #tpu.memory_space<semaphore_mem>>) src(%dma_wait3A_142 : memref<128x128xf32, #tpu.memory_space<vmem_shared>>) dst(%dma_wait3A_140 : memref<128x128xf32, #tpu.memory_space<hbm>>)
        tpu.yield
      }) : () -> ()
    } else {
    }
    %mul3A_106 = arith.constant 5 : i32
    %mul3A_107 = arith.muli %arg1, %mul3A_106 : i32
    %add3A_108 = arith.constant 3 : i32
    %add3A_109 = arith.addi %mul3A_107, %add3A_108 : i32
    %lt3A_110 = arith.constant 78 : i32
    %lt3A_111 = arith.cmpi slt, %add3A_109, %lt3A_110 : i32
    %convert_element_type3A_112 = arith.extui %lt3A_111 : i1 to i32
    %cond3A_113 = arith.constant 0 : i32
    %cond3A_114 = arith.cmpi ne, %convert_element_type3A_112, %cond3A_113 : i32
    scf.if %cond3A_114 {
      %mul3A_129 = arith.constant 128 : i32
      %mul3A_130 = arith.muli %add3A_109, %mul3A_129 : i32
      %mul3A_131 = arith.constant 128 : i32
      %mul3A_132 = arith.muli %add3A_109, %mul3A_131 : i32
      "tpu.region"() ({
        %run_scoped3A = tpu.sem_alloc : memref<!tpu.dma_semaphore, #tpu.memory_space<semaphore_mem>>
        %dma_start3A_133 = arith.constant 0 : i32
        %dma_start3A_134 = tpu.memref_slice %arg7[%arg0, %mul3A_132, %dma_start3A_133] : memref<2x10000x128xf32, #tpu.memory_space<hbm>> -> memref<1x128x128xf32, #tpu.memory_space<hbm>>
        %dma_start3A_135 = tpu.memref_squeeze %dma_start3A_134 : memref<1x128x128xf32, #tpu.memory_space<hbm>> -> memref<128x128xf32, #tpu.memory_space<hbm>>
        %dma_start3A_136 = arith.constant 0 : i32
        %dma_start3A_137 = tpu.memref_slice %arg16[%mul3A_130, %dma_start3A_136] : memref<10000x128xf32, #tpu.memory_space<vmem_shared>> -> memref<128x128xf32, #tpu.memory_space<vmem_shared>>
        tpu.enqueue_dma source(%dma_start3A_137 : memref<128x128xf32, #tpu.memory_space<vmem_shared>>) target(%dma_start3A_135 : memref<128x128xf32, #tpu.memory_space<hbm>>) target_semaphore(%run_scoped3A : memref<!tpu.dma_semaphore, #tpu.memory_space<semaphore_mem>>)
        %dma_wait3A_138 = arith.constant 0 : i32
        %dma_wait3A_139 = tpu.memref_slice %arg7[%arg0, %mul3A_132, %dma_wait3A_138] : memref<2x10000x128xf32, #tpu.memory_space<hbm>> -> memref<1x128x128xf32, #tpu.memory_space<hbm>>
        %dma_wait3A_140 = tpu.memref_squeeze %dma_wait3A_139 : memref<1x128x128xf32, #tpu.memory_space<hbm>> -> memref<128x128xf32, #tpu.memory_space<hbm>>
        %dma_wait3A_141 = arith.constant 0 : i32
        %dma_wait3A_142 = tpu.memref_slice %arg16[%mul3A_130, %dma_wait3A_141] : memref<10000x128xf32, #tpu.memory_space<vmem_shared>> -> memref<128x128xf32, #tpu.memory_space<vmem_shared>>
        tpu.wait_dma2 semaphore(%run_scoped3A : memref<!tpu.dma_semaphore, #tpu.memory_space<semaphore_mem>>) src(%dma_wait3A_142 : memref<128x128xf32, #tpu.memory_space<vmem_shared>>) dst(%dma_wait3A_140 : memref<128x128xf32, #tpu.memory_space<hbm>>)
        tpu.yield
      }) : () -> ()
    } else {
    }
    %mul3A_115 = arith.constant 5 : i32
    %mul3A_116 = arith.muli %arg1, %mul3A_115 : i32
    %add3A_117 = arith.constant 4 : i32
    %add3A_118 = arith.addi %mul3A_116, %add3A_117 : i32
    %lt3A_119 = arith.constant 78 : i32
    %lt3A_120 = arith.cmpi slt, %add3A_118, %lt3A_119 : i32
    %convert_element_type3A_121 = arith.extui %lt3A_120 : i1 to i32
    %cond3A_122 = arith.constant 0 : i32
    %cond3A_123 = arith.cmpi ne, %convert_element_type3A_121, %cond3A_122 : i32
    scf.if %cond3A_123 {
      %mul3A_129 = arith.constant 128 : i32
      %mul3A_130 = arith.muli %add3A_118, %mul3A_129 : i32
      %mul3A_131 = arith.constant 128 : i32
      %mul3A_132 = arith.muli %add3A_118, %mul3A_131 : i32
      "tpu.region"() ({
        %run_scoped3A = tpu.sem_alloc : memref<!tpu.dma_semaphore, #tpu.memory_space<semaphore_mem>>
        %dma_start3A_133 = arith.constant 0 : i32
        %dma_start3A_134 = tpu.memref_slice %arg7[%arg0, %mul3A_132, %dma_start3A_133] : memref<2x10000x128xf32, #tpu.memory_space<hbm>> -> memref<1x128x128xf32, #tpu.memory_space<hbm>>
        %dma_start3A_135 = tpu.memref_squeeze %dma_start3A_134 : memref<1x128x128xf32, #tpu.memory_space<hbm>> -> memref<128x128xf32, #tpu.memory_space<hbm>>
        %dma_start3A_136 = arith.constant 0 : i32
        %dma_start3A_137 = tpu.memref_slice %arg16[%mul3A_130, %dma_start3A_136] : memref<10000x128xf32, #tpu.memory_space<vmem_shared>> -> memref<128x128xf32, #tpu.memory_space<vmem_shared>>
        tpu.enqueue_dma source(%dma_start3A_137 : memref<128x128xf32, #tpu.memory_space<vmem_shared>>) target(%dma_start3A_135 : memref<128x128xf32, #tpu.memory_space<hbm>>) target_semaphore(%run_scoped3A : memref<!tpu.dma_semaphore, #tpu.memory_space<semaphore_mem>>)
        %dma_wait3A_138 = arith.constant 0 : i32
        %dma_wait3A_139 = tpu.memref_slice %arg7[%arg0, %mul3A_132, %dma_wait3A_138] : memref<2x10000x128xf32, #tpu.memory_space<hbm>> -> memref<1x128x128xf32, #tpu.memory_space<hbm>>
        %dma_wait3A_140 = tpu.memref_squeeze %dma_wait3A_139 : memref<1x128x128xf32, #tpu.memory_space<hbm>> -> memref<128x128xf32, #tpu.memory_space<hbm>>
        %dma_wait3A_141 = arith.constant 0 : i32
        %dma_wait3A_142 = tpu.memref_slice %arg16[%mul3A_130, %dma_wait3A_141] : memref<10000x128xf32, #tpu.memory_space<vmem_shared>> -> memref<128x128xf32, #tpu.memory_space<vmem_shared>>
        tpu.wait_dma2 semaphore(%run_scoped3A : memref<!tpu.dma_semaphore, #tpu.memory_space<semaphore_mem>>) src(%dma_wait3A_142 : memref<128x128xf32, #tpu.memory_space<vmem_shared>>) dst(%dma_wait3A_140 : memref<128x128xf32, #tpu.memory_space<hbm>>)
        tpu.yield
      }) : () -> ()
    } else {
    }
    %eq3A_124 = arith.constant 15 : i32
    %eq3A_125 = arith.cmpi eq, %arg1, %eq3A_124 : i32
    %convert_element_type3A_126 = arith.extui %eq3A_125 : i1 to i32
    %cond3A_127 = arith.constant 0 : i32
    %cond3A_128 = arith.cmpi ne, %convert_element_type3A_126, %cond3A_127 : i32
    scf.if %cond3A_128 {
      "tpu.region"() ({
        %run_scoped3A = tpu.sem_alloc : memref<!tpu.dma_semaphore, #tpu.memory_space<semaphore_mem>>
        %dma_start3A_129 = arith.constant 9984 : i32
        %dma_start3A_130 = arith.constant 0 : i32
        %dma_start3A_131 = tpu.memref_slice %arg7[%arg0, %dma_start3A_129, %dma_start3A_130] : memref<2x10000x128xf32, #tpu.memory_space<hbm>> -> memref<1x16x128xf32, #tpu.memory_space<hbm>>
        %dma_start3A_132 = tpu.memref_squeeze %dma_start3A_131 : memref<1x16x128xf32, #tpu.memory_space<hbm>> -> memref<16x128xf32, #tpu.memory_space<hbm>>
        %dma_start3A_133 = arith.constant 9984 : i32
        %dma_start3A_134 = arith.constant 0 : i32
        %dma_start3A_135 = tpu.memref_slice %arg16[%dma_start3A_133, %dma_start3A_134] : memref<10000x128xf32, #tpu.memory_space<vmem_shared>> -> memref<16x128xf32, #tpu.memory_space<vmem_shared>>
        tpu.enqueue_dma source(%dma_start3A_135 : memref<16x128xf32, #tpu.memory_space<vmem_shared>>) target(%dma_start3A_132 : memref<16x128xf32, #tpu.memory_space<hbm>>) target_semaphore(%run_scoped3A : memref<!tpu.dma_semaphore, #tpu.memory_space<semaphore_mem>>)
        %dma_wait3A_136 = arith.constant 9984 : i32
        %dma_wait3A_137 = arith.constant 0 : i32
        %dma_wait3A_138 = tpu.memref_slice %arg7[%arg0, %dma_wait3A_136, %dma_wait3A_137] : memref<2x10000x128xf32, #tpu.memory_space<hbm>> -> memref<1x16x128xf32, #tpu.memory_space<hbm>>
        %dma_wait3A_139 = tpu.memref_squeeze %dma_wait3A_138 : memref<1x16x128xf32, #tpu.memory_space<hbm>> -> memref<16x128xf32, #tpu.memory_space<hbm>>
        %dma_wait3A_140 = arith.constant 9984 : i32
        %dma_wait3A_141 = arith.constant 0 : i32
        %dma_wait3A_142 = tpu.memref_slice %arg16[%dma_wait3A_140, %dma_wait3A_141] : memref<10000x128xf32, #tpu.memory_space<vmem_shared>> -> memref<16x128xf32, #tpu.memory_space<vmem_shared>>
        tpu.wait_dma2 semaphore(%run_scoped3A : memref<!tpu.dma_semaphore, #tpu.memory_space<semaphore_mem>>) src(%dma_wait3A_142 : memref<16x128xf32, #tpu.memory_space<vmem_shared>>) dst(%dma_wait3A_139 : memref<16x128xf32, #tpu.memory_space<hbm>>)
        tpu.yield
      }) : () -> ()
    } else {
    }
    return
  }
}

</mosaic_0001>

<sc_bundles>
// kernel: _sc_spmm.3.cloned.1.call-start
scs
__scs_entry_jumppad:
0x0: {  	(pc) =	sbr.rel $0x88, $3  }
0x1: {  	(tag) =	ssettag $0x0;
	lr =	simm.s32 $0x1  }
0x2: {  	[smem:$0x3F9C] =	sst lr;
	_ =	strace $0xD0000000  }
0x3: {  	_ = 	snop  }
0x4: {  	_ = 	snop  }
0x5: {  	_ = 	snop  }
0x6: {  	_ = 	snop  }
0x7: {  	_ = 	snop  }
__scs_overlays_trampoline_lowered:
0x8: {  	[smem:$0x3FAB] =	sst s0  }
0x9: {  	[smem:$0x3FAC] =	sst s1  }
0xa: {  	[smem:$0x3FAD] =	sst s2  }
0xb: {  	[smem:$0x3FAE] =	sst s3  }
0xc: {  	[smem:$0x3FAF] =	sst s4  }
0xd: {  	[smem:$0x3FB0] =	sst s5  }
0xe: {  	[smem:$0x3FB1] =	sst s6  }
0xf: {  	[smem:$0x3FB2] =	sst s7  }
0x10: {  	[smem:$0x3FB3] =	sst s8  }
0x11: {  	[smem:$0x3FB4] =	sst s9;
	s0 =	simm.s32 @!p0 $0x0  }
0x12: {  	s1 =	sld [smem:$0x3F9A];
	s0 =	simm.s32 @p0 $0x1  }
0x13: {  	[smem:$0x3FB5] =	sst s0;
	s0 =	simm.s32 @!p1 $0x0  }
0x14: {  	s2 =	sld [smem:$0x3F99];
	s0 =	simm.s32 @p1 $0x1  }
0x15: {  	[smem:$0x3FB6] =	sst s0;
	s0 =	simm.s32 @!p2 $0x0  }
0x16: {  	s3 =	sld [smem:$0x3FDB];
	s0 =	simm.s32 @p2 $0x1  }
0x17: {  	s4 =	simm.s32 $0x1BF5;
	[smem:$0x3FB8] =	sst s0  }
0x18: {  	s0 =	sld [smem:$0x3F9B];
	_ =	swait.ge [sflag:s4], $0x0  }
0x19: {  	s7 =	sld [smem:$0x3F9C]  }
0x1a: {  	s8 =	sadd.s32 $0xFFFFE003, lr  }
0x1b: {  	s9 =	sadd.s32 $0xFFFFFEF7, lr;
	s5 =	simm.s32 $0xFFFFFFFF;
	p2 =	slt.u32 s8, $0xFFFFF086  }
0x1c: {  	p1 =	slt.u32 s9, $0xF7A;
	s5 =	simm.s32 @!p2 $0x0  }
0x1d: {  	s5 =	simm.s32 @p1 $0x1;
	p0 =	seq.s32 s7, s2  }
0x1e: {  	s7 =	smul.u32 @!p0 $0xF7A, s2;
	p2 =	seq.s32 @!p0 s5, $0x0  }
0x1f: {  	s9 =	smul.u32 $0xF7A, s1;
	s8 =	simm.s32 @!p0 $0x1BF5;
	p2 =	por !p2, p0  }
0x20: {  	[sflag:s8] =	ssyncset.s32 @!p0 $0xFFFFF086;
	s6 =	sadd.s32 @!p0 s3, s7;
	s7 =	simm.s32 @!p0 $0x108  }
0x21: {  	s3 =	sadd.s32 s3, s9;
	s6 =	sadd.s32 @!p0 $0x88, s6;
	s7 =	simm.s32 @p2 $0x1082  }
0x22: {  	[simem:s7], [sflag:s8] =	dma.local @!p0 [hbm:s6], $0xF7A  }
0x23: {  	s9 =	sor.u32 $0xD0000000, s2;
	s6 =	simm.s32 $0x108;
	_ =	swait.ge @!p0 [sflag:s8], $0x0  }
0x24: {  	s3 =	sadd.s32 $0x88, s3;
	s6 =	simm.s32 @!p1 $0x1082;
	[sflag:s4] =	ssyncset.s32 $0xFFFFF086  }
0x25: {  	[simem:s6], [sflag:s4] =	dma.local [hbm:s3], $0xF7A  }
0x26: {  	[smem:$0x3F9C] =	sst s1;
	(tag) =	ssettag s2;
	_ =	strace s9  }
0x27: {  	s1 =	sld [smem:$0x3FAC]  }
0x28: {  	s2 =	sld [smem:$0x3FAD]  }
0x29: {  	s4 =	sld [smem:$0x3FAF]  }
0x2a: {  	p0 =	seq.s32 s5, $0x0;
	s5 =	sld [smem:$0x3FB0]  }
0x2b: {  	s6 =	sld [smem:$0x3FB1]  }
0x2c: {  	s7 =	sld [smem:$0x3FB2]  }
0x2d: {  	s3 =	simm.s32 $0x108;
	s8 =	sld [smem:$0x3FB3]  }
0x2e: {  	s3 =	simm.s32 @!p0 $0x1082;
	s9 =	sld [smem:$0x3FB4]  }
0x2f: {  	lr =	sadd.s32 s0, s3;
	s0 =	sld [smem:$0x3FAB]  }
0x30: {  	s3 =	sld [smem:$0x3FAE]  }
0x31: {  	[smem:$0x3FB7] =	sst s10  }
0x32: {  	s10 =	sld [smem:$0x3FB5];
	_ =	sdelay $0x3  }
0x33: {  	p0 =	seq.s32 s10, $0x1;
	s10 =	sld [smem:$0x3FB7];
	_ =	sdelay $0x3  }
0x34: {  	[smem:$0x3FB7] =	sst s10  }
0x35: {  	s10 =	sld [smem:$0x3FB6];
	_ =	sdelay $0x3  }
0x36: {  	p1 =	seq.s32 s10, $0x1;
	s10 =	sld [smem:$0x3FB7];
	_ =	sdelay $0x3  }
0x37: {  	[smem:$0x3FB7] =	sst s10  }
0x38: {  	s10 =	sld [smem:$0x3FB8]  }
0x39: {  	_ = 	snop;
	(pc) =	sbr.ind lr, $3  }
0x3a: {  	_ = 	snop  }
0x3b: {  	_ = 	snop  }
0x3c: {  	p2 =	seq.s32 s10, $0x1;
	s10 =	sld [smem:$0x3FB7]  }
0x3d: {  	_ =	shalt  }
0x3e: {  	_ =	shalt  }
0x3f: {  	_ =	shalt  }
0x40: {  	_ =	shalt  }
0x41: {  	_ =	shalt  }
0x42: {  	_ =	shalt  }
0x43: {  	_ =	shalt  }
0x44: {  	_ =	shalt  }
0x45: {  	_ =	shalt  }
0x46: {  	_ =	shalt  }
0x47: {  	_ =	shalt  }
0x48: {  	_ =	shalt  }
0x49: {  	_ =	shalt  }
0x4a: {  	_ =	shalt  }
0x4b: {  	_ =	shalt  }
0x4c: {  	_ =	shalt  }
0x4d: {  	_ =	shalt  }
0x4e: {  	_ =	shalt  }
0x4f: {  	_ =	shalt  }
0x50: {  	_ =	shalt  }
0x51: {  	_ =	shalt  }
0x52: {  	_ =	shalt  }
0x53: {  	_ =	shalt  }
0x54: {  	_ =	shalt  }
0x55: {  	_ =	shalt  }
0x56: {  	_ =	shalt  }
0x57: {  	_ =	shalt  }
0x58: {  	_ =	shalt  }
0x59: {  	_ =	shalt  }
0x5a: {  	_ =	shalt  }
0x5b: {  	_ =	shalt  }
0x5c: {  	_ =	shalt  }
0x5d: {  	_ =	shalt  }
0x5e: {  	_ =	shalt  }
0x5f: {  	_ =	shalt  }
0x60: {  	_ =	shalt  }
0x61: {  	_ =	shalt  }
0x62: {  	_ =	shalt  }
0x63: {  	_ =	shalt  }
0x64: {  	_ =	shalt  }
0x65: {  	_ =	shalt  }
0x66: {  	_ =	shalt  }
0x67: {  	_ =	shalt  }
0x68: {  	_ =	shalt  }
0x69: {  	_ =	shalt  }
0x6a: {  	_ =	shalt  }
0x6b: {  	_ =	shalt  }
0x6c: {  	_ =	shalt  }
0x6d: {  	_ =	shalt  }
0x6e: {  	_ =	shalt  }
0x6f: {  	_ =	shalt  }
0x70: {  	_ =	shalt  }
0x71: {  	_ =	shalt  }
0x72: {  	_ =	shalt  }
0x73: {  	_ =	shalt  }
0x74: {  	_ =	shalt  }
0x75: {  	_ =	shalt  }
0x76: {  	_ =	shalt  }
0x77: {  	_ =	shalt  }
0x78: {  	_ =	shalt  }
0x79: {  	_ =	shalt  }
0x7a: {  	_ =	shalt  }
0x7b: {  	_ =	shalt  }
0x7c: {  	_ =	shalt  }
0x7d: {  	_ =	shalt  }
0x7e: {  	_ =	shalt  }
0x7f: {  	_ =	shalt  }
0x80: {  	_ =	shalt  }
0x81: {  	_ =	shalt  }
0x82: {  	_ =	shalt  }
0x83: {  	_ =	shalt  }
0x84: {  	_ =	shalt  }
0x85: {  	_ =	shalt  }
0x86: {  	_ =	shalt  }
0x87: {  	_ =	shalt  }
.Lfunc_end0:
.L_simem_size_0:
called_computation_lowered:
.L_overlay_start_0:
0x88: {  	s2 =	sld [smem:$0x3FD9]  }
0x89: {  	s3 =	sld [smem:$0x3FFE];
	_ =	sdelay $0x1  }
0x8a: {  	s1 =	srdreg.scid  }
0x8b: {  	s0 =	sand.u32 $0x1, s1  }
0x8c: {  	s18 =	sshll.u32 s0, $0xA;
	s2 =	sadd.s32 s3, s2  }
0x8d: {  	s2 =	sadd.s32 s2, s18  }
0x8e: {  	[smem:$0x3FC3] =	sst s2  }
0x8f: {  	_ = 	snop  }
0x90: {  	s2 =	sld [smem:$0x3FC9]  }
0x91: {  	s19 =	sld [smem:$0x3FC8]  }
0x92: {  	s4 =	sld [smem:$0x3FC7]  }
0x93: {  	s5 =	sld [smem:$0x3FC6]  }
0x94: {  	s6 =	sld [smem:$0x3FC5]  }
0x95: {  	s7 =	sld [smem:$0x3FD0];
	(tm) =	ssettm $0x1  }
0x96: {  	s8 =	sld [smem:$0x3FFB];
	_ =	sdelay $0x3  }
0x97: {  	_ =	strace s8  }
0x98: {  	s8 =	sld [smem:$0x3FFC];
	_ =	sdelay $0x3  }
0x99: {  	_ =	strace s8  }
0x9a: {  	s8 =	sld [smem:$0x3FFD];
	_ =	sdelay $0x3  }
0x9b: {  	_ =	strace s8  }
0x9c: {  	_ =	strace $0x8FFFFFFF  }
0x9d: {  	s20 =	sld [smem:$0x3FDB];
	_ =	sdelay $0x1  }
0x9e: {  	s9 =	simm.s32 $_scs_section_size  }
0x9f: {  	s10 =	simm.s32 $_size__tile_overlayer_lowered;
	s11 =	simm.s32 $_tile_overlayer_lowered  }
0xa0: {  	s23 =	simm.s32 $0x1BFF;
	s22 =	sshll.u32 s11, $0x1;
	s8 =	sadd.s32 s9, s20  }
0xa1: {  	s12 =	simm.s32 $0x0;
	s21 =	sshll.u32 s10, $0x1;
	s10 =	sadd.s32 s22, s8  }
0xa2: {  	[timem:s12], [sflag:s23] =	dma.local [hbm:s10], s21  }
0xa3: {  	_ =	swait.ge [sflag:s23], s21  }
0xa4: {  	s9 =	ssub.s32 $0x0, s21;
	[sflag:s23] =	ssyncset.done $0x0  }
0xa5: {  	[sflag:s23] =	ssyncadd.s32 s9;
	_ =	sdelay $0x1  }
0xa6: {  	s24 =	simm.s32 $0x1B8B  }
0xa7: {  	_ =	swait.ge [sflag:s24], $0x1  }
0xa8: {  	[sflag:s24] =	ssyncset.done $0x0  }
0xa9: {  	s25 =	simm.s32 $0x1B8E;
	[sflag:s24] =	ssyncadd.s32 $0xFFFFFFFF  }
0xaa: {  	s26 =	simm.s32 $execute0_lowered;
	[smem:$0x3FD2] =	sst s25  }
0xab: {  	s9 =	sshll.u32 s26, $0x1;
	_ =	strace $0x80000046;
	[dreg:$0x1] =	wrdreg $0xFFFFFFFF  }
0xac: {  	s28 =	simm.s32 $_size_execute0_lowered;
	s8 =	sadd.s32 s8, s9;
	[dreg:$0x0] =	wrdreg $0x0  }
0xad: {  	s9 =	sshll.u32 s28, $0x1;
	[dreg:$0x2] =	wrdreg s8  }
0xae: {  	[dreg:$0x3] =	wrdreg s9  }
0xaf: {  	[dreg:$0x4] =	wrdreg $0xC0  }
0xb0: {  	_ =	task [dreg:s12], $0x5FFFF  }
0xb1: {  	[dreg:$0x1] =	wrdreg $0xFFFFFFFF  }
0xb2: {  	[dreg:$0x0] =	wrdreg $0x60  }
0xb3: {  	[dreg:$0x2] =	wrdreg s2  }
0xb4: {  	[dreg:$0x3] =	wrdreg s19  }
0xb5: {  	[dreg:$0x4] =	wrdreg s4  }
0xb6: {  	[dreg:$0x5] =	wrdreg s5  }
0xb7: {  	[dreg:$0x6] =	wrdreg s6  }
0xb8: {  	[dreg:$0x7] =	wrdreg s7  }
0xb9: {  	[dreg:$0x8] =	wrdreg $0x83000  }
0xba: {  	[dreg:$0x9] =	wrdreg $0x9  }
0xbb: {  	_ =	task.clear_ibuf [dreg:s12], $0xAFFFF;
	_ =	strace $0x90000046  }
0xbc: {  	s29 =	simm.s32 $0x9;
	_ =	strace $0x80000048  }
0xbd: {  	_ =	swait.ge [sflag:s29], $0x1  }
0xbe: {  	[sflag:s29] =	ssyncadd.s32 $0xFFFFFFFF  }
0xbf: {  	_ =	strace $0x90000048  }
0xc0: {  	_ =	sfence  }
0xc1: {  	s30 =	sld [smem:$0x0];
	_ =	sdelay $0x2  }
0xc2: {  	s31 =	sshll.u32 s1, $0xD;
	s1 =	sshrl.u32 s1, $0x2  }
0xc3: {  	s3 =	sand.u32 $0x4000, s31;
	s1 =	sadd.s32 s1, s30  }
0xc4: {  	s0 =	sor.u32 s3, s0;
	s1 =	sshll.u32 s1, $0x11  }
0xc5: {  	s0 =	sor.u32 s1, s0  }
0xc6: {  	s0 =	sadd.s32 $0x8F2B, s0  }
0xc7: {  	[sflag:s0] =	ssyncadd.remote.s32 $0x1  }
0xc8: {  	_ =	sfence.sel $0xFFFF  }
0xc9: {  	[dreg:$0x0] =	wrdreg $0xFFFFFFFF;
	(pc) =	sbr.abs _section_cstart, $3  }
0xca: {  	[dreg:$0x1] =	wrdreg $0xFFFFFFFF  }
0xcb: {  	_ =	task.clear_ibuf [dreg:s12], $0x2FFFF;
	_ =	strace $0x9FFFFFFF  }
0xcc: {  	(tm) =	ssettm $0x7FFFFFFF  }
0xcd: {  	_ =	shalt  }
tec
execute0_lowered:
.L_overlay_start_1:
0x0: {  	(tag) =	ssettag $0x1  }
0x1: {  	s0 =	rddreg [dreg:$0x0]  }
0x2: {  	s1 =	rddreg [dreg:$0x1]  }
0x3: {  	s3 =	rddreg [dreg:$0x2]  }
0x4: {  	s4 =	rddreg [dreg:$0x3]  }
0x5: {  	s15 =	rddreg [dreg:$0x5]  }
0x6: {  	s8 =	rddreg [dreg:$0x6]  }
0x7: {  	s2 =	srdreg.scid;
	s14 =	stileid.u32;
	s7 =	simm.s32 $0x0  }
0x8: {  	s31 =	simm.s32 $0x9;
	s2 =	sand.u32 $0x1, s2;
	s6 =	smul.u32 $0x5, s14  }
0x9: {  	[smem:$0x7FF] =	sst s7;
	s9 =	smul.u32 $0x50000, s14;
	s28 =	sshll.u32 s14, $0x6  }
0xa: {  	s13 =	smul.u32 $0x14000, s14;
	p0 =	seq.s32 s14, $0xF;
	s5 =	ssub.s32 $0x2, s2  }
0xb: {  	_ =	strace $0x80000047;
	s26 =	sshll.u32 s2, $0x4;
	s11 =	sor.u32 $0x1C09, s28  }
0xc: {  	s16 =	smul.u32 $0x138800, s2;
	s25 =	sshrl.u32 s5, $0x1;
	s7 =	sor.u32 s14, s26  }
0xd: {  	s9 =	sshrl.u32 s9, $0x2;
	s10 =	sshll.u32 s6, $0xE;
	s6 =	sadd.s32 $0x4, s6  }
0xe: {  	s5 =	ssub.s32 s5, s25;
	s9 =	sadd.s32 s9, s8;
	s12 =	sadd.s32 $0x4000, s10  }
0xf: {  	s7 =	smul.u32 $0x2800, s7;
	s30 =	sadd.s32 $0x8000, s10;
	[dreg:$0xa] =	wrdreg s6  }
0x10: {  	s17 =	sshll.u32 s6, $0xE;
	s10 =	sadd.s32 $0xC000, s10;
	[dreg:$0xb] =	wrdreg s16  }
0x11: {  	s20 =	sadd.s32 s13, s16;
	s28 =	sshrl.u32 s16, $0x3;
	[dreg:$0x8] =	wrdreg s9  }
0x12: {  	s29 =	sadd.s32 s12, s8;
	s2 =	sadd.s32 s17, s8;
	s12 =	sadd.s32 s16, s12  }
0x13: {  	s22 =	sadd.s32 s30, s8;
	s23 =	sadd.s32 s16, s30;
	s24 =	sadd.s32 s10, s8  }
0x14: {  	s25 =	sadd.s32 s16, s10;
	s5 =	smax.u32 s5, $0x1;
	[dreg:$0x9] =	wrdreg s29  }
0x15: {  	s30 =	sadd.s32 $0x138000, s8;
	s10 =	simm.s32 $0x80;
	[dreg:$0x11] =	wrdreg s22  }
0x16: {  	s16 =	simm.s32 $0x280;
	s18 =	sshrl.u32 s7, $0x3;
	[dreg:$0x12] =	wrdreg s24  }
0x17: {  	s21 =	sshrl.u32 s12, $0x3;
	s26 =	sshrl.u32 s25, $0x3;
	[dreg:$0x16] =	wrdreg s5  }
0x18: {  	s29 =	sadd.s32 s15, s28;
	s2 =	sshrl.u32 @!p0 s2, $0x3;
	[dreg:$0x18] =	wrdreg s30  }
0x19: {  	s12 =	simm.s32 $0x300;
	s17 =	sadd.s32 s1, s18;
	[dreg:$0x17] =	wrdreg s2  }
0x1a: {  	s22 =	simm.s32 $0x5;
	s6 =	sadd.s32 s4, s18;
	[dreg:$0xc] =	wrdreg s17  }
0x1b: {  	s19 =	sadd.s32 s3, s18;
	[dreg:$0xe] =	wrdreg s6;
	s6 =	sshrl.u32 s20, $0x3  }
0x1c: {  	s18 =	sor.u32 $0x80, s7;
	[dreg:$0xd] =	wrdreg s19;
	s6 =	sadd.s32 s15, s6  }
0x1d: {  	v0 =	vimm.s32 $0x0;
	s2 =	simm.s32 $0x100;
	[dreg:$0xf] =	wrdreg s6;
	s6 =	sadd.s32 s15, s21  }
0x1e: {  	v1 =	vimm.s32 $0x1;
	v2 =	vimm.s32 $0x2;
	v3 =	vimm.s32 $0x3;
	s19 =	sor.u32 $0x100, s7;
	[dreg:$0x10] =	wrdreg s6;
	s6 =	sshrl.u32 s23, $0x3  }
0x1f: {  	v4 =	vimm.s32 $0x4;
	v5 =	vimm.s32 $0x5;
	v6 =	vimm.s32 $0x6;
	s17 =	simm.s32 $0x2;
	s20 =	simm.s32 $0x4;
	s6 =	sadd.s32 s15, s6  }
0x20: {  	v7 =	vimm.s32 $0x7;
	v8 =	vimm.s32 $0x8;
	v9 =	vimm.s32 $0x9;
	s21 =	simm.s32 $0x4300;
	[dreg:$0x13] =	wrdreg s6;
	s6 =	sadd.s32 s15, s26  }
0x21: {  	v10 =	vimm.s32 $0xA;
	v11 =	vimm.s32 $0xB;
	v12 =	vimm.s32 $0xC;
	s23 =	simm.s32 $0x6;
	[dreg:$0x14] =	wrdreg s6;
	s6 =	sadd.s32 $0x27000, s29  }
0x22: {  	v13 =	vimm.s32 $0xD;
	v14 =	vimm.s32 $0xE;
	v15 =	vimm.s32 $0xF;
	s15 =	simm.s32 $0x180;
	s26 =	simm.s32 $0x0;
	[dreg:$0x15] =	wrdreg s6  }
.LBB2_1:
0x23: {  	s5 =	rddreg [dreg:$0x8]  }
0x24: {  	s6 =	rddreg [dreg:$0x4];
	s28 =	sshrl.u32 s5, $0x3  }
0x25: {  	[spmem:s28], [sflag:s11] =	dma.local [hbm:s6], $0x800  }
0x26: {  	_ =	swait.ge [sflag:s31], $0x800  }
0x27: {  	[sflag:s31] =	ssyncset.done $0x0;
	s13 =	rddreg [dreg:$0x9]  }
0x28: {  	[sflag:s31] =	ssyncadd.s32 $0xFFFFF800;
	s29 =	sshrl.u32 s13, $0x3  }
0x29: {  	[spmem:s29], [sflag:s11] =	dma.local [hbm:s6], $0x800  }
0x2a: {  	_ =	swait.ge [sflag:s31], $0x800  }
0x2b: {  	[sflag:s31] =	ssyncset.done $0x0;
	s14 =	rddreg [dreg:$0x11]  }
0x2c: {  	[sflag:s31] =	ssyncadd.s32 $0xFFFFF800;
	s30 =	sshrl.u32 s14, $0x3  }
0x2d: {  	[spmem:s30], [sflag:s11] =	dma.local [hbm:s6], $0x800  }
0x2e: {  	_ =	swait.ge [sflag:s31], $0x800  }
0x2f: {  	[sflag:s31] =	ssyncset.done $0x0;
	s5 =	rddreg [dreg:$0x18]  }
0x30: {  	[sflag:s31] =	ssyncadd.s32 $0xFFFFF800;
	s13 =	sshrl.u32 @p0 s5, $0x3;
	s5 =	simm.s32 @p0 $0x9  }
0x31: {  	[spmem:s13], [sflag:s11] =	dma.local @p0 [hbm:s6], $0x100  }
0x32: {  	_ =	swait.ge @p0 [sflag:s5], $0x100  }
0x33: {  	[sflag:s5] =	ssyncset.done @p0 $0x0  }
0x34: {  	[sflag:s5] =	ssyncadd.s32 @p0 $0xFFFFFF00;
	s5 =	rddreg [dreg:$0x12]  }
0x35: {  	s14 =	sshrl.u32 @!p0 s5, $0x3;
	s5 =	simm.s32 @!p0 $0x9  }
0x36: {  	[spmem:s14], [sflag:s11] =	dma.local @!p0 [hbm:s6], $0x800  }
0x37: {  	_ =	swait.ge @!p0 [sflag:s5], $0x800  }
0x38: {  	[sflag:s5] =	ssyncset.done @!p0 $0x0  }
0x39: {  	s7 =	rddreg [dreg:$0x17];
	[sflag:s5] =	ssyncadd.s32 @!p0 $0xFFFFF800  }
0x3a: {  	[spmem:s7], [sflag:s11] =	dma.local @!p0 [hbm:s6], $0x800  }
0x3b: {  	_ =	swait.ge @!p0 [sflag:s5], $0x800  }
0x3c: {  	[sflag:s5] =	ssyncset.done @!p0 $0x0  }
0x3d: {  	[sflag:s5] =	ssyncadd.s32 @!p0 $0xFFFFF800  }
0x3e: {  	[bflag:$0x0] =	sbarrier.arrive $0xFFFF  }
0x3f: {  	s5 =	simm.s32 $0x0;
	s24 =	rddreg [dreg:$0xc]  }
0x40: {  	[tilespmem:s5], [sflag:$0x1] =	stream.linear.gather [hbm4b:s24+s5], $0x80, $0x38;
	[tilespmem:$0x1BB80] =	vst v63  }
0x41: {  	s25 =	rddreg [dreg:$0xd]  }
0x42: {  	[tilespmem:s2], [sflag:$0x3] =	stream.linear.gather [hbm4b:s25+s5], $0x80, $0x38;
	[tilespmem:$0x1BB80] =	vst v63  }
0x43: {  	s9 =	simm.s32 $0x200;
	s7 =	rddreg [dreg:$0xe];
	s24 =	simm.s32 $0x1  }
0x44: {  	[tilespmem:s9], [sflag:$0x3] =	stream.linear.gather [hbm4b:s7+s5], $0x80, $0x38;
	[tilespmem:$0x1BB80] =	vst v63  }
0x45: {  	_ =	swait.ge [sflag:s24], $0x80  }
0x46: {  	[sflag:s24] =	ssyncset.done $0x0  }
0x47: {  	s25 =	simm.s32 $0x3;
	[sflag:s24] =	ssyncadd.s32 $0xFFFFFF80  }
0x48: {  	_ =	swait.ge [sflag:s25], $0x80  }
0x49: {  	[sflag:s25] =	ssyncset.done $0x0  }
0x4a: {  	[sflag:s25] =	ssyncadd.s32 $0xFFFFFF80  }
0x4b: {  	_ =	swait.ge [sflag:s25], $0x80  }
0x4c: {  	[sflag:s25] =	ssyncset.done $0x0;
	s6 =	rddreg [dreg:$0xa]  }
0x4d: {  	s24 =	simm.s32 $0x0;
	[sflag:s25] =	ssyncadd.s32 $0xFFFFFF80;
	s6 =	simm.s32 @p0 $0x4F  }
0x4e: {  	[tilespmem:s12], [sflag:$0x5] =	stream.indirect.gather [hbm4b:s0+s10], $0x80, s5, s10, $0xb8;
	[tilespmem:$0x1BB80] =	vst v63  }
.LBB2_2:
0x4f: {  	p1 =	seq.s32 s24, $0x0  }
0x50: {  	s25 =	sshll.u32 s24, $0x8;
	s5 =	simm.s32 @!p1 $0x8  }
0x51: {  	s9 =	sadd.s32 s25, s18;
	_ =	swait.ge @!p1 [sflag:s5], $0x4000  }
0x52: {  	s7 =	sshrl.u32 s9, $0x3;
	[sflag:s5] =	ssyncset.done @!p1 $0x0  }
0x53: {  	s9 =	simm.s32 $0x0;
	[sflag:s5] =	ssyncadd.s32 @!p1 $0xFFFFC000;
	s5 =	sadd.s32 s1, s7  }
0x54: {  	[tilespmem:s10], [sflag:$0x2] =	stream.linear.gather [hbm4b:s5+s9], $0x80, $0x38;
	[tilespmem:$0x1BB80] =	vst v63  }
0x55: {  	s5 =	sadd.s32 s3, s7  }
0x56: {  	[tilespmem:s15], [sflag:$0x4] =	stream.linear.gather [hbm4b:s5+s9], $0x80, $0x38;
	[tilespmem:$0x1BB80] =	vst v63  }
0x57: {  	s7 =	sadd.s32 s4, s7  }
0x58: {  	[tilespmem:s16], [sflag:$0x4] =	stream.linear.gather [hbm4b:s7+s9], $0x80, $0x38;
	[tilespmem:$0x1BB80] =	vst v63  }
0x59: {  	_ =	swait.ge [sflag:s17], $0x80  }
0x5a: {  	[sflag:s17] =	ssyncset.done $0x0  }
0x5b: {  	[sflag:s17] =	ssyncadd.s32 $0xFFFFFF80  }
0x5c: {  	_ =	swait.ge [sflag:s20], $0x80  }
0x5d: {  	[sflag:s20] =	ssyncset.done $0x0  }
0x5e: {  	[sflag:s20] =	ssyncadd.s32 $0xFFFFFF80  }
0x5f: {  	_ =	swait.ge [sflag:s20], $0x80  }
0x60: {  	[sflag:s20] =	ssyncset.done $0x0  }
0x61: {  	[sflag:s20] =	ssyncadd.s32 $0xFFFFFF80  }
0x62: {  	[tilespmem:s21], [sflag:$0x6] =	stream.indirect.gather [hbm4b:s0+s10], $0x80, s10, s10, $0xb8;
	[tilespmem:$0x1BB80] =	vst v63  }
0x63: {  	_ =	swait.ge [sflag:s22], $0x4000  }
0x64: {  	[sflag:s22] =	ssyncset.done $0x0  }
0x65: {  	[sflag:s22] =	ssyncadd.s32 $0xFFFFC000  }
.LBB2_3:
0x66: {  	s5 =	sshll.u32 s9, $0x4  }
0x67: {  	s5 =	sand.u32 $0x3FFFFFF0, s5  }
0x68: {  	s7 =	sshll.u32 s9, $0xB;
	v16 =	vld [tilespmem:s5+$0x200]  }
0x69: {  	s5 =	sand.u32 $0x3FFFF800, s7  }
0x6a: {  	v17 =	vld [tilespmem:s5+$0x300]  }
0x6b: {  	v18 =	vld [tilespmem:s5+$0x310]  }
0x6c: {  	v19 =	vld [tilespmem:s5+$0x320]  }
0x6d: {  	v21 =	vld [tilespmem:s5+$0x330];
	v20 =	vperm.xlane v16, v0  }
0x6e: {  	v22 =	vld [tilespmem:s5+$0x340]  }
0x6f: {  	v23 =	vld [tilespmem:s5+$0x350];
	v17 =	vmul.f32 v17, v20  }
0x70: {  	v24 =	vld [tilespmem:s5+$0x360];
	v18 =	vmul.f32 v18, v20  }
0x71: {  	v48 =	vld [tilespmem:s5+$0x370];
	[tilespmem:s5+$0x300] =	vst v17;
	v17 =	vmul.f32 v19, v20  }
0x72: {  	v50 =	vld [tilespmem:s5+$0x380];
	v49 =	vmul.f32 v21, v20;
	[tilespmem:s5+$0x310] =	vst v18  }
0x73: {  	v51 =	vld [tilespmem:s5+$0x390];
	[tilespmem:s5+$0x320] =	vst v17;
	v17 =	vmul.f32 v22, v20  }
0x74: {  	v53 =	vld [tilespmem:s5+$0x3A0];
	v52 =	vmul.f32 v23, v20;
	[tilespmem:s5+$0x330] =	vst v49  }
0x75: {  	v25 =	vld [tilespmem:s5+$0x3B0];
	v54 =	vperm.xlane v16, v1;
	[tilespmem:s5+$0x340] =	vst v17;
	v17 =	vmul.f32 v24, v20  }
0x76: {  	v56 =	vld [tilespmem:s5+$0x3C0];
	v55 =	vmul.f32 v48, v20;
	[tilespmem:s5+$0x350] =	vst v52  }
0x77: {  	v57 =	vld [tilespmem:s5+$0x3D0];
	[tilespmem:s5+$0x360] =	vst v17;
	v17 =	vmul.f32 v50, v54  }
0x78: {  	v59 =	vld [tilespmem:s5+$0x3E0];
	v58 =	vmul.f32 v51, v54;
	[tilespmem:s5+$0x370] =	vst v55  }
0x79: {  	v60 =	vld [tilespmem:s5+$0x3F0];
	[tilespmem:s5+$0x380] =	vst v17;
	v17 =	vmul.f32 v53, v54  }
0x7a: {  	v62 =	vld [tilespmem:s5+$0x400];
	v61 =	vmul.f32 v25, v54;
	[tilespmem:s5+$0x390] =	vst v58  }
0x7b: {  	v63 =	vld [tilespmem:s5+$0x410];
	[tilespmem:s5+$0x3A0] =	vst v17;
	v17 =	vmul.f32 v56, v54  }
0x7c: {  	v29 =	vld [tilespmem:s5+$0x420];
	v28 =	vmul.f32 v57, v54;
	[tilespmem:s5+$0x3B0] =	vst v61  }
0x7d: {  	v31 =	vld [tilespmem:s5+$0x430];
	v30 =	vperm.xlane v16, v2;
	[tilespmem:s5+$0x3C0] =	vst v17;
	v17 =	vmul.f32 v59, v54  }
0x7e: {  	v33 =	vld [tilespmem:s5+$0x440];
	v32 =	vmul.f32 v60, v54;
	[tilespmem:s5+$0x3D0] =	vst v28  }
0x7f: {  	v34 =	vld [tilespmem:s5+$0x450];
	[tilespmem:s5+$0x3E0] =	vst v17;
	v17 =	vmul.f32 v62, v30  }
0x80: {  	v36 =	vld [tilespmem:s5+$0x460];
	v35 =	vmul.f32 v63, v30;
	[tilespmem:s5+$0x3F0] =	vst v32  }
0x81: {  	v37 =	vld [tilespmem:s5+$0x470];
	[tilespmem:s5+$0x400] =	vst v17;
	v17 =	vmul.f32 v29, v30  }
0x82: {  	v39 =	vld [tilespmem:s5+$0x480];
	v38 =	vmul.f32 v31, v30;
	[tilespmem:s5+$0x410] =	vst v35  }
0x83: {  	v40 =	vld [tilespmem:s5+$0x490];
	[tilespmem:s5+$0x420] =	vst v17;
	v17 =	vmul.f32 v33, v30  }
0x84: {  	v42 =	vld [tilespmem:s5+$0x4A0];
	v41 =	vmul.f32 v34, v30;
	[tilespmem:s5+$0x430] =	vst v38  }
0x85: {  	v44 =	vld [tilespmem:s5+$0x4B0];
	v43 =	vperm.xlane v16, v3;
	[tilespmem:s5+$0x440] =	vst v17;
	v17 =	vmul.f32 v36, v30  }
0x86: {  	v46 =	vld [tilespmem:s5+$0x4C0];
	v45 =	vmul.f32 v37, v30;
	[tilespmem:s5+$0x450] =	vst v41  }
0x87: {  	v50 =	vld [tilespmem:s5+$0x4F0];
	[tilespmem:s5+$0x460] =	vst v17;
	v17 =	vmul.f32 v39, v43  }
0x88: {  	v48 =	vmul.f32 v40, v43;
	[tilespmem:s5+$0x470] =	vst v45;
	v49 =	vld [tilespmem:s5+$0x4E0]  }
0x89: {  	v47 =	vld [tilespmem:s5+$0x4D0];
	[tilespmem:s5+$0x480] =	vst v17;
	v17 =	vmul.f32 v42, v43  }
0x8a: {  	v51 =	vmul.f32 v44, v43;
	[tilespmem:s5+$0x490] =	vst v48;
	v52 =	vld [tilespmem:s5+$0x500]  }
0x8b: {  	v57 =	vld [tilespmem:s5+$0x530];
	[tilespmem:s5+$0x4A0] =	vst v17;
	v17 =	vmul.f32 v46, v43  }
0x8c: {  	[tilespmem:s5+$0x4B0] =	vst v51;
	v55 =	vld [tilespmem:s5+$0x520];
	v58 =	vmul.f32 v50, v43  }
0x8d: {  	v60 =	vld [tilespmem:s5+$0x550];
	v56 =	vperm.xlane v16, v4;
	[tilespmem:s5+$0x4C0] =	vst v17;
	v17 =	vmul.f32 v49, v43  }
0x8e: {  	v54 =	vmul.f32 v47, v43;
	v59 =	vld [tilespmem:s5+$0x540];
	[tilespmem:s5+$0x4F0] =	vst v58  }
0x8f: {  	v63 =	vld [tilespmem:s5+$0x570];
	[tilespmem:s5+$0x4E0] =	vst v17;
	v17 =	vmul.f32 v52, v56  }
0x90: {  	v28 =	vmul.f32 v57, v56;
	[tilespmem:s5+$0x4D0] =	vst v54;
	v62 =	vld [tilespmem:s5+$0x560]  }
0x91: {  	v53 =	vld [tilespmem:s5+$0x510];
	[tilespmem:s5+$0x500] =	vst v17;
	v17 =	vmul.f32 v55, v56  }
0x92: {  	v31 =	vmul.f32 v60, v56;
	[tilespmem:s5+$0x530] =	vst v28;
	v29 =	vld [tilespmem:s5+$0x580]  }
0x93: {  	v34 =	vld [tilespmem:s5+$0x5B0];
	[tilespmem:s5+$0x520] =	vst v17;
	v17 =	vmul.f32 v59, v56  }
0x94: {  	v32 =	vld [tilespmem:s5+$0x5A0];
	v35 =	vmul.f32 v63, v56;
	[tilespmem:s5+$0x550] =	vst v31  }
0x95: {  	v37 =	vld [tilespmem:s5+$0x5D0];
	v33 =	vperm.xlane v16, v5;
	[tilespmem:s5+$0x540] =	vst v17;
	v17 =	vmul.f32 v62, v56  }
0x96: {  	v61 =	vmul.f32 v53, v56;
	[tilespmem:s5+$0x570] =	vst v35;
	v36 =	vld [tilespmem:s5+$0x5C0]  }
0x97: {  	v40 =	vld [tilespmem:s5+$0x5F0];
	[tilespmem:s5+$0x560] =	vst v17;
	v17 =	vmul.f32 v29, v33  }
0x98: {  	[tilespmem:s5+$0x510] =	vst v61;
	v41 =	vmul.f32 v34, v33;
	v39 =	vld [tilespmem:s5+$0x5E0]  }
0x99: {  	v30 =	vld [tilespmem:s5+$0x590];
	[tilespmem:s5+$0x580] =	vst v17;
	v17 =	vmul.f32 v32, v33  }
0x9a: {  	v44 =	vmul.f32 v37, v33;
	[tilespmem:s5+$0x5B0] =	vst v41;
	v42 =	vld [tilespmem:s5+$0x600]  }
0x9b: {  	v47 =	vld [tilespmem:s5+$0x630];
	[tilespmem:s5+$0x5A0] =	vst v17;
	v17 =	vmul.f32 v36, v33  }
0x9c: {  	v45 =	vld [tilespmem:s5+$0x620];
	v48 =	vmul.f32 v40, v33;
	[tilespmem:s5+$0x5D0] =	vst v44  }
0x9d: {  	v50 =	vld [tilespmem:s5+$0x650];
	v46 =	vperm.xlane v16, v6;
	[tilespmem:s5+$0x5C0] =	vst v17;
	v17 =	vmul.f32 v39, v33  }
0x9e: {  	[tilespmem:s5+$0x5F0] =	vst v48;
	v38 =	vmul.f32 v30, v33;
	v49 =	vld [tilespmem:s5+$0x640]  }
0x9f: {  	v53 =	vld [tilespmem:s5+$0x670];
	[tilespmem:s5+$0x5E0] =	vst v17;
	v17 =	vmul.f32 v42, v46  }
0xa0: {  	[tilespmem:s5+$0x590] =	vst v38;
	v54 =	vmul.f32 v47, v46;
	v52 =	vld [tilespmem:s5+$0x660]  }
0xa1: {  	v43 =	vld [tilespmem:s5+$0x610];
	[tilespmem:s5+$0x600] =	vst v17;
	v17 =	vmul.f32 v45, v46  }
0xa2: {  	v57 =	vmul.f32 v50, v46;
	[tilespmem:s5+$0x630] =	vst v54;
	v55 =	vld [tilespmem:s5+$0x680]  }
0xa3: {  	v60 =	vld [tilespmem:s5+$0x6B0];
	[tilespmem:s5+$0x620] =	vst v17;
	v17 =	vmul.f32 v49, v46  }
0xa4: {  	v58 =	vld [tilespmem:s5+$0x6A0];
	v61 =	vmul.f32 v53, v46;
	[tilespmem:s5+$0x650] =	vst v57  }
0xa5: {  	v63 =	vld [tilespmem:s5+$0x6D0];
	v59 =	vperm.xlane v16, v7;
	[tilespmem:s5+$0x640] =	vst v17;
	v17 =	vmul.f32 v52, v46  }
0xa6: {  	[tilespmem:s5+$0x670] =	vst v61;
	v51 =	vmul.f32 v43, v46;
	v62 =	vld [tilespmem:s5+$0x6C0]  }
0xa7: {  	v30 =	vld [tilespmem:s5+$0x6F0];
	[tilespmem:s5+$0x660] =	vst v17;
	v17 =	vmul.f32 v55, v59  }
0xa8: {  	[tilespmem:s5+$0x610] =	vst v51;
	v31 =	vmul.f32 v60, v59;
	v29 =	vld [tilespmem:s5+$0x6E0]  }
0xa9: {  	v56 =	vld [tilespmem:s5+$0x690];
	[tilespmem:s5+$0x680] =	vst v17;
	v17 =	vmul.f32 v58, v59  }
0xaa: {  	v34 =	vmul.f32 v63, v59;
	[tilespmem:s5+$0x6B0] =	vst v31;
	v32 =	vld [tilespmem:s5+$0x700]  }
0xab: {  	v37 =	vld [tilespmem:s5+$0x730];
	[tilespmem:s5+$0x6A0] =	vst v17;
	v17 =	vmul.f32 v62, v59  }
0xac: {  	v35 =	vld [tilespmem:s5+$0x720];
	v38 =	vmul.f32 v30, v59;
	[tilespmem:s5+$0x6D0] =	vst v34  }
0xad: {  	v40 =	vld [tilespmem:s5+$0x750];
	v36 =	vperm.xlane v16, v8;
	[tilespmem:s5+$0x6C0] =	vst v17;
	v17 =	vmul.f32 v29, v59  }
0xae: {  	[tilespmem:s5+$0x6F0] =	vst v38;
	v28 =	vmul.f32 v56, v59;
	v39 =	vld [tilespmem:s5+$0x740]  }
0xaf: {  	v43 =	vld [tilespmem:s5+$0x770];
	[tilespmem:s5+$0x6E0] =	vst v17;
	v17 =	vmul.f32 v32, v36  }
0xb0: {  	[tilespmem:s5+$0x690] =	vst v28;
	v44 =	vmul.f32 v37, v36;
	v42 =	vld [tilespmem:s5+$0x760]  }
0xb1: {  	v33 =	vld [tilespmem:s5+$0x710];
	[tilespmem:s5+$0x700] =	vst v17;
	v17 =	vmul.f32 v35, v36  }
0xb2: {  	v47 =	vmul.f32 v40, v36;
	[tilespmem:s5+$0x730] =	vst v44;
	v45 =	vld [tilespmem:s5+$0x780]  }
0xb3: {  	v50 =	vld [tilespmem:s5+$0x7B0];
	[tilespmem:s5+$0x720] =	vst v17;
	v17 =	vmul.f32 v39, v36  }
0xb4: {  	v48 =	vld [tilespmem:s5+$0x7A0];
	v51 =	vmul.f32 v43, v36;
	[tilespmem:s5+$0x750] =	vst v47  }
0xb5: {  	v53 =	vld [tilespmem:s5+$0x7D0];
	v49 =	vperm.xlane v16, v9;
	[tilespmem:s5+$0x740] =	vst v17;
	v17 =	vmul.f32 v42, v36  }
0xb6: {  	[tilespmem:s5+$0x770] =	vst v51;
	v41 =	vmul.f32 v33, v36;
	v52 =	vld [tilespmem:s5+$0x7C0]  }
0xb7: {  	v56 =	vld [tilespmem:s5+$0x7F0];
	[tilespmem:s5+$0x760] =	vst v17;
	v17 =	vmul.f32 v45, v49  }
0xb8: {  	[tilespmem:s5+$0x710] =	vst v41;
	v57 =	vmul.f32 v50, v49;
	v55 =	vld [tilespmem:s5+$0x7E0]  }
0xb9: {  	v46 =	vld [tilespmem:s5+$0x790];
	[tilespmem:s5+$0x780] =	vst v17;
	v17 =	vmul.f32 v48, v49  }
0xba: {  	v60 =	vmul.f32 v53, v49;
	[tilespmem:s5+$0x7B0] =	vst v57;
	v58 =	vld [tilespmem:s5+$0x800]  }
0xbb: {  	v63 =	vld [tilespmem:s5+$0x830];
	[tilespmem:s5+$0x7A0] =	vst v17;
	v17 =	vmul.f32 v52, v49  }
0xbc: {  	v61 =	vld [tilespmem:s5+$0x820];
	v28 =	vmul.f32 v56, v49;
	[tilespmem:s5+$0x7D0] =	vst v60  }
0xbd: {  	v30 =	vld [tilespmem:s5+$0x850];
	v62 =	vperm.xlane v16, v10;
	[tilespmem:s5+$0x7C0] =	vst v17;
	v17 =	vmul.f32 v55, v49  }
0xbe: {  	[tilespmem:s5+$0x7F0] =	vst v28;
	v54 =	vmul.f32 v46, v49;
	v29 =	vld [tilespmem:s5+$0x840]  }
0xbf: {  	v33 =	vld [tilespmem:s5+$0x870];
	[tilespmem:s5+$0x7E0] =	vst v17;
	v17 =	vmul.f32 v58, v62  }
0xc0: {  	[tilespmem:s5+$0x790] =	vst v54;
	v34 =	vmul.f32 v63, v62;
	v32 =	vld [tilespmem:s5+$0x860]  }
0xc1: {  	v59 =	vld [tilespmem:s5+$0x810];
	[tilespmem:s5+$0x800] =	vst v17;
	v17 =	vmul.f32 v61, v62  }
0xc2: {  	v37 =	vmul.f32 v30, v62;
	[tilespmem:s5+$0x830] =	vst v34;
	v35 =	vld [tilespmem:s5+$0x880]  }
0xc3: {  	v40 =	vld [tilespmem:s5+$0x8B0];
	[tilespmem:s5+$0x820] =	vst v17;
	v17 =	vmul.f32 v29, v62  }
0xc4: {  	v38 =	vld [tilespmem:s5+$0x8A0];
	v41 =	vmul.f32 v33, v62;
	[tilespmem:s5+$0x850] =	vst v37  }
0xc5: {  	v43 =	vld [tilespmem:s5+$0x8D0];
	v39 =	vperm.xlane v16, v11;
	[tilespmem:s5+$0x840] =	vst v17;
	v17 =	vmul.f32 v32, v62  }
0xc6: {  	[tilespmem:s5+$0x870] =	vst v41;
	v31 =	vmul.f32 v59, v62;
	v42 =	vld [tilespmem:s5+$0x8C0]  }
0xc7: {  	v46 =	vld [tilespmem:s5+$0x8F0];
	[tilespmem:s5+$0x860] =	vst v17;
	v17 =	vmul.f32 v35, v39  }
0xc8: {  	[tilespmem:s5+$0x810] =	vst v31;
	v47 =	vmul.f32 v40, v39;
	v45 =	vld [tilespmem:s5+$0x8E0]  }
0xc9: {  	v36 =	vld [tilespmem:s5+$0x890];
	[tilespmem:s5+$0x880] =	vst v17;
	v17 =	vmul.f32 v38, v39  }
0xca: {  	v50 =	vmul.f32 v43, v39;
	[tilespmem:s5+$0x8B0] =	vst v47;
	v48 =	vld [tilespmem:s5+$0x900]  }
0xcb: {  	v53 =	vld [tilespmem:s5+$0x930];
	[tilespmem:s5+$0x8A0] =	vst v17;
	v17 =	vmul.f32 v42, v39  }
0xcc: {  	v51 =	vld [tilespmem:s5+$0x920];
	v54 =	vmul.f32 v46, v39;
	[tilespmem:s5+$0x8D0] =	vst v50  }
0xcd: {  	v56 =	vld [tilespmem:s5+$0x950];
	v52 =	vperm.xlane v16, v12;
	[tilespmem:s5+$0x8C0] =	vst v17;
	v17 =	vmul.f32 v45, v39  }
0xce: {  	[tilespmem:s5+$0x8F0] =	vst v54;
	v44 =	vmul.f32 v36, v39;
	v55 =	vld [tilespmem:s5+$0x940]  }
0xcf: {  	v59 =	vld [tilespmem:s5+$0x970];
	[tilespmem:s5+$0x8E0] =	vst v17;
	v17 =	vmul.f32 v48, v52  }
0xd0: {  	[tilespmem:s5+$0x890] =	vst v44;
	v60 =	vmul.f32 v53, v52;
	v58 =	vld [tilespmem:s5+$0x960]  }
0xd1: {  	v49 =	vld [tilespmem:s5+$0x910];
	[tilespmem:s5+$0x900] =	vst v17;
	v17 =	vmul.f32 v51, v52  }
0xd2: {  	v63 =	vmul.f32 v56, v52;
	[tilespmem:s5+$0x930] =	vst v60;
	v61 =	vld [tilespmem:s5+$0x980]  }
0xd3: {  	v30 =	vld [tilespmem:s5+$0x9B0];
	[tilespmem:s5+$0x920] =	vst v17;
	v17 =	vmul.f32 v55, v52  }
0xd4: {  	v28 =	vld [tilespmem:s5+$0x9A0];
	v31 =	vmul.f32 v59, v52;
	[tilespmem:s5+$0x950] =	vst v63  }
0xd5: {  	v33 =	vld [tilespmem:s5+$0x9D0];
	v29 =	vperm.xlane v16, v13;
	[tilespmem:s5+$0x940] =	vst v17;
	v17 =	vmul.f32 v58, v52  }
0xd6: {  	[tilespmem:s5+$0x970] =	vst v31;
	v57 =	vmul.f32 v49, v52;
	v32 =	vld [tilespmem:s5+$0x9C0]  }
0xd7: {  	v36 =	vld [tilespmem:s5+$0x9F0];
	[tilespmem:s5+$0x960] =	vst v17;
	v17 =	vmul.f32 v61, v29  }
0xd8: {  	[tilespmem:s5+$0x910] =	vst v57;
	v37 =	vmul.f32 v30, v29;
	v35 =	vld [tilespmem:s5+$0x9E0]  }
0xd9: {  	v62 =	vld [tilespmem:s5+$0x990];
	[tilespmem:s5+$0x980] =	vst v17;
	v17 =	vmul.f32 v28, v29  }
0xda: {  	v40 =	vmul.f32 v33, v29;
	[tilespmem:s5+$0x9B0] =	vst v37;
	v38 =	vld [tilespmem:s5+$0xA00]  }
0xdb: {  	v43 =	vld [tilespmem:s5+$0xA30];
	[tilespmem:s5+$0x9A0] =	vst v17;
	v17 =	vmul.f32 v32, v29  }
0xdc: {  	v41 =	vld [tilespmem:s5+$0xA20];
	v44 =	vmul.f32 v36, v29;
	[tilespmem:s5+$0x9D0] =	vst v40  }
0xdd: {  	v46 =	vld [tilespmem:s5+$0xA50];
	v42 =	vperm.xlane v16, v14;
	[tilespmem:s5+$0x9C0] =	vst v17;
	v17 =	vmul.f32 v35, v29  }
0xde: {  	[tilespmem:s5+$0x9F0] =	vst v44;
	v34 =	vmul.f32 v62, v29;
	v45 =	vld [tilespmem:s5+$0xA40]  }
0xdf: {  	v49 =	vld [tilespmem:s5+$0xA70];
	[tilespmem:s5+$0x9E0] =	vst v17;
	v17 =	vmul.f32 v38, v42  }
0xe0: {  	[tilespmem:s5+$0x990] =	vst v34;
	v50 =	vmul.f32 v43, v42;
	v48 =	vld [tilespmem:s5+$0xA60]  }
0xe1: {  	v39 =	vld [tilespmem:s5+$0xA10];
	[tilespmem:s5+$0xA00] =	vst v17;
	v17 =	vmul.f32 v41, v42  }
0xe2: {  	v53 =	vmul.f32 v46, v42;
	[tilespmem:s5+$0xA30] =	vst v50;
	v51 =	vld [tilespmem:s5+$0xA80]  }
0xe3: {  	v55 =	vld [tilespmem:s5+$0xAB0];
	[tilespmem:s5+$0xA20] =	vst v17;
	v17 =	vmul.f32 v45, v42  }
0xe4: {  	v54 =	vld [tilespmem:s5+$0xAA0];
	v56 =	vmul.f32 v49, v42;
	[tilespmem:s5+$0xA50] =	vst v53  }
0xe5: {  	v16 =	vperm.xlane v16, v15;
	v52 =	vld [tilespmem:s5+$0xA90];
	[tilespmem:s5+$0xA40] =	vst v17;
	v17 =	vmul.f32 v48, v42  }
0xe6: {  	v57 =	vld [tilespmem:s5+$0xAC0];
	[tilespmem:s5+$0xA70] =	vst v56;
	v47 =	vmul.f32 v39, v42  }
0xe7: {  	v58 =	vld [tilespmem:s5+$0xAD0];
	[tilespmem:s5+$0xA60] =	vst v17;
	v17 =	vmul.f32 v51, v16  }
0xe8: {  	v60 =	vld [tilespmem:s5+$0xAE0];
	[tilespmem:s5+$0xA10] =	vst v47;
	v62 =	vmul.f32 v55, v16  }
0xe9: {  	v61 =	vld [tilespmem:s5+$0xAF0];
	[tilespmem:s5+$0xA80] =	vst v17;
	v17 =	vmul.f32 v54, v16  }
0xea: {  	v59 =	vmul.f32 v52, v16;
	[tilespmem:s5+$0xAB0] =	vst v62  }
0xeb: {  	p1 =	sne.s32 s9, $0x7;
	[tilespmem:s5+$0xAA0] =	vst v17;
	v17 =	vmul.f32 v57, v16  }
.Ltmp0:
0xec: {  	v63 =	vmul.f32 v58, v16;
	[tilespmem:s5+$0xA90] =	vst v59;
	(pc) =	sbr.rel @p1 .LBB2_3-.Ltmp0, $4  }
0xed: {  	[tilespmem:s5+$0xAC0] =	vst v17;
	v17 =	vmul.f32 v60, v16  }
0xee: {  	[tilespmem:s5+$0xAD0] =	vst v63;
	v16 =	vmul.f32 v61, v16  }
0xef: {  	[tilespmem:s5+$0xAE0] =	vst v17  }
0xf0: {  	s9 =	sadd.s32 $0x1, s9;
	[tilespmem:s5+$0xAF0] =	vst v16  }
0xf1: {  	[spmem:s8] =	stream.indirect.scatter.add.f32 [tilespmem:s12], [sflag:$0x7], $0x80, s2, s10, $0xb8;
	[tilespmem:$0x1BB80] =	vst v63  }
0xf2: {  	p1 =	seq.s32 s24, $0x27  }
0xf3: {  	s5 =	simm.s32 @!p1 $0x7  }
0xf4: {  	s7 =	sadd.s32 @!p1 s25, s19;
	_ =	swait.ge @!p1 [sflag:s5], $0x4000  }
0xf5: {  	s7 =	sshrl.u32 @!p1 s7, $0x3;
	[sflag:s5] =	ssyncset.done @!p1 $0x0  }
0xf6: {  	s9 =	simm.s32 @!p1 $0x0;
	[sflag:s5] =	ssyncadd.s32 @!p1 $0xFFFFC000;
	s5 =	sadd.s32 @!p1 s1, s7  }
0xf7: {  	[tilespmem:s9], [sflag:$0x1] =	stream.linear.gather @!p1 [hbm4b:s5+s9], $0x80, $0x38;
	[tilespmem:$0x1BB80] =	vst v63  }
0xf8: {  	s25 =	simm.s32 @!p1 $0x100;
	s5 =	sadd.s32 @!p1 s3, s7  }
0xf9: {  	[tilespmem:s25], [sflag:$0x3] =	stream.linear.gather @!p1 [hbm4b:s5+s9], $0x80, $0x38;
	[tilespmem:$0x1BB80] =	vst v63  }
0xfa: {  	s5 =	sadd.s32 @!p1 s4, s7;
	s7 =	simm.s32 @!p1 $0x200  }
0xfb: {  	[tilespmem:s7], [sflag:$0x3] =	stream.linear.gather @!p1 [hbm4b:s5+s9], $0x80, $0x38;
	[tilespmem:$0x1BB80] =	vst v63  }
0xfc: {  	s5 =	simm.s32 @!p1 $0x1  }
0xfd: {  	_ =	swait.ge @!p1 [sflag:s5], $0x80  }
0xfe: {  	[sflag:s5] =	ssyncset.done @!p1 $0x0  }
0xff: {  	[sflag:s5] =	ssyncadd.s32 @!p1 $0xFFFFFF80;
	s5 =	simm.s32 @!p1 $0x3  }
0x100: {  	_ =	swait.ge @!p1 [sflag:s5], $0x80  }
0x101: {  	[sflag:s5] =	ssyncset.done @!p1 $0x0  }
0x102: {  	[sflag:s5] =	ssyncadd.s32 @!p1 $0xFFFFFF80  }
0x103: {  	_ =	swait.ge @!p1 [sflag:s5], $0x80  }
0x104: {  	[sflag:s5] =	ssyncset.done @!p1 $0x0  }
0x105: {  	s7 =	simm.s32 @!p1 $0x300;
	[sflag:s5] =	ssyncadd.s32 @!p1 $0xFFFFFF80;
	s5 =	simm.s32 @!p1 $0x80  }
0x106: {  	[tilespmem:s7], [sflag:$0x5] =	stream.indirect.gather @!p1 [hbm4b:s0+s5], $0x80, s9, s5, $0xb8;
	[tilespmem:$0x1BB80] =	vst v63  }
0x107: {  	_ =	swait.ge [sflag:s23], $0x4000  }
0x108: {  	[sflag:s23] =	ssyncset.done $0x0  }
0x109: {  	s9 =	simm.s32 $0x0;
	[sflag:s23] =	ssyncadd.s32 $0xFFFFC000  }
.LBB2_5:
0x10a: {  	s5 =	sshll.u32 s9, $0x4  }
0x10b: {  	s5 =	sand.u32 $0x3FFFFFF0, s5  }
0x10c: {  	s25 =	sshll.u32 s9, $0xB;
	v16 =	vld [tilespmem:s5+$0x280]  }
0x10d: {  	s5 =	sand.u32 $0x3FFFF800, s25  }
0x10e: {  	v17 =	vld [tilespmem:s5+$0x4300]  }
0x10f: {  	v18 =	vld [tilespmem:s5+$0x4310]  }
0x110: {  	v19 =	vld [tilespmem:s5+$0x4320]  }
0x111: {  	v21 =	vld [tilespmem:s5+$0x4330];
	v20 =	vperm.xlane v16, v0  }
0x112: {  	v22 =	vld [tilespmem:s5+$0x4340]  }
0x113: {  	v23 =	vld [tilespmem:s5+$0x4350];
	v17 =	vmul.f32 v17, v20  }
0x114: {  	v24 =	vld [tilespmem:s5+$0x4360];
	v18 =	vmul.f32 v18, v20  }
0x115: {  	v48 =	vld [tilespmem:s5+$0x4370];
	[tilespmem:s5+$0x4300] =	vst v17;
	v17 =	vmul.f32 v19, v20  }
0x116: {  	v50 =	vld [tilespmem:s5+$0x4380];
	v49 =	vmul.f32 v21, v20;
	[tilespmem:s5+$0x4310] =	vst v18  }
0x117: {  	v51 =	vld [tilespmem:s5+$0x4390];
	[tilespmem:s5+$0x4320] =	vst v17;
	v17 =	vmul.f32 v22, v20  }
0x118: {  	v53 =	vld [tilespmem:s5+$0x43A0];
	v52 =	vmul.f32 v23, v20;
	[tilespmem:s5+$0x4330] =	vst v49  }
0x119: {  	v25 =	vld [tilespmem:s5+$0x43B0];
	v54 =	vperm.xlane v16, v1;
	[tilespmem:s5+$0x4340] =	vst v17;
	v17 =	vmul.f32 v24, v20  }
0x11a: {  	v56 =	vld [tilespmem:s5+$0x43C0];
	v55 =	vmul.f32 v48, v20;
	[tilespmem:s5+$0x4350] =	vst v52  }
0x11b: {  	v57 =	vld [tilespmem:s5+$0x43D0];
	[tilespmem:s5+$0x4360] =	vst v17;
	v17 =	vmul.f32 v50, v54  }
0x11c: {  	v59 =	vld [tilespmem:s5+$0x43E0];
	v58 =	vmul.f32 v51, v54;
	[tilespmem:s5+$0x4370] =	vst v55  }
0x11d: {  	v60 =	vld [tilespmem:s5+$0x43F0];
	[tilespmem:s5+$0x4380] =	vst v17;
	v17 =	vmul.f32 v53, v54  }
0x11e: {  	v62 =	vld [tilespmem:s5+$0x4400];
	v61 =	vmul.f32 v25, v54;
	[tilespmem:s5+$0x4390] =	vst v58  }
0x11f: {  	v63 =	vld [tilespmem:s5+$0x4410];
	[tilespmem:s5+$0x43A0] =	vst v17;
	v17 =	vmul.f32 v56, v54  }
0x120: {  	v29 =	vld [tilespmem:s5+$0x4420];
	v28 =	vmul.f32 v57, v54;
	[tilespmem:s5+$0x43B0] =	vst v61  }
0x121: {  	v31 =	vld [tilespmem:s5+$0x4430];
	v30 =	vperm.xlane v16, v2;
	[tilespmem:s5+$0x43C0] =	vst v17;
	v17 =	vmul.f32 v59, v54  }
0x122: {  	v33 =	vld [tilespmem:s5+$0x4440];
	v32 =	vmul.f32 v60, v54;
	[tilespmem:s5+$0x43D0] =	vst v28  }
0x123: {  	v34 =	vld [tilespmem:s5+$0x4450];
	[tilespmem:s5+$0x43E0] =	vst v17;
	v17 =	vmul.f32 v62, v30  }
0x124: {  	v36 =	vld [tilespmem:s5+$0x4460];
	v35 =	vmul.f32 v63, v30;
	[tilespmem:s5+$0x43F0] =	vst v32  }
0x125: {  	v37 =	vld [tilespmem:s5+$0x4470];
	[tilespmem:s5+$0x4400] =	vst v17;
	v17 =	vmul.f32 v29, v30  }
0x126: {  	v39 =	vld [tilespmem:s5+$0x4480];
	v38 =	vmul.f32 v31, v30;
	[tilespmem:s5+$0x4410] =	vst v35  }
0x127: {  	v40 =	vld [tilespmem:s5+$0x4490];
	[tilespmem:s5+$0x4420] =	vst v17;
	v17 =	vmul.f32 v33, v30  }
0x128: {  	v42 =	vld [tilespmem:s5+$0x44A0];
	v41 =	vmul.f32 v34, v30;
	[tilespmem:s5+$0x4430] =	vst v38  }
0x129: {  	v44 =	vld [tilespmem:s5+$0x44B0];
	v43 =	vperm.xlane v16, v3;
	[tilespmem:s5+$0x4440] =	vst v17;
	v17 =	vmul.f32 v36, v30  }
0x12a: {  	v46 =	vld [tilespmem:s5+$0x44C0];
	v45 =	vmul.f32 v37, v30;
	[tilespmem:s5+$0x4450] =	vst v41  }
0x12b: {  	v50 =	vld [tilespmem:s5+$0x44F0];
	[tilespmem:s5+$0x4460] =	vst v17;
	v17 =	vmul.f32 v39, v43  }
0x12c: {  	v48 =	vmul.f32 v40, v43;
	[tilespmem:s5+$0x4470] =	vst v45;
	v49 =	vld [tilespmem:s5+$0x44E0]  }
0x12d: {  	v47 =	vld [tilespmem:s5+$0x44D0];
	[tilespmem:s5+$0x4480] =	vst v17;
	v17 =	vmul.f32 v42, v43  }
0x12e: {  	v51 =	vmul.f32 v44, v43;
	[tilespmem:s5+$0x4490] =	vst v48;
	v52 =	vld [tilespmem:s5+$0x4500]  }
0x12f: {  	v57 =	vld [tilespmem:s5+$0x4530];
	[tilespmem:s5+$0x44A0] =	vst v17;
	v17 =	vmul.f32 v46, v43  }
0x130: {  	[tilespmem:s5+$0x44B0] =	vst v51;
	v55 =	vld [tilespmem:s5+$0x4520];
	v58 =	vmul.f32 v50, v43  }
0x131: {  	v60 =	vld [tilespmem:s5+$0x4550];
	v56 =	vperm.xlane v16, v4;
	[tilespmem:s5+$0x44C0] =	vst v17;
	v17 =	vmul.f32 v49, v43  }
0x132: {  	v54 =	vmul.f32 v47, v43;
	v59 =	vld [tilespmem:s5+$0x4540];
	[tilespmem:s5+$0x44F0] =	vst v58  }
0x133: {  	v63 =	vld [tilespmem:s5+$0x4570];
	[tilespmem:s5+$0x44E0] =	vst v17;
	v17 =	vmul.f32 v52, v56  }
0x134: {  	v28 =	vmul.f32 v57, v56;
	[tilespmem:s5+$0x44D0] =	vst v54;
	v62 =	vld [tilespmem:s5+$0x4560]  }
0x135: {  	v53 =	vld [tilespmem:s5+$0x4510];
	[tilespmem:s5+$0x4500] =	vst v17;
	v17 =	vmul.f32 v55, v56  }
0x136: {  	v31 =	vmul.f32 v60, v56;
	[tilespmem:s5+$0x4530] =	vst v28;
	v29 =	vld [tilespmem:s5+$0x4580]  }
0x137: {  	v34 =	vld [tilespmem:s5+$0x45B0];
	[tilespmem:s5+$0x4520] =	vst v17;
	v17 =	vmul.f32 v59, v56  }
0x138: {  	v32 =	vld [tilespmem:s5+$0x45A0];
	v35 =	vmul.f32 v63, v56;
	[tilespmem:s5+$0x4550] =	vst v31  }
0x139: {  	v37 =	vld [tilespmem:s5+$0x45D0];
	v33 =	vperm.xlane v16, v5;
	[tilespmem:s5+$0x4540] =	vst v17;
	v17 =	vmul.f32 v62, v56  }
0x13a: {  	v61 =	vmul.f32 v53, v56;
	[tilespmem:s5+$0x4570] =	vst v35;
	v36 =	vld [tilespmem:s5+$0x45C0]  }
0x13b: {  	v40 =	vld [tilespmem:s5+$0x45F0];
	[tilespmem:s5+$0x4560] =	vst v17;
	v17 =	vmul.f32 v29, v33  }
0x13c: {  	[tilespmem:s5+$0x4510] =	vst v61;
	v41 =	vmul.f32 v34, v33;
	v39 =	vld [tilespmem:s5+$0x45E0]  }
0x13d: {  	v30 =	vld [tilespmem:s5+$0x4590];
	[tilespmem:s5+$0x4580] =	vst v17;
	v17 =	vmul.f32 v32, v33  }
0x13e: {  	v44 =	vmul.f32 v37, v33;
	[tilespmem:s5+$0x45B0] =	vst v41;
	v42 =	vld [tilespmem:s5+$0x4600]  }
0x13f: {  	v47 =	vld [tilespmem:s5+$0x4630];
	[tilespmem:s5+$0x45A0] =	vst v17;
	v17 =	vmul.f32 v36, v33  }
0x140: {  	v45 =	vld [tilespmem:s5+$0x4620];
	v48 =	vmul.f32 v40, v33;
	[tilespmem:s5+$0x45D0] =	vst v44  }
0x141: {  	v50 =	vld [tilespmem:s5+$0x4650];
	v46 =	vperm.xlane v16, v6;
	[tilespmem:s5+$0x45C0] =	vst v17;
	v17 =	vmul.f32 v39, v33  }
0x142: {  	[tilespmem:s5+$0x45F0] =	vst v48;
	v38 =	vmul.f32 v30, v33;
	v49 =	vld [tilespmem:s5+$0x4640]  }
0x143: {  	v53 =	vld [tilespmem:s5+$0x4670];
	[tilespmem:s5+$0x45E0] =	vst v17;
	v17 =	vmul.f32 v42, v46  }
0x144: {  	[tilespmem:s5+$0x4590] =	vst v38;
	v54 =	vmul.f32 v47, v46;
	v52 =	vld [tilespmem:s5+$0x4660]  }
0x145: {  	v43 =	vld [tilespmem:s5+$0x4610];
	[tilespmem:s5+$0x4600] =	vst v17;
	v17 =	vmul.f32 v45, v46  }
0x146: {  	v57 =	vmul.f32 v50, v46;
	[tilespmem:s5+$0x4630] =	vst v54;
	v55 =	vld [tilespmem:s5+$0x4680]  }
0x147: {  	v60 =	vld [tilespmem:s5+$0x46B0];
	[tilespmem:s5+$0x4620] =	vst v17;
	v17 =	vmul.f32 v49, v46  }
0x148: {  	v58 =	vld [tilespmem:s5+$0x46A0];
	v61 =	vmul.f32 v53, v46;
	[tilespmem:s5+$0x4650] =	vst v57  }
0x149: {  	v63 =	vld [tilespmem:s5+$0x46D0];
	v59 =	vperm.xlane v16, v7;
	[tilespmem:s5+$0x4640] =	vst v17;
	v17 =	vmul.f32 v52, v46  }
0x14a: {  	[tilespmem:s5+$0x4670] =	vst v61;
	v51 =	vmul.f32 v43, v46;
	v62 =	vld [tilespmem:s5+$0x46C0]  }
0x14b: {  	v30 =	vld [tilespmem:s5+$0x46F0];
	[tilespmem:s5+$0x4660] =	vst v17;
	v17 =	vmul.f32 v55, v59  }
0x14c: {  	[tilespmem:s5+$0x4610] =	vst v51;
	v31 =	vmul.f32 v60, v59;
	v29 =	vld [tilespmem:s5+$0x46E0]  }
0x14d: {  	v56 =	vld [tilespmem:s5+$0x4690];
	[tilespmem:s5+$0x4680] =	vst v17;
	v17 =	vmul.f32 v58, v59  }
0x14e: {  	v34 =	vmul.f32 v63, v59;
	[tilespmem:s5+$0x46B0] =	vst v31;
	v32 =	vld [tilespmem:s5+$0x4700]  }
0x14f: {  	v37 =	vld [tilespmem:s5+$0x4730];
	[tilespmem:s5+$0x46A0] =	vst v17;
	v17 =	vmul.f32 v62, v59  }
0x150: {  	v35 =	vld [tilespmem:s5+$0x4720];
	v38 =	vmul.f32 v30, v59;
	[tilespmem:s5+$0x46D0] =	vst v34  }
0x151: {  	v40 =	vld [tilespmem:s5+$0x4750];
	v36 =	vperm.xlane v16, v8;
	[tilespmem:s5+$0x46C0] =	vst v17;
	v17 =	vmul.f32 v29, v59  }
0x152: {  	[tilespmem:s5+$0x46F0] =	vst v38;
	v28 =	vmul.f32 v56, v59;
	v39 =	vld [tilespmem:s5+$0x4740]  }
0x153: {  	v43 =	vld [tilespmem:s5+$0x4770];
	[tilespmem:s5+$0x46E0] =	vst v17;
	v17 =	vmul.f32 v32, v36  }
0x154: {  	[tilespmem:s5+$0x4690] =	vst v28;
	v44 =	vmul.f32 v37, v36;
	v42 =	vld [tilespmem:s5+$0x4760]  }
0x155: {  	v33 =	vld [tilespmem:s5+$0x4710];
	[tilespmem:s5+$0x4700] =	vst v17;
	v17 =	vmul.f32 v35, v36  }
0x156: {  	v47 =	vmul.f32 v40, v36;
	[tilespmem:s5+$0x4730] =	vst v44;
	v45 =	vld [tilespmem:s5+$0x4780]  }
0x157: {  	v50 =	vld [tilespmem:s5+$0x47B0];
	[tilespmem:s5+$0x4720] =	vst v17;
	v17 =	vmul.f32 v39, v36  }
0x158: {  	v48 =	vld [tilespmem:s5+$0x47A0];
	v51 =	vmul.f32 v43, v36;
	[tilespmem:s5+$0x4750] =	vst v47  }
0x159: {  	v53 =	vld [tilespmem:s5+$0x47D0];
	v49 =	vperm.xlane v16, v9;
	[tilespmem:s5+$0x4740] =	vst v17;
	v17 =	vmul.f32 v42, v36  }
0x15a: {  	[tilespmem:s5+$0x4770] =	vst v51;
	v41 =	vmul.f32 v33, v36;
	v52 =	vld [tilespmem:s5+$0x47C0]  }
0x15b: {  	v56 =	vld [tilespmem:s5+$0x47F0];
	[tilespmem:s5+$0x4760] =	vst v17;
	v17 =	vmul.f32 v45, v49  }
0x15c: {  	[tilespmem:s5+$0x4710] =	vst v41;
	v57 =	vmul.f32 v50, v49;
	v55 =	vld [tilespmem:s5+$0x47E0]  }
0x15d: {  	v46 =	vld [tilespmem:s5+$0x4790];
	[tilespmem:s5+$0x4780] =	vst v17;
	v17 =	vmul.f32 v48, v49  }
0x15e: {  	v60 =	vmul.f32 v53, v49;
	[tilespmem:s5+$0x47B0] =	vst v57;
	v58 =	vld [tilespmem:s5+$0x4800]  }
0x15f: {  	v63 =	vld [tilespmem:s5+$0x4830];
	[tilespmem:s5+$0x47A0] =	vst v17;
	v17 =	vmul.f32 v52, v49  }
0x160: {  	v61 =	vld [tilespmem:s5+$0x4820];
	v28 =	vmul.f32 v56, v49;
	[tilespmem:s5+$0x47D0] =	vst v60  }
0x161: {  	v30 =	vld [tilespmem:s5+$0x4850];
	v62 =	vperm.xlane v16, v10;
	[tilespmem:s5+$0x47C0] =	vst v17;
	v17 =	vmul.f32 v55, v49  }
0x162: {  	[tilespmem:s5+$0x47F0] =	vst v28;
	v54 =	vmul.f32 v46, v49;
	v29 =	vld [tilespmem:s5+$0x4840]  }
0x163: {  	v33 =	vld [tilespmem:s5+$0x4870];
	[tilespmem:s5+$0x47E0] =	vst v17;
	v17 =	vmul.f32 v58, v62  }
0x164: {  	[tilespmem:s5+$0x4790] =	vst v54;
	v34 =	vmul.f32 v63, v62;
	v32 =	vld [tilespmem:s5+$0x4860]  }
0x165: {  	v59 =	vld [tilespmem:s5+$0x4810];
	[tilespmem:s5+$0x4800] =	vst v17;
	v17 =	vmul.f32 v61, v62  }
0x166: {  	v37 =	vmul.f32 v30, v62;
	[tilespmem:s5+$0x4830] =	vst v34;
	v35 =	vld [tilespmem:s5+$0x4880]  }
0x167: {  	v40 =	vld [tilespmem:s5+$0x48B0];
	[tilespmem:s5+$0x4820] =	vst v17;
	v17 =	vmul.f32 v29, v62  }
0x168: {  	v38 =	vld [tilespmem:s5+$0x48A0];
	v41 =	vmul.f32 v33, v62;
	[tilespmem:s5+$0x4850] =	vst v37  }
0x169: {  	v43 =	vld [tilespmem:s5+$0x48D0];
	v39 =	vperm.xlane v16, v11;
	[tilespmem:s5+$0x4840] =	vst v17;
	v17 =	vmul.f32 v32, v62  }
0x16a: {  	[tilespmem:s5+$0x4870] =	vst v41;
	v31 =	vmul.f32 v59, v62;
	v42 =	vld [tilespmem:s5+$0x48C0]  }
0x16b: {  	v46 =	vld [tilespmem:s5+$0x48F0];
	[tilespmem:s5+$0x4860] =	vst v17;
	v17 =	vmul.f32 v35, v39  }
0x16c: {  	[tilespmem:s5+$0x4810] =	vst v31;
	v47 =	vmul.f32 v40, v39;
	v45 =	vld [tilespmem:s5+$0x48E0]  }
0x16d: {  	v36 =	vld [tilespmem:s5+$0x4890];
	[tilespmem:s5+$0x4880] =	vst v17;
	v17 =	vmul.f32 v38, v39  }
0x16e: {  	v50 =	vmul.f32 v43, v39;
	[tilespmem:s5+$0x48B0] =	vst v47;
	v48 =	vld [tilespmem:s5+$0x4900]  }
0x16f: {  	v53 =	vld [tilespmem:s5+$0x4930];
	[tilespmem:s5+$0x48A0] =	vst v17;
	v17 =	vmul.f32 v42, v39  }
0x170: {  	v51 =	vld [tilespmem:s5+$0x4920];
	v54 =	vmul.f32 v46, v39;
	[tilespmem:s5+$0x48D0] =	vst v50  }
0x171: {  	v56 =	vld [tilespmem:s5+$0x4950];
	v52 =	vperm.xlane v16, v12;
	[tilespmem:s5+$0x48C0] =	vst v17;
	v17 =	vmul.f32 v45, v39  }
0x172: {  	[tilespmem:s5+$0x48F0] =	vst v54;
	v44 =	vmul.f32 v36, v39;
	v55 =	vld [tilespmem:s5+$0x4940]  }
0x173: {  	v59 =	vld [tilespmem:s5+$0x4970];
	[tilespmem:s5+$0x48E0] =	vst v17;
	v17 =	vmul.f32 v48, v52  }
0x174: {  	[tilespmem:s5+$0x4890] =	vst v44;
	v60 =	vmul.f32 v53, v52;
	v58 =	vld [tilespmem:s5+$0x4960]  }
0x175: {  	v49 =	vld [tilespmem:s5+$0x4910];
	[tilespmem:s5+$0x4900] =	vst v17;
	v17 =	vmul.f32 v51, v52  }
0x176: {  	v63 =	vmul.f32 v56, v52;
	[tilespmem:s5+$0x4930] =	vst v60;
	v61 =	vld [tilespmem:s5+$0x4980]  }
0x177: {  	v30 =	vld [tilespmem:s5+$0x49B0];
	[tilespmem:s5+$0x4920] =	vst v17;
	v17 =	vmul.f32 v55, v52  }
0x178: {  	v28 =	vld [tilespmem:s5+$0x49A0];
	v31 =	vmul.f32 v59, v52;
	[tilespmem:s5+$0x4950] =	vst v63  }
0x179: {  	v33 =	vld [tilespmem:s5+$0x49D0];
	v29 =	vperm.xlane v16, v13;
	[tilespmem:s5+$0x4940] =	vst v17;
	v17 =	vmul.f32 v58, v52  }
0x17a: {  	[tilespmem:s5+$0x4970] =	vst v31;
	v57 =	vmul.f32 v49, v52;
	v32 =	vld [tilespmem:s5+$0x49C0]  }
0x17b: {  	v36 =	vld [tilespmem:s5+$0x49F0];
	[tilespmem:s5+$0x4960] =	vst v17;
	v17 =	vmul.f32 v61, v29  }
0x17c: {  	[tilespmem:s5+$0x4910] =	vst v57;
	v37 =	vmul.f32 v30, v29;
	v35 =	vld [tilespmem:s5+$0x49E0]  }
0x17d: {  	v62 =	vld [tilespmem:s5+$0x4990];
	[tilespmem:s5+$0x4980] =	vst v17;
	v17 =	vmul.f32 v28, v29  }
0x17e: {  	v40 =	vmul.f32 v33, v29;
	[tilespmem:s5+$0x49B0] =	vst v37;
	v38 =	vld [tilespmem:s5+$0x4A00]  }
0x17f: {  	v43 =	vld [tilespmem:s5+$0x4A30];
	[tilespmem:s5+$0x49A0] =	vst v17;
	v17 =	vmul.f32 v32, v29  }
0x180: {  	v41 =	vld [tilespmem:s5+$0x4A20];
	v44 =	vmul.f32 v36, v29;
	[tilespmem:s5+$0x49D0] =	vst v40  }
0x181: {  	v46 =	vld [tilespmem:s5+$0x4A50];
	v42 =	vperm.xlane v16, v14;
	[tilespmem:s5+$0x49C0] =	vst v17;
	v17 =	vmul.f32 v35, v29  }
0x182: {  	[tilespmem:s5+$0x49F0] =	vst v44;
	v34 =	vmul.f32 v62, v29;
	v45 =	vld [tilespmem:s5+$0x4A40]  }
0x183: {  	v49 =	vld [tilespmem:s5+$0x4A70];
	[tilespmem:s5+$0x49E0] =	vst v17;
	v17 =	vmul.f32 v38, v42  }
0x184: {  	[tilespmem:s5+$0x4990] =	vst v34;
	v50 =	vmul.f32 v43, v42;
	v48 =	vld [tilespmem:s5+$0x4A60]  }
0x185: {  	v39 =	vld [tilespmem:s5+$0x4A10];
	[tilespmem:s5+$0x4A00] =	vst v17;
	v17 =	vmul.f32 v41, v42  }
0x186: {  	v53 =	vmul.f32 v46, v42;
	[tilespmem:s5+$0x4A30] =	vst v50;
	v51 =	vld [tilespmem:s5+$0x4A80]  }
0x187: {  	v55 =	vld [tilespmem:s5+$0x4AB0];
	[tilespmem:s5+$0x4A20] =	vst v17;
	v17 =	vmul.f32 v45, v42  }
0x188: {  	v54 =	vld [tilespmem:s5+$0x4AA0];
	v56 =	vmul.f32 v49, v42;
	[tilespmem:s5+$0x4A50] =	vst v53  }
0x189: {  	v16 =	vperm.xlane v16, v15;
	v52 =	vld [tilespmem:s5+$0x4A90];
	[tilespmem:s5+$0x4A40] =	vst v17;
	v17 =	vmul.f32 v48, v42  }
0x18a: {  	v57 =	vld [tilespmem:s5+$0x4AC0];
	[tilespmem:s5+$0x4A70] =	vst v56;
	v47 =	vmul.f32 v39, v42  }
0x18b: {  	v58 =	vld [tilespmem:s5+$0x4AD0];
	[tilespmem:s5+$0x4A60] =	vst v17;
	v17 =	vmul.f32 v51, v16  }
0x18c: {  	v60 =	vld [tilespmem:s5+$0x4AE0];
	[tilespmem:s5+$0x4A10] =	vst v47;
	v62 =	vmul.f32 v55, v16  }
0x18d: {  	v61 =	vld [tilespmem:s5+$0x4AF0];
	[tilespmem:s5+$0x4A80] =	vst v17;
	v17 =	vmul.f32 v54, v16  }
0x18e: {  	v59 =	vmul.f32 v52, v16;
	[tilespmem:s5+$0x4AB0] =	vst v62  }
0x18f: {  	p1 =	sne.s32 s9, $0x7;
	[tilespmem:s5+$0x4AA0] =	vst v17;
	v17 =	vmul.f32 v57, v16  }
.Ltmp1:
0x190: {  	v63 =	vmul.f32 v58, v16;
	[tilespmem:s5+$0x4A90] =	vst v59;
	(pc) =	sbr.rel @p1 .LBB2_5-.Ltmp1, $4  }
0x191: {  	[tilespmem:s5+$0x4AC0] =	vst v17;
	v17 =	vmul.f32 v60, v16  }
0x192: {  	[tilespmem:s5+$0x4AD0] =	vst v63;
	v16 =	vmul.f32 v61, v16  }
0x193: {  	[tilespmem:s5+$0x4AE0] =	vst v17  }
0x194: {  	s9 =	sadd.s32 $0x1, s9;
	[tilespmem:s5+$0x4AF0] =	vst v16  }
0x195: {  	s24 =	sadd.s32 $0x1, s24  }
0x196: {  	p1 =	sne.s32 s24, $0x28  }
.Ltmp2:
0x197: {  	_ = 	snop;
	(pc) =	sbr.rel @p1 .LBB2_2-.Ltmp2, $2  }
0x198: {  	_ =	sdelay $0x2  }
0x199: {  	[spmem:s8] =	stream.indirect.scatter.add.f32 [tilespmem:s21], [sflag:$0x8], $0x80, s15, s10, $0xb8;
	[tilespmem:$0x1BB80] =	vst v63  }
0x19a: {  	s5 =	simm.s32 $0x7  }
0x19b: {  	_ =	swait.ge [sflag:s5], $0x4000  }
0x19c: {  	[sflag:s5] =	ssyncset.done $0x0  }
0x19d: {  	s24 =	simm.s32 $0x8;
	[sflag:s5] =	ssyncadd.s32 $0xFFFFC000  }
0x19e: {  	_ =	swait.ge [sflag:s24], $0x4000  }
0x19f: {  	[sflag:s24] =	ssyncset.done $0x0  }
0x1a0: {  	[sflag:s24] =	ssyncadd.s32 $0xFFFFC000  }
0x1a1: {  	[bflag:$0x0] =	sbarrier.arrive $0xFFFF  }
0x1a2: {  	s25 =	rddreg [dreg:$0xf]  }
0x1a3: {  	[hbm:s25], [sflag:s11] =	dma.local [spmem:s28], $0x800  }
0x1a4: {  	_ =	swait.ge [sflag:s31], $0x800  }
0x1a5: {  	[sflag:s31] =	ssyncset.done $0x0  }
0x1a6: {  	s28 =	rddreg [dreg:$0x10];
	[sflag:s31] =	ssyncadd.s32 $0xFFFFF800  }
0x1a7: {  	[hbm:s28], [sflag:s11] =	dma.local [spmem:s29], $0x800  }
0x1a8: {  	_ =	swait.ge [sflag:s31], $0x800  }
0x1a9: {  	[sflag:s31] =	ssyncset.done $0x0  }
0x1aa: {  	s29 =	rddreg [dreg:$0x13];
	[sflag:s31] =	ssyncadd.s32 $0xFFFFF800  }
0x1ab: {  	[hbm:s29], [sflag:s11] =	dma.local [spmem:s30], $0x800  }
0x1ac: {  	_ =	swait.ge [sflag:s31], $0x800  }
0x1ad: {  	[sflag:s31] =	ssyncset.done $0x0  }
0x1ae: {  	s5 =	rddreg [dreg:$0x15];
	[sflag:s31] =	ssyncadd.s32 $0xFFFFF800  }
0x1af: {  	[hbm:s5], [sflag:s11] =	dma.local @p0 [spmem:s13], $0x100  }
0x1b0: {  	s5 =	simm.s32 @p0 $0x9  }
0x1b1: {  	_ =	swait.ge @p0 [sflag:s5], $0x100  }
0x1b2: {  	[sflag:s5] =	ssyncset.done @p0 $0x0  }
0x1b3: {  	[sflag:s5] =	ssyncadd.s32 @p0 $0xFFFFFF00;
	s5 =	rddreg [dreg:$0x14]  }
0x1b4: {  	[hbm:s5], [sflag:s11] =	dma.local @!p0 [spmem:s14], $0x800  }
0x1b5: {  	s5 =	simm.s32 @!p0 $0x9  }
0x1b6: {  	_ =	swait.ge @!p0 [sflag:s5], $0x800  }
0x1b7: {  	s6 =	sshll.u32 @!p0 s6, $0xE;
	s7 =	rddreg [dreg:$0xb];
	[sflag:s5] =	ssyncset.done @!p0 $0x0  }
0x1b8: {  	s7 =	sadd.s32 @!p0 s7, s6;
	[sflag:s5] =	ssyncadd.s32 @!p0 $0xFFFFF800  }
0x1b9: {  	s6 =	sadd.s32 @!p0 s6, s8;
	s7 =	sshrl.u32 @!p0 s7, $0x3;
	s9 =	rddreg [dreg:$0x5]  }
0x1ba: {  	s6 =	sshrl.u32 @!p0 s6, $0x3;
	s7 =	sadd.s32 @!p0 s9, s7  }
0x1bb: {  	[hbm:s7], [sflag:s11] =	dma.local @!p0 [spmem:s6], $0x800  }
0x1bc: {  	_ =	swait.ge @!p0 [sflag:s5], $0x800  }
0x1bd: {  	s26 =	sadd.s32 $0x1, s26;
	s30 =	rddreg [dreg:$0x16]  }
0x1be: {  	p1 =	sne.s32 s26, s30  }
.Ltmp3:
0x1bf: {  	_ = 	snop;
	(pc) =	sbr.rel @p1 .LBB2_1-.Ltmp3, $3  }
0x1c0: {  	_ =	sdelay $0x1  }
0x1c1: {  	[sflag:s5] =	ssyncset.done @!p0 $0x0  }
0x1c2: {  	[sflag:s5] =	ssyncadd.s32 @!p0 $0xFFFFF800  }
0x1c3: {  	_ =	sfence.sel $0x180000  }
0x1c4: {  	[bflag:$0x0] =	sbarrier.arrive $0xFFFF  }
0x1c5: {  	_ =	strace $0x90000047  }
0x1c6: {  	s0 =	stileid.u32;
	[bflag:$0x2] =	sbarrier.arrive $0xFFFF  }
0x1c7: {  	p0 =	sne.s32 s0, $0x0;
	s0 =	rddreg [dreg:$0x7]  }
0x1c8: {  	s0 =	sadd.s32 @!p0 $0x100000, s0  }
0x1c9: {  	[sflag:s0] =	ssyncadd.tile.s32 @!p0 $0x1;
	_ =	shalt  }
.Lfunc_end2:
_tile_overlayer_lowered:
.L_overlay_start_2:
0x1ca: {  	(tag) =	ssettag $0x2  }
0x1cb: {  	s0 =	rddreg [dreg:$0x0];
	s2 =	stileid.u32  }
0x1cc: {  	s1 =	rddreg [dreg:$0x1];
	p0 =	sne.s32 s2, $0x0  }
0x1cd: {  	s3 =	rddreg [dreg:$0x2];
	[bflag:$0x3] =	sbarrier.arrive $0xFFFF;
	s2 =	simm.s32 @!p0 $0x1C09  }
0x1ce: {  	[timem:s3], [sflag:s2] =	dma.local @!p0 [hbm:s0], s1  }
0x1cf: {  	s0 =	simm.s32 @!p0 $0x9  }
0x1d0: {  	_ =	swait.ge @!p0 [sflag:s0], s1  }
0x1d1: {  	s1 =	ssub.s32 @!p0 $0x0, s1;
	[sflag:s0] =	ssyncset.done @!p0 $0x0  }
0x1d2: {  	[sflag:s0] =	ssyncadd.s32 @!p0 s1  }
0x1d3: {  	[bflag:$0x3] =	sbarrier.arrive $0xFFFF  }
0x1d4: {  	_ =	shalt  }

</sc_bundles>
